<compile_context>
chip_gen: v7x
topology: tpu7x:2x2x1
jax: 0.10.2.dev20260603
libtpu: 0.0.44.dev20260713+nightly
codegen_flags: <defaults>
</compile_context>

<pallas_src>
import functools

import jax
import jax.numpy as jnp
from jax import lax
from jax.experimental import pallas as pl
from jax.experimental.pallas import tpu as pltpu
from jax.experimental.pallas import tpu_sc as plsc

NROW = 1_000_000
NCOL = 64
NPAIR = 1_048_576
NC = 2
NS = 16
NW = NC * NS
L = 16
CW = 6912
NJ = 145
CWLAST = 4736
NBAND = NCOL // 8
NB = NBAND * NJ
NBP = 1280
PPW = NPAIR // NW
WIN = 2048
CAP = ((PPW + NBP * 7 + 7) // 8) * 8
SEG = 128
PART_LEN = NW * CAP + SEG
META_LEN = NBP * NW


def _scan_base():
    cnt, _ = plsc.scan_count(jnp.zeros((L,), jnp.int32))
    return cnt[0]


def _remap(ivec):
    i32 = jnp.int32
    c = jnp.bitwise_and(ivec, i32(63))
    r = lax.shift_right_logical(ivec, 6)
    jj = lax.div(r, i32(CW))
    b = lax.shift_right_logical(c, 3) * NJ + jj
    off = jnp.bitwise_or(lax.shift_left(jnp.bitwise_and(c, i32(7)), 13),
                         r - jj * CW)
    return b, jnp.bitwise_or(lax.shift_left(b, 16), off)


def _phase_a(idx_hbm, src_hbm, ipart_hbm, spart_hbm, meta_hbm,
             iwin, swin, li, ls, hist, cur, mpack, ibatch, sem):
    cid = lax.axis_index("c")
    sid = lax.axis_index("s")
    wid = cid * NS + sid
    pbase = pl.multiple_of(wid * PPW, 8)
    i32 = jnp.int32
    iota = lax.broadcasted_iota(i32, (L,), 0)
    zero16 = jnp.zeros((L,), i32)
    zf = jnp.zeros((L,), jnp.float32)
    sbase = _scan_base()

    def zero_hist(k, carry):
        hist[pl.ds(k * L, L)] = zero16
        return carry

    lax.fori_loop(0, NBP // L, zero_hist, i32(0))

    def hist_win(w, carry):
        pltpu.sync_copy(idx_hbm.at[pl.ds(pbase + w * WIN, WIN)], iwin)

        def hist_vreg(v, c2):
            b, _ = _remap(iwin[pl.ds(v * L, L)])
            r, islast = plsc.scan_count(b)
            tot = r - sbase + 1
            plsc.addupdate_scatter(hist, [b], tot, mask=islast)
            return c2

        return lax.fori_loop(0, WIN // L, hist_vreg, carry)

    lax.fori_loop(0, PPW // WIN, hist_win, i32(0))

    def scan_bins(k, carry):
        v = hist[pl.ds(k * L, L)]
        cpad = jnp.bitwise_and(v + 7, i32(-8))
        inc = plsc.cumsum(cpad)
        loc = carry + inc - cpad
        cur[pl.ds(k * L, L)] = loc
        mpack[pl.ds(k * L, L)] = jnp.bitwise_or(
            loc, lax.shift_left(cpad, 16))
        return carry + inc[L - 1]

    lax.fori_loop(0, NBP // L, scan_bins, i32(0))

    for g in range(NBP // SEG):
        for j in range(SEG // L):
            r = g * SEG + j * L + iota
            ibatch[g, pl.ds(j * L, L)] = r * NW + wid
    for g in range(NBP // SEG):
        pltpu.sync_copy(mpack.at[pl.ds(g * SEG, SEG)],
                        meta_hbm.at[ibatch.at[g]])

    def pad_fill(k, carry):
        cnt16 = hist[pl.ds(k * L, L)]
        cpad16 = jnp.bitwise_and(cnt16 + 7, i32(-8))
        lo16 = cur[pl.ds(k * L, L)]
        bin16 = k * L + iota
        for j in range(7):
            mask = (cnt16 + j) < cpad16
            dest = lo16 + cnt16 + j
            plsc.store_scatter(
                li, [dest], lax.shift_left(bin16, 16) + j * 64, mask=mask)
            plsc.store_scatter(ls, [dest], zf, mask=mask)
        return carry

    lax.fori_loop(0, NBP // L, pad_fill, i32(0))

    def scat_win(w, carry):
        pltpu.sync_copy(idx_hbm.at[pl.ds(pbase + w * WIN, WIN)], iwin)
        pltpu.sync_copy(src_hbm.at[pl.ds(pbase + w * WIN, WIN)], swin)

        def scat_vreg(v, c2):
            svec = swin[pl.ds(v * L, L)]
            b, iq = _remap(iwin[pl.ds(v * L, L)])
            r, islast = plsc.scan_count(b)
            rex = r - sbase
            curv = plsc.load_gather(cur, [b])
            dest = curv + rex
            plsc.store_scatter(li, [dest], iq)
            plsc.store_scatter(ls, [dest], svec)
            plsc.addupdate_scatter(cur, [b], rex + 1, mask=islast)
            return c2

        return lax.fori_loop(0, WIN // L, scat_vreg, carry)

    lax.fori_loop(0, PPW // WIN, scat_win, i32(0))

    rbase = pl.multiple_of(wid * CAP, 8)
    pltpu.sync_copy(li, ipart_hbm.at[pl.ds(rbase, CAP)])
    pltpu.sync_copy(ls, spart_hbm.at[pl.ds(rbase, CAP)])


def _phase_b(xt_hbm, ipart_hbm, spart_hbm, meta_hbm, out_hbm,
             cb0, cb1, ibuf0, sbuf0, mrow0, ibuf1, sbuf1, mrow1,
             semx0, semo0, semx1, semo1, semp):
    cid = lax.axis_index("c")
    sid = lax.axis_index("s")
    wid = cid * NS + sid
    i32 = jnp.int32
    iota = lax.broadcasted_iota(i32, (L,), 0)

    def extract(ref, t):
        return jnp.max(plsc.load_gather(ref, [jnp.full((L,), t, i32)]))

    def split_c(cc):
        cv = jnp.full((L,), cc, i32)
        bandv = lax.div(cv, i32(NJ))
        band = jnp.max(bandv)
        jj = jnp.max(cv - bandv * NJ)
        return band, jj

    def read_mrow(cc, mrow):
        pltpu.sync_copy(meta_hbm.at[pl.ds(pl.multiple_of(cc * NW, 8), NW)],
                        mrow)

    def fire_seg(t, iset):
        ibuf, sbuf, mrow = iset
        packed = extract(mrow, t)
        lo = jnp.bitwise_and(packed, i32(0xFFFF))
        segbase = pl.multiple_of(t * CAP + lo, 8)
        pltpu.async_copy(ipart_hbm.at[pl.ds(segbase, SEG)], ibuf.at[t], semp)
        pltpu.async_copy(spart_hbm.at[pl.ds(segbase, SEG)], sbuf.at[t], semp)

    def drain_seg(t, iset):
        ibuf, sbuf, _ = iset
        pltpu.make_async_copy(
            ipart_hbm.at[pl.ds(0, SEG)], ibuf.at[t], semp).wait()
        pltpu.make_async_copy(
            spart_hbm.at[pl.ds(0, SEG)], sbuf.at[t], semp).wait()

    def drain_out(buf, sem, cc):
        _, pjj = split_c(cc)

        @pl.when(pjj < NJ - 1)
        def _():
            pltpu.make_async_copy(
                xt_hbm.at[pl.ds(0, 8), pl.ds(0, CW)], buf, sem).wait()

        @pl.when(pjj == NJ - 1)
        def _():
            pltpu.make_async_copy(
                xt_hbm.at[pl.ds(0, 8), pl.ds(0, CWLAST)],
                buf.at[:, pl.ds(0, CWLAST)], sem).wait()

    read_mrow(wid, mrow0)

    def prime(t, carry):
        fire_seg(t, (ibuf0, sbuf0, mrow0))
        return carry

    lax.fori_loop(0, NW, prime, i32(0))

    def sub_step(k, buf, semx, semo, cur_set, next_set):
        c = k * NW + wid

        @pl.when(c < NB)
        def _body():
            band, jj = split_c(c)
            row0 = pl.multiple_of(band * 8, 8)
            col0 = pl.multiple_of(jj * CW, 128)

            @pl.when(k >= 2)
            def _():
                drain_out(buf, semo, c - 2 * NW)

            @pl.when(jj < NJ - 1)
            def _():
                pltpu.async_copy(
                    xt_hbm.at[pl.ds(row0, 8), pl.ds(col0, CW)], buf, semx)

            @pl.when(jj == NJ - 1)
            def _():
                pltpu.async_copy(
                    xt_hbm.at[pl.ds(row0, 8), pl.ds(col0, CWLAST)],
                    buf.at[:, pl.ds(0, CWLAST)], semx)

            nc = (k + 1) * NW + wid

            @pl.when(nc < NB)
            def _():
                read_mrow(nc, next_set[2])

                def fd(t, c2):
                    fire_seg(t, next_set)
                    drain_seg(t, cur_set)
                    return c2

                lax.fori_loop(0, NW, fd, i32(0))

            @pl.when(nc >= NB)
            def _():
                def donly(t, c2):
                    drain_seg(t, cur_set)
                    return c2

                lax.fori_loop(0, NW, donly, i32(0))

            @pl.when(jj < NJ - 1)
            def _():
                pltpu.make_async_copy(
                    xt_hbm.at[pl.ds(0, 8), pl.ds(0, CW)], buf, semx).wait()

            @pl.when(jj == NJ - 1)
            def _():
                pltpu.make_async_copy(
                    xt_hbm.at[pl.ds(0, 8), pl.ds(0, CWLAST)],
                    buf.at[:, pl.ds(0, CWLAST)], semx).wait()

            ibuf, sbuf, mrow = cur_set

            def apply_region(t, c2):
                packed = extract(mrow, t)
                lo = jnp.bitwise_and(packed, i32(0xFFFF))
                cnt = jnp.bitwise_and(
                    lax.shift_right_logical(packed, 16), i32(0xFFFF))

                def apply_vreg(v, c3):
                    iq = ibuf[t, pl.ds(v * L, L)]
                    svec = sbuf[t, pl.ds(v * L, L)]
                    mask = (v * L + iota) < cnt
                    row = jnp.bitwise_and(
                        lax.shift_right_logical(iq, 13), i32(7))
                    col = jnp.bitwise_and(iq, i32(8191))
                    plsc.addupdate_scatter(buf, [row, col], svec, mask=mask)
                    return c3

                nv = lax.div(jnp.minimum(cnt, SEG) + (L - 1), i32(L))
                lax.fori_loop(0, nv, apply_vreg, i32(0))

                segbase = pl.multiple_of(t * CAP + lo, 8)

                def cont(pos):
                    wb = pl.multiple_of(segbase + pos, 8)
                    pltpu.sync_copy(ipart_hbm.at[pl.ds(wb, SEG)], ibuf.at[t])
                    pltpu.sync_copy(spart_hbm.at[pl.ds(wb, SEG)], sbuf.at[t])

                    def cont_vreg(v, c4):
                        iq = ibuf[t, pl.ds(v * L, L)]
                        svec = sbuf[t, pl.ds(v * L, L)]
                        mask = (pos + v * L + iota) < cnt
                        row = jnp.bitwise_and(
                            lax.shift_right_logical(iq, 13), i32(7))
                        col = jnp.bitwise_and(iq, i32(8191))
                        plsc.addupdate_scatter(
                            buf, [row, col], svec, mask=mask)
                        return c4

                    lax.fori_loop(0, SEG // L, cont_vreg, i32(0))
                    return pos + SEG

                lax.while_loop(lambda pos: pos < cnt, cont, i32(SEG))
                return c2

            lax.fori_loop(0, NW, apply_region, i32(0))

            @pl.when(jj < NJ - 1)
            def _():
                pltpu.async_copy(
                    buf, out_hbm.at[pl.ds(row0, 8), pl.ds(col0, CW)], semo)

            @pl.when(jj == NJ - 1)
            def _():
                pltpu.async_copy(
                    buf.at[:, pl.ds(0, CWLAST)],
                    out_hbm.at[pl.ds(row0, 8), pl.ds(col0, CWLAST)], semo)

    set0 = (ibuf0, sbuf0, mrow0)
    set1 = (ibuf1, sbuf1, mrow1)

    def chunk_loop(k2, carry):
        sub_step(2 * k2, cb0, semx0, semo0, set0, set1)
        sub_step(2 * k2 + 1, cb1, semx1, semo1, set1, set0)
        return carry

    lax.fori_loop(0, NBP // NW // 2, chunk_loop, i32(0))

    lastk = lax.div(i32(NB - 1) - wid, i32(NW))
    lastc = lastk * NW + wid
    parity = jnp.bitwise_and(lastk, i32(1))

    @pl.when(parity == 0)
    def _():
        drain_out(cb0, semo0, lastc)
        drain_out(cb1, semo1, lastc - NW)

    @pl.when(parity == 1)
    def _():
        drain_out(cb1, semo1, lastc)
        drain_out(cb0, semo0, lastc - NW)


def kernel(x, index, source):
    i32 = jnp.int32
    f32 = jnp.float32
    xt = x.T
    idx = index.astype(i32)
    mesh = plsc.VectorSubcoreMesh(core_axis_name="c", subcore_axis_name="s")
    params_a = pltpu.CompilerParams(needs_layout_passes=False)
    params_b = pltpu.CompilerParams(needs_layout_passes=False,
                                    use_tc_tiling_on_sc=True)

    phase_a = functools.partial(
        pl.kernel, mesh=mesh, compiler_params=params_a,
        out_type=[jax.ShapeDtypeStruct((PART_LEN,), i32),
                  jax.ShapeDtypeStruct((PART_LEN,), f32),
                  jax.ShapeDtypeStruct((META_LEN,), i32)],
        scratch_types=[
            pltpu.VMEM((WIN,), i32),
            pltpu.VMEM((WIN,), f32),
            pltpu.VMEM((CAP,), i32),
            pltpu.VMEM((CAP,), f32),
            pltpu.VMEM((NBP,), i32),
            pltpu.VMEM((NBP,), i32),
            pltpu.VMEM((NBP,), i32),
            pltpu.VMEM((NBP // SEG, SEG), i32),
            pltpu.SemaphoreType.DMA,
        ])(_phase_a)
    ipart, spart, meta = phase_a(idx, source)

    phase_b = functools.partial(
        pl.kernel, mesh=mesh, compiler_params=params_b,
        out_type=jax.ShapeDtypeStruct((NCOL, NROW), f32),
        scratch_types=[
            pltpu.VMEM((8, CW), f32),
            pltpu.VMEM((8, CW), f32),
            pltpu.VMEM((NW, SEG), i32),
            pltpu.VMEM((NW, SEG), f32),
            pltpu.VMEM((NW,), i32),
            pltpu.VMEM((NW, SEG), i32),
            pltpu.VMEM((NW, SEG), f32),
            pltpu.VMEM((NW,), i32),
            pltpu.SemaphoreType.DMA,
            pltpu.SemaphoreType.DMA,
            pltpu.SemaphoreType.DMA,
            pltpu.SemaphoreType.DMA,
            pltpu.SemaphoreType.DMA,
        ])(_phase_b)
    out = phase_b(xt, ipart, spart, meta)
    return out.T

# --- scband reference (transcript-rebuilt; emitter-appended) ---
"""Pipeline reference for scband-put-85005992722836 (READ-ONLY COPY).

The authoritative reference and input builder live on the scoring server;
editing this copy changes nothing except your own understanding.
"""

import jax, jax.numpy as jnp
import numpy as np


def setup_inputs(seed: int = 0) -> dict:
    key = jax.random.key(seed)
    k1, k2, k3 = jax.random.split(key, 3)
    x = jax.random.normal(k1, (1000000, 64), dtype=jnp.float32)
    index = jax.random.randint(k2, (1048576,), 0, 64000000)
    source = jax.random.normal(k3, (1048576,), dtype=jnp.float32)
    return {"x": x, "index": index, "source": source}


def reference(x, index, source):
    # torch.Tensor.put(index, source, accumulate=True):
    # treats x as flattened, scatter-adds source at flat positions `index`,
    # then returns a tensor of the original shape.
    flat = x.reshape(-1)
    flat = flat.at[index].add(source)
    return flat.reshape(x.shape)

if __name__ == "__main__":
    import jax
    _d = setup_inputs()
    print(jax.jit(kernel)(*tuple(_d.values())))

</pallas_src>

<mosaic_0001>
#map = affine_map<(d0, d1) -> (0)>
module attributes {stable_mosaic.version = 14 : i64} {
  func.func @_phase_a(%arg0: i32, %arg1: i32, %arg2: memref<1048576xi32, #tpu.memory_space<hbm>>, %arg3: memref<1048576xf32, #tpu.memory_space<hbm>>, %arg4: memref<1335424xi32, #tpu.memory_space<hbm>>, %arg5: memref<1335424xf32, #tpu.memory_space<hbm>>, %arg6: memref<40960xi32, #tpu.memory_space<hbm>>, %arg7: memref<2048xi32, #tpu.memory_space<vmem>>, %arg8: memref<2048xf32, #tpu.memory_space<vmem>>, %arg9: memref<41728xi32, #tpu.memory_space<vmem>>, %arg10: memref<41728xf32, #tpu.memory_space<vmem>>, %arg11: memref<1280xi32, #tpu.memory_space<vmem>>, %arg12: memref<1280xi32, #tpu.memory_space<vmem>>, %arg13: memref<1280xi32, #tpu.memory_space<vmem>>, %arg14: memref<10x128xi32, #tpu.memory_space<vmem>>, %arg15: memref<!tpu.dma_semaphore, #tpu.memory_space<semaphore_mem>>) attributes {dimension_semantics = [#tpu.dimension_semantics<core_parallel>, #tpu.dimension_semantics<subcore_parallel>], iteration_bounds = array<i64: 2, 16>, scalar_prefetch = 0 : i64, scratch_operands = 9 : i64, tpu.core_type = #tpu.core_type<sc_vector_subcore>, window_params = [{transform_indices = #map}, {transform_indices = #map}, {transform_indices = #map}, {transform_indices = #map}, {transform_indices = #map}]} {
    %mul3A = arith.constant 16 : i32
    %mul3A_0 = arith.muli %arg0, %mul3A : i32
    %add3A = arith.addi %mul3A_0, %arg1 : i32
    %mul3A_1 = arith.constant 32768 : i32
    %mul3A_2 = arith.muli %add3A, %mul3A_1 : i32
    %multiple_of3A = tpu.assume_multiple %mul3A_2, 8 : i32
    %iota3A = tpu.iota {dimensions = array<i32: 0>} : vector<16xi32>
    %broadcast_in_dim3A = arith.constant 0 : i32
    %broadcast_in_dim3A_3 = vector.broadcast %broadcast_in_dim3A : i32 to vector<16xi32>
    %broadcast_in_dim3A_4 = arith.constant 0.000000e+00 : f32
    %broadcast_in_dim3A_5 = vector.broadcast %broadcast_in_dim3A_4 : f32 to vector<16xf32>
    %broadcast_in_dim3A_6 = arith.constant 0 : i32
    %broadcast_in_dim3A_7 = vector.broadcast %broadcast_in_dim3A_6 : i32 to vector<16xi32>
    %broadcast_in_dim3A_8 = arith.constant true
    %broadcast_in_dim3A_9 = vector.broadcast %broadcast_in_dim3A_8 : i1 to vector<16xi1>
    %unique3A, %unique3A_10 = tpu.scan_count mask(%broadcast_in_dim3A_9 : vector<16xi1>) value(%broadcast_in_dim3A_7 : vector<16xi32>) : vector<16xi1>, vector<16xi32>
    %slice3A = vector.extract_strided_slice %unique3A_10 {offsets = [0], sizes = [1], strides = [1]} : vector<16xi32> to vector<1xi32>
    %squeeze3A = vector.extract %slice3A[0] : i32 from vector<1xi32>
    %scan3A = arith.constant 0 : i32
    %scan3A_11 = arith.constant 0 : i32
    %scan3A_12 = arith.constant 80 : i32
    %scan3A_13 = arith.addi %scan3A_11, %scan3A_12 : i32
    %scan3A_14 = arith.constant 1 : i32
    scf.for %scan3A_1012 = %scan3A_11 to %scan3A_13 step %scan3A_14  : i32 {
      %mul3A_1013 = arith.constant 16 : i32
      %mul3A_1014 = arith.muli %scan3A_1012, %mul3A_1013 : i32
      %swap3A_1015 = arith.index_cast %mul3A_1014 : i32 to index
      %swap3A_1016 = tpu.vector_load %arg11[%swap3A_1015] {strides = array<i32>} : memref<1280xi32, #tpu.memory_space<vmem>>, vector<16xi32>,
      tpu.vector_store %arg11[%swap3A_1015], %broadcast_in_dim3A_3 {strides = array<i32>} : memref<1280xi32, #tpu.memory_space<vmem>>, vector<16xi32>,
    }
    %scan3A_15 = arith.constant 80 : i32
    %scan3A_16 = arith.constant 0 : i32
    %scan3A_17 = arith.constant 0 : i32
    %scan3A_18 = arith.constant 16 : i32
    %scan3A_19 = arith.addi %scan3A_17, %scan3A_18 : i32
    %scan3A_20 = arith.constant 1 : i32
    scf.for %scan3A_1012 = %scan3A_17 to %scan3A_19 step %scan3A_20  : i32 {
      %mul3A_1013 = arith.constant 2048 : i32
      %mul3A_1014 = arith.muli %scan3A_1012, %mul3A_1013 : i32
      %add3A_1015 = arith.addi %multiple_of3A, %mul3A_1014 : i32
      "tpu.region"() ({
        %run_scoped3A_1021 = tpu.sem_alloc : memref<!tpu.dma_semaphore, #tpu.memory_space<semaphore_mem>>
        %dma_start3A = tpu.memref_slice %arg2[%add3A_1015] : memref<1048576xi32, #tpu.memory_space<hbm>> -> memref<2048xi32, #tpu.memory_space<hbm>>
        %dma_start3A_1022 = tpu.memref_slice %arg2[%add3A_1015] : memref<1048576xi32, #tpu.memory_space<hbm>> -> memref<2048xi32, #tpu.memory_space<hbm>>
        tpu.enqueue_dma source(%dma_start3A_1022 : memref<2048xi32, #tpu.memory_space<hbm>>) target(%arg7 : memref<2048xi32, #tpu.memory_space<vmem>>) target_semaphore(%run_scoped3A_1021 : memref<!tpu.dma_semaphore, #tpu.memory_space<semaphore_mem>>)
        %dma_wait3A = tpu.memref_slice %arg2[%add3A_1015] : memref<1048576xi32, #tpu.memory_space<hbm>> -> memref<2048xi32, #tpu.memory_space<hbm>>
        %dma_wait3A_1023 = tpu.memref_slice %arg2[%add3A_1015] : memref<1048576xi32, #tpu.memory_space<hbm>> -> memref<2048xi32, #tpu.memory_space<hbm>>
        tpu.wait_dma2 semaphore(%run_scoped3A_1021 : memref<!tpu.dma_semaphore, #tpu.memory_space<semaphore_mem>>) src(%dma_wait3A_1023 : memref<2048xi32, #tpu.memory_space<hbm>>) dst(%arg7 : memref<2048xi32, #tpu.memory_space<vmem>>)
        tpu.yield
      }) : () -> ()
      %scan3A_1016 = arith.constant 0 : i32
      %scan3A_1017 = arith.constant 128 : i32
      %scan3A_1018 = arith.addi %scan3A_1016, %scan3A_1017 : i32
      %scan3A_1019 = arith.constant 1 : i32
      scf.for %scan3A_1021 = %scan3A_1016 to %scan3A_1018 step %scan3A_1019  : i32 {
        %mul3A_1022 = arith.constant 16 : i32
        %mul3A_1023 = arith.muli %scan3A_1021, %mul3A_1022 : i32
        %get3A = arith.index_cast %mul3A_1023 : i32 to index
        %get3A_1024 = tpu.vector_load %arg7[%get3A] {strides = array<i32>} : memref<2048xi32, #tpu.memory_space<vmem>>, vector<16xi32>,
        %and3A = arith.constant 63 : i32
        %and3A_1025 = vector.broadcast %and3A : i32 to vector<16xi32>
        %and3A_1026 = arith.andi %get3A_1024, %and3A_1025 : vector<16xi32>
        %shift_right_logical3A = arith.constant 6 : i32
        %shift_right_logical3A_1027 = vector.broadcast %shift_right_logical3A : i32 to vector<16xi32>
        %shift_right_logical3A_1028 = arith.shrui %get3A_1024, %shift_right_logical3A_1027 : vector<16xi32>
        %div3A = arith.constant 6912 : i32
        %div3A_1029 = vector.broadcast %div3A : i32 to vector<16xi32>
        %div3A_1030 = arith.divsi %shift_right_logical3A_1028, %div3A_1029 : vector<16xi32>
        %shift_right_logical3A_1031 = arith.constant 3 : i32
        %shift_right_logical3A_1032 = vector.broadcast %shift_right_logical3A_1031 : i32 to vector<16xi32>
        %shift_right_logical3A_1033 = arith.shrui %and3A_1026, %shift_right_logical3A_1032 : vector<16xi32>
        %mul3A_1034 = arith.constant 145 : i32
        %mul3A_1035 = vector.broadcast %mul3A_1034 : i32 to vector<16xi32>
        %mul3A_1036 = arith.muli %shift_right_logical3A_1033, %mul3A_1035 : vector<16xi32>
        %add3A_1037 = arith.addi %mul3A_1036, %div3A_1030 : vector<16xi32>
        %and3A_1038 = arith.constant 7 : i32
        %and3A_1039 = vector.broadcast %and3A_1038 : i32 to vector<16xi32>
        %and3A_1040 = arith.andi %and3A_1026, %and3A_1039 : vector<16xi32>
        %shift_left3A = arith.constant 13 : i32
        %shift_left3A_1041 = vector.broadcast %shift_left3A : i32 to vector<16xi32>
        %shift_left3A_1042 = arith.shli %and3A_1040, %shift_left3A_1041 : vector<16xi32>
        %mul3A_1043 = arith.constant 6912 : i32
        %mul3A_1044 = vector.broadcast %mul3A_1043 : i32 to vector<16xi32>
        %mul3A_1045 = arith.muli %div3A_1030, %mul3A_1044 : vector<16xi32>
        %sub3A = arith.subi %shift_right_logical3A_1028, %mul3A_1045 : vector<16xi32>
        %or3A = arith.ori %shift_left3A_1042, %sub3A : vector<16xi32>
        %shift_left3A_1046 = arith.constant 16 : i32
        %shift_left3A_1047 = vector.broadcast %shift_left3A_1046 : i32 to vector<16xi32>
        %shift_left3A_1048 = arith.shli %add3A_1037, %shift_left3A_1047 : vector<16xi32>
        %or3A_1049 = arith.ori %shift_left3A_1048, %or3A : vector<16xi32>
        %broadcast_in_dim3A_1050 = arith.constant true
        %broadcast_in_dim3A_1051 = vector.broadcast %broadcast_in_dim3A_1050 : i1 to vector<16xi1>
        %unique3A_1052, %unique3A_1053 = tpu.scan_count mask(%broadcast_in_dim3A_1051 : vector<16xi1>) value(%add3A_1037 : vector<16xi32>) : vector<16xi1>, vector<16xi32>
        %sub3A_1054 = vector.broadcast %squeeze3A : i32 to vector<16xi32>
        %sub3A_1055 = arith.subi %unique3A_1053, %sub3A_1054 : vector<16xi32>
        %add3A_1056 = arith.constant 1 : i32
        %add3A_1057 = vector.broadcast %add3A_1056 : i32 to vector<16xi32>
        %add3A_1058 = arith.addi %sub3A_1055, %add3A_1057 : vector<16xi32>
        tpu.vector_store_idx %arg11[%add3A_1037], %add3A_1058 masked %unique3A_1052 {add = true} : memref<1280xi32, #tpu.memory_space<vmem>>[vector<16xi32>], vector<16xi32>, vector<16xi1>
      }
      %scan3A_1020 = arith.constant 128 : i32
    }
    %scan3A_21 = arith.constant 16 : i32
    %scan3A_22 = arith.constant 0 : i32
    %scan3A_23 = arith.constant 0 : i32
    %scan3A_24 = arith.constant 80 : i32
    %scan3A_25 = arith.addi %scan3A_23, %scan3A_24 : i32
    %scan3A_26 = arith.constant 1 : i32
    %scan3A_27 = scf.for %scan3A_1012 = %scan3A_23 to %scan3A_25 step %scan3A_26 iter_args(%scan3A_1013 = %scan3A_22) -> (i32)  : i32 {
      %mul3A_1014 = arith.constant 16 : i32
      %mul3A_1015 = arith.muli %scan3A_1012, %mul3A_1014 : i32
      %get3A = arith.index_cast %mul3A_1015 : i32 to index
      %get3A_1016 = tpu.vector_load %arg11[%get3A] {strides = array<i32>} : memref<1280xi32, #tpu.memory_space<vmem>>, vector<16xi32>,
      %add3A_1017 = arith.constant 7 : i32
      %add3A_1018 = vector.broadcast %add3A_1017 : i32 to vector<16xi32>
      %add3A_1019 = arith.addi %get3A_1016, %add3A_1018 : vector<16xi32>
      %and3A = arith.constant -8 : i32
      %and3A_1020 = vector.broadcast %and3A : i32 to vector<16xi32>
      %and3A_1021 = arith.andi %add3A_1019, %and3A_1020 : vector<16xi32>
      %broadcast_in_dim3A_1022 = arith.constant true
      %broadcast_in_dim3A_1023 = vector.broadcast %broadcast_in_dim3A_1022 : i1 to vector<16xi1>
      %masked_cumsum3A = tpu.scan <sum>, %and3A_1021 masked %broadcast_in_dim3A_1023 : vector<16xi32>, vector<16xi1> -> vector<16xi32>
      %add3A_1024 = vector.broadcast %scan3A_1013 : i32 to vector<16xi32>
      %add3A_1025 = arith.addi %add3A_1024, %masked_cumsum3A : vector<16xi32>
      %sub3A = arith.subi %add3A_1025, %and3A_1021 : vector<16xi32>
      %mul3A_1026 = arith.constant 16 : i32
      %mul3A_1027 = arith.muli %scan3A_1012, %mul3A_1026 : i32
      %swap3A_1028 = arith.index_cast %mul3A_1027 : i32 to index
      %swap3A_1029 = tpu.vector_load %arg12[%swap3A_1028] {strides = array<i32>} : memref<1280xi32, #tpu.memory_space<vmem>>, vector<16xi32>,
      tpu.vector_store %arg12[%swap3A_1028], %sub3A {strides = array<i32>} : memref<1280xi32, #tpu.memory_space<vmem>>, vector<16xi32>,
      %shift_left3A = arith.constant 16 : i32
      %shift_left3A_1030 = vector.broadcast %shift_left3A : i32 to vector<16xi32>
      %shift_left3A_1031 = arith.shli %and3A_1021, %shift_left3A_1030 : vector<16xi32>
      %or3A = arith.ori %sub3A, %shift_left3A_1031 : vector<16xi32>
      %mul3A_1032 = arith.constant 16 : i32
      %mul3A_1033 = arith.muli %scan3A_1012, %mul3A_1032 : i32
      %swap3A_1034 = arith.index_cast %mul3A_1033 : i32 to index
      %swap3A_1035 = tpu.vector_load %arg13[%swap3A_1034] {strides = array<i32>} : memref<1280xi32, #tpu.memory_space<vmem>>, vector<16xi32>,
      tpu.vector_store %arg13[%swap3A_1034], %or3A {strides = array<i32>} : memref<1280xi32, #tpu.memory_space<vmem>>, vector<16xi32>,
      %slice3A_1036 = vector.extract_strided_slice %masked_cumsum3A {offsets = [15], sizes = [1], strides = [1]} : vector<16xi32> to vector<1xi32>
      %squeeze3A_1037 = vector.extract %slice3A_1036[0] : i32 from vector<1xi32>
      %add3A_1038 = arith.addi %scan3A_1013, %squeeze3A_1037 : i32
      scf.yield %add3A_1038 : i32
    }
    %scan3A_28 = arith.constant 80 : i32
    %add3A_29 = arith.constant 0 : i32
    %add3A_30 = vector.broadcast %add3A_29 : i32 to vector<16xi32>
    %add3A_31 = arith.addi %add3A_30, %iota3A : vector<16xi32>
    %mul3A_32 = arith.constant 32 : i32
    %mul3A_33 = vector.broadcast %mul3A_32 : i32 to vector<16xi32>
    %mul3A_34 = arith.muli %add3A_31, %mul3A_33 : vector<16xi32>
    %add3A_35 = vector.broadcast %add3A : i32 to vector<16xi32>
    %add3A_36 = arith.addi %mul3A_34, %add3A_35 : vector<16xi32>
    %swap3A = arith.constant 0 : i32
    %swap3A_37 = arith.index_cast %swap3A : i32 to index
    %swap3A_38 = arith.constant 0 : index
    %swap3A_39 = tpu.vector_load %arg14[%swap3A_37, %swap3A_38] {strides = array<i32>} : memref<10x128xi32, #tpu.memory_space<vmem>>, vector<16xi32>,
    tpu.vector_store %arg14[%swap3A_37, %swap3A_38], %add3A_36 {strides = array<i32>} : memref<10x128xi32, #tpu.memory_space<vmem>>, vector<16xi32>,
    %add3A_40 = arith.constant 16 : i32
    %add3A_41 = vector.broadcast %add3A_40 : i32 to vector<16xi32>
    %add3A_42 = arith.addi %add3A_41, %iota3A : vector<16xi32>
    %mul3A_43 = arith.constant 32 : i32
    %mul3A_44 = vector.broadcast %mul3A_43 : i32 to vector<16xi32>
    %mul3A_45 = arith.muli %add3A_42, %mul3A_44 : vector<16xi32>
    %add3A_46 = vector.broadcast %add3A : i32 to vector<16xi32>
    %add3A_47 = arith.addi %mul3A_45, %add3A_46 : vector<16xi32>
    %swap3A_48 = arith.constant 0 : i32
    %swap3A_49 = arith.index_cast %swap3A_48 : i32 to index
    %swap3A_50 = arith.constant 16 : index
    %swap3A_51 = tpu.vector_load %arg14[%swap3A_49, %swap3A_50] {strides = array<i32>} : memref<10x128xi32, #tpu.memory_space<vmem>>, vector<16xi32>,
    tpu.vector_store %arg14[%swap3A_49, %swap3A_50], %add3A_47 {strides = array<i32>} : memref<10x128xi32, #tpu.memory_space<vmem>>, vector<16xi32>,
    %add3A_52 = arith.constant 32 : i32
    %add3A_53 = vector.broadcast %add3A_52 : i32 to vector<16xi32>
    %add3A_54 = arith.addi %add3A_53, %iota3A : vector<16xi32>
    %mul3A_55 = arith.constant 32 : i32
    %mul3A_56 = vector.broadcast %mul3A_55 : i32 to vector<16xi32>
    %mul3A_57 = arith.muli %add3A_54, %mul3A_56 : vector<16xi32>
    %add3A_58 = vector.broadcast %add3A : i32 to vector<16xi32>
    %add3A_59 = arith.addi %mul3A_57, %add3A_58 : vector<16xi32>
    %swap3A_60 = arith.constant 0 : i32
    %swap3A_61 = arith.index_cast %swap3A_60 : i32 to index
    %swap3A_62 = arith.constant 32 : index
    %swap3A_63 = tpu.vector_load %arg14[%swap3A_61, %swap3A_62] {strides = array<i32>} : memref<10x128xi32, #tpu.memory_space<vmem>>, vector<16xi32>,
    tpu.vector_store %arg14[%swap3A_61, %swap3A_62], %add3A_59 {strides = array<i32>} : memref<10x128xi32, #tpu.memory_space<vmem>>, vector<16xi32>,
    %add3A_64 = arith.constant 48 : i32
    %add3A_65 = vector.broadcast %add3A_64 : i32 to vector<16xi32>
    %add3A_66 = arith.addi %add3A_65, %iota3A : vector<16xi32>
    %mul3A_67 = arith.constant 32 : i32
    %mul3A_68 = vector.broadcast %mul3A_67 : i32 to vector<16xi32>
    %mul3A_69 = arith.muli %add3A_66, %mul3A_68 : vector<16xi32>
    %add3A_70 = vector.broadcast %add3A : i32 to vector<16xi32>
    %add3A_71 = arith.addi %mul3A_69, %add3A_70 : vector<16xi32>
    %swap3A_72 = arith.constant 0 : i32
    %swap3A_73 = arith.index_cast %swap3A_72 : i32 to index
    %swap3A_74 = arith.constant 48 : index
    %swap3A_75 = tpu.vector_load %arg14[%swap3A_73, %swap3A_74] {strides = array<i32>} : memref<10x128xi32, #tpu.memory_space<vmem>>, vector<16xi32>,
    tpu.vector_store %arg14[%swap3A_73, %swap3A_74], %add3A_71 {strides = array<i32>} : memref<10x128xi32, #tpu.memory_space<vmem>>, vector<16xi32>,
    %add3A_76 = arith.constant 64 : i32
    %add3A_77 = vector.broadcast %add3A_76 : i32 to vector<16xi32>
    %add3A_78 = arith.addi %add3A_77, %iota3A : vector<16xi32>
    %mul3A_79 = arith.constant 32 : i32
    %mul3A_80 = vector.broadcast %mul3A_79 : i32 to vector<16xi32>
    %mul3A_81 = arith.muli %add3A_78, %mul3A_80 : vector<16xi32>
    %add3A_82 = vector.broadcast %add3A : i32 to vector<16xi32>
    %add3A_83 = arith.addi %mul3A_81, %add3A_82 : vector<16xi32>
    %swap3A_84 = arith.constant 0 : i32
    %swap3A_85 = arith.index_cast %swap3A_84 : i32 to index
    %swap3A_86 = arith.constant 64 : index
    %swap3A_87 = tpu.vector_load %arg14[%swap3A_85, %swap3A_86] {strides = array<i32>} : memref<10x128xi32, #tpu.memory_space<vmem>>, vector<16xi32>,
    tpu.vector_store %arg14[%swap3A_85, %swap3A_86], %add3A_83 {strides = array<i32>} : memref<10x128xi32, #tpu.memory_space<vmem>>, vector<16xi32>,
    %add3A_88 = arith.constant 80 : i32
    %add3A_89 = vector.broadcast %add3A_88 : i32 to vector<16xi32>
    %add3A_90 = arith.addi %add3A_89, %iota3A : vector<16xi32>
    %mul3A_91 = arith.constant 32 : i32
    %mul3A_92 = vector.broadcast %mul3A_91 : i32 to vector<16xi32>
    %mul3A_93 = arith.muli %add3A_90, %mul3A_92 : vector<16xi32>
    %add3A_94 = vector.broadcast %add3A : i32 to vector<16xi32>
    %add3A_95 = arith.addi %mul3A_93, %add3A_94 : vector<16xi32>
    %swap3A_96 = arith.constant 0 : i32
    %swap3A_97 = arith.index_cast %swap3A_96 : i32 to index
    %swap3A_98 = arith.constant 80 : index
    %swap3A_99 = tpu.vector_load %arg14[%swap3A_97, %swap3A_98] {strides = array<i32>} : memref<10x128xi32, #tpu.memory_space<vmem>>, vector<16xi32>,
    tpu.vector_store %arg14[%swap3A_97, %swap3A_98], %add3A_95 {strides = array<i32>} : memref<10x128xi32, #tpu.memory_space<vmem>>, vector<16xi32>,
    %add3A_100 = arith.constant 96 : i32
    %add3A_101 = vector.broadcast %add3A_100 : i32 to vector<16xi32>
    %add3A_102 = arith.addi %add3A_101, %iota3A : vector<16xi32>
    %mul3A_103 = arith.constant 32 : i32
    %mul3A_104 = vector.broadcast %mul3A_103 : i32 to vector<16xi32>
    %mul3A_105 = arith.muli %add3A_102, %mul3A_104 : vector<16xi32>
    %add3A_106 = vector.broadcast %add3A : i32 to vector<16xi32>
    %add3A_107 = arith.addi %mul3A_105, %add3A_106 : vector<16xi32>
    %swap3A_108 = arith.constant 0 : i32
    %swap3A_109 = arith.index_cast %swap3A_108 : i32 to index
    %swap3A_110 = arith.constant 96 : index
    %swap3A_111 = tpu.vector_load %arg14[%swap3A_109, %swap3A_110] {strides = array<i32>} : memref<10x128xi32, #tpu.memory_space<vmem>>, vector<16xi32>,
    tpu.vector_store %arg14[%swap3A_109, %swap3A_110], %add3A_107 {strides = array<i32>} : memref<10x128xi32, #tpu.memory_space<vmem>>, vector<16xi32>,
    %add3A_112 = arith.constant 112 : i32
    %add3A_113 = vector.broadcast %add3A_112 : i32 to vector<16xi32>
    %add3A_114 = arith.addi %add3A_113, %iota3A : vector<16xi32>
    %mul3A_115 = arith.constant 32 : i32
    %mul3A_116 = vector.broadcast %mul3A_115 : i32 to vector<16xi32>
    %mul3A_117 = arith.muli %add3A_114, %mul3A_116 : vector<16xi32>
    %add3A_118 = vector.broadcast %add3A : i32 to vector<16xi32>
    %add3A_119 = arith.addi %mul3A_117, %add3A_118 : vector<16xi32>
    %swap3A_120 = arith.constant 0 : i32
    %swap3A_121 = arith.index_cast %swap3A_120 : i32 to index
    %swap3A_122 = arith.constant 112 : index
    %swap3A_123 = tpu.vector_load %arg14[%swap3A_121, %swap3A_122] {strides = array<i32>} : memref<10x128xi32, #tpu.memory_space<vmem>>, vector<16xi32>,
    tpu.vector_store %arg14[%swap3A_121, %swap3A_122], %add3A_119 {strides = array<i32>} : memref<10x128xi32, #tpu.memory_space<vmem>>, vector<16xi32>,
    %add3A_124 = arith.constant 128 : i32
    %add3A_125 = vector.broadcast %add3A_124 : i32 to vector<16xi32>
    %add3A_126 = arith.addi %add3A_125, %iota3A : vector<16xi32>
    %mul3A_127 = arith.constant 32 : i32
    %mul3A_128 = vector.broadcast %mul3A_127 : i32 to vector<16xi32>
    %mul3A_129 = arith.muli %add3A_126, %mul3A_128 : vector<16xi32>
    %add3A_130 = vector.broadcast %add3A : i32 to vector<16xi32>
    %add3A_131 = arith.addi %mul3A_129, %add3A_130 : vector<16xi32>
    %swap3A_132 = arith.constant 1 : i32
    %swap3A_133 = arith.index_cast %swap3A_132 : i32 to index
    %swap3A_134 = arith.constant 0 : index
    %swap3A_135 = tpu.vector_load %arg14[%swap3A_133, %swap3A_134] {strides = array<i32>} : memref<10x128xi32, #tpu.memory_space<vmem>>, vector<16xi32>,
    tpu.vector_store %arg14[%swap3A_133, %swap3A_134], %add3A_131 {strides = array<i32>} : memref<10x128xi32, #tpu.memory_space<vmem>>, vector<16xi32>,
    %add3A_136 = arith.constant 144 : i32
    %add3A_137 = vector.broadcast %add3A_136 : i32 to vector<16xi32>
    %add3A_138 = arith.addi %add3A_137, %iota3A : vector<16xi32>
    %mul3A_139 = arith.constant 32 : i32
    %mul3A_140 = vector.broadcast %mul3A_139 : i32 to vector<16xi32>
    %mul3A_141 = arith.muli %add3A_138, %mul3A_140 : vector<16xi32>
    %add3A_142 = vector.broadcast %add3A : i32 to vector<16xi32>
    %add3A_143 = arith.addi %mul3A_141, %add3A_142 : vector<16xi32>
    %swap3A_144 = arith.constant 1 : i32
    %swap3A_145 = arith.index_cast %swap3A_144 : i32 to index
    %swap3A_146 = arith.constant 16 : index
    %swap3A_147 = tpu.vector_load %arg14[%swap3A_145, %swap3A_146] {strides = array<i32>} : memref<10x128xi32, #tpu.memory_space<vmem>>, vector<16xi32>,
    tpu.vector_store %arg14[%swap3A_145, %swap3A_146], %add3A_143 {strides = array<i32>} : memref<10x128xi32, #tpu.memory_space<vmem>>, vector<16xi32>,
    %add3A_148 = arith.constant 160 : i32
    %add3A_149 = vector.broadcast %add3A_148 : i32 to vector<16xi32>
    %add3A_150 = arith.addi %add3A_149, %iota3A : vector<16xi32>
    %mul3A_151 = arith.constant 32 : i32
    %mul3A_152 = vector.broadcast %mul3A_151 : i32 to vector<16xi32>
    %mul3A_153 = arith.muli %add3A_150, %mul3A_152 : vector<16xi32>
    %add3A_154 = vector.broadcast %add3A : i32 to vector<16xi32>
    %add3A_155 = arith.addi %mul3A_153, %add3A_154 : vector<16xi32>
    %swap3A_156 = arith.constant 1 : i32
    %swap3A_157 = arith.index_cast %swap3A_156 : i32 to index
    %swap3A_158 = arith.constant 32 : index
    %swap3A_159 = tpu.vector_load %arg14[%swap3A_157, %swap3A_158] {strides = array<i32>} : memref<10x128xi32, #tpu.memory_space<vmem>>, vector<16xi32>,
    tpu.vector_store %arg14[%swap3A_157, %swap3A_158], %add3A_155 {strides = array<i32>} : memref<10x128xi32, #tpu.memory_space<vmem>>, vector<16xi32>,
    %add3A_160 = arith.constant 176 : i32
    %add3A_161 = vector.broadcast %add3A_160 : i32 to vector<16xi32>
    %add3A_162 = arith.addi %add3A_161, %iota3A : vector<16xi32>
    %mul3A_163 = arith.constant 32 : i32
    %mul3A_164 = vector.broadcast %mul3A_163 : i32 to vector<16xi32>
    %mul3A_165 = arith.muli %add3A_162, %mul3A_164 : vector<16xi32>
    %add3A_166 = vector.broadcast %add3A : i32 to vector<16xi32>
    %add3A_167 = arith.addi %mul3A_165, %add3A_166 : vector<16xi32>
    %swap3A_168 = arith.constant 1 : i32
    %swap3A_169 = arith.index_cast %swap3A_168 : i32 to index
    %swap3A_170 = arith.constant 48 : index
    %swap3A_171 = tpu.vector_load %arg14[%swap3A_169, %swap3A_170] {strides = array<i32>} : memref<10x128xi32, #tpu.memory_space<vmem>>, vector<16xi32>,
    tpu.vector_store %arg14[%swap3A_169, %swap3A_170], %add3A_167 {strides = array<i32>} : memref<10x128xi32, #tpu.memory_space<vmem>>, vector<16xi32>,
    %add3A_172 = arith.constant 192 : i32
    %add3A_173 = vector.broadcast %add3A_172 : i32 to vector<16xi32>
    %add3A_174 = arith.addi %add3A_173, %iota3A : vector<16xi32>
    %mul3A_175 = arith.constant 32 : i32
    %mul3A_176 = vector.broadcast %mul3A_175 : i32 to vector<16xi32>
    %mul3A_177 = arith.muli %add3A_174, %mul3A_176 : vector<16xi32>
    %add3A_178 = vector.broadcast %add3A : i32 to vector<16xi32>
    %add3A_179 = arith.addi %mul3A_177, %add3A_178 : vector<16xi32>
    %swap3A_180 = arith.constant 1 : i32
    %swap3A_181 = arith.index_cast %swap3A_180 : i32 to index
    %swap3A_182 = arith.constant 64 : index
    %swap3A_183 = tpu.vector_load %arg14[%swap3A_181, %swap3A_182] {strides = array<i32>} : memref<10x128xi32, #tpu.memory_space<vmem>>, vector<16xi32>,
    tpu.vector_store %arg14[%swap3A_181, %swap3A_182], %add3A_179 {strides = array<i32>} : memref<10x128xi32, #tpu.memory_space<vmem>>, vector<16xi32>,
    %add3A_184 = arith.constant 208 : i32
    %add3A_185 = vector.broadcast %add3A_184 : i32 to vector<16xi32>
    %add3A_186 = arith.addi %add3A_185, %iota3A : vector<16xi32>
    %mul3A_187 = arith.constant 32 : i32
    %mul3A_188 = vector.broadcast %mul3A_187 : i32 to vector<16xi32>
    %mul3A_189 = arith.muli %add3A_186, %mul3A_188 : vector<16xi32>
    %add3A_190 = vector.broadcast %add3A : i32 to vector<16xi32>
    %add3A_191 = arith.addi %mul3A_189, %add3A_190 : vector<16xi32>
    %swap3A_192 = arith.constant 1 : i32
    %swap3A_193 = arith.index_cast %swap3A_192 : i32 to index
    %swap3A_194 = arith.constant 80 : index
    %swap3A_195 = tpu.vector_load %arg14[%swap3A_193, %swap3A_194] {strides = array<i32>} : memref<10x128xi32, #tpu.memory_space<vmem>>, vector<16xi32>,
    tpu.vector_store %arg14[%swap3A_193, %swap3A_194], %add3A_191 {strides = array<i32>} : memref<10x128xi32, #tpu.memory_space<vmem>>, vector<16xi32>,
    %add3A_196 = arith.constant 224 : i32
    %add3A_197 = vector.broadcast %add3A_196 : i32 to vector<16xi32>
    %add3A_198 = arith.addi %add3A_197, %iota3A : vector<16xi32>
    %mul3A_199 = arith.constant 32 : i32
    %mul3A_200 = vector.broadcast %mul3A_199 : i32 to vector<16xi32>
    %mul3A_201 = arith.muli %add3A_198, %mul3A_200 : vector<16xi32>
    %add3A_202 = vector.broadcast %add3A : i32 to vector<16xi32>
    %add3A_203 = arith.addi %mul3A_201, %add3A_202 : vector<16xi32>
    %swap3A_204 = arith.constant 1 : i32
    %swap3A_205 = arith.index_cast %swap3A_204 : i32 to index
    %swap3A_206 = arith.constant 96 : index
    %swap3A_207 = tpu.vector_load %arg14[%swap3A_205, %swap3A_206] {strides = array<i32>} : memref<10x128xi32, #tpu.memory_space<vmem>>, vector<16xi32>,
    tpu.vector_store %arg14[%swap3A_205, %swap3A_206], %add3A_203 {strides = array<i32>} : memref<10x128xi32, #tpu.memory_space<vmem>>, vector<16xi32>,
    %add3A_208 = arith.constant 240 : i32
    %add3A_209 = vector.broadcast %add3A_208 : i32 to vector<16xi32>
    %add3A_210 = arith.addi %add3A_209, %iota3A : vector<16xi32>
    %mul3A_211 = arith.constant 32 : i32
    %mul3A_212 = vector.broadcast %mul3A_211 : i32 to vector<16xi32>
    %mul3A_213 = arith.muli %add3A_210, %mul3A_212 : vector<16xi32>
    %add3A_214 = vector.broadcast %add3A : i32 to vector<16xi32>
    %add3A_215 = arith.addi %mul3A_213, %add3A_214 : vector<16xi32>
    %swap3A_216 = arith.constant 1 : i32
    %swap3A_217 = arith.index_cast %swap3A_216 : i32 to index
    %swap3A_218 = arith.constant 112 : index
    %swap3A_219 = tpu.vector_load %arg14[%swap3A_217, %swap3A_218] {strides = array<i32>} : memref<10x128xi32, #tpu.memory_space<vmem>>, vector<16xi32>,
    tpu.vector_store %arg14[%swap3A_217, %swap3A_218], %add3A_215 {strides = array<i32>} : memref<10x128xi32, #tpu.memory_space<vmem>>, vector<16xi32>,
    %add3A_220 = arith.constant 256 : i32
    %add3A_221 = vector.broadcast %add3A_220 : i32 to vector<16xi32>
    %add3A_222 = arith.addi %add3A_221, %iota3A : vector<16xi32>
    %mul3A_223 = arith.constant 32 : i32
    %mul3A_224 = vector.broadcast %mul3A_223 : i32 to vector<16xi32>
    %mul3A_225 = arith.muli %add3A_222, %mul3A_224 : vector<16xi32>
    %add3A_226 = vector.broadcast %add3A : i32 to vector<16xi32>
    %add3A_227 = arith.addi %mul3A_225, %add3A_226 : vector<16xi32>
    %swap3A_228 = arith.constant 2 : i32
    %swap3A_229 = arith.index_cast %swap3A_228 : i32 to index
    %swap3A_230 = arith.constant 0 : index
    %swap3A_231 = tpu.vector_load %arg14[%swap3A_229, %swap3A_230] {strides = array<i32>} : memref<10x128xi32, #tpu.memory_space<vmem>>, vector<16xi32>,
    tpu.vector_store %arg14[%swap3A_229, %swap3A_230], %add3A_227 {strides = array<i32>} : memref<10x128xi32, #tpu.memory_space<vmem>>, vector<16xi32>,
    %add3A_232 = arith.constant 272 : i32
    %add3A_233 = vector.broadcast %add3A_232 : i32 to vector<16xi32>
    %add3A_234 = arith.addi %add3A_233, %iota3A : vector<16xi32>
    %mul3A_235 = arith.constant 32 : i32
    %mul3A_236 = vector.broadcast %mul3A_235 : i32 to vector<16xi32>
    %mul3A_237 = arith.muli %add3A_234, %mul3A_236 : vector<16xi32>
    %add3A_238 = vector.broadcast %add3A : i32 to vector<16xi32>
    %add3A_239 = arith.addi %mul3A_237, %add3A_238 : vector<16xi32>
    %swap3A_240 = arith.constant 2 : i32
    %swap3A_241 = arith.index_cast %swap3A_240 : i32 to index
    %swap3A_242 = arith.constant 16 : index
    %swap3A_243 = tpu.vector_load %arg14[%swap3A_241, %swap3A_242] {strides = array<i32>} : memref<10x128xi32, #tpu.memory_space<vmem>>, vector<16xi32>,
    tpu.vector_store %arg14[%swap3A_241, %swap3A_242], %add3A_239 {strides = array<i32>} : memref<10x128xi32, #tpu.memory_space<vmem>>, vector<16xi32>,
    %add3A_244 = arith.constant 288 : i32
    %add3A_245 = vector.broadcast %add3A_244 : i32 to vector<16xi32>
    %add3A_246 = arith.addi %add3A_245, %iota3A : vector<16xi32>
    %mul3A_247 = arith.constant 32 : i32
    %mul3A_248 = vector.broadcast %mul3A_247 : i32 to vector<16xi32>
    %mul3A_249 = arith.muli %add3A_246, %mul3A_248 : vector<16xi32>
    %add3A_250 = vector.broadcast %add3A : i32 to vector<16xi32>
    %add3A_251 = arith.addi %mul3A_249, %add3A_250 : vector<16xi32>
    %swap3A_252 = arith.constant 2 : i32
    %swap3A_253 = arith.index_cast %swap3A_252 : i32 to index
    %swap3A_254 = arith.constant 32 : index
    %swap3A_255 = tpu.vector_load %arg14[%swap3A_253, %swap3A_254] {strides = array<i32>} : memref<10x128xi32, #tpu.memory_space<vmem>>, vector<16xi32>,
    tpu.vector_store %arg14[%swap3A_253, %swap3A_254], %add3A_251 {strides = array<i32>} : memref<10x128xi32, #tpu.memory_space<vmem>>, vector<16xi32>,
    %add3A_256 = arith.constant 304 : i32
    %add3A_257 = vector.broadcast %add3A_256 : i32 to vector<16xi32>
    %add3A_258 = arith.addi %add3A_257, %iota3A : vector<16xi32>
    %mul3A_259 = arith.constant 32 : i32
    %mul3A_260 = vector.broadcast %mul3A_259 : i32 to vector<16xi32>
    %mul3A_261 = arith.muli %add3A_258, %mul3A_260 : vector<16xi32>
    %add3A_262 = vector.broadcast %add3A : i32 to vector<16xi32>
    %add3A_263 = arith.addi %mul3A_261, %add3A_262 : vector<16xi32>
    %swap3A_264 = arith.constant 2 : i32
    %swap3A_265 = arith.index_cast %swap3A_264 : i32 to index
    %swap3A_266 = arith.constant 48 : index
    %swap3A_267 = tpu.vector_load %arg14[%swap3A_265, %swap3A_266] {strides = array<i32>} : memref<10x128xi32, #tpu.memory_space<vmem>>, vector<16xi32>,
    tpu.vector_store %arg14[%swap3A_265, %swap3A_266], %add3A_263 {strides = array<i32>} : memref<10x128xi32, #tpu.memory_space<vmem>>, vector<16xi32>,
    %add3A_268 = arith.constant 320 : i32
    %add3A_269 = vector.broadcast %add3A_268 : i32 to vector<16xi32>
    %add3A_270 = arith.addi %add3A_269, %iota3A : vector<16xi32>
    %mul3A_271 = arith.constant 32 : i32
    %mul3A_272 = vector.broadcast %mul3A_271 : i32 to vector<16xi32>
    %mul3A_273 = arith.muli %add3A_270, %mul3A_272 : vector<16xi32>
    %add3A_274 = vector.broadcast %add3A : i32 to vector<16xi32>
    %add3A_275 = arith.addi %mul3A_273, %add3A_274 : vector<16xi32>
    %swap3A_276 = arith.constant 2 : i32
    %swap3A_277 = arith.index_cast %swap3A_276 : i32 to index
    %swap3A_278 = arith.constant 64 : index
    %swap3A_279 = tpu.vector_load %arg14[%swap3A_277, %swap3A_278] {strides = array<i32>} : memref<10x128xi32, #tpu.memory_space<vmem>>, vector<16xi32>,
    tpu.vector_store %arg14[%swap3A_277, %swap3A_278], %add3A_275 {strides = array<i32>} : memref<10x128xi32, #tpu.memory_space<vmem>>, vector<16xi32>,
    %add3A_280 = arith.constant 336 : i32
    %add3A_281 = vector.broadcast %add3A_280 : i32 to vector<16xi32>
    %add3A_282 = arith.addi %add3A_281, %iota3A : vector<16xi32>
    %mul3A_283 = arith.constant 32 : i32
    %mul3A_284 = vector.broadcast %mul3A_283 : i32 to vector<16xi32>
    %mul3A_285 = arith.muli %add3A_282, %mul3A_284 : vector<16xi32>
    %add3A_286 = vector.broadcast %add3A : i32 to vector<16xi32>
    %add3A_287 = arith.addi %mul3A_285, %add3A_286 : vector<16xi32>
    %swap3A_288 = arith.constant 2 : i32
    %swap3A_289 = arith.index_cast %swap3A_288 : i32 to index
    %swap3A_290 = arith.constant 80 : index
    %swap3A_291 = tpu.vector_load %arg14[%swap3A_289, %swap3A_290] {strides = array<i32>} : memref<10x128xi32, #tpu.memory_space<vmem>>, vector<16xi32>,
    tpu.vector_store %arg14[%swap3A_289, %swap3A_290], %add3A_287 {strides = array<i32>} : memref<10x128xi32, #tpu.memory_space<vmem>>, vector<16xi32>,
    %add3A_292 = arith.constant 352 : i32
    %add3A_293 = vector.broadcast %add3A_292 : i32 to vector<16xi32>
    %add3A_294 = arith.addi %add3A_293, %iota3A : vector<16xi32>
    %mul3A_295 = arith.constant 32 : i32
    %mul3A_296 = vector.broadcast %mul3A_295 : i32 to vector<16xi32>
    %mul3A_297 = arith.muli %add3A_294, %mul3A_296 : vector<16xi32>
    %add3A_298 = vector.broadcast %add3A : i32 to vector<16xi32>
    %add3A_299 = arith.addi %mul3A_297, %add3A_298 : vector<16xi32>
    %swap3A_300 = arith.constant 2 : i32
    %swap3A_301 = arith.index_cast %swap3A_300 : i32 to index
    %swap3A_302 = arith.constant 96 : index
    %swap3A_303 = tpu.vector_load %arg14[%swap3A_301, %swap3A_302] {strides = array<i32>} : memref<10x128xi32, #tpu.memory_space<vmem>>, vector<16xi32>,
    tpu.vector_store %arg14[%swap3A_301, %swap3A_302], %add3A_299 {strides = array<i32>} : memref<10x128xi32, #tpu.memory_space<vmem>>, vector<16xi32>,
    %add3A_304 = arith.constant 368 : i32
    %add3A_305 = vector.broadcast %add3A_304 : i32 to vector<16xi32>
    %add3A_306 = arith.addi %add3A_305, %iota3A : vector<16xi32>
    %mul3A_307 = arith.constant 32 : i32
    %mul3A_308 = vector.broadcast %mul3A_307 : i32 to vector<16xi32>
    %mul3A_309 = arith.muli %add3A_306, %mul3A_308 : vector<16xi32>
    %add3A_310 = vector.broadcast %add3A : i32 to vector<16xi32>
    %add3A_311 = arith.addi %mul3A_309, %add3A_310 : vector<16xi32>
    %swap3A_312 = arith.constant 2 : i32
    %swap3A_313 = arith.index_cast %swap3A_312 : i32 to index
    %swap3A_314 = arith.constant 112 : index
    %swap3A_315 = tpu.vector_load %arg14[%swap3A_313, %swap3A_314] {strides = array<i32>} : memref<10x128xi32, #tpu.memory_space<vmem>>, vector<16xi32>,
    tpu.vector_store %arg14[%swap3A_313, %swap3A_314], %add3A_311 {strides = array<i32>} : memref<10x128xi32, #tpu.memory_space<vmem>>, vector<16xi32>,
    %add3A_316 = arith.constant 384 : i32
    %add3A_317 = vector.broadcast %add3A_316 : i32 to vector<16xi32>
    %add3A_318 = arith.addi %add3A_317, %iota3A : vector<16xi32>
    %mul3A_319 = arith.constant 32 : i32
    %mul3A_320 = vector.broadcast %mul3A_319 : i32 to vector<16xi32>
    %mul3A_321 = arith.muli %add3A_318, %mul3A_320 : vector<16xi32>
    %add3A_322 = vector.broadcast %add3A : i32 to vector<16xi32>
    %add3A_323 = arith.addi %mul3A_321, %add3A_322 : vector<16xi32>
    %swap3A_324 = arith.constant 3 : i32
    %swap3A_325 = arith.index_cast %swap3A_324 : i32 to index
    %swap3A_326 = arith.constant 0 : index
    %swap3A_327 = tpu.vector_load %arg14[%swap3A_325, %swap3A_326] {strides = array<i32>} : memref<10x128xi32, #tpu.memory_space<vmem>>, vector<16xi32>,
    tpu.vector_store %arg14[%swap3A_325, %swap3A_326], %add3A_323 {strides = array<i32>} : memref<10x128xi32, #tpu.memory_space<vmem>>, vector<16xi32>,
    %add3A_328 = arith.constant 400 : i32
    %add3A_329 = vector.broadcast %add3A_328 : i32 to vector<16xi32>
    %add3A_330 = arith.addi %add3A_329, %iota3A : vector<16xi32>
    %mul3A_331 = arith.constant 32 : i32
    %mul3A_332 = vector.broadcast %mul3A_331 : i32 to vector<16xi32>
    %mul3A_333 = arith.muli %add3A_330, %mul3A_332 : vector<16xi32>
    %add3A_334 = vector.broadcast %add3A : i32 to vector<16xi32>
    %add3A_335 = arith.addi %mul3A_333, %add3A_334 : vector<16xi32>
    %swap3A_336 = arith.constant 3 : i32
    %swap3A_337 = arith.index_cast %swap3A_336 : i32 to index
    %swap3A_338 = arith.constant 16 : index
    %swap3A_339 = tpu.vector_load %arg14[%swap3A_337, %swap3A_338] {strides = array<i32>} : memref<10x128xi32, #tpu.memory_space<vmem>>, vector<16xi32>,
    tpu.vector_store %arg14[%swap3A_337, %swap3A_338], %add3A_335 {strides = array<i32>} : memref<10x128xi32, #tpu.memory_space<vmem>>, vector<16xi32>,
    %add3A_340 = arith.constant 416 : i32
    %add3A_341 = vector.broadcast %add3A_340 : i32 to vector<16xi32>
    %add3A_342 = arith.addi %add3A_341, %iota3A : vector<16xi32>
    %mul3A_343 = arith.constant 32 : i32
    %mul3A_344 = vector.broadcast %mul3A_343 : i32 to vector<16xi32>
    %mul3A_345 = arith.muli %add3A_342, %mul3A_344 : vector<16xi32>
    %add3A_346 = vector.broadcast %add3A : i32 to vector<16xi32>
    %add3A_347 = arith.addi %mul3A_345, %add3A_346 : vector<16xi32>
    %swap3A_348 = arith.constant 3 : i32
    %swap3A_349 = arith.index_cast %swap3A_348 : i32 to index
    %swap3A_350 = arith.constant 32 : index
    %swap3A_351 = tpu.vector_load %arg14[%swap3A_349, %swap3A_350] {strides = array<i32>} : memref<10x128xi32, #tpu.memory_space<vmem>>, vector<16xi32>,
    tpu.vector_store %arg14[%swap3A_349, %swap3A_350], %add3A_347 {strides = array<i32>} : memref<10x128xi32, #tpu.memory_space<vmem>>, vector<16xi32>,
    %add3A_352 = arith.constant 432 : i32
    %add3A_353 = vector.broadcast %add3A_352 : i32 to vector<16xi32>
    %add3A_354 = arith.addi %add3A_353, %iota3A : vector<16xi32>
    %mul3A_355 = arith.constant 32 : i32
    %mul3A_356 = vector.broadcast %mul3A_355 : i32 to vector<16xi32>
    %mul3A_357 = arith.muli %add3A_354, %mul3A_356 : vector<16xi32>
    %add3A_358 = vector.broadcast %add3A : i32 to vector<16xi32>
    %add3A_359 = arith.addi %mul3A_357, %add3A_358 : vector<16xi32>
    %swap3A_360 = arith.constant 3 : i32
    %swap3A_361 = arith.index_cast %swap3A_360 : i32 to index
    %swap3A_362 = arith.constant 48 : index
    %swap3A_363 = tpu.vector_load %arg14[%swap3A_361, %swap3A_362] {strides = array<i32>} : memref<10x128xi32, #tpu.memory_space<vmem>>, vector<16xi32>,
    tpu.vector_store %arg14[%swap3A_361, %swap3A_362], %add3A_359 {strides = array<i32>} : memref<10x128xi32, #tpu.memory_space<vmem>>, vector<16xi32>,
    %add3A_364 = arith.constant 448 : i32
    %add3A_365 = vector.broadcast %add3A_364 : i32 to vector<16xi32>
    %add3A_366 = arith.addi %add3A_365, %iota3A : vector<16xi32>
    %mul3A_367 = arith.constant 32 : i32
    %mul3A_368 = vector.broadcast %mul3A_367 : i32 to vector<16xi32>
    %mul3A_369 = arith.muli %add3A_366, %mul3A_368 : vector<16xi32>
    %add3A_370 = vector.broadcast %add3A : i32 to vector<16xi32>
    %add3A_371 = arith.addi %mul3A_369, %add3A_370 : vector<16xi32>
    %swap3A_372 = arith.constant 3 : i32
    %swap3A_373 = arith.index_cast %swap3A_372 : i32 to index
    %swap3A_374 = arith.constant 64 : index
    %swap3A_375 = tpu.vector_load %arg14[%swap3A_373, %swap3A_374] {strides = array<i32>} : memref<10x128xi32, #tpu.memory_space<vmem>>, vector<16xi32>,
    tpu.vector_store %arg14[%swap3A_373, %swap3A_374], %add3A_371 {strides = array<i32>} : memref<10x128xi32, #tpu.memory_space<vmem>>, vector<16xi32>,
    %add3A_376 = arith.constant 464 : i32
    %add3A_377 = vector.broadcast %add3A_376 : i32 to vector<16xi32>
    %add3A_378 = arith.addi %add3A_377, %iota3A : vector<16xi32>
    %mul3A_379 = arith.constant 32 : i32
    %mul3A_380 = vector.broadcast %mul3A_379 : i32 to vector<16xi32>
    %mul3A_381 = arith.muli %add3A_378, %mul3A_380 : vector<16xi32>
    %add3A_382 = vector.broadcast %add3A : i32 to vector<16xi32>
    %add3A_383 = arith.addi %mul3A_381, %add3A_382 : vector<16xi32>
    %swap3A_384 = arith.constant 3 : i32
    %swap3A_385 = arith.index_cast %swap3A_384 : i32 to index
    %swap3A_386 = arith.constant 80 : index
    %swap3A_387 = tpu.vector_load %arg14[%swap3A_385, %swap3A_386] {strides = array<i32>} : memref<10x128xi32, #tpu.memory_space<vmem>>, vector<16xi32>,
    tpu.vector_store %arg14[%swap3A_385, %swap3A_386], %add3A_383 {strides = array<i32>} : memref<10x128xi32, #tpu.memory_space<vmem>>, vector<16xi32>,
    %add3A_388 = arith.constant 480 : i32
    %add3A_389 = vector.broadcast %add3A_388 : i32 to vector<16xi32>
    %add3A_390 = arith.addi %add3A_389, %iota3A : vector<16xi32>
    %mul3A_391 = arith.constant 32 : i32
    %mul3A_392 = vector.broadcast %mul3A_391 : i32 to vector<16xi32>
    %mul3A_393 = arith.muli %add3A_390, %mul3A_392 : vector<16xi32>
    %add3A_394 = vector.broadcast %add3A : i32 to vector<16xi32>
    %add3A_395 = arith.addi %mul3A_393, %add3A_394 : vector<16xi32>
    %swap3A_396 = arith.constant 3 : i32
    %swap3A_397 = arith.index_cast %swap3A_396 : i32 to index
    %swap3A_398 = arith.constant 96 : index
    %swap3A_399 = tpu.vector_load %arg14[%swap3A_397, %swap3A_398] {strides = array<i32>} : memref<10x128xi32, #tpu.memory_space<vmem>>, vector<16xi32>,
    tpu.vector_store %arg14[%swap3A_397, %swap3A_398], %add3A_395 {strides = array<i32>} : memref<10x128xi32, #tpu.memory_space<vmem>>, vector<16xi32>,
    %add3A_400 = arith.constant 496 : i32
    %add3A_401 = vector.broadcast %add3A_400 : i32 to vector<16xi32>
    %add3A_402 = arith.addi %add3A_401, %iota3A : vector<16xi32>
    %mul3A_403 = arith.constant 32 : i32
    %mul3A_404 = vector.broadcast %mul3A_403 : i32 to vector<16xi32>
    %mul3A_405 = arith.muli %add3A_402, %mul3A_404 : vector<16xi32>
    %add3A_406 = vector.broadcast %add3A : i32 to vector<16xi32>
    %add3A_407 = arith.addi %mul3A_405, %add3A_406 : vector<16xi32>
    %swap3A_408 = arith.constant 3 : i32
    %swap3A_409 = arith.index_cast %swap3A_408 : i32 to index
    %swap3A_410 = arith.constant 112 : index
    %swap3A_411 = tpu.vector_load %arg14[%swap3A_409, %swap3A_410] {strides = array<i32>} : memref<10x128xi32, #tpu.memory_space<vmem>>, vector<16xi32>,
    tpu.vector_store %arg14[%swap3A_409, %swap3A_410], %add3A_407 {strides = array<i32>} : memref<10x128xi32, #tpu.memory_space<vmem>>, vector<16xi32>,
    %add3A_412 = arith.constant 512 : i32
    %add3A_413 = vector.broadcast %add3A_412 : i32 to vector<16xi32>
    %add3A_414 = arith.addi %add3A_413, %iota3A : vector<16xi32>
    %mul3A_415 = arith.constant 32 : i32
    %mul3A_416 = vector.broadcast %mul3A_415 : i32 to vector<16xi32>
    %mul3A_417 = arith.muli %add3A_414, %mul3A_416 : vector<16xi32>
    %add3A_418 = vector.broadcast %add3A : i32 to vector<16xi32>
    %add3A_419 = arith.addi %mul3A_417, %add3A_418 : vector<16xi32>
    %swap3A_420 = arith.constant 4 : i32
    %swap3A_421 = arith.index_cast %swap3A_420 : i32 to index
    %swap3A_422 = arith.constant 0 : index
    %swap3A_423 = tpu.vector_load %arg14[%swap3A_421, %swap3A_422] {strides = array<i32>} : memref<10x128xi32, #tpu.memory_space<vmem>>, vector<16xi32>,
    tpu.vector_store %arg14[%swap3A_421, %swap3A_422], %add3A_419 {strides = array<i32>} : memref<10x128xi32, #tpu.memory_space<vmem>>, vector<16xi32>,
    %add3A_424 = arith.constant 528 : i32
    %add3A_425 = vector.broadcast %add3A_424 : i32 to vector<16xi32>
    %add3A_426 = arith.addi %add3A_425, %iota3A : vector<16xi32>
    %mul3A_427 = arith.constant 32 : i32
    %mul3A_428 = vector.broadcast %mul3A_427 : i32 to vector<16xi32>
    %mul3A_429 = arith.muli %add3A_426, %mul3A_428 : vector<16xi32>
    %add3A_430 = vector.broadcast %add3A : i32 to vector<16xi32>
    %add3A_431 = arith.addi %mul3A_429, %add3A_430 : vector<16xi32>
    %swap3A_432 = arith.constant 4 : i32
    %swap3A_433 = arith.index_cast %swap3A_432 : i32 to index
    %swap3A_434 = arith.constant 16 : index
    %swap3A_435 = tpu.vector_load %arg14[%swap3A_433, %swap3A_434] {strides = array<i32>} : memref<10x128xi32, #tpu.memory_space<vmem>>, vector<16xi32>,
    tpu.vector_store %arg14[%swap3A_433, %swap3A_434], %add3A_431 {strides = array<i32>} : memref<10x128xi32, #tpu.memory_space<vmem>>, vector<16xi32>,
    %add3A_436 = arith.constant 544 : i32
    %add3A_437 = vector.broadcast %add3A_436 : i32 to vector<16xi32>
    %add3A_438 = arith.addi %add3A_437, %iota3A : vector<16xi32>
    %mul3A_439 = arith.constant 32 : i32
    %mul3A_440 = vector.broadcast %mul3A_439 : i32 to vector<16xi32>
    %mul3A_441 = arith.muli %add3A_438, %mul3A_440 : vector<16xi32>
    %add3A_442 = vector.broadcast %add3A : i32 to vector<16xi32>
    %add3A_443 = arith.addi %mul3A_441, %add3A_442 : vector<16xi32>
    %swap3A_444 = arith.constant 4 : i32
    %swap3A_445 = arith.index_cast %swap3A_444 : i32 to index
    %swap3A_446 = arith.constant 32 : index
    %swap3A_447 = tpu.vector_load %arg14[%swap3A_445, %swap3A_446] {strides = array<i32>} : memref<10x128xi32, #tpu.memory_space<vmem>>, vector<16xi32>,
    tpu.vector_store %arg14[%swap3A_445, %swap3A_446], %add3A_443 {strides = array<i32>} : memref<10x128xi32, #tpu.memory_space<vmem>>, vector<16xi32>,
    %add3A_448 = arith.constant 560 : i32
    %add3A_449 = vector.broadcast %add3A_448 : i32 to vector<16xi32>
    %add3A_450 = arith.addi %add3A_449, %iota3A : vector<16xi32>
    %mul3A_451 = arith.constant 32 : i32
    %mul3A_452 = vector.broadcast %mul3A_451 : i32 to vector<16xi32>
    %mul3A_453 = arith.muli %add3A_450, %mul3A_452 : vector<16xi32>
    %add3A_454 = vector.broadcast %add3A : i32 to vector<16xi32>
    %add3A_455 = arith.addi %mul3A_453, %add3A_454 : vector<16xi32>
    %swap3A_456 = arith.constant 4 : i32
    %swap3A_457 = arith.index_cast %swap3A_456 : i32 to index
    %swap3A_458 = arith.constant 48 : index
    %swap3A_459 = tpu.vector_load %arg14[%swap3A_457, %swap3A_458] {strides = array<i32>} : memref<10x128xi32, #tpu.memory_space<vmem>>, vector<16xi32>,
    tpu.vector_store %arg14[%swap3A_457, %swap3A_458], %add3A_455 {strides = array<i32>} : memref<10x128xi32, #tpu.memory_space<vmem>>, vector<16xi32>,
    %add3A_460 = arith.constant 576 : i32
    %add3A_461 = vector.broadcast %add3A_460 : i32 to vector<16xi32>
    %add3A_462 = arith.addi %add3A_461, %iota3A : vector<16xi32>
    %mul3A_463 = arith.constant 32 : i32
    %mul3A_464 = vector.broadcast %mul3A_463 : i32 to vector<16xi32>
    %mul3A_465 = arith.muli %add3A_462, %mul3A_464 : vector<16xi32>
    %add3A_466 = vector.broadcast %add3A : i32 to vector<16xi32>
    %add3A_467 = arith.addi %mul3A_465, %add3A_466 : vector<16xi32>
    %swap3A_468 = arith.constant 4 : i32
    %swap3A_469 = arith.index_cast %swap3A_468 : i32 to index
    %swap3A_470 = arith.constant 64 : index
    %swap3A_471 = tpu.vector_load %arg14[%swap3A_469, %swap3A_470] {strides = array<i32>} : memref<10x128xi32, #tpu.memory_space<vmem>>, vector<16xi32>,
    tpu.vector_store %arg14[%swap3A_469, %swap3A_470], %add3A_467 {strides = array<i32>} : memref<10x128xi32, #tpu.memory_space<vmem>>, vector<16xi32>,
    %add3A_472 = arith.constant 592 : i32
    %add3A_473 = vector.broadcast %add3A_472 : i32 to vector<16xi32>
    %add3A_474 = arith.addi %add3A_473, %iota3A : vector<16xi32>
    %mul3A_475 = arith.constant 32 : i32
    %mul3A_476 = vector.broadcast %mul3A_475 : i32 to vector<16xi32>
    %mul3A_477 = arith.muli %add3A_474, %mul3A_476 : vector<16xi32>
    %add3A_478 = vector.broadcast %add3A : i32 to vector<16xi32>
    %add3A_479 = arith.addi %mul3A_477, %add3A_478 : vector<16xi32>
    %swap3A_480 = arith.constant 4 : i32
    %swap3A_481 = arith.index_cast %swap3A_480 : i32 to index
    %swap3A_482 = arith.constant 80 : index
    %swap3A_483 = tpu.vector_load %arg14[%swap3A_481, %swap3A_482] {strides = array<i32>} : memref<10x128xi32, #tpu.memory_space<vmem>>, vector<16xi32>,
    tpu.vector_store %arg14[%swap3A_481, %swap3A_482], %add3A_479 {strides = array<i32>} : memref<10x128xi32, #tpu.memory_space<vmem>>, vector<16xi32>,
    %add3A_484 = arith.constant 608 : i32
    %add3A_485 = vector.broadcast %add3A_484 : i32 to vector<16xi32>
    %add3A_486 = arith.addi %add3A_485, %iota3A : vector<16xi32>
    %mul3A_487 = arith.constant 32 : i32
    %mul3A_488 = vector.broadcast %mul3A_487 : i32 to vector<16xi32>
    %mul3A_489 = arith.muli %add3A_486, %mul3A_488 : vector<16xi32>
    %add3A_490 = vector.broadcast %add3A : i32 to vector<16xi32>
    %add3A_491 = arith.addi %mul3A_489, %add3A_490 : vector<16xi32>
    %swap3A_492 = arith.constant 4 : i32
    %swap3A_493 = arith.index_cast %swap3A_492 : i32 to index
    %swap3A_494 = arith.constant 96 : index
    %swap3A_495 = tpu.vector_load %arg14[%swap3A_493, %swap3A_494] {strides = array<i32>} : memref<10x128xi32, #tpu.memory_space<vmem>>, vector<16xi32>,
    tpu.vector_store %arg14[%swap3A_493, %swap3A_494], %add3A_491 {strides = array<i32>} : memref<10x128xi32, #tpu.memory_space<vmem>>, vector<16xi32>,
    %add3A_496 = arith.constant 624 : i32
    %add3A_497 = vector.broadcast %add3A_496 : i32 to vector<16xi32>
    %add3A_498 = arith.addi %add3A_497, %iota3A : vector<16xi32>
    %mul3A_499 = arith.constant 32 : i32
    %mul3A_500 = vector.broadcast %mul3A_499 : i32 to vector<16xi32>
    %mul3A_501 = arith.muli %add3A_498, %mul3A_500 : vector<16xi32>
    %add3A_502 = vector.broadcast %add3A : i32 to vector<16xi32>
    %add3A_503 = arith.addi %mul3A_501, %add3A_502 : vector<16xi32>
    %swap3A_504 = arith.constant 4 : i32
    %swap3A_505 = arith.index_cast %swap3A_504 : i32 to index
    %swap3A_506 = arith.constant 112 : index
    %swap3A_507 = tpu.vector_load %arg14[%swap3A_505, %swap3A_506] {strides = array<i32>} : memref<10x128xi32, #tpu.memory_space<vmem>>, vector<16xi32>,
    tpu.vector_store %arg14[%swap3A_505, %swap3A_506], %add3A_503 {strides = array<i32>} : memref<10x128xi32, #tpu.memory_space<vmem>>, vector<16xi32>,
    %add3A_508 = arith.constant 640 : i32
    %add3A_509 = vector.broadcast %add3A_508 : i32 to vector<16xi32>
    %add3A_510 = arith.addi %add3A_509, %iota3A : vector<16xi32>
    %mul3A_511 = arith.constant 32 : i32
    %mul3A_512 = vector.broadcast %mul3A_511 : i32 to vector<16xi32>
    %mul3A_513 = arith.muli %add3A_510, %mul3A_512 : vector<16xi32>
    %add3A_514 = vector.broadcast %add3A : i32 to vector<16xi32>
    %add3A_515 = arith.addi %mul3A_513, %add3A_514 : vector<16xi32>
    %swap3A_516 = arith.constant 5 : i32
    %swap3A_517 = arith.index_cast %swap3A_516 : i32 to index
    %swap3A_518 = arith.constant 0 : index
    %swap3A_519 = tpu.vector_load %arg14[%swap3A_517, %swap3A_518] {strides = array<i32>} : memref<10x128xi32, #tpu.memory_space<vmem>>, vector<16xi32>,
    tpu.vector_store %arg14[%swap3A_517, %swap3A_518], %add3A_515 {strides = array<i32>} : memref<10x128xi32, #tpu.memory_space<vmem>>, vector<16xi32>,
    %add3A_520 = arith.constant 656 : i32
    %add3A_521 = vector.broadcast %add3A_520 : i32 to vector<16xi32>
    %add3A_522 = arith.addi %add3A_521, %iota3A : vector<16xi32>
    %mul3A_523 = arith.constant 32 : i32
    %mul3A_524 = vector.broadcast %mul3A_523 : i32 to vector<16xi32>
    %mul3A_525 = arith.muli %add3A_522, %mul3A_524 : vector<16xi32>
    %add3A_526 = vector.broadcast %add3A : i32 to vector<16xi32>
    %add3A_527 = arith.addi %mul3A_525, %add3A_526 : vector<16xi32>
    %swap3A_528 = arith.constant 5 : i32
    %swap3A_529 = arith.index_cast %swap3A_528 : i32 to index
    %swap3A_530 = arith.constant 16 : index
    %swap3A_531 = tpu.vector_load %arg14[%swap3A_529, %swap3A_530] {strides = array<i32>} : memref<10x128xi32, #tpu.memory_space<vmem>>, vector<16xi32>,
    tpu.vector_store %arg14[%swap3A_529, %swap3A_530], %add3A_527 {strides = array<i32>} : memref<10x128xi32, #tpu.memory_space<vmem>>, vector<16xi32>,
    %add3A_532 = arith.constant 672 : i32
    %add3A_533 = vector.broadcast %add3A_532 : i32 to vector<16xi32>
    %add3A_534 = arith.addi %add3A_533, %iota3A : vector<16xi32>
    %mul3A_535 = arith.constant 32 : i32
    %mul3A_536 = vector.broadcast %mul3A_535 : i32 to vector<16xi32>
    %mul3A_537 = arith.muli %add3A_534, %mul3A_536 : vector<16xi32>
    %add3A_538 = vector.broadcast %add3A : i32 to vector<16xi32>
    %add3A_539 = arith.addi %mul3A_537, %add3A_538 : vector<16xi32>
    %swap3A_540 = arith.constant 5 : i32
    %swap3A_541 = arith.index_cast %swap3A_540 : i32 to index
    %swap3A_542 = arith.constant 32 : index
    %swap3A_543 = tpu.vector_load %arg14[%swap3A_541, %swap3A_542] {strides = array<i32>} : memref<10x128xi32, #tpu.memory_space<vmem>>, vector<16xi32>,
    tpu.vector_store %arg14[%swap3A_541, %swap3A_542], %add3A_539 {strides = array<i32>} : memref<10x128xi32, #tpu.memory_space<vmem>>, vector<16xi32>,
    %add3A_544 = arith.constant 688 : i32
    %add3A_545 = vector.broadcast %add3A_544 : i32 to vector<16xi32>
    %add3A_546 = arith.addi %add3A_545, %iota3A : vector<16xi32>
    %mul3A_547 = arith.constant 32 : i32
    %mul3A_548 = vector.broadcast %mul3A_547 : i32 to vector<16xi32>
    %mul3A_549 = arith.muli %add3A_546, %mul3A_548 : vector<16xi32>
    %add3A_550 = vector.broadcast %add3A : i32 to vector<16xi32>
    %add3A_551 = arith.addi %mul3A_549, %add3A_550 : vector<16xi32>
    %swap3A_552 = arith.constant 5 : i32
    %swap3A_553 = arith.index_cast %swap3A_552 : i32 to index
    %swap3A_554 = arith.constant 48 : index
    %swap3A_555 = tpu.vector_load %arg14[%swap3A_553, %swap3A_554] {strides = array<i32>} : memref<10x128xi32, #tpu.memory_space<vmem>>, vector<16xi32>,
    tpu.vector_store %arg14[%swap3A_553, %swap3A_554], %add3A_551 {strides = array<i32>} : memref<10x128xi32, #tpu.memory_space<vmem>>, vector<16xi32>,
    %add3A_556 = arith.constant 704 : i32
    %add3A_557 = vector.broadcast %add3A_556 : i32 to vector<16xi32>
    %add3A_558 = arith.addi %add3A_557, %iota3A : vector<16xi32>
    %mul3A_559 = arith.constant 32 : i32
    %mul3A_560 = vector.broadcast %mul3A_559 : i32 to vector<16xi32>
    %mul3A_561 = arith.muli %add3A_558, %mul3A_560 : vector<16xi32>
    %add3A_562 = vector.broadcast %add3A : i32 to vector<16xi32>
    %add3A_563 = arith.addi %mul3A_561, %add3A_562 : vector<16xi32>
    %swap3A_564 = arith.constant 5 : i32
    %swap3A_565 = arith.index_cast %swap3A_564 : i32 to index
    %swap3A_566 = arith.constant 64 : index
    %swap3A_567 = tpu.vector_load %arg14[%swap3A_565, %swap3A_566] {strides = array<i32>} : memref<10x128xi32, #tpu.memory_space<vmem>>, vector<16xi32>,
    tpu.vector_store %arg14[%swap3A_565, %swap3A_566], %add3A_563 {strides = array<i32>} : memref<10x128xi32, #tpu.memory_space<vmem>>, vector<16xi32>,
    %add3A_568 = arith.constant 720 : i32
    %add3A_569 = vector.broadcast %add3A_568 : i32 to vector<16xi32>
    %add3A_570 = arith.addi %add3A_569, %iota3A : vector<16xi32>
    %mul3A_571 = arith.constant 32 : i32
    %mul3A_572 = vector.broadcast %mul3A_571 : i32 to vector<16xi32>
    %mul3A_573 = arith.muli %add3A_570, %mul3A_572 : vector<16xi32>
    %add3A_574 = vector.broadcast %add3A : i32 to vector<16xi32>
    %add3A_575 = arith.addi %mul3A_573, %add3A_574 : vector<16xi32>
    %swap3A_576 = arith.constant 5 : i32
    %swap3A_577 = arith.index_cast %swap3A_576 : i32 to index
    %swap3A_578 = arith.constant 80 : index
    %swap3A_579 = tpu.vector_load %arg14[%swap3A_577, %swap3A_578] {strides = array<i32>} : memref<10x128xi32, #tpu.memory_space<vmem>>, vector<16xi32>,
    tpu.vector_store %arg14[%swap3A_577, %swap3A_578], %add3A_575 {strides = array<i32>} : memref<10x128xi32, #tpu.memory_space<vmem>>, vector<16xi32>,
    %add3A_580 = arith.constant 736 : i32
    %add3A_581 = vector.broadcast %add3A_580 : i32 to vector<16xi32>
    %add3A_582 = arith.addi %add3A_581, %iota3A : vector<16xi32>
    %mul3A_583 = arith.constant 32 : i32
    %mul3A_584 = vector.broadcast %mul3A_583 : i32 to vector<16xi32>
    %mul3A_585 = arith.muli %add3A_582, %mul3A_584 : vector<16xi32>
    %add3A_586 = vector.broadcast %add3A : i32 to vector<16xi32>
    %add3A_587 = arith.addi %mul3A_585, %add3A_586 : vector<16xi32>
    %swap3A_588 = arith.constant 5 : i32
    %swap3A_589 = arith.index_cast %swap3A_588 : i32 to index
    %swap3A_590 = arith.constant 96 : index
    %swap3A_591 = tpu.vector_load %arg14[%swap3A_589, %swap3A_590] {strides = array<i32>} : memref<10x128xi32, #tpu.memory_space<vmem>>, vector<16xi32>,
    tpu.vector_store %arg14[%swap3A_589, %swap3A_590], %add3A_587 {strides = array<i32>} : memref<10x128xi32, #tpu.memory_space<vmem>>, vector<16xi32>,
    %add3A_592 = arith.constant 752 : i32
    %add3A_593 = vector.broadcast %add3A_592 : i32 to vector<16xi32>
    %add3A_594 = arith.addi %add3A_593, %iota3A : vector<16xi32>
    %mul3A_595 = arith.constant 32 : i32
    %mul3A_596 = vector.broadcast %mul3A_595 : i32 to vector<16xi32>
    %mul3A_597 = arith.muli %add3A_594, %mul3A_596 : vector<16xi32>
    %add3A_598 = vector.broadcast %add3A : i32 to vector<16xi32>
    %add3A_599 = arith.addi %mul3A_597, %add3A_598 : vector<16xi32>
    %swap3A_600 = arith.constant 5 : i32
    %swap3A_601 = arith.index_cast %swap3A_600 : i32 to index
    %swap3A_602 = arith.constant 112 : index
    %swap3A_603 = tpu.vector_load %arg14[%swap3A_601, %swap3A_602] {strides = array<i32>} : memref<10x128xi32, #tpu.memory_space<vmem>>, vector<16xi32>,
    tpu.vector_store %arg14[%swap3A_601, %swap3A_602], %add3A_599 {strides = array<i32>} : memref<10x128xi32, #tpu.memory_space<vmem>>, vector<16xi32>,
    %add3A_604 = arith.constant 768 : i32
    %add3A_605 = vector.broadcast %add3A_604 : i32 to vector<16xi32>
    %add3A_606 = arith.addi %add3A_605, %iota3A : vector<16xi32>
    %mul3A_607 = arith.constant 32 : i32
    %mul3A_608 = vector.broadcast %mul3A_607 : i32 to vector<16xi32>
    %mul3A_609 = arith.muli %add3A_606, %mul3A_608 : vector<16xi32>
    %add3A_610 = vector.broadcast %add3A : i32 to vector<16xi32>
    %add3A_611 = arith.addi %mul3A_609, %add3A_610 : vector<16xi32>
    %swap3A_612 = arith.constant 6 : i32
    %swap3A_613 = arith.index_cast %swap3A_612 : i32 to index
    %swap3A_614 = arith.constant 0 : index
    %swap3A_615 = tpu.vector_load %arg14[%swap3A_613, %swap3A_614] {strides = array<i32>} : memref<10x128xi32, #tpu.memory_space<vmem>>, vector<16xi32>,
    tpu.vector_store %arg14[%swap3A_613, %swap3A_614], %add3A_611 {strides = array<i32>} : memref<10x128xi32, #tpu.memory_space<vmem>>, vector<16xi32>,
    %add3A_616 = arith.constant 784 : i32
    %add3A_617 = vector.broadcast %add3A_616 : i32 to vector<16xi32>
    %add3A_618 = arith.addi %add3A_617, %iota3A : vector<16xi32>
    %mul3A_619 = arith.constant 32 : i32
    %mul3A_620 = vector.broadcast %mul3A_619 : i32 to vector<16xi32>
    %mul3A_621 = arith.muli %add3A_618, %mul3A_620 : vector<16xi32>
    %add3A_622 = vector.broadcast %add3A : i32 to vector<16xi32>
    %add3A_623 = arith.addi %mul3A_621, %add3A_622 : vector<16xi32>
    %swap3A_624 = arith.constant 6 : i32
    %swap3A_625 = arith.index_cast %swap3A_624 : i32 to index
    %swap3A_626 = arith.constant 16 : index
    %swap3A_627 = tpu.vector_load %arg14[%swap3A_625, %swap3A_626] {strides = array<i32>} : memref<10x128xi32, #tpu.memory_space<vmem>>, vector<16xi32>,
    tpu.vector_store %arg14[%swap3A_625, %swap3A_626], %add3A_623 {strides = array<i32>} : memref<10x128xi32, #tpu.memory_space<vmem>>, vector<16xi32>,
    %add3A_628 = arith.constant 800 : i32
    %add3A_629 = vector.broadcast %add3A_628 : i32 to vector<16xi32>
    %add3A_630 = arith.addi %add3A_629, %iota3A : vector<16xi32>
    %mul3A_631 = arith.constant 32 : i32
    %mul3A_632 = vector.broadcast %mul3A_631 : i32 to vector<16xi32>
    %mul3A_633 = arith.muli %add3A_630, %mul3A_632 : vector<16xi32>
    %add3A_634 = vector.broadcast %add3A : i32 to vector<16xi32>
    %add3A_635 = arith.addi %mul3A_633, %add3A_634 : vector<16xi32>
    %swap3A_636 = arith.constant 6 : i32
    %swap3A_637 = arith.index_cast %swap3A_636 : i32 to index
    %swap3A_638 = arith.constant 32 : index
    %swap3A_639 = tpu.vector_load %arg14[%swap3A_637, %swap3A_638] {strides = array<i32>} : memref<10x128xi32, #tpu.memory_space<vmem>>, vector<16xi32>,
    tpu.vector_store %arg14[%swap3A_637, %swap3A_638], %add3A_635 {strides = array<i32>} : memref<10x128xi32, #tpu.memory_space<vmem>>, vector<16xi32>,
    %add3A_640 = arith.constant 816 : i32
    %add3A_641 = vector.broadcast %add3A_640 : i32 to vector<16xi32>
    %add3A_642 = arith.addi %add3A_641, %iota3A : vector<16xi32>
    %mul3A_643 = arith.constant 32 : i32
    %mul3A_644 = vector.broadcast %mul3A_643 : i32 to vector<16xi32>
    %mul3A_645 = arith.muli %add3A_642, %mul3A_644 : vector<16xi32>
    %add3A_646 = vector.broadcast %add3A : i32 to vector<16xi32>
    %add3A_647 = arith.addi %mul3A_645, %add3A_646 : vector<16xi32>
    %swap3A_648 = arith.constant 6 : i32
    %swap3A_649 = arith.index_cast %swap3A_648 : i32 to index
    %swap3A_650 = arith.constant 48 : index
    %swap3A_651 = tpu.vector_load %arg14[%swap3A_649, %swap3A_650] {strides = array<i32>} : memref<10x128xi32, #tpu.memory_space<vmem>>, vector<16xi32>,
    tpu.vector_store %arg14[%swap3A_649, %swap3A_650], %add3A_647 {strides = array<i32>} : memref<10x128xi32, #tpu.memory_space<vmem>>, vector<16xi32>,
    %add3A_652 = arith.constant 832 : i32
    %add3A_653 = vector.broadcast %add3A_652 : i32 to vector<16xi32>
    %add3A_654 = arith.addi %add3A_653, %iota3A : vector<16xi32>
    %mul3A_655 = arith.constant 32 : i32
    %mul3A_656 = vector.broadcast %mul3A_655 : i32 to vector<16xi32>
    %mul3A_657 = arith.muli %add3A_654, %mul3A_656 : vector<16xi32>
    %add3A_658 = vector.broadcast %add3A : i32 to vector<16xi32>
    %add3A_659 = arith.addi %mul3A_657, %add3A_658 : vector<16xi32>
    %swap3A_660 = arith.constant 6 : i32
    %swap3A_661 = arith.index_cast %swap3A_660 : i32 to index
    %swap3A_662 = arith.constant 64 : index
    %swap3A_663 = tpu.vector_load %arg14[%swap3A_661, %swap3A_662] {strides = array<i32>} : memref<10x128xi32, #tpu.memory_space<vmem>>, vector<16xi32>,
    tpu.vector_store %arg14[%swap3A_661, %swap3A_662], %add3A_659 {strides = array<i32>} : memref<10x128xi32, #tpu.memory_space<vmem>>, vector<16xi32>,
    %add3A_664 = arith.constant 848 : i32
    %add3A_665 = vector.broadcast %add3A_664 : i32 to vector<16xi32>
    %add3A_666 = arith.addi %add3A_665, %iota3A : vector<16xi32>
    %mul3A_667 = arith.constant 32 : i32
    %mul3A_668 = vector.broadcast %mul3A_667 : i32 to vector<16xi32>
    %mul3A_669 = arith.muli %add3A_666, %mul3A_668 : vector<16xi32>
    %add3A_670 = vector.broadcast %add3A : i32 to vector<16xi32>
    %add3A_671 = arith.addi %mul3A_669, %add3A_670 : vector<16xi32>
    %swap3A_672 = arith.constant 6 : i32
    %swap3A_673 = arith.index_cast %swap3A_672 : i32 to index
    %swap3A_674 = arith.constant 80 : index
    %swap3A_675 = tpu.vector_load %arg14[%swap3A_673, %swap3A_674] {strides = array<i32>} : memref<10x128xi32, #tpu.memory_space<vmem>>, vector<16xi32>,
    tpu.vector_store %arg14[%swap3A_673, %swap3A_674], %add3A_671 {strides = array<i32>} : memref<10x128xi32, #tpu.memory_space<vmem>>, vector<16xi32>,
    %add3A_676 = arith.constant 864 : i32
    %add3A_677 = vector.broadcast %add3A_676 : i32 to vector<16xi32>
    %add3A_678 = arith.addi %add3A_677, %iota3A : vector<16xi32>
    %mul3A_679 = arith.constant 32 : i32
    %mul3A_680 = vector.broadcast %mul3A_679 : i32 to vector<16xi32>
    %mul3A_681 = arith.muli %add3A_678, %mul3A_680 : vector<16xi32>
    %add3A_682 = vector.broadcast %add3A : i32 to vector<16xi32>
    %add3A_683 = arith.addi %mul3A_681, %add3A_682 : vector<16xi32>
    %swap3A_684 = arith.constant 6 : i32
    %swap3A_685 = arith.index_cast %swap3A_684 : i32 to index
    %swap3A_686 = arith.constant 96 : index
    %swap3A_687 = tpu.vector_load %arg14[%swap3A_685, %swap3A_686] {strides = array<i32>} : memref<10x128xi32, #tpu.memory_space<vmem>>, vector<16xi32>,
    tpu.vector_store %arg14[%swap3A_685, %swap3A_686], %add3A_683 {strides = array<i32>} : memref<10x128xi32, #tpu.memory_space<vmem>>, vector<16xi32>,
    %add3A_688 = arith.constant 880 : i32
    %add3A_689 = vector.broadcast %add3A_688 : i32 to vector<16xi32>
    %add3A_690 = arith.addi %add3A_689, %iota3A : vector<16xi32>
    %mul3A_691 = arith.constant 32 : i32
    %mul3A_692 = vector.broadcast %mul3A_691 : i32 to vector<16xi32>
    %mul3A_693 = arith.muli %add3A_690, %mul3A_692 : vector<16xi32>
    %add3A_694 = vector.broadcast %add3A : i32 to vector<16xi32>
    %add3A_695 = arith.addi %mul3A_693, %add3A_694 : vector<16xi32>
    %swap3A_696 = arith.constant 6 : i32
    %swap3A_697 = arith.index_cast %swap3A_696 : i32 to index
    %swap3A_698 = arith.constant 112 : index
    %swap3A_699 = tpu.vector_load %arg14[%swap3A_697, %swap3A_698] {strides = array<i32>} : memref<10x128xi32, #tpu.memory_space<vmem>>, vector<16xi32>,
    tpu.vector_store %arg14[%swap3A_697, %swap3A_698], %add3A_695 {strides = array<i32>} : memref<10x128xi32, #tpu.memory_space<vmem>>, vector<16xi32>,
    %add3A_700 = arith.constant 896 : i32
    %add3A_701 = vector.broadcast %add3A_700 : i32 to vector<16xi32>
    %add3A_702 = arith.addi %add3A_701, %iota3A : vector<16xi32>
    %mul3A_703 = arith.constant 32 : i32
    %mul3A_704 = vector.broadcast %mul3A_703 : i32 to vector<16xi32>
    %mul3A_705 = arith.muli %add3A_702, %mul3A_704 : vector<16xi32>
    %add3A_706 = vector.broadcast %add3A : i32 to vector<16xi32>
    %add3A_707 = arith.addi %mul3A_705, %add3A_706 : vector<16xi32>
    %swap3A_708 = arith.constant 7 : i32
    %swap3A_709 = arith.index_cast %swap3A_708 : i32 to index
    %swap3A_710 = arith.constant 0 : index
    %swap3A_711 = tpu.vector_load %arg14[%swap3A_709, %swap3A_710] {strides = array<i32>} : memref<10x128xi32, #tpu.memory_space<vmem>>, vector<16xi32>,
    tpu.vector_store %arg14[%swap3A_709, %swap3A_710], %add3A_707 {strides = array<i32>} : memref<10x128xi32, #tpu.memory_space<vmem>>, vector<16xi32>,
    %add3A_712 = arith.constant 912 : i32
    %add3A_713 = vector.broadcast %add3A_712 : i32 to vector<16xi32>
    %add3A_714 = arith.addi %add3A_713, %iota3A : vector<16xi32>
    %mul3A_715 = arith.constant 32 : i32
    %mul3A_716 = vector.broadcast %mul3A_715 : i32 to vector<16xi32>
    %mul3A_717 = arith.muli %add3A_714, %mul3A_716 : vector<16xi32>
    %add3A_718 = vector.broadcast %add3A : i32 to vector<16xi32>
    %add3A_719 = arith.addi %mul3A_717, %add3A_718 : vector<16xi32>
    %swap3A_720 = arith.constant 7 : i32
    %swap3A_721 = arith.index_cast %swap3A_720 : i32 to index
    %swap3A_722 = arith.constant 16 : index
    %swap3A_723 = tpu.vector_load %arg14[%swap3A_721, %swap3A_722] {strides = array<i32>} : memref<10x128xi32, #tpu.memory_space<vmem>>, vector<16xi32>,
    tpu.vector_store %arg14[%swap3A_721, %swap3A_722], %add3A_719 {strides = array<i32>} : memref<10x128xi32, #tpu.memory_space<vmem>>, vector<16xi32>,
    %add3A_724 = arith.constant 928 : i32
    %add3A_725 = vector.broadcast %add3A_724 : i32 to vector<16xi32>
    %add3A_726 = arith.addi %add3A_725, %iota3A : vector<16xi32>
    %mul3A_727 = arith.constant 32 : i32
    %mul3A_728 = vector.broadcast %mul3A_727 : i32 to vector<16xi32>
    %mul3A_729 = arith.muli %add3A_726, %mul3A_728 : vector<16xi32>
    %add3A_730 = vector.broadcast %add3A : i32 to vector<16xi32>
    %add3A_731 = arith.addi %mul3A_729, %add3A_730 : vector<16xi32>
    %swap3A_732 = arith.constant 7 : i32
    %swap3A_733 = arith.index_cast %swap3A_732 : i32 to index
    %swap3A_734 = arith.constant 32 : index
    %swap3A_735 = tpu.vector_load %arg14[%swap3A_733, %swap3A_734] {strides = array<i32>} : memref<10x128xi32, #tpu.memory_space<vmem>>, vector<16xi32>,
    tpu.vector_store %arg14[%swap3A_733, %swap3A_734], %add3A_731 {strides = array<i32>} : memref<10x128xi32, #tpu.memory_space<vmem>>, vector<16xi32>,
    %add3A_736 = arith.constant 944 : i32
    %add3A_737 = vector.broadcast %add3A_736 : i32 to vector<16xi32>
    %add3A_738 = arith.addi %add3A_737, %iota3A : vector<16xi32>
    %mul3A_739 = arith.constant 32 : i32
    %mul3A_740 = vector.broadcast %mul3A_739 : i32 to vector<16xi32>
    %mul3A_741 = arith.muli %add3A_738, %mul3A_740 : vector<16xi32>
    %add3A_742 = vector.broadcast %add3A : i32 to vector<16xi32>
    %add3A_743 = arith.addi %mul3A_741, %add3A_742 : vector<16xi32>
    %swap3A_744 = arith.constant 7 : i32
    %swap3A_745 = arith.index_cast %swap3A_744 : i32 to index
    %swap3A_746 = arith.constant 48 : index
    %swap3A_747 = tpu.vector_load %arg14[%swap3A_745, %swap3A_746] {strides = array<i32>} : memref<10x128xi32, #tpu.memory_space<vmem>>, vector<16xi32>,
    tpu.vector_store %arg14[%swap3A_745, %swap3A_746], %add3A_743 {strides = array<i32>} : memref<10x128xi32, #tpu.memory_space<vmem>>, vector<16xi32>,
    %add3A_748 = arith.constant 960 : i32
    %add3A_749 = vector.broadcast %add3A_748 : i32 to vector<16xi32>
    %add3A_750 = arith.addi %add3A_749, %iota3A : vector<16xi32>
    %mul3A_751 = arith.constant 32 : i32
    %mul3A_752 = vector.broadcast %mul3A_751 : i32 to vector<16xi32>
    %mul3A_753 = arith.muli %add3A_750, %mul3A_752 : vector<16xi32>
    %add3A_754 = vector.broadcast %add3A : i32 to vector<16xi32>
    %add3A_755 = arith.addi %mul3A_753, %add3A_754 : vector<16xi32>
    %swap3A_756 = arith.constant 7 : i32
    %swap3A_757 = arith.index_cast %swap3A_756 : i32 to index
    %swap3A_758 = arith.constant 64 : index
    %swap3A_759 = tpu.vector_load %arg14[%swap3A_757, %swap3A_758] {strides = array<i32>} : memref<10x128xi32, #tpu.memory_space<vmem>>, vector<16xi32>,
    tpu.vector_store %arg14[%swap3A_757, %swap3A_758], %add3A_755 {strides = array<i32>} : memref<10x128xi32, #tpu.memory_space<vmem>>, vector<16xi32>,
    %add3A_760 = arith.constant 976 : i32
    %add3A_761 = vector.broadcast %add3A_760 : i32 to vector<16xi32>
    %add3A_762 = arith.addi %add3A_761, %iota3A : vector<16xi32>
    %mul3A_763 = arith.constant 32 : i32
    %mul3A_764 = vector.broadcast %mul3A_763 : i32 to vector<16xi32>
    %mul3A_765 = arith.muli %add3A_762, %mul3A_764 : vector<16xi32>
    %add3A_766 = vector.broadcast %add3A : i32 to vector<16xi32>
    %add3A_767 = arith.addi %mul3A_765, %add3A_766 : vector<16xi32>
    %swap3A_768 = arith.constant 7 : i32
    %swap3A_769 = arith.index_cast %swap3A_768 : i32 to index
    %swap3A_770 = arith.constant 80 : index
    %swap3A_771 = tpu.vector_load %arg14[%swap3A_769, %swap3A_770] {strides = array<i32>} : memref<10x128xi32, #tpu.memory_space<vmem>>, vector<16xi32>,
    tpu.vector_store %arg14[%swap3A_769, %swap3A_770], %add3A_767 {strides = array<i32>} : memref<10x128xi32, #tpu.memory_space<vmem>>, vector<16xi32>,
    %add3A_772 = arith.constant 992 : i32
    %add3A_773 = vector.broadcast %add3A_772 : i32 to vector<16xi32>
    %add3A_774 = arith.addi %add3A_773, %iota3A : vector<16xi32>
    %mul3A_775 = arith.constant 32 : i32
    %mul3A_776 = vector.broadcast %mul3A_775 : i32 to vector<16xi32>
    %mul3A_777 = arith.muli %add3A_774, %mul3A_776 : vector<16xi32>
    %add3A_778 = vector.broadcast %add3A : i32 to vector<16xi32>
    %add3A_779 = arith.addi %mul3A_777, %add3A_778 : vector<16xi32>
    %swap3A_780 = arith.constant 7 : i32
    %swap3A_781 = arith.index_cast %swap3A_780 : i32 to index
    %swap3A_782 = arith.constant 96 : index
    %swap3A_783 = tpu.vector_load %arg14[%swap3A_781, %swap3A_782] {strides = array<i32>} : memref<10x128xi32, #tpu.memory_space<vmem>>, vector<16xi32>,
    tpu.vector_store %arg14[%swap3A_781, %swap3A_782], %add3A_779 {strides = array<i32>} : memref<10x128xi32, #tpu.memory_space<vmem>>, vector<16xi32>,
    %add3A_784 = arith.constant 1008 : i32
    %add3A_785 = vector.broadcast %add3A_784 : i32 to vector<16xi32>
    %add3A_786 = arith.addi %add3A_785, %iota3A : vector<16xi32>
    %mul3A_787 = arith.constant 32 : i32
    %mul3A_788 = vector.broadcast %mul3A_787 : i32 to vector<16xi32>
    %mul3A_789 = arith.muli %add3A_786, %mul3A_788 : vector<16xi32>
    %add3A_790 = vector.broadcast %add3A : i32 to vector<16xi32>
    %add3A_791 = arith.addi %mul3A_789, %add3A_790 : vector<16xi32>
    %swap3A_792 = arith.constant 7 : i32
    %swap3A_793 = arith.index_cast %swap3A_792 : i32 to index
    %swap3A_794 = arith.constant 112 : index
    %swap3A_795 = tpu.vector_load %arg14[%swap3A_793, %swap3A_794] {strides = array<i32>} : memref<10x128xi32, #tpu.memory_space<vmem>>, vector<16xi32>,
    tpu.vector_store %arg14[%swap3A_793, %swap3A_794], %add3A_791 {strides = array<i32>} : memref<10x128xi32, #tpu.memory_space<vmem>>, vector<16xi32>,
    %add3A_796 = arith.constant 1024 : i32
    %add3A_797 = vector.broadcast %add3A_796 : i32 to vector<16xi32>
    %add3A_798 = arith.addi %add3A_797, %iota3A : vector<16xi32>
    %mul3A_799 = arith.constant 32 : i32
    %mul3A_800 = vector.broadcast %mul3A_799 : i32 to vector<16xi32>
    %mul3A_801 = arith.muli %add3A_798, %mul3A_800 : vector<16xi32>
    %add3A_802 = vector.broadcast %add3A : i32 to vector<16xi32>
    %add3A_803 = arith.addi %mul3A_801, %add3A_802 : vector<16xi32>
    %swap3A_804 = arith.constant 8 : i32
    %swap3A_805 = arith.index_cast %swap3A_804 : i32 to index
    %swap3A_806 = arith.constant 0 : index
    %swap3A_807 = tpu.vector_load %arg14[%swap3A_805, %swap3A_806] {strides = array<i32>} : memref<10x128xi32, #tpu.memory_space<vmem>>, vector<16xi32>,
    tpu.vector_store %arg14[%swap3A_805, %swap3A_806], %add3A_803 {strides = array<i32>} : memref<10x128xi32, #tpu.memory_space<vmem>>, vector<16xi32>,
    %add3A_808 = arith.constant 1040 : i32
    %add3A_809 = vector.broadcast %add3A_808 : i32 to vector<16xi32>
    %add3A_810 = arith.addi %add3A_809, %iota3A : vector<16xi32>
    %mul3A_811 = arith.constant 32 : i32
    %mul3A_812 = vector.broadcast %mul3A_811 : i32 to vector<16xi32>
    %mul3A_813 = arith.muli %add3A_810, %mul3A_812 : vector<16xi32>
    %add3A_814 = vector.broadcast %add3A : i32 to vector<16xi32>
    %add3A_815 = arith.addi %mul3A_813, %add3A_814 : vector<16xi32>
    %swap3A_816 = arith.constant 8 : i32
    %swap3A_817 = arith.index_cast %swap3A_816 : i32 to index
    %swap3A_818 = arith.constant 16 : index
    %swap3A_819 = tpu.vector_load %arg14[%swap3A_817, %swap3A_818] {strides = array<i32>} : memref<10x128xi32, #tpu.memory_space<vmem>>, vector<16xi32>,
    tpu.vector_store %arg14[%swap3A_817, %swap3A_818], %add3A_815 {strides = array<i32>} : memref<10x128xi32, #tpu.memory_space<vmem>>, vector<16xi32>,
    %add3A_820 = arith.constant 1056 : i32
    %add3A_821 = vector.broadcast %add3A_820 : i32 to vector<16xi32>
    %add3A_822 = arith.addi %add3A_821, %iota3A : vector<16xi32>
    %mul3A_823 = arith.constant 32 : i32
    %mul3A_824 = vector.broadcast %mul3A_823 : i32 to vector<16xi32>
    %mul3A_825 = arith.muli %add3A_822, %mul3A_824 : vector<16xi32>
    %add3A_826 = vector.broadcast %add3A : i32 to vector<16xi32>
    %add3A_827 = arith.addi %mul3A_825, %add3A_826 : vector<16xi32>
    %swap3A_828 = arith.constant 8 : i32
    %swap3A_829 = arith.index_cast %swap3A_828 : i32 to index
    %swap3A_830 = arith.constant 32 : index
    %swap3A_831 = tpu.vector_load %arg14[%swap3A_829, %swap3A_830] {strides = array<i32>} : memref<10x128xi32, #tpu.memory_space<vmem>>, vector<16xi32>,
    tpu.vector_store %arg14[%swap3A_829, %swap3A_830], %add3A_827 {strides = array<i32>} : memref<10x128xi32, #tpu.memory_space<vmem>>, vector<16xi32>,
    %add3A_832 = arith.constant 1072 : i32
    %add3A_833 = vector.broadcast %add3A_832 : i32 to vector<16xi32>
    %add3A_834 = arith.addi %add3A_833, %iota3A : vector<16xi32>
    %mul3A_835 = arith.constant 32 : i32
    %mul3A_836 = vector.broadcast %mul3A_835 : i32 to vector<16xi32>
    %mul3A_837 = arith.muli %add3A_834, %mul3A_836 : vector<16xi32>
    %add3A_838 = vector.broadcast %add3A : i32 to vector<16xi32>
    %add3A_839 = arith.addi %mul3A_837, %add3A_838 : vector<16xi32>
    %swap3A_840 = arith.constant 8 : i32
    %swap3A_841 = arith.index_cast %swap3A_840 : i32 to index
    %swap3A_842 = arith.constant 48 : index
    %swap3A_843 = tpu.vector_load %arg14[%swap3A_841, %swap3A_842] {strides = array<i32>} : memref<10x128xi32, #tpu.memory_space<vmem>>, vector<16xi32>,
    tpu.vector_store %arg14[%swap3A_841, %swap3A_842], %add3A_839 {strides = array<i32>} : memref<10x128xi32, #tpu.memory_space<vmem>>, vector<16xi32>,
    %add3A_844 = arith.constant 1088 : i32
    %add3A_845 = vector.broadcast %add3A_844 : i32 to vector<16xi32>
    %add3A_846 = arith.addi %add3A_845, %iota3A : vector<16xi32>
    %mul3A_847 = arith.constant 32 : i32
    %mul3A_848 = vector.broadcast %mul3A_847 : i32 to vector<16xi32>
    %mul3A_849 = arith.muli %add3A_846, %mul3A_848 : vector<16xi32>
    %add3A_850 = vector.broadcast %add3A : i32 to vector<16xi32>
    %add3A_851 = arith.addi %mul3A_849, %add3A_850 : vector<16xi32>
    %swap3A_852 = arith.constant 8 : i32
    %swap3A_853 = arith.index_cast %swap3A_852 : i32 to index
    %swap3A_854 = arith.constant 64 : index
    %swap3A_855 = tpu.vector_load %arg14[%swap3A_853, %swap3A_854] {strides = array<i32>} : memref<10x128xi32, #tpu.memory_space<vmem>>, vector<16xi32>,
    tpu.vector_store %arg14[%swap3A_853, %swap3A_854], %add3A_851 {strides = array<i32>} : memref<10x128xi32, #tpu.memory_space<vmem>>, vector<16xi32>,
    %add3A_856 = arith.constant 1104 : i32
    %add3A_857 = vector.broadcast %add3A_856 : i32 to vector<16xi32>
    %add3A_858 = arith.addi %add3A_857, %iota3A : vector<16xi32>
    %mul3A_859 = arith.constant 32 : i32
    %mul3A_860 = vector.broadcast %mul3A_859 : i32 to vector<16xi32>
    %mul3A_861 = arith.muli %add3A_858, %mul3A_860 : vector<16xi32>
    %add3A_862 = vector.broadcast %add3A : i32 to vector<16xi32>
    %add3A_863 = arith.addi %mul3A_861, %add3A_862 : vector<16xi32>
    %swap3A_864 = arith.constant 8 : i32
    %swap3A_865 = arith.index_cast %swap3A_864 : i32 to index
    %swap3A_866 = arith.constant 80 : index
    %swap3A_867 = tpu.vector_load %arg14[%swap3A_865, %swap3A_866] {strides = array<i32>} : memref<10x128xi32, #tpu.memory_space<vmem>>, vector<16xi32>,
    tpu.vector_store %arg14[%swap3A_865, %swap3A_866], %add3A_863 {strides = array<i32>} : memref<10x128xi32, #tpu.memory_space<vmem>>, vector<16xi32>,
    %add3A_868 = arith.constant 1120 : i32
    %add3A_869 = vector.broadcast %add3A_868 : i32 to vector<16xi32>
    %add3A_870 = arith.addi %add3A_869, %iota3A : vector<16xi32>
    %mul3A_871 = arith.constant 32 : i32
    %mul3A_872 = vector.broadcast %mul3A_871 : i32 to vector<16xi32>
    %mul3A_873 = arith.muli %add3A_870, %mul3A_872 : vector<16xi32>
    %add3A_874 = vector.broadcast %add3A : i32 to vector<16xi32>
    %add3A_875 = arith.addi %mul3A_873, %add3A_874 : vector<16xi32>
    %swap3A_876 = arith.constant 8 : i32
    %swap3A_877 = arith.index_cast %swap3A_876 : i32 to index
    %swap3A_878 = arith.constant 96 : index
    %swap3A_879 = tpu.vector_load %arg14[%swap3A_877, %swap3A_878] {strides = array<i32>} : memref<10x128xi32, #tpu.memory_space<vmem>>, vector<16xi32>,
    tpu.vector_store %arg14[%swap3A_877, %swap3A_878], %add3A_875 {strides = array<i32>} : memref<10x128xi32, #tpu.memory_space<vmem>>, vector<16xi32>,
    %add3A_880 = arith.constant 1136 : i32
    %add3A_881 = vector.broadcast %add3A_880 : i32 to vector<16xi32>
    %add3A_882 = arith.addi %add3A_881, %iota3A : vector<16xi32>
    %mul3A_883 = arith.constant 32 : i32
    %mul3A_884 = vector.broadcast %mul3A_883 : i32 to vector<16xi32>
    %mul3A_885 = arith.muli %add3A_882, %mul3A_884 : vector<16xi32>
    %add3A_886 = vector.broadcast %add3A : i32 to vector<16xi32>
    %add3A_887 = arith.addi %mul3A_885, %add3A_886 : vector<16xi32>
    %swap3A_888 = arith.constant 8 : i32
    %swap3A_889 = arith.index_cast %swap3A_888 : i32 to index
    %swap3A_890 = arith.constant 112 : index
    %swap3A_891 = tpu.vector_load %arg14[%swap3A_889, %swap3A_890] {strides = array<i32>} : memref<10x128xi32, #tpu.memory_space<vmem>>, vector<16xi32>,
    tpu.vector_store %arg14[%swap3A_889, %swap3A_890], %add3A_887 {strides = array<i32>} : memref<10x128xi32, #tpu.memory_space<vmem>>, vector<16xi32>,
    %add3A_892 = arith.constant 1152 : i32
    %add3A_893 = vector.broadcast %add3A_892 : i32 to vector<16xi32>
    %add3A_894 = arith.addi %add3A_893, %iota3A : vector<16xi32>
    %mul3A_895 = arith.constant 32 : i32
    %mul3A_896 = vector.broadcast %mul3A_895 : i32 to vector<16xi32>
    %mul3A_897 = arith.muli %add3A_894, %mul3A_896 : vector<16xi32>
    %add3A_898 = vector.broadcast %add3A : i32 to vector<16xi32>
    %add3A_899 = arith.addi %mul3A_897, %add3A_898 : vector<16xi32>
    %swap3A_900 = arith.constant 9 : i32
    %swap3A_901 = arith.index_cast %swap3A_900 : i32 to index
    %swap3A_902 = arith.constant 0 : index
    %swap3A_903 = tpu.vector_load %arg14[%swap3A_901, %swap3A_902] {strides = array<i32>} : memref<10x128xi32, #tpu.memory_space<vmem>>, vector<16xi32>,
    tpu.vector_store %arg14[%swap3A_901, %swap3A_902], %add3A_899 {strides = array<i32>} : memref<10x128xi32, #tpu.memory_space<vmem>>, vector<16xi32>,
    %add3A_904 = arith.constant 1168 : i32
    %add3A_905 = vector.broadcast %add3A_904 : i32 to vector<16xi32>
    %add3A_906 = arith.addi %add3A_905, %iota3A : vector<16xi32>
    %mul3A_907 = arith.constant 32 : i32
    %mul3A_908 = vector.broadcast %mul3A_907 : i32 to vector<16xi32>
    %mul3A_909 = arith.muli %add3A_906, %mul3A_908 : vector<16xi32>
    %add3A_910 = vector.broadcast %add3A : i32 to vector<16xi32>
    %add3A_911 = arith.addi %mul3A_909, %add3A_910 : vector<16xi32>
    %swap3A_912 = arith.constant 9 : i32
    %swap3A_913 = arith.index_cast %swap3A_912 : i32 to index
    %swap3A_914 = arith.constant 16 : index
    %swap3A_915 = tpu.vector_load %arg14[%swap3A_913, %swap3A_914] {strides = array<i32>} : memref<10x128xi32, #tpu.memory_space<vmem>>, vector<16xi32>,
    tpu.vector_store %arg14[%swap3A_913, %swap3A_914], %add3A_911 {strides = array<i32>} : memref<10x128xi32, #tpu.memory_space<vmem>>, vector<16xi32>,
    %add3A_916 = arith.constant 1184 : i32
    %add3A_917 = vector.broadcast %add3A_916 : i32 to vector<16xi32>
    %add3A_918 = arith.addi %add3A_917, %iota3A : vector<16xi32>
    %mul3A_919 = arith.constant 32 : i32
    %mul3A_920 = vector.broadcast %mul3A_919 : i32 to vector<16xi32>
    %mul3A_921 = arith.muli %add3A_918, %mul3A_920 : vector<16xi32>
    %add3A_922 = vector.broadcast %add3A : i32 to vector<16xi32>
    %add3A_923 = arith.addi %mul3A_921, %add3A_922 : vector<16xi32>
    %swap3A_924 = arith.constant 9 : i32
    %swap3A_925 = arith.index_cast %swap3A_924 : i32 to index
    %swap3A_926 = arith.constant 32 : index
    %swap3A_927 = tpu.vector_load %arg14[%swap3A_925, %swap3A_926] {strides = array<i32>} : memref<10x128xi32, #tpu.memory_space<vmem>>, vector<16xi32>,
    tpu.vector_store %arg14[%swap3A_925, %swap3A_926], %add3A_923 {strides = array<i32>} : memref<10x128xi32, #tpu.memory_space<vmem>>, vector<16xi32>,
    %add3A_928 = arith.constant 1200 : i32
    %add3A_929 = vector.broadcast %add3A_928 : i32 to vector<16xi32>
    %add3A_930 = arith.addi %add3A_929, %iota3A : vector<16xi32>
    %mul3A_931 = arith.constant 32 : i32
    %mul3A_932 = vector.broadcast %mul3A_931 : i32 to vector<16xi32>
    %mul3A_933 = arith.muli %add3A_930, %mul3A_932 : vector<16xi32>
    %add3A_934 = vector.broadcast %add3A : i32 to vector<16xi32>
    %add3A_935 = arith.addi %mul3A_933, %add3A_934 : vector<16xi32>
    %swap3A_936 = arith.constant 9 : i32
    %swap3A_937 = arith.index_cast %swap3A_936 : i32 to index
    %swap3A_938 = arith.constant 48 : index
    %swap3A_939 = tpu.vector_load %arg14[%swap3A_937, %swap3A_938] {strides = array<i32>} : memref<10x128xi32, #tpu.memory_space<vmem>>, vector<16xi32>,
    tpu.vector_store %arg14[%swap3A_937, %swap3A_938], %add3A_935 {strides = array<i32>} : memref<10x128xi32, #tpu.memory_space<vmem>>, vector<16xi32>,
    %add3A_940 = arith.constant 1216 : i32
    %add3A_941 = vector.broadcast %add3A_940 : i32 to vector<16xi32>
    %add3A_942 = arith.addi %add3A_941, %iota3A : vector<16xi32>
    %mul3A_943 = arith.constant 32 : i32
    %mul3A_944 = vector.broadcast %mul3A_943 : i32 to vector<16xi32>
    %mul3A_945 = arith.muli %add3A_942, %mul3A_944 : vector<16xi32>
    %add3A_946 = vector.broadcast %add3A : i32 to vector<16xi32>
    %add3A_947 = arith.addi %mul3A_945, %add3A_946 : vector<16xi32>
    %swap3A_948 = arith.constant 9 : i32
    %swap3A_949 = arith.index_cast %swap3A_948 : i32 to index
    %swap3A_950 = arith.constant 64 : index
    %swap3A_951 = tpu.vector_load %arg14[%swap3A_949, %swap3A_950] {strides = array<i32>} : memref<10x128xi32, #tpu.memory_space<vmem>>, vector<16xi32>,
    tpu.vector_store %arg14[%swap3A_949, %swap3A_950], %add3A_947 {strides = array<i32>} : memref<10x128xi32, #tpu.memory_space<vmem>>, vector<16xi32>,
    %add3A_952 = arith.constant 1232 : i32
    %add3A_953 = vector.broadcast %add3A_952 : i32 to vector<16xi32>
    %add3A_954 = arith.addi %add3A_953, %iota3A : vector<16xi32>
    %mul3A_955 = arith.constant 32 : i32
    %mul3A_956 = vector.broadcast %mul3A_955 : i32 to vector<16xi32>
    %mul3A_957 = arith.muli %add3A_954, %mul3A_956 : vector<16xi32>
    %add3A_958 = vector.broadcast %add3A : i32 to vector<16xi32>
    %add3A_959 = arith.addi %mul3A_957, %add3A_958 : vector<16xi32>
    %swap3A_960 = arith.constant 9 : i32
    %swap3A_961 = arith.index_cast %swap3A_960 : i32 to index
    %swap3A_962 = arith.constant 80 : index
    %swap3A_963 = tpu.vector_load %arg14[%swap3A_961, %swap3A_962] {strides = array<i32>} : memref<10x128xi32, #tpu.memory_space<vmem>>, vector<16xi32>,
    tpu.vector_store %arg14[%swap3A_961, %swap3A_962], %add3A_959 {strides = array<i32>} : memref<10x128xi32, #tpu.memory_space<vmem>>, vector<16xi32>,
    %add3A_964 = arith.constant 1248 : i32
    %add3A_965 = vector.broadcast %add3A_964 : i32 to vector<16xi32>
    %add3A_966 = arith.addi %add3A_965, %iota3A : vector<16xi32>
    %mul3A_967 = arith.constant 32 : i32
    %mul3A_968 = vector.broadcast %mul3A_967 : i32 to vector<16xi32>
    %mul3A_969 = arith.muli %add3A_966, %mul3A_968 : vector<16xi32>
    %add3A_970 = vector.broadcast %add3A : i32 to vector<16xi32>
    %add3A_971 = arith.addi %mul3A_969, %add3A_970 : vector<16xi32>
    %swap3A_972 = arith.constant 9 : i32
    %swap3A_973 = arith.index_cast %swap3A_972 : i32 to index
    %swap3A_974 = arith.constant 96 : index
    %swap3A_975 = tpu.vector_load %arg14[%swap3A_973, %swap3A_974] {strides = array<i32>} : memref<10x128xi32, #tpu.memory_space<vmem>>, vector<16xi32>,
    tpu.vector_store %arg14[%swap3A_973, %swap3A_974], %add3A_971 {strides = array<i32>} : memref<10x128xi32, #tpu.memory_space<vmem>>, vector<16xi32>,
    %add3A_976 = arith.constant 1264 : i32
    %add3A_977 = vector.broadcast %add3A_976 : i32 to vector<16xi32>
    %add3A_978 = arith.addi %add3A_977, %iota3A : vector<16xi32>
    %mul3A_979 = arith.constant 32 : i32
    %mul3A_980 = vector.broadcast %mul3A_979 : i32 to vector<16xi32>
    %mul3A_981 = arith.muli %add3A_978, %mul3A_980 : vector<16xi32>
    %add3A_982 = vector.broadcast %add3A : i32 to vector<16xi32>
    %add3A_983 = arith.addi %mul3A_981, %add3A_982 : vector<16xi32>
    %swap3A_984 = arith.constant 9 : i32
    %swap3A_985 = arith.index_cast %swap3A_984 : i32 to index
    %swap3A_986 = arith.constant 112 : index
    %swap3A_987 = tpu.vector_load %arg14[%swap3A_985, %swap3A_986] {strides = array<i32>} : memref<10x128xi32, #tpu.memory_space<vmem>>, vector<16xi32>,
    tpu.vector_store %arg14[%swap3A_985, %swap3A_986], %add3A_983 {strides = array<i32>} : memref<10x128xi32, #tpu.memory_space<vmem>>, vector<16xi32>,
    %run_scoped3A = arith.constant 0 : i32
    "tpu.region"() ({
      %run_scoped3A_1012 = tpu.sem_alloc : memref<!tpu.dma_semaphore, #tpu.memory_space<semaphore_mem>>
      %dma_start3A = arith.constant 0 : i32
      %dma_start3A_1013 = tpu.memref_slice %arg13[%dma_start3A] : memref<1280xi32, #tpu.memory_space<vmem>> -> memref<128xi32, #tpu.memory_space<vmem>>
      %dma_start3A_1014 = arith.constant 0 : i32
      %dma_start3A_1015 = tpu.memref_slice %arg14[%run_scoped3A, %dma_start3A_1014] : memref<10x128xi32, #tpu.memory_space<vmem>> -> memref<1x128xi32, #tpu.memory_space<vmem>>
      %dma_start3A_1016 = tpu.memref_squeeze %dma_start3A_1015 : memref<1x128xi32, #tpu.memory_space<vmem>> -> memref<128xi32, #tpu.memory_space<vmem>>
      %dma_start3A_1017 = arith.constant 0 : i32
      %dma_start3A_1018 = tpu.memref_slice %arg6[%dma_start3A_1017] : memref<40960xi32, #tpu.memory_space<hbm>> -> memref<40960xi32, #tpu.memory_space<hbm>>
      tpu.enqueue_indirect_dma source(%dma_start3A_1013 : memref<128xi32, #tpu.memory_space<vmem>>) target(%dma_start3A_1018 : memref<40960xi32, #tpu.memory_space<hbm>>) offsets(%dma_start3A_1016 : memref<128xi32, #tpu.memory_space<vmem>>) semaphore(%run_scoped3A_1012 : memref<!tpu.dma_semaphore, #tpu.memory_space<semaphore_mem>>)
      %dma_wait3A = arith.constant 0 : i32
      %dma_wait3A_1019 = tpu.memref_slice %arg13[%dma_wait3A] : memref<1280xi32, #tpu.memory_space<vmem>> -> memref<128xi32, #tpu.memory_space<vmem>>
      %dma_wait3A_1020 = arith.constant 0 : i32
      %dma_wait3A_1021 = tpu.memref_slice %arg14[%run_scoped3A, %dma_wait3A_1020] : memref<10x128xi32, #tpu.memory_space<vmem>> -> memref<1x128xi32, #tpu.memory_space<vmem>>
      %dma_wait3A_1022 = tpu.memref_squeeze %dma_wait3A_1021 : memref<1x128xi32, #tpu.memory_space<vmem>> -> memref<128xi32, #tpu.memory_space<vmem>>
      %dma_wait3A_1023 = arith.constant 0 : i32
      %dma_wait3A_1024 = tpu.memref_slice %arg6[%dma_wait3A_1023] : memref<40960xi32, #tpu.memory_space<hbm>> -> memref<40960xi32, #tpu.memory_space<hbm>>
      tpu.wait_indirect_dma semaphore(%run_scoped3A_1012 : memref<!tpu.dma_semaphore, #tpu.memory_space<semaphore_mem>>) src(%dma_wait3A_1019 : memref<128xi32, #tpu.memory_space<vmem>>) dst(%dma_wait3A_1024 : memref<40960xi32, #tpu.memory_space<hbm>>)
      tpu.yield
    }) : () -> ()
    %run_scoped3A_988 = arith.constant 1 : i32
    "tpu.region"() ({
      %run_scoped3A_1012 = tpu.sem_alloc : memref<!tpu.dma_semaphore, #tpu.memory_space<semaphore_mem>>
      %dma_start3A = arith.constant 128 : i32
      %dma_start3A_1013 = tpu.memref_slice %arg13[%dma_start3A] : memref<1280xi32, #tpu.memory_space<vmem>> -> memref<128xi32, #tpu.memory_space<vmem>>
      %dma_start3A_1014 = arith.constant 0 : i32
      %dma_start3A_1015 = tpu.memref_slice %arg14[%run_scoped3A_988, %dma_start3A_1014] : memref<10x128xi32, #tpu.memory_space<vmem>> -> memref<1x128xi32, #tpu.memory_space<vmem>>
      %dma_start3A_1016 = tpu.memref_squeeze %dma_start3A_1015 : memref<1x128xi32, #tpu.memory_space<vmem>> -> memref<128xi32, #tpu.memory_space<vmem>>
      %dma_start3A_1017 = arith.constant 0 : i32
      %dma_start3A_1018 = tpu.memref_slice %arg6[%dma_start3A_1017] : memref<40960xi32, #tpu.memory_space<hbm>> -> memref<40960xi32, #tpu.memory_space<hbm>>
      tpu.enqueue_indirect_dma source(%dma_start3A_1013 : memref<128xi32, #tpu.memory_space<vmem>>) target(%dma_start3A_1018 : memref<40960xi32, #tpu.memory_space<hbm>>) offsets(%dma_start3A_1016 : memref<128xi32, #tpu.memory_space<vmem>>) semaphore(%run_scoped3A_1012 : memref<!tpu.dma_semaphore, #tpu.memory_space<semaphore_mem>>)
      %dma_wait3A = arith.constant 128 : i32
      %dma_wait3A_1019 = tpu.memref_slice %arg13[%dma_wait3A] : memref<1280xi32, #tpu.memory_space<vmem>> -> memref<128xi32, #tpu.memory_space<vmem>>
      %dma_wait3A_1020 = arith.constant 0 : i32
      %dma_wait3A_1021 = tpu.memref_slice %arg14[%run_scoped3A_988, %dma_wait3A_1020] : memref<10x128xi32, #tpu.memory_space<vmem>> -> memref<1x128xi32, #tpu.memory_space<vmem>>
      %dma_wait3A_1022 = tpu.memref_squeeze %dma_wait3A_1021 : memref<1x128xi32, #tpu.memory_space<vmem>> -> memref<128xi32, #tpu.memory_space<vmem>>
      %dma_wait3A_1023 = arith.constant 0 : i32
      %dma_wait3A_1024 = tpu.memref_slice %arg6[%dma_wait3A_1023] : memref<40960xi32, #tpu.memory_space<hbm>> -> memref<40960xi32, #tpu.memory_space<hbm>>
      tpu.wait_indirect_dma semaphore(%run_scoped3A_1012 : memref<!tpu.dma_semaphore, #tpu.memory_space<semaphore_mem>>) src(%dma_wait3A_1019 : memref<128xi32, #tpu.memory_space<vmem>>) dst(%dma_wait3A_1024 : memref<40960xi32, #tpu.memory_space<hbm>>)
      tpu.yield
    }) : () -> ()
    %run_scoped3A_989 = arith.constant 2 : i32
    "tpu.region"() ({
      %run_scoped3A_1012 = tpu.sem_alloc : memref<!tpu.dma_semaphore, #tpu.memory_space<semaphore_mem>>
      %dma_start3A = arith.constant 256 : i32
      %dma_start3A_1013 = tpu.memref_slice %arg13[%dma_start3A] : memref<1280xi32, #tpu.memory_space<vmem>> -> memref<128xi32, #tpu.memory_space<vmem>>
      %dma_start3A_1014 = arith.constant 0 : i32
      %dma_start3A_1015 = tpu.memref_slice %arg14[%run_scoped3A_989, %dma_start3A_1014] : memref<10x128xi32, #tpu.memory_space<vmem>> -> memref<1x128xi32, #tpu.memory_space<vmem>>
      %dma_start3A_1016 = tpu.memref_squeeze %dma_start3A_1015 : memref<1x128xi32, #tpu.memory_space<vmem>> -> memref<128xi32, #tpu.memory_space<vmem>>
      %dma_start3A_1017 = arith.constant 0 : i32
      %dma_start3A_1018 = tpu.memref_slice %arg6[%dma_start3A_1017] : memref<40960xi32, #tpu.memory_space<hbm>> -> memref<40960xi32, #tpu.memory_space<hbm>>
      tpu.enqueue_indirect_dma source(%dma_start3A_1013 : memref<128xi32, #tpu.memory_space<vmem>>) target(%dma_start3A_1018 : memref<40960xi32, #tpu.memory_space<hbm>>) offsets(%dma_start3A_1016 : memref<128xi32, #tpu.memory_space<vmem>>) semaphore(%run_scoped3A_1012 : memref<!tpu.dma_semaphore, #tpu.memory_space<semaphore_mem>>)
      %dma_wait3A = arith.constant 256 : i32
      %dma_wait3A_1019 = tpu.memref_slice %arg13[%dma_wait3A] : memref<1280xi32, #tpu.memory_space<vmem>> -> memref<128xi32, #tpu.memory_space<vmem>>
      %dma_wait3A_1020 = arith.constant 0 : i32
      %dma_wait3A_1021 = tpu.memref_slice %arg14[%run_scoped3A_989, %dma_wait3A_1020] : memref<10x128xi32, #tpu.memory_space<vmem>> -> memref<1x128xi32, #tpu.memory_space<vmem>>
      %dma_wait3A_1022 = tpu.memref_squeeze %dma_wait3A_1021 : memref<1x128xi32, #tpu.memory_space<vmem>> -> memref<128xi32, #tpu.memory_space<vmem>>
      %dma_wait3A_1023 = arith.constant 0 : i32
      %dma_wait3A_1024 = tpu.memref_slice %arg6[%dma_wait3A_1023] : memref<40960xi32, #tpu.memory_space<hbm>> -> memref<40960xi32, #tpu.memory_space<hbm>>
      tpu.wait_indirect_dma semaphore(%run_scoped3A_1012 : memref<!tpu.dma_semaphore, #tpu.memory_space<semaphore_mem>>) src(%dma_wait3A_1019 : memref<128xi32, #tpu.memory_space<vmem>>) dst(%dma_wait3A_1024 : memref<40960xi32, #tpu.memory_space<hbm>>)
      tpu.yield
    }) : () -> ()
    %run_scoped3A_990 = arith.constant 3 : i32
    "tpu.region"() ({
      %run_scoped3A_1012 = tpu.sem_alloc : memref<!tpu.dma_semaphore, #tpu.memory_space<semaphore_mem>>
      %dma_start3A = arith.constant 384 : i32
      %dma_start3A_1013 = tpu.memref_slice %arg13[%dma_start3A] : memref<1280xi32, #tpu.memory_space<vmem>> -> memref<128xi32, #tpu.memory_space<vmem>>
      %dma_start3A_1014 = arith.constant 0 : i32
      %dma_start3A_1015 = tpu.memref_slice %arg14[%run_scoped3A_990, %dma_start3A_1014] : memref<10x128xi32, #tpu.memory_space<vmem>> -> memref<1x128xi32, #tpu.memory_space<vmem>>
      %dma_start3A_1016 = tpu.memref_squeeze %dma_start3A_1015 : memref<1x128xi32, #tpu.memory_space<vmem>> -> memref<128xi32, #tpu.memory_space<vmem>>
      %dma_start3A_1017 = arith.constant 0 : i32
      %dma_start3A_1018 = tpu.memref_slice %arg6[%dma_start3A_1017] : memref<40960xi32, #tpu.memory_space<hbm>> -> memref<40960xi32, #tpu.memory_space<hbm>>
      tpu.enqueue_indirect_dma source(%dma_start3A_1013 : memref<128xi32, #tpu.memory_space<vmem>>) target(%dma_start3A_1018 : memref<40960xi32, #tpu.memory_space<hbm>>) offsets(%dma_start3A_1016 : memref<128xi32, #tpu.memory_space<vmem>>) semaphore(%run_scoped3A_1012 : memref<!tpu.dma_semaphore, #tpu.memory_space<semaphore_mem>>)
      %dma_wait3A = arith.constant 384 : i32
      %dma_wait3A_1019 = tpu.memref_slice %arg13[%dma_wait3A] : memref<1280xi32, #tpu.memory_space<vmem>> -> memref<128xi32, #tpu.memory_space<vmem>>
      %dma_wait3A_1020 = arith.constant 0 : i32
      %dma_wait3A_1021 = tpu.memref_slice %arg14[%run_scoped3A_990, %dma_wait3A_1020] : memref<10x128xi32, #tpu.memory_space<vmem>> -> memref<1x128xi32, #tpu.memory_space<vmem>>
      %dma_wait3A_1022 = tpu.memref_squeeze %dma_wait3A_1021 : memref<1x128xi32, #tpu.memory_space<vmem>> -> memref<128xi32, #tpu.memory_space<vmem>>
      %dma_wait3A_1023 = arith.constant 0 : i32
      %dma_wait3A_1024 = tpu.memref_slice %arg6[%dma_wait3A_1023] : memref<40960xi32, #tpu.memory_space<hbm>> -> memref<40960xi32, #tpu.memory_space<hbm>>
      tpu.wait_indirect_dma semaphore(%run_scoped3A_1012 : memref<!tpu.dma_semaphore, #tpu.memory_space<semaphore_mem>>) src(%dma_wait3A_1019 : memref<128xi32, #tpu.memory_space<vmem>>) dst(%dma_wait3A_1024 : memref<40960xi32, #tpu.memory_space<hbm>>)
      tpu.yield
    }) : () -> ()
    %run_scoped3A_991 = arith.constant 4 : i32
    "tpu.region"() ({
      %run_scoped3A_1012 = tpu.sem_alloc : memref<!tpu.dma_semaphore, #tpu.memory_space<semaphore_mem>>
      %dma_start3A = arith.constant 512 : i32
      %dma_start3A_1013 = tpu.memref_slice %arg13[%dma_start3A] : memref<1280xi32, #tpu.memory_space<vmem>> -> memref<128xi32, #tpu.memory_space<vmem>>
      %dma_start3A_1014 = arith.constant 0 : i32
      %dma_start3A_1015 = tpu.memref_slice %arg14[%run_scoped3A_991, %dma_start3A_1014] : memref<10x128xi32, #tpu.memory_space<vmem>> -> memref<1x128xi32, #tpu.memory_space<vmem>>
      %dma_start3A_1016 = tpu.memref_squeeze %dma_start3A_1015 : memref<1x128xi32, #tpu.memory_space<vmem>> -> memref<128xi32, #tpu.memory_space<vmem>>
      %dma_start3A_1017 = arith.constant 0 : i32
      %dma_start3A_1018 = tpu.memref_slice %arg6[%dma_start3A_1017] : memref<40960xi32, #tpu.memory_space<hbm>> -> memref<40960xi32, #tpu.memory_space<hbm>>
      tpu.enqueue_indirect_dma source(%dma_start3A_1013 : memref<128xi32, #tpu.memory_space<vmem>>) target(%dma_start3A_1018 : memref<40960xi32, #tpu.memory_space<hbm>>) offsets(%dma_start3A_1016 : memref<128xi32, #tpu.memory_space<vmem>>) semaphore(%run_scoped3A_1012 : memref<!tpu.dma_semaphore, #tpu.memory_space<semaphore_mem>>)
      %dma_wait3A = arith.constant 512 : i32
      %dma_wait3A_1019 = tpu.memref_slice %arg13[%dma_wait3A] : memref<1280xi32, #tpu.memory_space<vmem>> -> memref<128xi32, #tpu.memory_space<vmem>>
      %dma_wait3A_1020 = arith.constant 0 : i32
      %dma_wait3A_1021 = tpu.memref_slice %arg14[%run_scoped3A_991, %dma_wait3A_1020] : memref<10x128xi32, #tpu.memory_space<vmem>> -> memref<1x128xi32, #tpu.memory_space<vmem>>
      %dma_wait3A_1022 = tpu.memref_squeeze %dma_wait3A_1021 : memref<1x128xi32, #tpu.memory_space<vmem>> -> memref<128xi32, #tpu.memory_space<vmem>>
      %dma_wait3A_1023 = arith.constant 0 : i32
      %dma_wait3A_1024 = tpu.memref_slice %arg6[%dma_wait3A_1023] : memref<40960xi32, #tpu.memory_space<hbm>> -> memref<40960xi32, #tpu.memory_space<hbm>>
      tpu.wait_indirect_dma semaphore(%run_scoped3A_1012 : memref<!tpu.dma_semaphore, #tpu.memory_space<semaphore_mem>>) src(%dma_wait3A_1019 : memref<128xi32, #tpu.memory_space<vmem>>) dst(%dma_wait3A_1024 : memref<40960xi32, #tpu.memory_space<hbm>>)
      tpu.yield
    }) : () -> ()
    %run_scoped3A_992 = arith.constant 5 : i32
    "tpu.region"() ({
      %run_scoped3A_1012 = tpu.sem_alloc : memref<!tpu.dma_semaphore, #tpu.memory_space<semaphore_mem>>
      %dma_start3A = arith.constant 640 : i32
      %dma_start3A_1013 = tpu.memref_slice %arg13[%dma_start3A] : memref<1280xi32, #tpu.memory_space<vmem>> -> memref<128xi32, #tpu.memory_space<vmem>>
      %dma_start3A_1014 = arith.constant 0 : i32
      %dma_start3A_1015 = tpu.memref_slice %arg14[%run_scoped3A_992, %dma_start3A_1014] : memref<10x128xi32, #tpu.memory_space<vmem>> -> memref<1x128xi32, #tpu.memory_space<vmem>>
      %dma_start3A_1016 = tpu.memref_squeeze %dma_start3A_1015 : memref<1x128xi32, #tpu.memory_space<vmem>> -> memref<128xi32, #tpu.memory_space<vmem>>
      %dma_start3A_1017 = arith.constant 0 : i32
      %dma_start3A_1018 = tpu.memref_slice %arg6[%dma_start3A_1017] : memref<40960xi32, #tpu.memory_space<hbm>> -> memref<40960xi32, #tpu.memory_space<hbm>>
      tpu.enqueue_indirect_dma source(%dma_start3A_1013 : memref<128xi32, #tpu.memory_space<vmem>>) target(%dma_start3A_1018 : memref<40960xi32, #tpu.memory_space<hbm>>) offsets(%dma_start3A_1016 : memref<128xi32, #tpu.memory_space<vmem>>) semaphore(%run_scoped3A_1012 : memref<!tpu.dma_semaphore, #tpu.memory_space<semaphore_mem>>)
      %dma_wait3A = arith.constant 640 : i32
      %dma_wait3A_1019 = tpu.memref_slice %arg13[%dma_wait3A] : memref<1280xi32, #tpu.memory_space<vmem>> -> memref<128xi32, #tpu.memory_space<vmem>>
      %dma_wait3A_1020 = arith.constant 0 : i32
      %dma_wait3A_1021 = tpu.memref_slice %arg14[%run_scoped3A_992, %dma_wait3A_1020] : memref<10x128xi32, #tpu.memory_space<vmem>> -> memref<1x128xi32, #tpu.memory_space<vmem>>
      %dma_wait3A_1022 = tpu.memref_squeeze %dma_wait3A_1021 : memref<1x128xi32, #tpu.memory_space<vmem>> -> memref<128xi32, #tpu.memory_space<vmem>>
      %dma_wait3A_1023 = arith.constant 0 : i32
      %dma_wait3A_1024 = tpu.memref_slice %arg6[%dma_wait3A_1023] : memref<40960xi32, #tpu.memory_space<hbm>> -> memref<40960xi32, #tpu.memory_space<hbm>>
      tpu.wait_indirect_dma semaphore(%run_scoped3A_1012 : memref<!tpu.dma_semaphore, #tpu.memory_space<semaphore_mem>>) src(%dma_wait3A_1019 : memref<128xi32, #tpu.memory_space<vmem>>) dst(%dma_wait3A_1024 : memref<40960xi32, #tpu.memory_space<hbm>>)
      tpu.yield
    }) : () -> ()
    %run_scoped3A_993 = arith.constant 6 : i32
    "tpu.region"() ({
      %run_scoped3A_1012 = tpu.sem_alloc : memref<!tpu.dma_semaphore, #tpu.memory_space<semaphore_mem>>
      %dma_start3A = arith.constant 768 : i32
      %dma_start3A_1013 = tpu.memref_slice %arg13[%dma_start3A] : memref<1280xi32, #tpu.memory_space<vmem>> -> memref<128xi32, #tpu.memory_space<vmem>>
      %dma_start3A_1014 = arith.constant 0 : i32
      %dma_start3A_1015 = tpu.memref_slice %arg14[%run_scoped3A_993, %dma_start3A_1014] : memref<10x128xi32, #tpu.memory_space<vmem>> -> memref<1x128xi32, #tpu.memory_space<vmem>>
      %dma_start3A_1016 = tpu.memref_squeeze %dma_start3A_1015 : memref<1x128xi32, #tpu.memory_space<vmem>> -> memref<128xi32, #tpu.memory_space<vmem>>
      %dma_start3A_1017 = arith.constant 0 : i32
      %dma_start3A_1018 = tpu.memref_slice %arg6[%dma_start3A_1017] : memref<40960xi32, #tpu.memory_space<hbm>> -> memref<40960xi32, #tpu.memory_space<hbm>>
      tpu.enqueue_indirect_dma source(%dma_start3A_1013 : memref<128xi32, #tpu.memory_space<vmem>>) target(%dma_start3A_1018 : memref<40960xi32, #tpu.memory_space<hbm>>) offsets(%dma_start3A_1016 : memref<128xi32, #tpu.memory_space<vmem>>) semaphore(%run_scoped3A_1012 : memref<!tpu.dma_semaphore, #tpu.memory_space<semaphore_mem>>)
      %dma_wait3A = arith.constant 768 : i32
      %dma_wait3A_1019 = tpu.memref_slice %arg13[%dma_wait3A] : memref<1280xi32, #tpu.memory_space<vmem>> -> memref<128xi32, #tpu.memory_space<vmem>>
      %dma_wait3A_1020 = arith.constant 0 : i32
      %dma_wait3A_1021 = tpu.memref_slice %arg14[%run_scoped3A_993, %dma_wait3A_1020] : memref<10x128xi32, #tpu.memory_space<vmem>> -> memref<1x128xi32, #tpu.memory_space<vmem>>
      %dma_wait3A_1022 = tpu.memref_squeeze %dma_wait3A_1021 : memref<1x128xi32, #tpu.memory_space<vmem>> -> memref<128xi32, #tpu.memory_space<vmem>>
      %dma_wait3A_1023 = arith.constant 0 : i32
      %dma_wait3A_1024 = tpu.memref_slice %arg6[%dma_wait3A_1023] : memref<40960xi32, #tpu.memory_space<hbm>> -> memref<40960xi32, #tpu.memory_space<hbm>>
      tpu.wait_indirect_dma semaphore(%run_scoped3A_1012 : memref<!tpu.dma_semaphore, #tpu.memory_space<semaphore_mem>>) src(%dma_wait3A_1019 : memref<128xi32, #tpu.memory_space<vmem>>) dst(%dma_wait3A_1024 : memref<40960xi32, #tpu.memory_space<hbm>>)
      tpu.yield
    }) : () -> ()
    %run_scoped3A_994 = arith.constant 7 : i32
    "tpu.region"() ({
      %run_scoped3A_1012 = tpu.sem_alloc : memref<!tpu.dma_semaphore, #tpu.memory_space<semaphore_mem>>
      %dma_start3A = arith.constant 896 : i32
      %dma_start3A_1013 = tpu.memref_slice %arg13[%dma_start3A] : memref<1280xi32, #tpu.memory_space<vmem>> -> memref<128xi32, #tpu.memory_space<vmem>>
      %dma_start3A_1014 = arith.constant 0 : i32
      %dma_start3A_1015 = tpu.memref_slice %arg14[%run_scoped3A_994, %dma_start3A_1014] : memref<10x128xi32, #tpu.memory_space<vmem>> -> memref<1x128xi32, #tpu.memory_space<vmem>>
      %dma_start3A_1016 = tpu.memref_squeeze %dma_start3A_1015 : memref<1x128xi32, #tpu.memory_space<vmem>> -> memref<128xi32, #tpu.memory_space<vmem>>
      %dma_start3A_1017 = arith.constant 0 : i32
      %dma_start3A_1018 = tpu.memref_slice %arg6[%dma_start3A_1017] : memref<40960xi32, #tpu.memory_space<hbm>> -> memref<40960xi32, #tpu.memory_space<hbm>>
      tpu.enqueue_indirect_dma source(%dma_start3A_1013 : memref<128xi32, #tpu.memory_space<vmem>>) target(%dma_start3A_1018 : memref<40960xi32, #tpu.memory_space<hbm>>) offsets(%dma_start3A_1016 : memref<128xi32, #tpu.memory_space<vmem>>) semaphore(%run_scoped3A_1012 : memref<!tpu.dma_semaphore, #tpu.memory_space<semaphore_mem>>)
      %dma_wait3A = arith.constant 896 : i32
      %dma_wait3A_1019 = tpu.memref_slice %arg13[%dma_wait3A] : memref<1280xi32, #tpu.memory_space<vmem>> -> memref<128xi32, #tpu.memory_space<vmem>>
      %dma_wait3A_1020 = arith.constant 0 : i32
      %dma_wait3A_1021 = tpu.memref_slice %arg14[%run_scoped3A_994, %dma_wait3A_1020] : memref<10x128xi32, #tpu.memory_space<vmem>> -> memref<1x128xi32, #tpu.memory_space<vmem>>
      %dma_wait3A_1022 = tpu.memref_squeeze %dma_wait3A_1021 : memref<1x128xi32, #tpu.memory_space<vmem>> -> memref<128xi32, #tpu.memory_space<vmem>>
      %dma_wait3A_1023 = arith.constant 0 : i32
      %dma_wait3A_1024 = tpu.memref_slice %arg6[%dma_wait3A_1023] : memref<40960xi32, #tpu.memory_space<hbm>> -> memref<40960xi32, #tpu.memory_space<hbm>>
      tpu.wait_indirect_dma semaphore(%run_scoped3A_1012 : memref<!tpu.dma_semaphore, #tpu.memory_space<semaphore_mem>>) src(%dma_wait3A_1019 : memref<128xi32, #tpu.memory_space<vmem>>) dst(%dma_wait3A_1024 : memref<40960xi32, #tpu.memory_space<hbm>>)
      tpu.yield
    }) : () -> ()
    %run_scoped3A_995 = arith.constant 8 : i32
    "tpu.region"() ({
      %run_scoped3A_1012 = tpu.sem_alloc : memref<!tpu.dma_semaphore, #tpu.memory_space<semaphore_mem>>
      %dma_start3A = arith.constant 1024 : i32
      %dma_start3A_1013 = tpu.memref_slice %arg13[%dma_start3A] : memref<1280xi32, #tpu.memory_space<vmem>> -> memref<128xi32, #tpu.memory_space<vmem>>
      %dma_start3A_1014 = arith.constant 0 : i32
      %dma_start3A_1015 = tpu.memref_slice %arg14[%run_scoped3A_995, %dma_start3A_1014] : memref<10x128xi32, #tpu.memory_space<vmem>> -> memref<1x128xi32, #tpu.memory_space<vmem>>
      %dma_start3A_1016 = tpu.memref_squeeze %dma_start3A_1015 : memref<1x128xi32, #tpu.memory_space<vmem>> -> memref<128xi32, #tpu.memory_space<vmem>>
      %dma_start3A_1017 = arith.constant 0 : i32
      %dma_start3A_1018 = tpu.memref_slice %arg6[%dma_start3A_1017] : memref<40960xi32, #tpu.memory_space<hbm>> -> memref<40960xi32, #tpu.memory_space<hbm>>
      tpu.enqueue_indirect_dma source(%dma_start3A_1013 : memref<128xi32, #tpu.memory_space<vmem>>) target(%dma_start3A_1018 : memref<40960xi32, #tpu.memory_space<hbm>>) offsets(%dma_start3A_1016 : memref<128xi32, #tpu.memory_space<vmem>>) semaphore(%run_scoped3A_1012 : memref<!tpu.dma_semaphore, #tpu.memory_space<semaphore_mem>>)
      %dma_wait3A = arith.constant 1024 : i32
      %dma_wait3A_1019 = tpu.memref_slice %arg13[%dma_wait3A] : memref<1280xi32, #tpu.memory_space<vmem>> -> memref<128xi32, #tpu.memory_space<vmem>>
      %dma_wait3A_1020 = arith.constant 0 : i32
      %dma_wait3A_1021 = tpu.memref_slice %arg14[%run_scoped3A_995, %dma_wait3A_1020] : memref<10x128xi32, #tpu.memory_space<vmem>> -> memref<1x128xi32, #tpu.memory_space<vmem>>
      %dma_wait3A_1022 = tpu.memref_squeeze %dma_wait3A_1021 : memref<1x128xi32, #tpu.memory_space<vmem>> -> memref<128xi32, #tpu.memory_space<vmem>>
      %dma_wait3A_1023 = arith.constant 0 : i32
      %dma_wait3A_1024 = tpu.memref_slice %arg6[%dma_wait3A_1023] : memref<40960xi32, #tpu.memory_space<hbm>> -> memref<40960xi32, #tpu.memory_space<hbm>>
      tpu.wait_indirect_dma semaphore(%run_scoped3A_1012 : memref<!tpu.dma_semaphore, #tpu.memory_space<semaphore_mem>>) src(%dma_wait3A_1019 : memref<128xi32, #tpu.memory_space<vmem>>) dst(%dma_wait3A_1024 : memref<40960xi32, #tpu.memory_space<hbm>>)
      tpu.yield
    }) : () -> ()
    %run_scoped3A_996 = arith.constant 9 : i32
    "tpu.region"() ({
      %run_scoped3A_1012 = tpu.sem_alloc : memref<!tpu.dma_semaphore, #tpu.memory_space<semaphore_mem>>
      %dma_start3A = arith.constant 1152 : i32
      %dma_start3A_1013 = tpu.memref_slice %arg13[%dma_start3A] : memref<1280xi32, #tpu.memory_space<vmem>> -> memref<128xi32, #tpu.memory_space<vmem>>
      %dma_start3A_1014 = arith.constant 0 : i32
      %dma_start3A_1015 = tpu.memref_slice %arg14[%run_scoped3A_996, %dma_start3A_1014] : memref<10x128xi32, #tpu.memory_space<vmem>> -> memref<1x128xi32, #tpu.memory_space<vmem>>
      %dma_start3A_1016 = tpu.memref_squeeze %dma_start3A_1015 : memref<1x128xi32, #tpu.memory_space<vmem>> -> memref<128xi32, #tpu.memory_space<vmem>>
      %dma_start3A_1017 = arith.constant 0 : i32
      %dma_start3A_1018 = tpu.memref_slice %arg6[%dma_start3A_1017] : memref<40960xi32, #tpu.memory_space<hbm>> -> memref<40960xi32, #tpu.memory_space<hbm>>
      tpu.enqueue_indirect_dma source(%dma_start3A_1013 : memref<128xi32, #tpu.memory_space<vmem>>) target(%dma_start3A_1018 : memref<40960xi32, #tpu.memory_space<hbm>>) offsets(%dma_start3A_1016 : memref<128xi32, #tpu.memory_space<vmem>>) semaphore(%run_scoped3A_1012 : memref<!tpu.dma_semaphore, #tpu.memory_space<semaphore_mem>>)
      %dma_wait3A = arith.constant 1152 : i32
      %dma_wait3A_1019 = tpu.memref_slice %arg13[%dma_wait3A] : memref<1280xi32, #tpu.memory_space<vmem>> -> memref<128xi32, #tpu.memory_space<vmem>>
      %dma_wait3A_1020 = arith.constant 0 : i32
      %dma_wait3A_1021 = tpu.memref_slice %arg14[%run_scoped3A_996, %dma_wait3A_1020] : memref<10x128xi32, #tpu.memory_space<vmem>> -> memref<1x128xi32, #tpu.memory_space<vmem>>
      %dma_wait3A_1022 = tpu.memref_squeeze %dma_wait3A_1021 : memref<1x128xi32, #tpu.memory_space<vmem>> -> memref<128xi32, #tpu.memory_space<vmem>>
      %dma_wait3A_1023 = arith.constant 0 : i32
      %dma_wait3A_1024 = tpu.memref_slice %arg6[%dma_wait3A_1023] : memref<40960xi32, #tpu.memory_space<hbm>> -> memref<40960xi32, #tpu.memory_space<hbm>>
      tpu.wait_indirect_dma semaphore(%run_scoped3A_1012 : memref<!tpu.dma_semaphore, #tpu.memory_space<semaphore_mem>>) src(%dma_wait3A_1019 : memref<128xi32, #tpu.memory_space<vmem>>) dst(%dma_wait3A_1024 : memref<40960xi32, #tpu.memory_space<hbm>>)
      tpu.yield
    }) : () -> ()
    %scan3A_997 = arith.constant 0 : i32
    %scan3A_998 = arith.constant 0 : i32
    %scan3A_999 = arith.constant 80 : i32
    %scan3A_1000 = arith.addi %scan3A_998, %scan3A_999 : i32
    %scan3A_1001 = arith.constant 1 : i32
    scf.for %scan3A_1012 = %scan3A_998 to %scan3A_1000 step %scan3A_1001  : i32 {
      %mul3A_1013 = arith.constant 16 : i32
      %mul3A_1014 = arith.muli %scan3A_1012, %mul3A_1013 : i32
      %get3A = arith.index_cast %mul3A_1014 : i32 to index
      %get3A_1015 = tpu.vector_load %arg11[%get3A] {strides = array<i32>} : memref<1280xi32, #tpu.memory_space<vmem>>, vector<16xi32>,
      %add3A_1016 = arith.constant 7 : i32
      %add3A_1017 = vector.broadcast %add3A_1016 : i32 to vector<16xi32>
      %add3A_1018 = arith.addi %get3A_1015, %add3A_1017 : vector<16xi32>
      %and3A = arith.constant -8 : i32
      %and3A_1019 = vector.broadcast %and3A : i32 to vector<16xi32>
      %and3A_1020 = arith.andi %add3A_1018, %and3A_1019 : vector<16xi32>
      %mul3A_1021 = arith.constant 16 : i32
      %mul3A_1022 = arith.muli %scan3A_1012, %mul3A_1021 : i32
      %get3A_1023 = arith.index_cast %mul3A_1022 : i32 to index
      %get3A_1024 = tpu.vector_load %arg12[%get3A_1023] {strides = array<i32>} : memref<1280xi32, #tpu.memory_space<vmem>>, vector<16xi32>,
      %mul3A_1025 = arith.constant 16 : i32
      %mul3A_1026 = arith.muli %scan3A_1012, %mul3A_1025 : i32
      %add3A_1027 = vector.broadcast %mul3A_1026 : i32 to vector<16xi32>
      %add3A_1028 = arith.addi %add3A_1027, %iota3A : vector<16xi32>
      %add3A_1029 = arith.constant 0 : i32
      %add3A_1030 = vector.broadcast %add3A_1029 : i32 to vector<16xi32>
      %add3A_1031 = arith.addi %get3A_1015, %add3A_1030 : vector<16xi32>
      %lt3A = arith.cmpi slt, %add3A_1031, %and3A_1020 : vector<16xi32>
      %add3A_1032 = arith.addi %get3A_1024, %get3A_1015 : vector<16xi32>
      %add3A_1033 = arith.constant 0 : i32
      %add3A_1034 = vector.broadcast %add3A_1033 : i32 to vector<16xi32>
      %add3A_1035 = arith.addi %add3A_1032, %add3A_1034 : vector<16xi32>
      %shift_left3A = arith.constant 16 : i32
      %shift_left3A_1036 = vector.broadcast %shift_left3A : i32 to vector<16xi32>
      %shift_left3A_1037 = arith.shli %add3A_1028, %shift_left3A_1036 : vector<16xi32>
      %add3A_1038 = arith.constant 0 : i32
      %add3A_1039 = vector.broadcast %add3A_1038 : i32 to vector<16xi32>
      %add3A_1040 = arith.addi %shift_left3A_1037, %add3A_1039 : vector<16xi32>
      tpu.vector_store_idx %arg9[%add3A_1035], %add3A_1040 masked %lt3A : memref<41728xi32, #tpu.memory_space<vmem>>[vector<16xi32>], vector<16xi32>, vector<16xi1>
      tpu.vector_store_idx %arg10[%add3A_1035], %broadcast_in_dim3A_5 masked %lt3A : memref<41728xf32, #tpu.memory_space<vmem>>[vector<16xi32>], vector<16xf32>, vector<16xi1>
      %add3A_1041 = arith.constant 1 : i32
      %add3A_1042 = vector.broadcast %add3A_1041 : i32 to vector<16xi32>
      %add3A_1043 = arith.addi %get3A_1015, %add3A_1042 : vector<16xi32>
      %lt3A_1044 = arith.cmpi slt, %add3A_1043, %and3A_1020 : vector<16xi32>
      %add3A_1045 = arith.addi %get3A_1024, %get3A_1015 : vector<16xi32>
      %add3A_1046 = arith.constant 1 : i32
      %add3A_1047 = vector.broadcast %add3A_1046 : i32 to vector<16xi32>
      %add3A_1048 = arith.addi %add3A_1045, %add3A_1047 : vector<16xi32>
      %shift_left3A_1049 = arith.constant 16 : i32
      %shift_left3A_1050 = vector.broadcast %shift_left3A_1049 : i32 to vector<16xi32>
      %shift_left3A_1051 = arith.shli %add3A_1028, %shift_left3A_1050 : vector<16xi32>
      %add3A_1052 = arith.constant 64 : i32
      %add3A_1053 = vector.broadcast %add3A_1052 : i32 to vector<16xi32>
      %add3A_1054 = arith.addi %shift_left3A_1051, %add3A_1053 : vector<16xi32>
      tpu.vector_store_idx %arg9[%add3A_1048], %add3A_1054 masked %lt3A_1044 : memref<41728xi32, #tpu.memory_space<vmem>>[vector<16xi32>], vector<16xi32>, vector<16xi1>
      tpu.vector_store_idx %arg10[%add3A_1048], %broadcast_in_dim3A_5 masked %lt3A_1044 : memref<41728xf32, #tpu.memory_space<vmem>>[vector<16xi32>], vector<16xf32>, vector<16xi1>
      %add3A_1055 = arith.constant 2 : i32
      %add3A_1056 = vector.broadcast %add3A_1055 : i32 to vector<16xi32>
      %add3A_1057 = arith.addi %get3A_1015, %add3A_1056 : vector<16xi32>
      %lt3A_1058 = arith.cmpi slt, %add3A_1057, %and3A_1020 : vector<16xi32>
      %add3A_1059 = arith.addi %get3A_1024, %get3A_1015 : vector<16xi32>
      %add3A_1060 = arith.constant 2 : i32
      %add3A_1061 = vector.broadcast %add3A_1060 : i32 to vector<16xi32>
      %add3A_1062 = arith.addi %add3A_1059, %add3A_1061 : vector<16xi32>
      %shift_left3A_1063 = arith.constant 16 : i32
      %shift_left3A_1064 = vector.broadcast %shift_left3A_1063 : i32 to vector<16xi32>
      %shift_left3A_1065 = arith.shli %add3A_1028, %shift_left3A_1064 : vector<16xi32>
      %add3A_1066 = arith.constant 128 : i32
      %add3A_1067 = vector.broadcast %add3A_1066 : i32 to vector<16xi32>
      %add3A_1068 = arith.addi %shift_left3A_1065, %add3A_1067 : vector<16xi32>
      tpu.vector_store_idx %arg9[%add3A_1062], %add3A_1068 masked %lt3A_1058 : memref<41728xi32, #tpu.memory_space<vmem>>[vector<16xi32>], vector<16xi32>, vector<16xi1>
      tpu.vector_store_idx %arg10[%add3A_1062], %broadcast_in_dim3A_5 masked %lt3A_1058 : memref<41728xf32, #tpu.memory_space<vmem>>[vector<16xi32>], vector<16xf32>, vector<16xi1>
      %add3A_1069 = arith.constant 3 : i32
      %add3A_1070 = vector.broadcast %add3A_1069 : i32 to vector<16xi32>
      %add3A_1071 = arith.addi %get3A_1015, %add3A_1070 : vector<16xi32>
      %lt3A_1072 = arith.cmpi slt, %add3A_1071, %and3A_1020 : vector<16xi32>
      %add3A_1073 = arith.addi %get3A_1024, %get3A_1015 : vector<16xi32>
      %add3A_1074 = arith.constant 3 : i32
      %add3A_1075 = vector.broadcast %add3A_1074 : i32 to vector<16xi32>
      %add3A_1076 = arith.addi %add3A_1073, %add3A_1075 : vector<16xi32>
      %shift_left3A_1077 = arith.constant 16 : i32
      %shift_left3A_1078 = vector.broadcast %shift_left3A_1077 : i32 to vector<16xi32>
      %shift_left3A_1079 = arith.shli %add3A_1028, %shift_left3A_1078 : vector<16xi32>
      %add3A_1080 = arith.constant 192 : i32
      %add3A_1081 = vector.broadcast %add3A_1080 : i32 to vector<16xi32>
      %add3A_1082 = arith.addi %shift_left3A_1079, %add3A_1081 : vector<16xi32>
      tpu.vector_store_idx %arg9[%add3A_1076], %add3A_1082 masked %lt3A_1072 : memref<41728xi32, #tpu.memory_space<vmem>>[vector<16xi32>], vector<16xi32>, vector<16xi1>
      tpu.vector_store_idx %arg10[%add3A_1076], %broadcast_in_dim3A_5 masked %lt3A_1072 : memref<41728xf32, #tpu.memory_space<vmem>>[vector<16xi32>], vector<16xf32>, vector<16xi1>
      %add3A_1083 = arith.constant 4 : i32
      %add3A_1084 = vector.broadcast %add3A_1083 : i32 to vector<16xi32>
      %add3A_1085 = arith.addi %get3A_1015, %add3A_1084 : vector<16xi32>
      %lt3A_1086 = arith.cmpi slt, %add3A_1085, %and3A_1020 : vector<16xi32>
      %add3A_1087 = arith.addi %get3A_1024, %get3A_1015 : vector<16xi32>
      %add3A_1088 = arith.constant 4 : i32
      %add3A_1089 = vector.broadcast %add3A_1088 : i32 to vector<16xi32>
      %add3A_1090 = arith.addi %add3A_1087, %add3A_1089 : vector<16xi32>
      %shift_left3A_1091 = arith.constant 16 : i32
      %shift_left3A_1092 = vector.broadcast %shift_left3A_1091 : i32 to vector<16xi32>
      %shift_left3A_1093 = arith.shli %add3A_1028, %shift_left3A_1092 : vector<16xi32>
      %add3A_1094 = arith.constant 256 : i32
      %add3A_1095 = vector.broadcast %add3A_1094 : i32 to vector<16xi32>
      %add3A_1096 = arith.addi %shift_left3A_1093, %add3A_1095 : vector<16xi32>
      tpu.vector_store_idx %arg9[%add3A_1090], %add3A_1096 masked %lt3A_1086 : memref<41728xi32, #tpu.memory_space<vmem>>[vector<16xi32>], vector<16xi32>, vector<16xi1>
      tpu.vector_store_idx %arg10[%add3A_1090], %broadcast_in_dim3A_5 masked %lt3A_1086 : memref<41728xf32, #tpu.memory_space<vmem>>[vector<16xi32>], vector<16xf32>, vector<16xi1>
      %add3A_1097 = arith.constant 5 : i32
      %add3A_1098 = vector.broadcast %add3A_1097 : i32 to vector<16xi32>
      %add3A_1099 = arith.addi %get3A_1015, %add3A_1098 : vector<16xi32>
      %lt3A_1100 = arith.cmpi slt, %add3A_1099, %and3A_1020 : vector<16xi32>
      %add3A_1101 = arith.addi %get3A_1024, %get3A_1015 : vector<16xi32>
      %add3A_1102 = arith.constant 5 : i32
      %add3A_1103 = vector.broadcast %add3A_1102 : i32 to vector<16xi32>
      %add3A_1104 = arith.addi %add3A_1101, %add3A_1103 : vector<16xi32>
      %shift_left3A_1105 = arith.constant 16 : i32
      %shift_left3A_1106 = vector.broadcast %shift_left3A_1105 : i32 to vector<16xi32>
      %shift_left3A_1107 = arith.shli %add3A_1028, %shift_left3A_1106 : vector<16xi32>
      %add3A_1108 = arith.constant 320 : i32
      %add3A_1109 = vector.broadcast %add3A_1108 : i32 to vector<16xi32>
      %add3A_1110 = arith.addi %shift_left3A_1107, %add3A_1109 : vector<16xi32>
      tpu.vector_store_idx %arg9[%add3A_1104], %add3A_1110 masked %lt3A_1100 : memref<41728xi32, #tpu.memory_space<vmem>>[vector<16xi32>], vector<16xi32>, vector<16xi1>
      tpu.vector_store_idx %arg10[%add3A_1104], %broadcast_in_dim3A_5 masked %lt3A_1100 : memref<41728xf32, #tpu.memory_space<vmem>>[vector<16xi32>], vector<16xf32>, vector<16xi1>
      %add3A_1111 = arith.constant 6 : i32
      %add3A_1112 = vector.broadcast %add3A_1111 : i32 to vector<16xi32>
      %add3A_1113 = arith.addi %get3A_1015, %add3A_1112 : vector<16xi32>
      %lt3A_1114 = arith.cmpi slt, %add3A_1113, %and3A_1020 : vector<16xi32>
      %add3A_1115 = arith.addi %get3A_1024, %get3A_1015 : vector<16xi32>
      %add3A_1116 = arith.constant 6 : i32
      %add3A_1117 = vector.broadcast %add3A_1116 : i32 to vector<16xi32>
      %add3A_1118 = arith.addi %add3A_1115, %add3A_1117 : vector<16xi32>
      %shift_left3A_1119 = arith.constant 16 : i32
      %shift_left3A_1120 = vector.broadcast %shift_left3A_1119 : i32 to vector<16xi32>
      %shift_left3A_1121 = arith.shli %add3A_1028, %shift_left3A_1120 : vector<16xi32>
      %add3A_1122 = arith.constant 384 : i32
      %add3A_1123 = vector.broadcast %add3A_1122 : i32 to vector<16xi32>
      %add3A_1124 = arith.addi %shift_left3A_1121, %add3A_1123 : vector<16xi32>
      tpu.vector_store_idx %arg9[%add3A_1118], %add3A_1124 masked %lt3A_1114 : memref<41728xi32, #tpu.memory_space<vmem>>[vector<16xi32>], vector<16xi32>, vector<16xi1>
      tpu.vector_store_idx %arg10[%add3A_1118], %broadcast_in_dim3A_5 masked %lt3A_1114 : memref<41728xf32, #tpu.memory_space<vmem>>[vector<16xi32>], vector<16xf32>, vector<16xi1>
    }
    %scan3A_1002 = arith.constant 80 : i32
    %scan3A_1003 = arith.constant 0 : i32
    %scan3A_1004 = arith.constant 0 : i32
    %scan3A_1005 = arith.constant 16 : i32
    %scan3A_1006 = arith.addi %scan3A_1004, %scan3A_1005 : i32
    %scan3A_1007 = arith.constant 1 : i32
    scf.for %scan3A_1012 = %scan3A_1004 to %scan3A_1006 step %scan3A_1007  : i32 {
      %mul3A_1013 = arith.constant 2048 : i32
      %mul3A_1014 = arith.muli %scan3A_1012, %mul3A_1013 : i32
      %add3A_1015 = arith.addi %multiple_of3A, %mul3A_1014 : i32
      "tpu.region"() ({
        %run_scoped3A_1024 = tpu.sem_alloc : memref<!tpu.dma_semaphore, #tpu.memory_space<semaphore_mem>>
        %dma_start3A = tpu.memref_slice %arg2[%add3A_1015] : memref<1048576xi32, #tpu.memory_space<hbm>> -> memref<2048xi32, #tpu.memory_space<hbm>>
        %dma_start3A_1025 = tpu.memref_slice %arg2[%add3A_1015] : memref<1048576xi32, #tpu.memory_space<hbm>> -> memref<2048xi32, #tpu.memory_space<hbm>>
        tpu.enqueue_dma source(%dma_start3A_1025 : memref<2048xi32, #tpu.memory_space<hbm>>) target(%arg7 : memref<2048xi32, #tpu.memory_space<vmem>>) target_semaphore(%run_scoped3A_1024 : memref<!tpu.dma_semaphore, #tpu.memory_space<semaphore_mem>>)
        %dma_wait3A = tpu.memref_slice %arg2[%add3A_1015] : memref<1048576xi32, #tpu.memory_space<hbm>> -> memref<2048xi32, #tpu.memory_space<hbm>>
        %dma_wait3A_1026 = tpu.memref_slice %arg2[%add3A_1015] : memref<1048576xi32, #tpu.memory_space<hbm>> -> memref<2048xi32, #tpu.memory_space<hbm>>
        tpu.wait_dma2 semaphore(%run_scoped3A_1024 : memref<!tpu.dma_semaphore, #tpu.memory_space<semaphore_mem>>) src(%dma_wait3A_1026 : memref<2048xi32, #tpu.memory_space<hbm>>) dst(%arg7 : memref<2048xi32, #tpu.memory_space<vmem>>)
        tpu.yield
      }) : () -> ()
      %mul3A_1016 = arith.constant 2048 : i32
      %mul3A_1017 = arith.muli %scan3A_1012, %mul3A_1016 : i32
      %add3A_1018 = arith.addi %multiple_of3A, %mul3A_1017 : i32
      "tpu.region"() ({
        %run_scoped3A_1024 = tpu.sem_alloc : memref<!tpu.dma_semaphore, #tpu.memory_space<semaphore_mem>>
        %dma_start3A = tpu.memref_slice %arg3[%add3A_1018] : memref<1048576xf32, #tpu.memory_space<hbm>> -> memref<2048xf32, #tpu.memory_space<hbm>>
        %dma_start3A_1025 = tpu.memref_slice %arg3[%add3A_1018] : memref<1048576xf32, #tpu.memory_space<hbm>> -> memref<2048xf32, #tpu.memory_space<hbm>>
        tpu.enqueue_dma source(%dma_start3A_1025 : memref<2048xf32, #tpu.memory_space<hbm>>) target(%arg8 : memref<2048xf32, #tpu.memory_space<vmem>>) target_semaphore(%run_scoped3A_1024 : memref<!tpu.dma_semaphore, #tpu.memory_space<semaphore_mem>>)
        %dma_wait3A = tpu.memref_slice %arg3[%add3A_1018] : memref<1048576xf32, #tpu.memory_space<hbm>> -> memref<2048xf32, #tpu.memory_space<hbm>>
        %dma_wait3A_1026 = tpu.memref_slice %arg3[%add3A_1018] : memref<1048576xf32, #tpu.memory_space<hbm>> -> memref<2048xf32, #tpu.memory_space<hbm>>
        tpu.wait_dma2 semaphore(%run_scoped3A_1024 : memref<!tpu.dma_semaphore, #tpu.memory_space<semaphore_mem>>) src(%dma_wait3A_1026 : memref<2048xf32, #tpu.memory_space<hbm>>) dst(%arg8 : memref<2048xf32, #tpu.memory_space<vmem>>)
        tpu.yield
      }) : () -> ()
      %scan3A_1019 = arith.constant 0 : i32
      %scan3A_1020 = arith.constant 128 : i32
      %scan3A_1021 = arith.addi %scan3A_1019, %scan3A_1020 : i32
      %scan3A_1022 = arith.constant 1 : i32
      scf.for %scan3A_1024 = %scan3A_1019 to %scan3A_1021 step %scan3A_1022  : i32 {
        %mul3A_1025 = arith.constant 16 : i32
        %mul3A_1026 = arith.muli %scan3A_1024, %mul3A_1025 : i32
        %get3A = arith.index_cast %mul3A_1026 : i32 to index
        %get3A_1027 = tpu.vector_load %arg8[%get3A] {strides = array<i32>} : memref<2048xf32, #tpu.memory_space<vmem>>, vector<16xf32>,
        %mul3A_1028 = arith.constant 16 : i32
        %mul3A_1029 = arith.muli %scan3A_1024, %mul3A_1028 : i32
        %get3A_1030 = arith.index_cast %mul3A_1029 : i32 to index
        %get3A_1031 = tpu.vector_load %arg7[%get3A_1030] {strides = array<i32>} : memref<2048xi32, #tpu.memory_space<vmem>>, vector<16xi32>,
        %and3A = arith.constant 63 : i32
        %and3A_1032 = vector.broadcast %and3A : i32 to vector<16xi32>
        %and3A_1033 = arith.andi %get3A_1031, %and3A_1032 : vector<16xi32>
        %shift_right_logical3A = arith.constant 6 : i32
        %shift_right_logical3A_1034 = vector.broadcast %shift_right_logical3A : i32 to vector<16xi32>
        %shift_right_logical3A_1035 = arith.shrui %get3A_1031, %shift_right_logical3A_1034 : vector<16xi32>
        %div3A = arith.constant 6912 : i32
        %div3A_1036 = vector.broadcast %div3A : i32 to vector<16xi32>
        %div3A_1037 = arith.divsi %shift_right_logical3A_1035, %div3A_1036 : vector<16xi32>
        %shift_right_logical3A_1038 = arith.constant 3 : i32
        %shift_right_logical3A_1039 = vector.broadcast %shift_right_logical3A_1038 : i32 to vector<16xi32>
        %shift_right_logical3A_1040 = arith.shrui %and3A_1033, %shift_right_logical3A_1039 : vector<16xi32>
        %mul3A_1041 = arith.constant 145 : i32
        %mul3A_1042 = vector.broadcast %mul3A_1041 : i32 to vector<16xi32>
        %mul3A_1043 = arith.muli %shift_right_logical3A_1040, %mul3A_1042 : vector<16xi32>
        %add3A_1044 = arith.addi %mul3A_1043, %div3A_1037 : vector<16xi32>
        %and3A_1045 = arith.constant 7 : i32
        %and3A_1046 = vector.broadcast %and3A_1045 : i32 to vector<16xi32>
        %and3A_1047 = arith.andi %and3A_1033, %and3A_1046 : vector<16xi32>
        %shift_left3A = arith.constant 13 : i32
        %shift_left3A_1048 = vector.broadcast %shift_left3A : i32 to vector<16xi32>
        %shift_left3A_1049 = arith.shli %and3A_1047, %shift_left3A_1048 : vector<16xi32>
        %mul3A_1050 = arith.constant 6912 : i32
        %mul3A_1051 = vector.broadcast %mul3A_1050 : i32 to vector<16xi32>
        %mul3A_1052 = arith.muli %div3A_1037, %mul3A_1051 : vector<16xi32>
        %sub3A = arith.subi %shift_right_logical3A_1035, %mul3A_1052 : vector<16xi32>
        %or3A = arith.ori %shift_left3A_1049, %sub3A : vector<16xi32>
        %shift_left3A_1053 = arith.constant 16 : i32
        %shift_left3A_1054 = vector.broadcast %shift_left3A_1053 : i32 to vector<16xi32>
        %shift_left3A_1055 = arith.shli %add3A_1044, %shift_left3A_1054 : vector<16xi32>
        %or3A_1056 = arith.ori %shift_left3A_1055, %or3A : vector<16xi32>
        %broadcast_in_dim3A_1057 = arith.constant true
        %broadcast_in_dim3A_1058 = vector.broadcast %broadcast_in_dim3A_1057 : i1 to vector<16xi1>
        %unique3A_1059, %unique3A_1060 = tpu.scan_count mask(%broadcast_in_dim3A_1058 : vector<16xi1>) value(%add3A_1044 : vector<16xi32>) : vector<16xi1>, vector<16xi32>
        %sub3A_1061 = vector.broadcast %squeeze3A : i32 to vector<16xi32>
        %sub3A_1062 = arith.subi %unique3A_1060, %sub3A_1061 : vector<16xi32>
        %gather3A = tpu.vector_load_idx %arg12[%add3A_1044] : memref<1280xi32, #tpu.memory_space<vmem>>[vector<16xi32>], vector<16xi32>,
        %add3A_1063 = arith.addi %gather3A, %sub3A_1062 : vector<16xi32>
        tpu.vector_store_idx %arg9[%add3A_1063], %or3A_1056 : memref<41728xi32, #tpu.memory_space<vmem>>[vector<16xi32>], vector<16xi32>,
        tpu.vector_store_idx %arg10[%add3A_1063], %get3A_1027 : memref<41728xf32, #tpu.memory_space<vmem>>[vector<16xi32>], vector<16xf32>,
        %add3A_1064 = arith.constant 1 : i32
        %add3A_1065 = vector.broadcast %add3A_1064 : i32 to vector<16xi32>
        %add3A_1066 = arith.addi %sub3A_1062, %add3A_1065 : vector<16xi32>
        tpu.vector_store_idx %arg12[%add3A_1044], %add3A_1066 masked %unique3A_1059 {add = true} : memref<1280xi32, #tpu.memory_space<vmem>>[vector<16xi32>], vector<16xi32>, vector<16xi1>
      }
      %scan3A_1023 = arith.constant 128 : i32
    }
    %scan3A_1008 = arith.constant 16 : i32
    %mul3A_1009 = arith.constant 41728 : i32
    %mul3A_1010 = arith.muli %add3A, %mul3A_1009 : i32
    %multiple_of3A_1011 = tpu.assume_multiple %mul3A_1010, 8 : i32
    "tpu.region"() ({
      %run_scoped3A_1012 = tpu.sem_alloc : memref<!tpu.dma_semaphore, #tpu.memory_space<semaphore_mem>>
      %dma_start3A = tpu.memref_slice %arg4[%multiple_of3A_1011] : memref<1335424xi32, #tpu.memory_space<hbm>> -> memref<41728xi32, #tpu.memory_space<hbm>>
      %dma_start3A_1013 = tpu.memref_slice %arg4[%multiple_of3A_1011] : memref<1335424xi32, #tpu.memory_space<hbm>> -> memref<41728xi32, #tpu.memory_space<hbm>>
      tpu.enqueue_dma source(%arg9 : memref<41728xi32, #tpu.memory_space<vmem>>) target(%dma_start3A_1013 : memref<41728xi32, #tpu.memory_space<hbm>>) target_semaphore(%run_scoped3A_1012 : memref<!tpu.dma_semaphore, #tpu.memory_space<semaphore_mem>>)
      %dma_wait3A = tpu.memref_slice %arg4[%multiple_of3A_1011] : memref<1335424xi32, #tpu.memory_space<hbm>> -> memref<41728xi32, #tpu.memory_space<hbm>>
      %dma_wait3A_1014 = tpu.memref_slice %arg4[%multiple_of3A_1011] : memref<1335424xi32, #tpu.memory_space<hbm>> -> memref<41728xi32, #tpu.memory_space<hbm>>
      tpu.wait_dma2 semaphore(%run_scoped3A_1012 : memref<!tpu.dma_semaphore, #tpu.memory_space<semaphore_mem>>) src(%arg9 : memref<41728xi32, #tpu.memory_space<vmem>>) dst(%dma_wait3A_1014 : memref<41728xi32, #tpu.memory_space<hbm>>)
      tpu.yield
    }) : () -> ()
    "tpu.region"() ({
      %run_scoped3A_1012 = tpu.sem_alloc : memref<!tpu.dma_semaphore, #tpu.memory_space<semaphore_mem>>
      %dma_start3A = tpu.memref_slice %arg5[%multiple_of3A_1011] : memref<1335424xf32, #tpu.memory_space<hbm>> -> memref<41728xf32, #tpu.memory_space<hbm>>
      %dma_start3A_1013 = tpu.memref_slice %arg5[%multiple_of3A_1011] : memref<1335424xf32, #tpu.memory_space<hbm>> -> memref<41728xf32, #tpu.memory_space<hbm>>
      tpu.enqueue_dma source(%arg10 : memref<41728xf32, #tpu.memory_space<vmem>>) target(%dma_start3A_1013 : memref<41728xf32, #tpu.memory_space<hbm>>) target_semaphore(%run_scoped3A_1012 : memref<!tpu.dma_semaphore, #tpu.memory_space<semaphore_mem>>)
      %dma_wait3A = tpu.memref_slice %arg5[%multiple_of3A_1011] : memref<1335424xf32, #tpu.memory_space<hbm>> -> memref<41728xf32, #tpu.memory_space<hbm>>
      %dma_wait3A_1014 = tpu.memref_slice %arg5[%multiple_of3A_1011] : memref<1335424xf32, #tpu.memory_space<hbm>> -> memref<41728xf32, #tpu.memory_space<hbm>>
      tpu.wait_dma2 semaphore(%run_scoped3A_1012 : memref<!tpu.dma_semaphore, #tpu.memory_space<semaphore_mem>>) src(%arg10 : memref<41728xf32, #tpu.memory_space<vmem>>) dst(%dma_wait3A_1014 : memref<41728xf32, #tpu.memory_space<hbm>>)
      tpu.yield
    }) : () -> ()
    return
  }
}

#map = affine_map<(d0, d1) -> (0, 0)>
#map1 = affine_map<(d0, d1) -> (0)>
module attributes {stable_mosaic.version = 14 : i64} {
  func.func @_phase_b(%arg0: i32, %arg1: i32, %arg2: memref<64x1000000xf32, #tpu.memory_space<hbm>>, %arg3: memref<1335424xi32, #tpu.memory_space<hbm>>, %arg4: memref<1335424xf32, #tpu.memory_space<hbm>>, %arg5: memref<40960xi32, #tpu.memory_space<hbm>>, %arg6: memref<64x1000000xf32, #tpu.memory_space<hbm>>, %arg7: memref<8x6912xf32, #tpu.memory_space<vmem>>, %arg8: memref<8x6912xf32, #tpu.memory_space<vmem>>, %arg9: memref<32x128xi32, #tpu.memory_space<vmem>>, %arg10: memref<32x128xf32, #tpu.memory_space<vmem>>, %arg11: memref<32xi32, #tpu.memory_space<vmem>>, %arg12: memref<32x128xi32, #tpu.memory_space<vmem>>, %arg13: memref<32x128xf32, #tpu.memory_space<vmem>>, %arg14: memref<32xi32, #tpu.memory_space<vmem>>, %arg15: memref<!tpu.dma_semaphore, #tpu.memory_space<semaphore_mem>>, %arg16: memref<!tpu.dma_semaphore, #tpu.memory_space<semaphore_mem>>, %arg17: memref<!tpu.dma_semaphore, #tpu.memory_space<semaphore_mem>>, %arg18: memref<!tpu.dma_semaphore, #tpu.memory_space<semaphore_mem>>, %arg19: memref<!tpu.dma_semaphore, #tpu.memory_space<semaphore_mem>>) attributes {dimension_semantics = [#tpu.dimension_semantics<core_parallel>, #tpu.dimension_semantics<subcore_parallel>], iteration_bounds = array<i64: 2, 16>, scalar_prefetch = 0 : i64, scratch_operands = 13 : i64, tpu.core_type = #tpu.core_type<sc_vector_subcore>, window_params = [{transform_indices = #map}, {transform_indices = #map1}, {transform_indices = #map1}, {transform_indices = #map1}, {transform_indices = #map}]} {
    %mul3A = arith.constant 16 : i32
    %mul3A_0 = arith.muli %arg0, %mul3A : i32
    %add3A = arith.addi %mul3A_0, %arg1 : i32
    %iota3A = tpu.iota {dimensions = array<i32: 0>} : vector<16xi32>
    %mul3A_1 = arith.constant 32 : i32
    %mul3A_2 = arith.muli %add3A, %mul3A_1 : i32
    %multiple_of3A = tpu.assume_multiple %mul3A_2, 8 : i32
    "tpu.region"() ({
      %run_scoped3A = tpu.sem_alloc : memref<!tpu.dma_semaphore, #tpu.memory_space<semaphore_mem>>
      %dma_start3A = tpu.memref_slice %arg5[%multiple_of3A] : memref<40960xi32, #tpu.memory_space<hbm>> -> memref<32xi32, #tpu.memory_space<hbm>>
      %dma_start3A_27 = tpu.memref_slice %arg5[%multiple_of3A] : memref<40960xi32, #tpu.memory_space<hbm>> -> memref<32xi32, #tpu.memory_space<hbm>>
      tpu.enqueue_dma source(%dma_start3A_27 : memref<32xi32, #tpu.memory_space<hbm>>) target(%arg11 : memref<32xi32, #tpu.memory_space<vmem>>) target_semaphore(%run_scoped3A : memref<!tpu.dma_semaphore, #tpu.memory_space<semaphore_mem>>)
      %dma_wait3A = tpu.memref_slice %arg5[%multiple_of3A] : memref<40960xi32, #tpu.memory_space<hbm>> -> memref<32xi32, #tpu.memory_space<hbm>>
      %dma_wait3A_28 = tpu.memref_slice %arg5[%multiple_of3A] : memref<40960xi32, #tpu.memory_space<hbm>> -> memref<32xi32, #tpu.memory_space<hbm>>
      tpu.wait_dma2 semaphore(%run_scoped3A : memref<!tpu.dma_semaphore, #tpu.memory_space<semaphore_mem>>) src(%dma_wait3A_28 : memref<32xi32, #tpu.memory_space<hbm>>) dst(%arg11 : memref<32xi32, #tpu.memory_space<vmem>>)
      tpu.yield
    }) : () -> ()
    %scan3A = arith.constant 0 : i32
    %scan3A_3 = arith.constant 0 : i32
    %scan3A_4 = arith.constant 32 : i32
    %scan3A_5 = arith.addi %scan3A_3, %scan3A_4 : i32
    %scan3A_6 = arith.constant 1 : i32
    scf.for %scan3A_27 = %scan3A_3 to %scan3A_5 step %scan3A_6  : i32 {
      %broadcast_in_dim3A = vector.broadcast %scan3A_27 : i32 to vector<16xi32>
      %gather3A = tpu.vector_load_idx %arg11[%broadcast_in_dim3A] : memref<32xi32, #tpu.memory_space<vmem>>[vector<16xi32>], vector<16xi32>,
      %reduce_max3A = arith.constant true
      %reduce_max3A_28 = vector.broadcast %reduce_max3A : i1 to vector<16xi1>
      %reduce_max3A_29 = arith.constant -2147483648 : i32
      %reduce_max3A_30 = vector.broadcast %reduce_max3A_29 : i32 to vector<16xi32>
      %reduce_max3A_31 = arith.xori %gather3A, %reduce_max3A_30 : vector<16xi32>
      %reduce_max3A_32 = tpu.scan <max>, %reduce_max3A_31 masked %reduce_max3A_28 : vector<16xi32>, vector<16xi1> -> vector<16xi32>
      %reduce_max3A_33 = arith.xori %reduce_max3A_32, %reduce_max3A_30 : vector<16xi32>
      %reduce_max3A_34 = vector.extract %reduce_max3A_33[15] : i32 from vector<16xi32>
      %and3A_35 = arith.constant 65535 : i32
      %and3A_36 = arith.andi %reduce_max3A_34, %and3A_35 : i32
      %mul3A_37 = arith.constant 41728 : i32
      %mul3A_38 = arith.muli %scan3A_27, %mul3A_37 : i32
      %add3A_39 = arith.addi %mul3A_38, %and3A_36 : i32
      %multiple_of3A_40 = tpu.assume_multiple %add3A_39, 8 : i32
      %dma_start3A = arith.constant 0 : i32
      %dma_start3A_41 = tpu.memref_slice %arg9[%scan3A_27, %dma_start3A] : memref<32x128xi32, #tpu.memory_space<vmem>> -> memref<1x128xi32, #tpu.memory_space<vmem>>
      %dma_start3A_42 = tpu.memref_squeeze %dma_start3A_41 : memref<1x128xi32, #tpu.memory_space<vmem>> -> memref<128xi32, #tpu.memory_space<vmem>>
      %dma_start3A_43 = tpu.memref_slice %arg3[%multiple_of3A_40] : memref<1335424xi32, #tpu.memory_space<hbm>> -> memref<128xi32, #tpu.memory_space<hbm>>
      %dma_start3A_44 = arith.constant 0 : i32
      %dma_start3A_45 = tpu.memref_slice %arg9[%scan3A_27, %dma_start3A_44] : memref<32x128xi32, #tpu.memory_space<vmem>> -> memref<1x128xi32, #tpu.memory_space<vmem>>
      %dma_start3A_46 = tpu.memref_squeeze %dma_start3A_45 : memref<1x128xi32, #tpu.memory_space<vmem>> -> memref<128xi32, #tpu.memory_space<vmem>>
      %dma_start3A_47 = tpu.memref_slice %arg3[%multiple_of3A_40] : memref<1335424xi32, #tpu.memory_space<hbm>> -> memref<128xi32, #tpu.memory_space<hbm>>
      tpu.enqueue_dma source(%dma_start3A_47 : memref<128xi32, #tpu.memory_space<hbm>>) target(%dma_start3A_46 : memref<128xi32, #tpu.memory_space<vmem>>) target_semaphore(%arg19 : memref<!tpu.dma_semaphore, #tpu.memory_space<semaphore_mem>>)
      %dma_start3A_48 = arith.constant 0 : i32
      %dma_start3A_49 = tpu.memref_slice %arg10[%scan3A_27, %dma_start3A_48] : memref<32x128xf32, #tpu.memory_space<vmem>> -> memref<1x128xf32, #tpu.memory_space<vmem>>
      %dma_start3A_50 = tpu.memref_squeeze %dma_start3A_49 : memref<1x128xf32, #tpu.memory_space<vmem>> -> memref<128xf32, #tpu.memory_space<vmem>>
      %dma_start3A_51 = tpu.memref_slice %arg4[%multiple_of3A_40] : memref<1335424xf32, #tpu.memory_space<hbm>> -> memref<128xf32, #tpu.memory_space<hbm>>
      %dma_start3A_52 = arith.constant 0 : i32
      %dma_start3A_53 = tpu.memref_slice %arg10[%scan3A_27, %dma_start3A_52] : memref<32x128xf32, #tpu.memory_space<vmem>> -> memref<1x128xf32, #tpu.memory_space<vmem>>
      %dma_start3A_54 = tpu.memref_squeeze %dma_start3A_53 : memref<1x128xf32, #tpu.memory_space<vmem>> -> memref<128xf32, #tpu.memory_space<vmem>>
      %dma_start3A_55 = tpu.memref_slice %arg4[%multiple_of3A_40] : memref<1335424xf32, #tpu.memory_space<hbm>> -> memref<128xf32, #tpu.memory_space<hbm>>
      tpu.enqueue_dma source(%dma_start3A_55 : memref<128xf32, #tpu.memory_space<hbm>>) target(%dma_start3A_54 : memref<128xf32, #tpu.memory_space<vmem>>) target_semaphore(%arg19 : memref<!tpu.dma_semaphore, #tpu.memory_space<semaphore_mem>>)
    }
    %scan3A_7 = arith.constant 32 : i32
    %scan3A_8 = arith.constant 0 : i32
    %scan3A_9 = arith.constant 0 : i32
    %scan3A_10 = arith.constant 20 : i32
    %scan3A_11 = arith.addi %scan3A_9, %scan3A_10 : i32
    %scan3A_12 = arith.constant 1 : i32
    scf.for %scan3A_27 = %scan3A_9 to %scan3A_11 step %scan3A_12  : i32 {
      %mul3A_28 = arith.constant 2 : i32
      %mul3A_29 = arith.muli %mul3A_28, %scan3A_27 : i32
      %mul3A_30 = arith.constant 32 : i32
      %mul3A_31 = arith.muli %mul3A_29, %mul3A_30 : i32
      %add3A_32 = arith.addi %mul3A_31, %add3A : i32
      %lt3A = arith.constant 1160 : i32
      %lt3A_33 = arith.cmpi slt, %add3A_32, %lt3A : i32
      %convert_element_type3A_34 = arith.extui %lt3A_33 : i1 to i32
      %cond3A_35 = arith.constant 0 : i32
      %cond3A_36 = arith.cmpi ne, %convert_element_type3A_34, %cond3A_35 : i32
      scf.if %cond3A_36 {
        %broadcast_in_dim3A = vector.broadcast %add3A_32 : i32 to vector<16xi32>
        %div3A_49 = arith.constant 145 : i32
        %div3A_50 = vector.broadcast %div3A_49 : i32 to vector<16xi32>
        %div3A_51 = arith.divsi %broadcast_in_dim3A, %div3A_50 : vector<16xi32>
        %reduce_max3A = arith.constant true
        %reduce_max3A_52 = vector.broadcast %reduce_max3A : i1 to vector<16xi1>
        %reduce_max3A_53 = arith.constant -2147483648 : i32
        %reduce_max3A_54 = vector.broadcast %reduce_max3A_53 : i32 to vector<16xi32>
        %reduce_max3A_55 = arith.xori %div3A_51, %reduce_max3A_54 : vector<16xi32>
        %reduce_max3A_56 = tpu.scan <max>, %reduce_max3A_55 masked %reduce_max3A_52 : vector<16xi32>, vector<16xi1> -> vector<16xi32>
        %reduce_max3A_57 = arith.xori %reduce_max3A_56, %reduce_max3A_54 : vector<16xi32>
        %reduce_max3A_58 = vector.extract %reduce_max3A_57[15] : i32 from vector<16xi32>
        %mul3A_59 = arith.constant 145 : i32
        %mul3A_60 = vector.broadcast %mul3A_59 : i32 to vector<16xi32>
        %mul3A_61 = arith.muli %div3A_51, %mul3A_60 : vector<16xi32>
        %sub3A_62 = arith.subi %broadcast_in_dim3A, %mul3A_61 : vector<16xi32>
        %reduce_max3A_63 = arith.constant true
        %reduce_max3A_64 = vector.broadcast %reduce_max3A_63 : i1 to vector<16xi1>
        %reduce_max3A_65 = arith.constant -2147483648 : i32
        %reduce_max3A_66 = vector.broadcast %reduce_max3A_65 : i32 to vector<16xi32>
        %reduce_max3A_67 = arith.xori %sub3A_62, %reduce_max3A_66 : vector<16xi32>
        %reduce_max3A_68 = tpu.scan <max>, %reduce_max3A_67 masked %reduce_max3A_64 : vector<16xi32>, vector<16xi1> -> vector<16xi32>
        %reduce_max3A_69 = arith.xori %reduce_max3A_68, %reduce_max3A_66 : vector<16xi32>
        %reduce_max3A_70 = vector.extract %reduce_max3A_69[15] : i32 from vector<16xi32>
        %mul3A_71 = arith.constant 8 : i32
        %mul3A_72 = arith.muli %reduce_max3A_58, %mul3A_71 : i32
        %multiple_of3A_73 = tpu.assume_multiple %mul3A_72, 8 : i32
        %mul3A_74 = arith.constant 6912 : i32
        %mul3A_75 = arith.muli %reduce_max3A_70, %mul3A_74 : i32
        %multiple_of3A_76 = tpu.assume_multiple %mul3A_75, 128 : i32
        %ge3A = arith.constant 2 : i32
        %ge3A_77 = arith.cmpi sge, %mul3A_29, %ge3A : i32
        %convert_element_type3A_78 = arith.extui %ge3A_77 : i1 to i32
        %cond3A_79 = arith.constant 0 : i32
        %cond3A_80 = arith.cmpi ne, %convert_element_type3A_78, %cond3A_79 : i32
        scf.if %cond3A_80 {
          %sub3A_132 = arith.constant 64 : i32
          %sub3A_133 = arith.subi %add3A_32, %sub3A_132 : i32
          %broadcast_in_dim3A_134 = vector.broadcast %sub3A_133 : i32 to vector<16xi32>
          %div3A_135 = arith.constant 145 : i32
          %div3A_136 = vector.broadcast %div3A_135 : i32 to vector<16xi32>
          %div3A_137 = arith.divsi %broadcast_in_dim3A_134, %div3A_136 : vector<16xi32>
          %reduce_max3A_138 = arith.constant true
          %reduce_max3A_139 = vector.broadcast %reduce_max3A_138 : i1 to vector<16xi1>
          %reduce_max3A_140 = arith.constant -2147483648 : i32
          %reduce_max3A_141 = vector.broadcast %reduce_max3A_140 : i32 to vector<16xi32>
          %reduce_max3A_142 = arith.xori %div3A_137, %reduce_max3A_141 : vector<16xi32>
          %reduce_max3A_143 = tpu.scan <max>, %reduce_max3A_142 masked %reduce_max3A_139 : vector<16xi32>, vector<16xi1> -> vector<16xi32>
          %reduce_max3A_144 = arith.xori %reduce_max3A_143, %reduce_max3A_141 : vector<16xi32>
          %reduce_max3A_145 = vector.extract %reduce_max3A_144[15] : i32 from vector<16xi32>
          %mul3A_146 = arith.constant 145 : i32
          %mul3A_147 = vector.broadcast %mul3A_146 : i32 to vector<16xi32>
          %mul3A_148 = arith.muli %div3A_137, %mul3A_147 : vector<16xi32>
          %sub3A_149 = arith.subi %broadcast_in_dim3A_134, %mul3A_148 : vector<16xi32>
          %reduce_max3A_150 = arith.constant true
          %reduce_max3A_151 = vector.broadcast %reduce_max3A_150 : i1 to vector<16xi1>
          %reduce_max3A_152 = arith.constant -2147483648 : i32
          %reduce_max3A_153 = vector.broadcast %reduce_max3A_152 : i32 to vector<16xi32>
          %reduce_max3A_154 = arith.xori %sub3A_149, %reduce_max3A_153 : vector<16xi32>
          %reduce_max3A_155 = tpu.scan <max>, %reduce_max3A_154 masked %reduce_max3A_151 : vector<16xi32>, vector<16xi1> -> vector<16xi32>
          %reduce_max3A_156 = arith.xori %reduce_max3A_155, %reduce_max3A_153 : vector<16xi32>
          %reduce_max3A_157 = vector.extract %reduce_max3A_156[15] : i32 from vector<16xi32>
          %lt3A_158 = arith.constant 144 : i32
          %lt3A_159 = arith.cmpi slt, %reduce_max3A_157, %lt3A_158 : i32
          %convert_element_type3A_160 = arith.extui %lt3A_159 : i1 to i32
          %cond3A_161 = arith.constant 0 : i32
          %cond3A_162 = arith.cmpi ne, %convert_element_type3A_160, %cond3A_161 : i32
          scf.if %cond3A_162 {
            %dma_wait3A = arith.constant 0 : i32
            %dma_wait3A_168 = arith.constant 0 : i32
            %dma_wait3A_169 = tpu.memref_slice %arg2[%dma_wait3A, %dma_wait3A_168] : memref<64x1000000xf32, #tpu.memory_space<hbm>> -> memref<8x6912xf32, #tpu.memory_space<hbm>>
            %dma_wait3A_170 = arith.constant 0 : i32
            %dma_wait3A_171 = arith.constant 0 : i32
            %dma_wait3A_172 = tpu.memref_slice %arg2[%dma_wait3A_170, %dma_wait3A_171] : memref<64x1000000xf32, #tpu.memory_space<hbm>> -> memref<8x6912xf32, #tpu.memory_space<hbm>>
            tpu.wait_dma2 semaphore(%arg16 : memref<!tpu.dma_semaphore, #tpu.memory_space<semaphore_mem>>) src(%dma_wait3A_172 : memref<8x6912xf32, #tpu.memory_space<hbm>>) dst(%arg7 : memref<8x6912xf32, #tpu.memory_space<vmem>>)
          } else {
          }
          %eq3A_163 = arith.constant 144 : i32
          %eq3A_164 = arith.cmpi eq, %reduce_max3A_157, %eq3A_163 : i32
          %convert_element_type3A_165 = arith.extui %eq3A_164 : i1 to i32
          %cond3A_166 = arith.constant 0 : i32
          %cond3A_167 = arith.cmpi ne, %convert_element_type3A_165, %cond3A_166 : i32
          scf.if %cond3A_167 {
            %dma_wait3A = arith.constant 0 : i32
            %dma_wait3A_168 = arith.constant 0 : i32
            %dma_wait3A_169 = tpu.memref_slice %arg7[%dma_wait3A, %dma_wait3A_168] : memref<8x6912xf32, #tpu.memory_space<vmem>> -> memref<8x4736xf32, #tpu.memory_space<vmem>>
            %dma_wait3A_170 = arith.constant 0 : i32
            %dma_wait3A_171 = arith.constant 0 : i32
            %dma_wait3A_172 = tpu.memref_slice %arg2[%dma_wait3A_170, %dma_wait3A_171] : memref<64x1000000xf32, #tpu.memory_space<hbm>> -> memref<8x4736xf32, #tpu.memory_space<hbm>>
            %dma_wait3A_173 = arith.constant 0 : i32
            %dma_wait3A_174 = arith.constant 0 : i32
            %dma_wait3A_175 = tpu.memref_slice %arg7[%dma_wait3A_173, %dma_wait3A_174] : memref<8x6912xf32, #tpu.memory_space<vmem>> -> memref<8x4736xf32, #tpu.memory_space<vmem>>
            %dma_wait3A_176 = arith.constant 0 : i32
            %dma_wait3A_177 = arith.constant 0 : i32
            %dma_wait3A_178 = tpu.memref_slice %arg2[%dma_wait3A_176, %dma_wait3A_177] : memref<64x1000000xf32, #tpu.memory_space<hbm>> -> memref<8x4736xf32, #tpu.memory_space<hbm>>
            tpu.wait_dma2 semaphore(%arg16 : memref<!tpu.dma_semaphore, #tpu.memory_space<semaphore_mem>>) src(%dma_wait3A_178 : memref<8x4736xf32, #tpu.memory_space<hbm>>) dst(%dma_wait3A_175 : memref<8x4736xf32, #tpu.memory_space<vmem>>)
          } else {
          }
        } else {
        }
        %lt3A_81 = arith.constant 144 : i32
        %lt3A_82 = arith.cmpi slt, %reduce_max3A_70, %lt3A_81 : i32
        %convert_element_type3A_83 = arith.extui %lt3A_82 : i1 to i32
        %cond3A_84 = arith.constant 0 : i32
        %cond3A_85 = arith.cmpi ne, %convert_element_type3A_83, %cond3A_84 : i32
        scf.if %cond3A_85 {
          %dma_start3A = tpu.memref_slice %arg2[%multiple_of3A_73, %multiple_of3A_76] : memref<64x1000000xf32, #tpu.memory_space<hbm>> -> memref<8x6912xf32, #tpu.memory_space<hbm>>
          %dma_start3A_132 = tpu.memref_slice %arg2[%multiple_of3A_73, %multiple_of3A_76] : memref<64x1000000xf32, #tpu.memory_space<hbm>> -> memref<8x6912xf32, #tpu.memory_space<hbm>>
          tpu.enqueue_dma source(%dma_start3A_132 : memref<8x6912xf32, #tpu.memory_space<hbm>>) target(%arg7 : memref<8x6912xf32, #tpu.memory_space<vmem>>) target_semaphore(%arg15 : memref<!tpu.dma_semaphore, #tpu.memory_space<semaphore_mem>>)
        } else {
        }
        %eq3A_86 = arith.constant 144 : i32
        %eq3A_87 = arith.cmpi eq, %reduce_max3A_70, %eq3A_86 : i32
        %convert_element_type3A_88 = arith.extui %eq3A_87 : i1 to i32
        %cond3A_89 = arith.constant 0 : i32
        %cond3A_90 = arith.cmpi ne, %convert_element_type3A_88, %cond3A_89 : i32
        scf.if %cond3A_90 {
          %dma_start3A = arith.constant 0 : i32
          %dma_start3A_132 = arith.constant 0 : i32
          %dma_start3A_133 = tpu.memref_slice %arg7[%dma_start3A, %dma_start3A_132] : memref<8x6912xf32, #tpu.memory_space<vmem>> -> memref<8x4736xf32, #tpu.memory_space<vmem>>
          %dma_start3A_134 = tpu.memref_slice %arg2[%multiple_of3A_73, %multiple_of3A_76] : memref<64x1000000xf32, #tpu.memory_space<hbm>> -> memref<8x4736xf32, #tpu.memory_space<hbm>>
          %dma_start3A_135 = arith.constant 0 : i32
          %dma_start3A_136 = arith.constant 0 : i32
          %dma_start3A_137 = tpu.memref_slice %arg7[%dma_start3A_135, %dma_start3A_136] : memref<8x6912xf32, #tpu.memory_space<vmem>> -> memref<8x4736xf32, #tpu.memory_space<vmem>>
          %dma_start3A_138 = tpu.memref_slice %arg2[%multiple_of3A_73, %multiple_of3A_76] : memref<64x1000000xf32, #tpu.memory_space<hbm>> -> memref<8x4736xf32, #tpu.memory_space<hbm>>
          tpu.enqueue_dma source(%dma_start3A_138 : memref<8x4736xf32, #tpu.memory_space<hbm>>) target(%dma_start3A_137 : memref<8x4736xf32, #tpu.memory_space<vmem>>) target_semaphore(%arg15 : memref<!tpu.dma_semaphore, #tpu.memory_space<semaphore_mem>>)
        } else {
        }
        %add3A_91 = arith.constant 1 : i32
        %add3A_92 = arith.addi %mul3A_29, %add3A_91 : i32
        %mul3A_93 = arith.constant 32 : i32
        %mul3A_94 = arith.muli %add3A_92, %mul3A_93 : i32
        %add3A_95 = arith.addi %mul3A_94, %add3A : i32
        %lt3A_96 = arith.constant 1160 : i32
        %lt3A_97 = arith.cmpi slt, %add3A_95, %lt3A_96 : i32
        %convert_element_type3A_98 = arith.extui %lt3A_97 : i1 to i32
        %cond3A_99 = arith.constant 0 : i32
        %cond3A_100 = arith.cmpi ne, %convert_element_type3A_98, %cond3A_99 : i32
        scf.if %cond3A_100 {
          %mul3A_132 = arith.constant 32 : i32
          %mul3A_133 = arith.muli %add3A_95, %mul3A_132 : i32
          %multiple_of3A_134 = tpu.assume_multiple %mul3A_133, 8 : i32
          "tpu.region"() ({
            %run_scoped3A = tpu.sem_alloc : memref<!tpu.dma_semaphore, #tpu.memory_space<semaphore_mem>>
            %dma_start3A = tpu.memref_slice %arg5[%multiple_of3A_134] : memref<40960xi32, #tpu.memory_space<hbm>> -> memref<32xi32, #tpu.memory_space<hbm>>
            %dma_start3A_141 = tpu.memref_slice %arg5[%multiple_of3A_134] : memref<40960xi32, #tpu.memory_space<hbm>> -> memref<32xi32, #tpu.memory_space<hbm>>
            tpu.enqueue_dma source(%dma_start3A_141 : memref<32xi32, #tpu.memory_space<hbm>>) target(%arg14 : memref<32xi32, #tpu.memory_space<vmem>>) target_semaphore(%run_scoped3A : memref<!tpu.dma_semaphore, #tpu.memory_space<semaphore_mem>>)
            %dma_wait3A = tpu.memref_slice %arg5[%multiple_of3A_134] : memref<40960xi32, #tpu.memory_space<hbm>> -> memref<32xi32, #tpu.memory_space<hbm>>
            %dma_wait3A_142 = tpu.memref_slice %arg5[%multiple_of3A_134] : memref<40960xi32, #tpu.memory_space<hbm>> -> memref<32xi32, #tpu.memory_space<hbm>>
            tpu.wait_dma2 semaphore(%run_scoped3A : memref<!tpu.dma_semaphore, #tpu.memory_space<semaphore_mem>>) src(%dma_wait3A_142 : memref<32xi32, #tpu.memory_space<hbm>>) dst(%arg14 : memref<32xi32, #tpu.memory_space<vmem>>)
            tpu.yield
          }) : () -> ()
          %scan3A_135 = arith.constant 0 : i32
          %scan3A_136 = arith.constant 0 : i32
          %scan3A_137 = arith.constant 32 : i32
          %scan3A_138 = arith.addi %scan3A_136, %scan3A_137 : i32
          %scan3A_139 = arith.constant 1 : i32
          scf.for %scan3A_141 = %scan3A_136 to %scan3A_138 step %scan3A_139  : i32 {
            %broadcast_in_dim3A_142 = vector.broadcast %scan3A_141 : i32 to vector<16xi32>
            %gather3A = tpu.vector_load_idx %arg14[%broadcast_in_dim3A_142] : memref<32xi32, #tpu.memory_space<vmem>>[vector<16xi32>], vector<16xi32>,
            %reduce_max3A_143 = arith.constant true
            %reduce_max3A_144 = vector.broadcast %reduce_max3A_143 : i1 to vector<16xi1>
            %reduce_max3A_145 = arith.constant -2147483648 : i32
            %reduce_max3A_146 = vector.broadcast %reduce_max3A_145 : i32 to vector<16xi32>
            %reduce_max3A_147 = arith.xori %gather3A, %reduce_max3A_146 : vector<16xi32>
            %reduce_max3A_148 = tpu.scan <max>, %reduce_max3A_147 masked %reduce_max3A_144 : vector<16xi32>, vector<16xi1> -> vector<16xi32>
            %reduce_max3A_149 = arith.xori %reduce_max3A_148, %reduce_max3A_146 : vector<16xi32>
            %reduce_max3A_150 = vector.extract %reduce_max3A_149[15] : i32 from vector<16xi32>
            %and3A_151 = arith.constant 65535 : i32
            %and3A_152 = arith.andi %reduce_max3A_150, %and3A_151 : i32
            %mul3A_153 = arith.constant 41728 : i32
            %mul3A_154 = arith.muli %scan3A_141, %mul3A_153 : i32
            %add3A_155 = arith.addi %mul3A_154, %and3A_152 : i32
            %multiple_of3A_156 = tpu.assume_multiple %add3A_155, 8 : i32
            %dma_start3A = arith.constant 0 : i32
            %dma_start3A_157 = tpu.memref_slice %arg12[%scan3A_141, %dma_start3A] : memref<32x128xi32, #tpu.memory_space<vmem>> -> memref<1x128xi32, #tpu.memory_space<vmem>>
            %dma_start3A_158 = tpu.memref_squeeze %dma_start3A_157 : memref<1x128xi32, #tpu.memory_space<vmem>> -> memref<128xi32, #tpu.memory_space<vmem>>
            %dma_start3A_159 = tpu.memref_slice %arg3[%multiple_of3A_156] : memref<1335424xi32, #tpu.memory_space<hbm>> -> memref<128xi32, #tpu.memory_space<hbm>>
            %dma_start3A_160 = arith.constant 0 : i32
            %dma_start3A_161 = tpu.memref_slice %arg12[%scan3A_141, %dma_start3A_160] : memref<32x128xi32, #tpu.memory_space<vmem>> -> memref<1x128xi32, #tpu.memory_space<vmem>>
            %dma_start3A_162 = tpu.memref_squeeze %dma_start3A_161 : memref<1x128xi32, #tpu.memory_space<vmem>> -> memref<128xi32, #tpu.memory_space<vmem>>
            %dma_start3A_163 = tpu.memref_slice %arg3[%multiple_of3A_156] : memref<1335424xi32, #tpu.memory_space<hbm>> -> memref<128xi32, #tpu.memory_space<hbm>>
            tpu.enqueue_dma source(%dma_start3A_163 : memref<128xi32, #tpu.memory_space<hbm>>) target(%dma_start3A_162 : memref<128xi32, #tpu.memory_space<vmem>>) target_semaphore(%arg19 : memref<!tpu.dma_semaphore, #tpu.memory_space<semaphore_mem>>)
            %dma_start3A_164 = arith.constant 0 : i32
            %dma_start3A_165 = tpu.memref_slice %arg13[%scan3A_141, %dma_start3A_164] : memref<32x128xf32, #tpu.memory_space<vmem>> -> memref<1x128xf32, #tpu.memory_space<vmem>>
            %dma_start3A_166 = tpu.memref_squeeze %dma_start3A_165 : memref<1x128xf32, #tpu.memory_space<vmem>> -> memref<128xf32, #tpu.memory_space<vmem>>
            %dma_start3A_167 = tpu.memref_slice %arg4[%multiple_of3A_156] : memref<1335424xf32, #tpu.memory_space<hbm>> -> memref<128xf32, #tpu.memory_space<hbm>>
            %dma_start3A_168 = arith.constant 0 : i32
            %dma_start3A_169 = tpu.memref_slice %arg13[%scan3A_141, %dma_start3A_168] : memref<32x128xf32, #tpu.memory_space<vmem>> -> memref<1x128xf32, #tpu.memory_space<vmem>>
            %dma_start3A_170 = tpu.memref_squeeze %dma_start3A_169 : memref<1x128xf32, #tpu.memory_space<vmem>> -> memref<128xf32, #tpu.memory_space<vmem>>
            %dma_start3A_171 = tpu.memref_slice %arg4[%multiple_of3A_156] : memref<1335424xf32, #tpu.memory_space<hbm>> -> memref<128xf32, #tpu.memory_space<hbm>>
            tpu.enqueue_dma source(%dma_start3A_171 : memref<128xf32, #tpu.memory_space<hbm>>) target(%dma_start3A_170 : memref<128xf32, #tpu.memory_space<vmem>>) target_semaphore(%arg19 : memref<!tpu.dma_semaphore, #tpu.memory_space<semaphore_mem>>)
            %dma_wait3A = arith.constant 0 : i32
            %dma_wait3A_172 = tpu.memref_slice %arg9[%scan3A_141, %dma_wait3A] : memref<32x128xi32, #tpu.memory_space<vmem>> -> memref<1x128xi32, #tpu.memory_space<vmem>>
            %dma_wait3A_173 = tpu.memref_squeeze %dma_wait3A_172 : memref<1x128xi32, #tpu.memory_space<vmem>> -> memref<128xi32, #tpu.memory_space<vmem>>
            %dma_wait3A_174 = arith.constant 0 : i32
            %dma_wait3A_175 = tpu.memref_slice %arg3[%dma_wait3A_174] : memref<1335424xi32, #tpu.memory_space<hbm>> -> memref<128xi32, #tpu.memory_space<hbm>>
            %dma_wait3A_176 = arith.constant 0 : i32
            %dma_wait3A_177 = tpu.memref_slice %arg9[%scan3A_141, %dma_wait3A_176] : memref<32x128xi32, #tpu.memory_space<vmem>> -> memref<1x128xi32, #tpu.memory_space<vmem>>
            %dma_wait3A_178 = tpu.memref_squeeze %dma_wait3A_177 : memref<1x128xi32, #tpu.memory_space<vmem>> -> memref<128xi32, #tpu.memory_space<vmem>>
            %dma_wait3A_179 = arith.constant 0 : i32
            %dma_wait3A_180 = tpu.memref_slice %arg3[%dma_wait3A_179] : memref<1335424xi32, #tpu.memory_space<hbm>> -> memref<128xi32, #tpu.memory_space<hbm>>
            tpu.wait_dma2 semaphore(%arg19 : memref<!tpu.dma_semaphore, #tpu.memory_space<semaphore_mem>>) src(%dma_wait3A_180 : memref<128xi32, #tpu.memory_space<hbm>>) dst(%dma_wait3A_178 : memref<128xi32, #tpu.memory_space<vmem>>)
            %dma_wait3A_181 = arith.constant 0 : i32
            %dma_wait3A_182 = tpu.memref_slice %arg10[%scan3A_141, %dma_wait3A_181] : memref<32x128xf32, #tpu.memory_space<vmem>> -> memref<1x128xf32, #tpu.memory_space<vmem>>
            %dma_wait3A_183 = tpu.memref_squeeze %dma_wait3A_182 : memref<1x128xf32, #tpu.memory_space<vmem>> -> memref<128xf32, #tpu.memory_space<vmem>>
            %dma_wait3A_184 = arith.constant 0 : i32
            %dma_wait3A_185 = tpu.memref_slice %arg4[%dma_wait3A_184] : memref<1335424xf32, #tpu.memory_space<hbm>> -> memref<128xf32, #tpu.memory_space<hbm>>
            %dma_wait3A_186 = arith.constant 0 : i32
            %dma_wait3A_187 = tpu.memref_slice %arg10[%scan3A_141, %dma_wait3A_186] : memref<32x128xf32, #tpu.memory_space<vmem>> -> memref<1x128xf32, #tpu.memory_space<vmem>>
            %dma_wait3A_188 = tpu.memref_squeeze %dma_wait3A_187 : memref<1x128xf32, #tpu.memory_space<vmem>> -> memref<128xf32, #tpu.memory_space<vmem>>
            %dma_wait3A_189 = arith.constant 0 : i32
            %dma_wait3A_190 = tpu.memref_slice %arg4[%dma_wait3A_189] : memref<1335424xf32, #tpu.memory_space<hbm>> -> memref<128xf32, #tpu.memory_space<hbm>>
            tpu.wait_dma2 semaphore(%arg19 : memref<!tpu.dma_semaphore, #tpu.memory_space<semaphore_mem>>) src(%dma_wait3A_190 : memref<128xf32, #tpu.memory_space<hbm>>) dst(%dma_wait3A_188 : memref<128xf32, #tpu.memory_space<vmem>>)
          }
          %scan3A_140 = arith.constant 32 : i32
        } else {
        }
        %ge3A_101 = arith.constant 1160 : i32
        %ge3A_102 = arith.cmpi sge, %add3A_95, %ge3A_101 : i32
        %convert_element_type3A_103 = arith.extui %ge3A_102 : i1 to i32
        %cond3A_104 = arith.constant 0 : i32
        %cond3A_105 = arith.cmpi ne, %convert_element_type3A_103, %cond3A_104 : i32
        scf.if %cond3A_105 {
          %scan3A_132 = arith.constant 0 : i32
          %scan3A_133 = arith.constant 0 : i32
          %scan3A_134 = arith.constant 32 : i32
          %scan3A_135 = arith.addi %scan3A_133, %scan3A_134 : i32
          %scan3A_136 = arith.constant 1 : i32
          scf.for %scan3A_138 = %scan3A_133 to %scan3A_135 step %scan3A_136  : i32 {
            %dma_wait3A = arith.constant 0 : i32
            %dma_wait3A_139 = tpu.memref_slice %arg9[%scan3A_138, %dma_wait3A] : memref<32x128xi32, #tpu.memory_space<vmem>> -> memref<1x128xi32, #tpu.memory_space<vmem>>
            %dma_wait3A_140 = tpu.memref_squeeze %dma_wait3A_139 : memref<1x128xi32, #tpu.memory_space<vmem>> -> memref<128xi32, #tpu.memory_space<vmem>>
            %dma_wait3A_141 = arith.constant 0 : i32
            %dma_wait3A_142 = tpu.memref_slice %arg3[%dma_wait3A_141] : memref<1335424xi32, #tpu.memory_space<hbm>> -> memref<128xi32, #tpu.memory_space<hbm>>
            %dma_wait3A_143 = arith.constant 0 : i32
            %dma_wait3A_144 = tpu.memref_slice %arg9[%scan3A_138, %dma_wait3A_143] : memref<32x128xi32, #tpu.memory_space<vmem>> -> memref<1x128xi32, #tpu.memory_space<vmem>>
            %dma_wait3A_145 = tpu.memref_squeeze %dma_wait3A_144 : memref<1x128xi32, #tpu.memory_space<vmem>> -> memref<128xi32, #tpu.memory_space<vmem>>
            %dma_wait3A_146 = arith.constant 0 : i32
            %dma_wait3A_147 = tpu.memref_slice %arg3[%dma_wait3A_146] : memref<1335424xi32, #tpu.memory_space<hbm>> -> memref<128xi32, #tpu.memory_space<hbm>>
            tpu.wait_dma2 semaphore(%arg19 : memref<!tpu.dma_semaphore, #tpu.memory_space<semaphore_mem>>) src(%dma_wait3A_147 : memref<128xi32, #tpu.memory_space<hbm>>) dst(%dma_wait3A_145 : memref<128xi32, #tpu.memory_space<vmem>>)
            %dma_wait3A_148 = arith.constant 0 : i32
            %dma_wait3A_149 = tpu.memref_slice %arg10[%scan3A_138, %dma_wait3A_148] : memref<32x128xf32, #tpu.memory_space<vmem>> -> memref<1x128xf32, #tpu.memory_space<vmem>>
            %dma_wait3A_150 = tpu.memref_squeeze %dma_wait3A_149 : memref<1x128xf32, #tpu.memory_space<vmem>> -> memref<128xf32, #tpu.memory_space<vmem>>
            %dma_wait3A_151 = arith.constant 0 : i32
            %dma_wait3A_152 = tpu.memref_slice %arg4[%dma_wait3A_151] : memref<1335424xf32, #tpu.memory_space<hbm>> -> memref<128xf32, #tpu.memory_space<hbm>>
            %dma_wait3A_153 = arith.constant 0 : i32
            %dma_wait3A_154 = tpu.memref_slice %arg10[%scan3A_138, %dma_wait3A_153] : memref<32x128xf32, #tpu.memory_space<vmem>> -> memref<1x128xf32, #tpu.memory_space<vmem>>
            %dma_wait3A_155 = tpu.memref_squeeze %dma_wait3A_154 : memref<1x128xf32, #tpu.memory_space<vmem>> -> memref<128xf32, #tpu.memory_space<vmem>>
            %dma_wait3A_156 = arith.constant 0 : i32
            %dma_wait3A_157 = tpu.memref_slice %arg4[%dma_wait3A_156] : memref<1335424xf32, #tpu.memory_space<hbm>> -> memref<128xf32, #tpu.memory_space<hbm>>
            tpu.wait_dma2 semaphore(%arg19 : memref<!tpu.dma_semaphore, #tpu.memory_space<semaphore_mem>>) src(%dma_wait3A_157 : memref<128xf32, #tpu.memory_space<hbm>>) dst(%dma_wait3A_155 : memref<128xf32, #tpu.memory_space<vmem>>)
          }
          %scan3A_137 = arith.constant 32 : i32
        } else {
        }
        %lt3A_106 = arith.constant 144 : i32
        %lt3A_107 = arith.cmpi slt, %reduce_max3A_70, %lt3A_106 : i32
        %convert_element_type3A_108 = arith.extui %lt3A_107 : i1 to i32
        %cond3A_109 = arith.constant 0 : i32
        %cond3A_110 = arith.cmpi ne, %convert_element_type3A_108, %cond3A_109 : i32
        scf.if %cond3A_110 {
          %dma_wait3A = arith.constant 0 : i32
          %dma_wait3A_132 = arith.constant 0 : i32
          %dma_wait3A_133 = tpu.memref_slice %arg2[%dma_wait3A, %dma_wait3A_132] : memref<64x1000000xf32, #tpu.memory_space<hbm>> -> memref<8x6912xf32, #tpu.memory_space<hbm>>
          %dma_wait3A_134 = arith.constant 0 : i32
          %dma_wait3A_135 = arith.constant 0 : i32
          %dma_wait3A_136 = tpu.memref_slice %arg2[%dma_wait3A_134, %dma_wait3A_135] : memref<64x1000000xf32, #tpu.memory_space<hbm>> -> memref<8x6912xf32, #tpu.memory_space<hbm>>
          tpu.wait_dma2 semaphore(%arg15 : memref<!tpu.dma_semaphore, #tpu.memory_space<semaphore_mem>>) src(%dma_wait3A_136 : memref<8x6912xf32, #tpu.memory_space<hbm>>) dst(%arg7 : memref<8x6912xf32, #tpu.memory_space<vmem>>)
        } else {
        }
        %eq3A_111 = arith.constant 144 : i32
        %eq3A_112 = arith.cmpi eq, %reduce_max3A_70, %eq3A_111 : i32
        %convert_element_type3A_113 = arith.extui %eq3A_112 : i1 to i32
        %cond3A_114 = arith.constant 0 : i32
        %cond3A_115 = arith.cmpi ne, %convert_element_type3A_113, %cond3A_114 : i32
        scf.if %cond3A_115 {
          %dma_wait3A = arith.constant 0 : i32
          %dma_wait3A_132 = arith.constant 0 : i32
          %dma_wait3A_133 = tpu.memref_slice %arg7[%dma_wait3A, %dma_wait3A_132] : memref<8x6912xf32, #tpu.memory_space<vmem>> -> memref<8x4736xf32, #tpu.memory_space<vmem>>
          %dma_wait3A_134 = arith.constant 0 : i32
          %dma_wait3A_135 = arith.constant 0 : i32
          %dma_wait3A_136 = tpu.memref_slice %arg2[%dma_wait3A_134, %dma_wait3A_135] : memref<64x1000000xf32, #tpu.memory_space<hbm>> -> memref<8x4736xf32, #tpu.memory_space<hbm>>
          %dma_wait3A_137 = arith.constant 0 : i32
          %dma_wait3A_138 = arith.constant 0 : i32
          %dma_wait3A_139 = tpu.memref_slice %arg7[%dma_wait3A_137, %dma_wait3A_138] : memref<8x6912xf32, #tpu.memory_space<vmem>> -> memref<8x4736xf32, #tpu.memory_space<vmem>>
          %dma_wait3A_140 = arith.constant 0 : i32
          %dma_wait3A_141 = arith.constant 0 : i32
          %dma_wait3A_142 = tpu.memref_slice %arg2[%dma_wait3A_140, %dma_wait3A_141] : memref<64x1000000xf32, #tpu.memory_space<hbm>> -> memref<8x4736xf32, #tpu.memory_space<hbm>>
          tpu.wait_dma2 semaphore(%arg15 : memref<!tpu.dma_semaphore, #tpu.memory_space<semaphore_mem>>) src(%dma_wait3A_142 : memref<8x4736xf32, #tpu.memory_space<hbm>>) dst(%dma_wait3A_139 : memref<8x4736xf32, #tpu.memory_space<vmem>>)
        } else {
        }
        %scan3A_116 = arith.constant 0 : i32
        %scan3A_117 = arith.constant 0 : i32
        %scan3A_118 = arith.constant 32 : i32
        %scan3A_119 = arith.addi %scan3A_117, %scan3A_118 : i32
        %scan3A_120 = arith.constant 1 : i32
        scf.for %scan3A_132 = %scan3A_117 to %scan3A_119 step %scan3A_120  : i32 {
          %broadcast_in_dim3A_133 = vector.broadcast %scan3A_132 : i32 to vector<16xi32>
          %gather3A = tpu.vector_load_idx %arg11[%broadcast_in_dim3A_133] : memref<32xi32, #tpu.memory_space<vmem>>[vector<16xi32>], vector<16xi32>,
          %reduce_max3A_134 = arith.constant true
          %reduce_max3A_135 = vector.broadcast %reduce_max3A_134 : i1 to vector<16xi1>
          %reduce_max3A_136 = arith.constant -2147483648 : i32
          %reduce_max3A_137 = vector.broadcast %reduce_max3A_136 : i32 to vector<16xi32>
          %reduce_max3A_138 = arith.xori %gather3A, %reduce_max3A_137 : vector<16xi32>
          %reduce_max3A_139 = tpu.scan <max>, %reduce_max3A_138 masked %reduce_max3A_135 : vector<16xi32>, vector<16xi1> -> vector<16xi32>
          %reduce_max3A_140 = arith.xori %reduce_max3A_139, %reduce_max3A_137 : vector<16xi32>
          %reduce_max3A_141 = vector.extract %reduce_max3A_140[15] : i32 from vector<16xi32>
          %and3A_142 = arith.constant 65535 : i32
          %and3A_143 = arith.andi %reduce_max3A_141, %and3A_142 : i32
          %shift_right_logical3A = arith.constant 16 : i32
          %shift_right_logical3A_144 = arith.shrui %reduce_max3A_141, %shift_right_logical3A : i32
          %and3A_145 = arith.constant 65535 : i32
          %and3A_146 = arith.andi %shift_right_logical3A_144, %and3A_145 : i32
          %min3A = arith.constant 128 : i32
          %min3A_147 = arith.minsi %and3A_146, %min3A : i32
          %add3A_148 = arith.constant 15 : i32
          %add3A_149 = arith.addi %min3A_147, %add3A_148 : i32
          %div3A_150 = arith.constant 16 : i32
          %div3A_151 = arith.divsi %add3A_149, %div3A_150 : i32
          %while3A = arith.constant 0 : i32
          %while3A_152 = arith.constant 0 : i32
          %while3A_153 = arith.subi %div3A_151, %while3A_152 : i32
          %while3A_154 = arith.addi %while3A_152, %while3A_153 : i32
          %while3A_155 = arith.constant 1 : i32
          %while3A_156 = arith.divsi %while3A_153, %while3A_155 : i32
          %while3A_157 = arith.muli %while3A_156, %while3A_155 : i32
          %while3A_158 = arith.addi %while3A_152, %while3A_157 : i32
          %while3A_159 = arith.constant 1 : i32
          scf.for %while3A_167 = %while3A_152 to %while3A_158 step %while3A_159  : i32 {
            %mul3A_168 = arith.constant 16 : i32
            %mul3A_169 = arith.muli %while3A_167, %mul3A_168 : i32
            %get3A = arith.index_cast %scan3A_132 : i32 to index
            %get3A_170 = arith.index_cast %mul3A_169 : i32 to index
            %get3A_171 = tpu.vector_load %arg9[%get3A, %get3A_170] {strides = array<i32>} : memref<32x128xi32, #tpu.memory_space<vmem>>, vector<16xi32>,
            %mul3A_172 = arith.constant 16 : i32
            %mul3A_173 = arith.muli %while3A_167, %mul3A_172 : i32
            %get3A_174 = arith.index_cast %scan3A_132 : i32 to index
            %get3A_175 = arith.index_cast %mul3A_173 : i32 to index
            %get3A_176 = tpu.vector_load %arg10[%get3A_174, %get3A_175] {strides = array<i32>} : memref<32x128xf32, #tpu.memory_space<vmem>>, vector<16xf32>,
            %mul3A_177 = arith.constant 16 : i32
            %mul3A_178 = arith.muli %while3A_167, %mul3A_177 : i32
            %add3A_179 = vector.broadcast %mul3A_178 : i32 to vector<16xi32>
            %add3A_180 = arith.addi %add3A_179, %iota3A : vector<16xi32>
            %lt3A_181 = vector.broadcast %and3A_146 : i32 to vector<16xi32>
            %lt3A_182 = arith.cmpi slt, %add3A_180, %lt3A_181 : vector<16xi32>
            %shift_right_logical3A_183 = arith.constant 13 : i32
            %shift_right_logical3A_184 = vector.broadcast %shift_right_logical3A_183 : i32 to vector<16xi32>
            %shift_right_logical3A_185 = arith.shrui %get3A_171, %shift_right_logical3A_184 : vector<16xi32>
            %and3A_186 = arith.constant 7 : i32
            %and3A_187 = vector.broadcast %and3A_186 : i32 to vector<16xi32>
            %and3A_188 = arith.andi %shift_right_logical3A_185, %and3A_187 : vector<16xi32>
            %and3A_189 = arith.constant 8191 : i32
            %and3A_190 = vector.broadcast %and3A_189 : i32 to vector<16xi32>
            %and3A_191 = arith.andi %get3A_171, %and3A_190 : vector<16xi32>
            tpu.vector_store_idx %arg7[%and3A_188, %and3A_191], %get3A_176 masked %lt3A_182 {add = true} : memref<8x6912xf32, #tpu.memory_space<vmem>>[vector<16xi32>, vector<16xi32>], vector<16xf32>, vector<16xi1>
          }
          %while3A_160 = arith.constant 1 : i32
          scf.for %while3A_167 = %while3A_158 to %while3A_154 step %while3A_160  : i32 {
            %mul3A_168 = arith.constant 16 : i32
            %mul3A_169 = arith.muli %while3A_167, %mul3A_168 : i32
            %get3A = arith.index_cast %scan3A_132 : i32 to index
            %get3A_170 = arith.index_cast %mul3A_169 : i32 to index
            %get3A_171 = tpu.vector_load %arg9[%get3A, %get3A_170] {strides = array<i32>} : memref<32x128xi32, #tpu.memory_space<vmem>>, vector<16xi32>,
            %mul3A_172 = arith.constant 16 : i32
            %mul3A_173 = arith.muli %while3A_167, %mul3A_172 : i32
            %get3A_174 = arith.index_cast %scan3A_132 : i32 to index
            %get3A_175 = arith.index_cast %mul3A_173 : i32 to index
            %get3A_176 = tpu.vector_load %arg10[%get3A_174, %get3A_175] {strides = array<i32>} : memref<32x128xf32, #tpu.memory_space<vmem>>, vector<16xf32>,
            %mul3A_177 = arith.constant 16 : i32
            %mul3A_178 = arith.muli %while3A_167, %mul3A_177 : i32
            %add3A_179 = vector.broadcast %mul3A_178 : i32 to vector<16xi32>
            %add3A_180 = arith.addi %add3A_179, %iota3A : vector<16xi32>
            %lt3A_181 = vector.broadcast %and3A_146 : i32 to vector<16xi32>
            %lt3A_182 = arith.cmpi slt, %add3A_180, %lt3A_181 : vector<16xi32>
            %shift_right_logical3A_183 = arith.constant 13 : i32
            %shift_right_logical3A_184 = vector.broadcast %shift_right_logical3A_183 : i32 to vector<16xi32>
            %shift_right_logical3A_185 = arith.shrui %get3A_171, %shift_right_logical3A_184 : vector<16xi32>
            %and3A_186 = arith.constant 7 : i32
            %and3A_187 = vector.broadcast %and3A_186 : i32 to vector<16xi32>
            %and3A_188 = arith.andi %shift_right_logical3A_185, %and3A_187 : vector<16xi32>
            %and3A_189 = arith.constant 8191 : i32
            %and3A_190 = vector.broadcast %and3A_189 : i32 to vector<16xi32>
            %and3A_191 = arith.andi %get3A_171, %and3A_190 : vector<16xi32>
            tpu.vector_store_idx %arg7[%and3A_188, %and3A_191], %get3A_176 masked %lt3A_182 {add = true} : memref<8x6912xf32, #tpu.memory_space<vmem>>[vector<16xi32>, vector<16xi32>], vector<16xf32>, vector<16xi1>
          }
          %mul3A_161 = arith.constant 41728 : i32
          %mul3A_162 = arith.muli %scan3A_132, %mul3A_161 : i32
          %add3A_163 = arith.addi %mul3A_162, %and3A_143 : i32
          %multiple_of3A_164 = tpu.assume_multiple %add3A_163, 8 : i32
          %while3A_165 = arith.constant 128 : i32
          %while3A_166 = scf.while (%while3A_167 = %while3A_165) : (i32) -> i32 {
            %lt3A_168 = arith.cmpi slt, %while3A_167, %and3A_146 : i32
            scf.condition(%lt3A_168) %while3A_167 : i32
          } do {
          ^bb0(%while3A_167: i32):
            %add3A_168 = arith.addi %multiple_of3A_164, %while3A_167 : i32
            %multiple_of3A_169 = tpu.assume_multiple %add3A_168, 8 : i32
            "tpu.region"() ({
              %run_scoped3A = tpu.sem_alloc : memref<!tpu.dma_semaphore, #tpu.memory_space<semaphore_mem>>
              %dma_start3A = arith.constant 0 : i32
              %dma_start3A_178 = tpu.memref_slice %arg9[%scan3A_132, %dma_start3A] : memref<32x128xi32, #tpu.memory_space<vmem>> -> memref<1x128xi32, #tpu.memory_space<vmem>>
              %dma_start3A_179 = tpu.memref_squeeze %dma_start3A_178 : memref<1x128xi32, #tpu.memory_space<vmem>> -> memref<128xi32, #tpu.memory_space<vmem>>
              %dma_start3A_180 = tpu.memref_slice %arg3[%multiple_of3A_169] : memref<1335424xi32, #tpu.memory_space<hbm>> -> memref<128xi32, #tpu.memory_space<hbm>>
              %dma_start3A_181 = arith.constant 0 : i32
              %dma_start3A_182 = tpu.memref_slice %arg9[%scan3A_132, %dma_start3A_181] : memref<32x128xi32, #tpu.memory_space<vmem>> -> memref<1x128xi32, #tpu.memory_space<vmem>>
              %dma_start3A_183 = tpu.memref_squeeze %dma_start3A_182 : memref<1x128xi32, #tpu.memory_space<vmem>> -> memref<128xi32, #tpu.memory_space<vmem>>
              %dma_start3A_184 = tpu.memref_slice %arg3[%multiple_of3A_169] : memref<1335424xi32, #tpu.memory_space<hbm>> -> memref<128xi32, #tpu.memory_space<hbm>>
              tpu.enqueue_dma source(%dma_start3A_184 : memref<128xi32, #tpu.memory_space<hbm>>) target(%dma_start3A_183 : memref<128xi32, #tpu.memory_space<vmem>>) target_semaphore(%run_scoped3A : memref<!tpu.dma_semaphore, #tpu.memory_space<semaphore_mem>>)
              %dma_wait3A = arith.constant 0 : i32
              %dma_wait3A_185 = tpu.memref_slice %arg9[%scan3A_132, %dma_wait3A] : memref<32x128xi32, #tpu.memory_space<vmem>> -> memref<1x128xi32, #tpu.memory_space<vmem>>
              %dma_wait3A_186 = tpu.memref_squeeze %dma_wait3A_185 : memref<1x128xi32, #tpu.memory_space<vmem>> -> memref<128xi32, #tpu.memory_space<vmem>>
              %dma_wait3A_187 = tpu.memref_slice %arg3[%multiple_of3A_169] : memref<1335424xi32, #tpu.memory_space<hbm>> -> memref<128xi32, #tpu.memory_space<hbm>>
              %dma_wait3A_188 = arith.constant 0 : i32
              %dma_wait3A_189 = tpu.memref_slice %arg9[%scan3A_132, %dma_wait3A_188] : memref<32x128xi32, #tpu.memory_space<vmem>> -> memref<1x128xi32, #tpu.memory_space<vmem>>
              %dma_wait3A_190 = tpu.memref_squeeze %dma_wait3A_189 : memref<1x128xi32, #tpu.memory_space<vmem>> -> memref<128xi32, #tpu.memory_space<vmem>>
              %dma_wait3A_191 = tpu.memref_slice %arg3[%multiple_of3A_169] : memref<1335424xi32, #tpu.memory_space<hbm>> -> memref<128xi32, #tpu.memory_space<hbm>>
              tpu.wait_dma2 semaphore(%run_scoped3A : memref<!tpu.dma_semaphore, #tpu.memory_space<semaphore_mem>>) src(%dma_wait3A_191 : memref<128xi32, #tpu.memory_space<hbm>>) dst(%dma_wait3A_190 : memref<128xi32, #tpu.memory_space<vmem>>)
              tpu.yield
            }) : () -> ()
            "tpu.region"() ({
              %run_scoped3A = tpu.sem_alloc : memref<!tpu.dma_semaphore, #tpu.memory_space<semaphore_mem>>
              %dma_start3A = arith.constant 0 : i32
              %dma_start3A_178 = tpu.memref_slice %arg10[%scan3A_132, %dma_start3A] : memref<32x128xf32, #tpu.memory_space<vmem>> -> memref<1x128xf32, #tpu.memory_space<vmem>>
              %dma_start3A_179 = tpu.memref_squeeze %dma_start3A_178 : memref<1x128xf32, #tpu.memory_space<vmem>> -> memref<128xf32, #tpu.memory_space<vmem>>
              %dma_start3A_180 = tpu.memref_slice %arg4[%multiple_of3A_169] : memref<1335424xf32, #tpu.memory_space<hbm>> -> memref<128xf32, #tpu.memory_space<hbm>>
              %dma_start3A_181 = arith.constant 0 : i32
              %dma_start3A_182 = tpu.memref_slice %arg10[%scan3A_132, %dma_start3A_181] : memref<32x128xf32, #tpu.memory_space<vmem>> -> memref<1x128xf32, #tpu.memory_space<vmem>>
              %dma_start3A_183 = tpu.memref_squeeze %dma_start3A_182 : memref<1x128xf32, #tpu.memory_space<vmem>> -> memref<128xf32, #tpu.memory_space<vmem>>
              %dma_start3A_184 = tpu.memref_slice %arg4[%multiple_of3A_169] : memref<1335424xf32, #tpu.memory_space<hbm>> -> memref<128xf32, #tpu.memory_space<hbm>>
              tpu.enqueue_dma source(%dma_start3A_184 : memref<128xf32, #tpu.memory_space<hbm>>) target(%dma_start3A_183 : memref<128xf32, #tpu.memory_space<vmem>>) target_semaphore(%run_scoped3A : memref<!tpu.dma_semaphore, #tpu.memory_space<semaphore_mem>>)
              %dma_wait3A = arith.constant 0 : i32
              %dma_wait3A_185 = tpu.memref_slice %arg10[%scan3A_132, %dma_wait3A] : memref<32x128xf32, #tpu.memory_space<vmem>> -> memref<1x128xf32, #tpu.memory_space<vmem>>
              %dma_wait3A_186 = tpu.memref_squeeze %dma_wait3A_185 : memref<1x128xf32, #tpu.memory_space<vmem>> -> memref<128xf32, #tpu.memory_space<vmem>>
              %dma_wait3A_187 = tpu.memref_slice %arg4[%multiple_of3A_169] : memref<1335424xf32, #tpu.memory_space<hbm>> -> memref<128xf32, #tpu.memory_space<hbm>>
              %dma_wait3A_188 = arith.constant 0 : i32
              %dma_wait3A_189 = tpu.memref_slice %arg10[%scan3A_132, %dma_wait3A_188] : memref<32x128xf32, #tpu.memory_space<vmem>> -> memref<1x128xf32, #tpu.memory_space<vmem>>
              %dma_wait3A_190 = tpu.memref_squeeze %dma_wait3A_189 : memref<1x128xf32, #tpu.memory_space<vmem>> -> memref<128xf32, #tpu.memory_space<vmem>>
              %dma_wait3A_191 = tpu.memref_slice %arg4[%multiple_of3A_169] : memref<1335424xf32, #tpu.memory_space<hbm>> -> memref<128xf32, #tpu.memory_space<hbm>>
              tpu.wait_dma2 semaphore(%run_scoped3A : memref<!tpu.dma_semaphore, #tpu.memory_space<semaphore_mem>>) src(%dma_wait3A_191 : memref<128xf32, #tpu.memory_space<hbm>>) dst(%dma_wait3A_190 : memref<128xf32, #tpu.memory_space<vmem>>)
              tpu.yield
            }) : () -> ()
            %scan3A_170 = arith.constant 0 : i32
            %scan3A_171 = arith.constant 0 : i32
            %scan3A_172 = arith.constant 8 : i32
            %scan3A_173 = arith.addi %scan3A_171, %scan3A_172 : i32
            %scan3A_174 = arith.constant 1 : i32
            scf.for %scan3A_178 = %scan3A_171 to %scan3A_173 step %scan3A_174  : i32 {
              %mul3A_179 = arith.constant 16 : i32
              %mul3A_180 = arith.muli %scan3A_178, %mul3A_179 : i32
              %get3A = arith.index_cast %scan3A_132 : i32 to index
              %get3A_181 = arith.index_cast %mul3A_180 : i32 to index
              %get3A_182 = tpu.vector_load %arg9[%get3A, %get3A_181] {strides = array<i32>} : memref<32x128xi32, #tpu.memory_space<vmem>>, vector<16xi32>,
              %mul3A_183 = arith.constant 16 : i32
              %mul3A_184 = arith.muli %scan3A_178, %mul3A_183 : i32
              %get3A_185 = arith.index_cast %scan3A_132 : i32 to index
              %get3A_186 = arith.index_cast %mul3A_184 : i32 to index
              %get3A_187 = tpu.vector_load %arg10[%get3A_185, %get3A_186] {strides = array<i32>} : memref<32x128xf32, #tpu.memory_space<vmem>>, vector<16xf32>,
              %mul3A_188 = arith.constant 16 : i32
              %mul3A_189 = arith.muli %scan3A_178, %mul3A_188 : i32
              %add3A_190 = arith.addi %while3A_167, %mul3A_189 : i32
              %add3A_191 = vector.broadcast %add3A_190 : i32 to vector<16xi32>
              %add3A_192 = arith.addi %add3A_191, %iota3A : vector<16xi32>
              %lt3A_193 = vector.broadcast %and3A_146 : i32 to vector<16xi32>
              %lt3A_194 = arith.cmpi slt, %add3A_192, %lt3A_193 : vector<16xi32>
              %shift_right_logical3A_195 = arith.constant 13 : i32
              %shift_right_logical3A_196 = vector.broadcast %shift_right_logical3A_195 : i32 to vector<16xi32>
              %shift_right_logical3A_197 = arith.shrui %get3A_182, %shift_right_logical3A_196 : vector<16xi32>
              %and3A_198 = arith.constant 7 : i32
              %and3A_199 = vector.broadcast %and3A_198 : i32 to vector<16xi32>
              %and3A_200 = arith.andi %shift_right_logical3A_197, %and3A_199 : vector<16xi32>
              %and3A_201 = arith.constant 8191 : i32
              %and3A_202 = vector.broadcast %and3A_201 : i32 to vector<16xi32>
              %and3A_203 = arith.andi %get3A_182, %and3A_202 : vector<16xi32>
              tpu.vector_store_idx %arg7[%and3A_200, %and3A_203], %get3A_187 masked %lt3A_194 {add = true} : memref<8x6912xf32, #tpu.memory_space<vmem>>[vector<16xi32>, vector<16xi32>], vector<16xf32>, vector<16xi1>
            }
            %scan3A_175 = arith.constant 8 : i32
            %add3A_176 = arith.constant 128 : i32
            %add3A_177 = arith.addi %while3A_167, %add3A_176 : i32
            scf.yield %add3A_177 : i32
          }
        }
        %scan3A_121 = arith.constant 32 : i32
        %lt3A_122 = arith.constant 144 : i32
        %lt3A_123 = arith.cmpi slt, %reduce_max3A_70, %lt3A_122 : i32
        %convert_element_type3A_124 = arith.extui %lt3A_123 : i1 to i32
        %cond3A_125 = arith.constant 0 : i32
        %cond3A_126 = arith.cmpi ne, %convert_element_type3A_124, %cond3A_125 : i32
        scf.if %cond3A_126 {
          %dma_start3A = tpu.memref_slice %arg6[%multiple_of3A_73, %multiple_of3A_76] : memref<64x1000000xf32, #tpu.memory_space<hbm>> -> memref<8x6912xf32, #tpu.memory_space<hbm>>
          %dma_start3A_132 = tpu.memref_slice %arg6[%multiple_of3A_73, %multiple_of3A_76] : memref<64x1000000xf32, #tpu.memory_space<hbm>> -> memref<8x6912xf32, #tpu.memory_space<hbm>>
          tpu.enqueue_dma source(%arg7 : memref<8x6912xf32, #tpu.memory_space<vmem>>) target(%dma_start3A_132 : memref<8x6912xf32, #tpu.memory_space<hbm>>) target_semaphore(%arg16 : memref<!tpu.dma_semaphore, #tpu.memory_space<semaphore_mem>>)
        } else {
        }
        %eq3A_127 = arith.constant 144 : i32
        %eq3A_128 = arith.cmpi eq, %reduce_max3A_70, %eq3A_127 : i32
        %convert_element_type3A_129 = arith.extui %eq3A_128 : i1 to i32
        %cond3A_130 = arith.constant 0 : i32
        %cond3A_131 = arith.cmpi ne, %convert_element_type3A_129, %cond3A_130 : i32
        scf.if %cond3A_131 {
          %dma_start3A = arith.constant 0 : i32
          %dma_start3A_132 = arith.constant 0 : i32
          %dma_start3A_133 = tpu.memref_slice %arg7[%dma_start3A, %dma_start3A_132] : memref<8x6912xf32, #tpu.memory_space<vmem>> -> memref<8x4736xf32, #tpu.memory_space<vmem>>
          %dma_start3A_134 = tpu.memref_slice %arg6[%multiple_of3A_73, %multiple_of3A_76] : memref<64x1000000xf32, #tpu.memory_space<hbm>> -> memref<8x4736xf32, #tpu.memory_space<hbm>>
          %dma_start3A_135 = tpu.memref_slice %arg6[%multiple_of3A_73, %multiple_of3A_76] : memref<64x1000000xf32, #tpu.memory_space<hbm>> -> memref<8x4736xf32, #tpu.memory_space<hbm>>
          %dma_start3A_136 = arith.constant 0 : i32
          %dma_start3A_137 = arith.constant 0 : i32
          %dma_start3A_138 = tpu.memref_slice %arg7[%dma_start3A_136, %dma_start3A_137] : memref<8x6912xf32, #tpu.memory_space<vmem>> -> memref<8x4736xf32, #tpu.memory_space<vmem>>
          tpu.enqueue_dma source(%dma_start3A_138 : memref<8x4736xf32, #tpu.memory_space<vmem>>) target(%dma_start3A_135 : memref<8x4736xf32, #tpu.memory_space<hbm>>) target_semaphore(%arg16 : memref<!tpu.dma_semaphore, #tpu.memory_space<semaphore_mem>>)
        } else {
        }
      } else {
      }
      %mul3A_37 = arith.constant 2 : i32
      %mul3A_38 = arith.muli %mul3A_37, %scan3A_27 : i32
      %add3A_39 = arith.constant 1 : i32
      %add3A_40 = arith.addi %mul3A_38, %add3A_39 : i32
      %mul3A_41 = arith.constant 32 : i32
      %mul3A_42 = arith.muli %add3A_40, %mul3A_41 : i32
      %add3A_43 = arith.addi %mul3A_42, %add3A : i32
      %lt3A_44 = arith.constant 1160 : i32
      %lt3A_45 = arith.cmpi slt, %add3A_43, %lt3A_44 : i32
      %convert_element_type3A_46 = arith.extui %lt3A_45 : i1 to i32
      %cond3A_47 = arith.constant 0 : i32
      %cond3A_48 = arith.cmpi ne, %convert_element_type3A_46, %cond3A_47 : i32
      scf.if %cond3A_48 {
        %broadcast_in_dim3A = vector.broadcast %add3A_43 : i32 to vector<16xi32>
        %div3A_49 = arith.constant 145 : i32
        %div3A_50 = vector.broadcast %div3A_49 : i32 to vector<16xi32>
        %div3A_51 = arith.divsi %broadcast_in_dim3A, %div3A_50 : vector<16xi32>
        %reduce_max3A = arith.constant true
        %reduce_max3A_52 = vector.broadcast %reduce_max3A : i1 to vector<16xi1>
        %reduce_max3A_53 = arith.constant -2147483648 : i32
        %reduce_max3A_54 = vector.broadcast %reduce_max3A_53 : i32 to vector<16xi32>
        %reduce_max3A_55 = arith.xori %div3A_51, %reduce_max3A_54 : vector<16xi32>
        %reduce_max3A_56 = tpu.scan <max>, %reduce_max3A_55 masked %reduce_max3A_52 : vector<16xi32>, vector<16xi1> -> vector<16xi32>
        %reduce_max3A_57 = arith.xori %reduce_max3A_56, %reduce_max3A_54 : vector<16xi32>
        %reduce_max3A_58 = vector.extract %reduce_max3A_57[15] : i32 from vector<16xi32>
        %mul3A_59 = arith.constant 145 : i32
        %mul3A_60 = vector.broadcast %mul3A_59 : i32 to vector<16xi32>
        %mul3A_61 = arith.muli %div3A_51, %mul3A_60 : vector<16xi32>
        %sub3A_62 = arith.subi %broadcast_in_dim3A, %mul3A_61 : vector<16xi32>
        %reduce_max3A_63 = arith.constant true
        %reduce_max3A_64 = vector.broadcast %reduce_max3A_63 : i1 to vector<16xi1>
        %reduce_max3A_65 = arith.constant -2147483648 : i32
        %reduce_max3A_66 = vector.broadcast %reduce_max3A_65 : i32 to vector<16xi32>
        %reduce_max3A_67 = arith.xori %sub3A_62, %reduce_max3A_66 : vector<16xi32>
        %reduce_max3A_68 = tpu.scan <max>, %reduce_max3A_67 masked %reduce_max3A_64 : vector<16xi32>, vector<16xi1> -> vector<16xi32>
        %reduce_max3A_69 = arith.xori %reduce_max3A_68, %reduce_max3A_66 : vector<16xi32>
        %reduce_max3A_70 = vector.extract %reduce_max3A_69[15] : i32 from vector<16xi32>
        %mul3A_71 = arith.constant 8 : i32
        %mul3A_72 = arith.muli %reduce_max3A_58, %mul3A_71 : i32
        %multiple_of3A_73 = tpu.assume_multiple %mul3A_72, 8 : i32
        %mul3A_74 = arith.constant 6912 : i32
        %mul3A_75 = arith.muli %reduce_max3A_70, %mul3A_74 : i32
        %multiple_of3A_76 = tpu.assume_multiple %mul3A_75, 128 : i32
        %ge3A = arith.constant 2 : i32
        %ge3A_77 = arith.cmpi sge, %add3A_40, %ge3A : i32
        %convert_element_type3A_78 = arith.extui %ge3A_77 : i1 to i32
        %cond3A_79 = arith.constant 0 : i32
        %cond3A_80 = arith.cmpi ne, %convert_element_type3A_78, %cond3A_79 : i32
        scf.if %cond3A_80 {
          %sub3A_132 = arith.constant 64 : i32
          %sub3A_133 = arith.subi %add3A_43, %sub3A_132 : i32
          %broadcast_in_dim3A_134 = vector.broadcast %sub3A_133 : i32 to vector<16xi32>
          %div3A_135 = arith.constant 145 : i32
          %div3A_136 = vector.broadcast %div3A_135 : i32 to vector<16xi32>
          %div3A_137 = arith.divsi %broadcast_in_dim3A_134, %div3A_136 : vector<16xi32>
          %reduce_max3A_138 = arith.constant true
          %reduce_max3A_139 = vector.broadcast %reduce_max3A_138 : i1 to vector<16xi1>
          %reduce_max3A_140 = arith.constant -2147483648 : i32
          %reduce_max3A_141 = vector.broadcast %reduce_max3A_140 : i32 to vector<16xi32>
          %reduce_max3A_142 = arith.xori %div3A_137, %reduce_max3A_141 : vector<16xi32>
          %reduce_max3A_143 = tpu.scan <max>, %reduce_max3A_142 masked %reduce_max3A_139 : vector<16xi32>, vector<16xi1> -> vector<16xi32>
          %reduce_max3A_144 = arith.xori %reduce_max3A_143, %reduce_max3A_141 : vector<16xi32>
          %reduce_max3A_145 = vector.extract %reduce_max3A_144[15] : i32 from vector<16xi32>
          %mul3A_146 = arith.constant 145 : i32
          %mul3A_147 = vector.broadcast %mul3A_146 : i32 to vector<16xi32>
          %mul3A_148 = arith.muli %div3A_137, %mul3A_147 : vector<16xi32>
          %sub3A_149 = arith.subi %broadcast_in_dim3A_134, %mul3A_148 : vector<16xi32>
          %reduce_max3A_150 = arith.constant true
          %reduce_max3A_151 = vector.broadcast %reduce_max3A_150 : i1 to vector<16xi1>
          %reduce_max3A_152 = arith.constant -2147483648 : i32
          %reduce_max3A_153 = vector.broadcast %reduce_max3A_152 : i32 to vector<16xi32>
          %reduce_max3A_154 = arith.xori %sub3A_149, %reduce_max3A_153 : vector<16xi32>
          %reduce_max3A_155 = tpu.scan <max>, %reduce_max3A_154 masked %reduce_max3A_151 : vector<16xi32>, vector<16xi1> -> vector<16xi32>
          %reduce_max3A_156 = arith.xori %reduce_max3A_155, %reduce_max3A_153 : vector<16xi32>
          %reduce_max3A_157 = vector.extract %reduce_max3A_156[15] : i32 from vector<16xi32>
          %lt3A_158 = arith.constant 144 : i32
          %lt3A_159 = arith.cmpi slt, %reduce_max3A_157, %lt3A_158 : i32
          %convert_element_type3A_160 = arith.extui %lt3A_159 : i1 to i32
          %cond3A_161 = arith.constant 0 : i32
          %cond3A_162 = arith.cmpi ne, %convert_element_type3A_160, %cond3A_161 : i32
          scf.if %cond3A_162 {
            %dma_wait3A = arith.constant 0 : i32
            %dma_wait3A_168 = arith.constant 0 : i32
            %dma_wait3A_169 = tpu.memref_slice %arg2[%dma_wait3A, %dma_wait3A_168] : memref<64x1000000xf32, #tpu.memory_space<hbm>> -> memref<8x6912xf32, #tpu.memory_space<hbm>>
            %dma_wait3A_170 = arith.constant 0 : i32
            %dma_wait3A_171 = arith.constant 0 : i32
            %dma_wait3A_172 = tpu.memref_slice %arg2[%dma_wait3A_170, %dma_wait3A_171] : memref<64x1000000xf32, #tpu.memory_space<hbm>> -> memref<8x6912xf32, #tpu.memory_space<hbm>>
            tpu.wait_dma2 semaphore(%arg18 : memref<!tpu.dma_semaphore, #tpu.memory_space<semaphore_mem>>) src(%dma_wait3A_172 : memref<8x6912xf32, #tpu.memory_space<hbm>>) dst(%arg8 : memref<8x6912xf32, #tpu.memory_space<vmem>>)
          } else {
          }
          %eq3A_163 = arith.constant 144 : i32
          %eq3A_164 = arith.cmpi eq, %reduce_max3A_157, %eq3A_163 : i32
          %convert_element_type3A_165 = arith.extui %eq3A_164 : i1 to i32
          %cond3A_166 = arith.constant 0 : i32
          %cond3A_167 = arith.cmpi ne, %convert_element_type3A_165, %cond3A_166 : i32
          scf.if %cond3A_167 {
            %dma_wait3A = arith.constant 0 : i32
            %dma_wait3A_168 = arith.constant 0 : i32
            %dma_wait3A_169 = tpu.memref_slice %arg8[%dma_wait3A, %dma_wait3A_168] : memref<8x6912xf32, #tpu.memory_space<vmem>> -> memref<8x4736xf32, #tpu.memory_space<vmem>>
            %dma_wait3A_170 = arith.constant 0 : i32
            %dma_wait3A_171 = arith.constant 0 : i32
            %dma_wait3A_172 = tpu.memref_slice %arg2[%dma_wait3A_170, %dma_wait3A_171] : memref<64x1000000xf32, #tpu.memory_space<hbm>> -> memref<8x4736xf32, #tpu.memory_space<hbm>>
            %dma_wait3A_173 = arith.constant 0 : i32
            %dma_wait3A_174 = arith.constant 0 : i32
            %dma_wait3A_175 = tpu.memref_slice %arg8[%dma_wait3A_173, %dma_wait3A_174] : memref<8x6912xf32, #tpu.memory_space<vmem>> -> memref<8x4736xf32, #tpu.memory_space<vmem>>
            %dma_wait3A_176 = arith.constant 0 : i32
            %dma_wait3A_177 = arith.constant 0 : i32
            %dma_wait3A_178 = tpu.memref_slice %arg2[%dma_wait3A_176, %dma_wait3A_177] : memref<64x1000000xf32, #tpu.memory_space<hbm>> -> memref<8x4736xf32, #tpu.memory_space<hbm>>
            tpu.wait_dma2 semaphore(%arg18 : memref<!tpu.dma_semaphore, #tpu.memory_space<semaphore_mem>>) src(%dma_wait3A_178 : memref<8x4736xf32, #tpu.memory_space<hbm>>) dst(%dma_wait3A_175 : memref<8x4736xf32, #tpu.memory_space<vmem>>)
          } else {
          }
        } else {
        }
        %lt3A_81 = arith.constant 144 : i32
        %lt3A_82 = arith.cmpi slt, %reduce_max3A_70, %lt3A_81 : i32
        %convert_element_type3A_83 = arith.extui %lt3A_82 : i1 to i32
        %cond3A_84 = arith.constant 0 : i32
        %cond3A_85 = arith.cmpi ne, %convert_element_type3A_83, %cond3A_84 : i32
        scf.if %cond3A_85 {
          %dma_start3A = tpu.memref_slice %arg2[%multiple_of3A_73, %multiple_of3A_76] : memref<64x1000000xf32, #tpu.memory_space<hbm>> -> memref<8x6912xf32, #tpu.memory_space<hbm>>
          %dma_start3A_132 = tpu.memref_slice %arg2[%multiple_of3A_73, %multiple_of3A_76] : memref<64x1000000xf32, #tpu.memory_space<hbm>> -> memref<8x6912xf32, #tpu.memory_space<hbm>>
          tpu.enqueue_dma source(%dma_start3A_132 : memref<8x6912xf32, #tpu.memory_space<hbm>>) target(%arg8 : memref<8x6912xf32, #tpu.memory_space<vmem>>) target_semaphore(%arg17 : memref<!tpu.dma_semaphore, #tpu.memory_space<semaphore_mem>>)
        } else {
        }
        %eq3A_86 = arith.constant 144 : i32
        %eq3A_87 = arith.cmpi eq, %reduce_max3A_70, %eq3A_86 : i32
        %convert_element_type3A_88 = arith.extui %eq3A_87 : i1 to i32
        %cond3A_89 = arith.constant 0 : i32
        %cond3A_90 = arith.cmpi ne, %convert_element_type3A_88, %cond3A_89 : i32
        scf.if %cond3A_90 {
          %dma_start3A = arith.constant 0 : i32
          %dma_start3A_132 = arith.constant 0 : i32
          %dma_start3A_133 = tpu.memref_slice %arg8[%dma_start3A, %dma_start3A_132] : memref<8x6912xf32, #tpu.memory_space<vmem>> -> memref<8x4736xf32, #tpu.memory_space<vmem>>
          %dma_start3A_134 = tpu.memref_slice %arg2[%multiple_of3A_73, %multiple_of3A_76] : memref<64x1000000xf32, #tpu.memory_space<hbm>> -> memref<8x4736xf32, #tpu.memory_space<hbm>>
          %dma_start3A_135 = arith.constant 0 : i32
          %dma_start3A_136 = arith.constant 0 : i32
          %dma_start3A_137 = tpu.memref_slice %arg8[%dma_start3A_135, %dma_start3A_136] : memref<8x6912xf32, #tpu.memory_space<vmem>> -> memref<8x4736xf32, #tpu.memory_space<vmem>>
          %dma_start3A_138 = tpu.memref_slice %arg2[%multiple_of3A_73, %multiple_of3A_76] : memref<64x1000000xf32, #tpu.memory_space<hbm>> -> memref<8x4736xf32, #tpu.memory_space<hbm>>
          tpu.enqueue_dma source(%dma_start3A_138 : memref<8x4736xf32, #tpu.memory_space<hbm>>) target(%dma_start3A_137 : memref<8x4736xf32, #tpu.memory_space<vmem>>) target_semaphore(%arg17 : memref<!tpu.dma_semaphore, #tpu.memory_space<semaphore_mem>>)
        } else {
        }
        %add3A_91 = arith.constant 1 : i32
        %add3A_92 = arith.addi %add3A_40, %add3A_91 : i32
        %mul3A_93 = arith.constant 32 : i32
        %mul3A_94 = arith.muli %add3A_92, %mul3A_93 : i32
        %add3A_95 = arith.addi %mul3A_94, %add3A : i32
        %lt3A_96 = arith.constant 1160 : i32
        %lt3A_97 = arith.cmpi slt, %add3A_95, %lt3A_96 : i32
        %convert_element_type3A_98 = arith.extui %lt3A_97 : i1 to i32
        %cond3A_99 = arith.constant 0 : i32
        %cond3A_100 = arith.cmpi ne, %convert_element_type3A_98, %cond3A_99 : i32
        scf.if %cond3A_100 {
          %mul3A_132 = arith.constant 32 : i32
          %mul3A_133 = arith.muli %add3A_95, %mul3A_132 : i32
          %multiple_of3A_134 = tpu.assume_multiple %mul3A_133, 8 : i32
          "tpu.region"() ({
            %run_scoped3A = tpu.sem_alloc : memref<!tpu.dma_semaphore, #tpu.memory_space<semaphore_mem>>
            %dma_start3A = tpu.memref_slice %arg5[%multiple_of3A_134] : memref<40960xi32, #tpu.memory_space<hbm>> -> memref<32xi32, #tpu.memory_space<hbm>>
            %dma_start3A_141 = tpu.memref_slice %arg5[%multiple_of3A_134] : memref<40960xi32, #tpu.memory_space<hbm>> -> memref<32xi32, #tpu.memory_space<hbm>>
            tpu.enqueue_dma source(%dma_start3A_141 : memref<32xi32, #tpu.memory_space<hbm>>) target(%arg11 : memref<32xi32, #tpu.memory_space<vmem>>) target_semaphore(%run_scoped3A : memref<!tpu.dma_semaphore, #tpu.memory_space<semaphore_mem>>)
            %dma_wait3A = tpu.memref_slice %arg5[%multiple_of3A_134] : memref<40960xi32, #tpu.memory_space<hbm>> -> memref<32xi32, #tpu.memory_space<hbm>>
            %dma_wait3A_142 = tpu.memref_slice %arg5[%multiple_of3A_134] : memref<40960xi32, #tpu.memory_space<hbm>> -> memref<32xi32, #tpu.memory_space<hbm>>
            tpu.wait_dma2 semaphore(%run_scoped3A : memref<!tpu.dma_semaphore, #tpu.memory_space<semaphore_mem>>) src(%dma_wait3A_142 : memref<32xi32, #tpu.memory_space<hbm>>) dst(%arg11 : memref<32xi32, #tpu.memory_space<vmem>>)
            tpu.yield
          }) : () -> ()
          %scan3A_135 = arith.constant 0 : i32
          %scan3A_136 = arith.constant 0 : i32
          %scan3A_137 = arith.constant 32 : i32
          %scan3A_138 = arith.addi %scan3A_136, %scan3A_137 : i32
          %scan3A_139 = arith.constant 1 : i32
          scf.for %scan3A_141 = %scan3A_136 to %scan3A_138 step %scan3A_139  : i32 {
            %broadcast_in_dim3A_142 = vector.broadcast %scan3A_141 : i32 to vector<16xi32>
            %gather3A = tpu.vector_load_idx %arg11[%broadcast_in_dim3A_142] : memref<32xi32, #tpu.memory_space<vmem>>[vector<16xi32>], vector<16xi32>,
            %reduce_max3A_143 = arith.constant true
            %reduce_max3A_144 = vector.broadcast %reduce_max3A_143 : i1 to vector<16xi1>
            %reduce_max3A_145 = arith.constant -2147483648 : i32
            %reduce_max3A_146 = vector.broadcast %reduce_max3A_145 : i32 to vector<16xi32>
            %reduce_max3A_147 = arith.xori %gather3A, %reduce_max3A_146 : vector<16xi32>
            %reduce_max3A_148 = tpu.scan <max>, %reduce_max3A_147 masked %reduce_max3A_144 : vector<16xi32>, vector<16xi1> -> vector<16xi32>
            %reduce_max3A_149 = arith.xori %reduce_max3A_148, %reduce_max3A_146 : vector<16xi32>
            %reduce_max3A_150 = vector.extract %reduce_max3A_149[15] : i32 from vector<16xi32>
            %and3A_151 = arith.constant 65535 : i32
            %and3A_152 = arith.andi %reduce_max3A_150, %and3A_151 : i32
            %mul3A_153 = arith.constant 41728 : i32
            %mul3A_154 = arith.muli %scan3A_141, %mul3A_153 : i32
            %add3A_155 = arith.addi %mul3A_154, %and3A_152 : i32
            %multiple_of3A_156 = tpu.assume_multiple %add3A_155, 8 : i32
            %dma_start3A = arith.constant 0 : i32
            %dma_start3A_157 = tpu.memref_slice %arg9[%scan3A_141, %dma_start3A] : memref<32x128xi32, #tpu.memory_space<vmem>> -> memref<1x128xi32, #tpu.memory_space<vmem>>
            %dma_start3A_158 = tpu.memref_squeeze %dma_start3A_157 : memref<1x128xi32, #tpu.memory_space<vmem>> -> memref<128xi32, #tpu.memory_space<vmem>>
            %dma_start3A_159 = tpu.memref_slice %arg3[%multiple_of3A_156] : memref<1335424xi32, #tpu.memory_space<hbm>> -> memref<128xi32, #tpu.memory_space<hbm>>
            %dma_start3A_160 = arith.constant 0 : i32
            %dma_start3A_161 = tpu.memref_slice %arg9[%scan3A_141, %dma_start3A_160] : memref<32x128xi32, #tpu.memory_space<vmem>> -> memref<1x128xi32, #tpu.memory_space<vmem>>
            %dma_start3A_162 = tpu.memref_squeeze %dma_start3A_161 : memref<1x128xi32, #tpu.memory_space<vmem>> -> memref<128xi32, #tpu.memory_space<vmem>>
            %dma_start3A_163 = tpu.memref_slice %arg3[%multiple_of3A_156] : memref<1335424xi32, #tpu.memory_space<hbm>> -> memref<128xi32, #tpu.memory_space<hbm>>
            tpu.enqueue_dma source(%dma_start3A_163 : memref<128xi32, #tpu.memory_space<hbm>>) target(%dma_start3A_162 : memref<128xi32, #tpu.memory_space<vmem>>) target_semaphore(%arg19 : memref<!tpu.dma_semaphore, #tpu.memory_space<semaphore_mem>>)
            %dma_start3A_164 = arith.constant 0 : i32
            %dma_start3A_165 = tpu.memref_slice %arg10[%scan3A_141, %dma_start3A_164] : memref<32x128xf32, #tpu.memory_space<vmem>> -> memref<1x128xf32, #tpu.memory_space<vmem>>
            %dma_start3A_166 = tpu.memref_squeeze %dma_start3A_165 : memref<1x128xf32, #tpu.memory_space<vmem>> -> memref<128xf32, #tpu.memory_space<vmem>>
            %dma_start3A_167 = tpu.memref_slice %arg4[%multiple_of3A_156] : memref<1335424xf32, #tpu.memory_space<hbm>> -> memref<128xf32, #tpu.memory_space<hbm>>
            %dma_start3A_168 = arith.constant 0 : i32
            %dma_start3A_169 = tpu.memref_slice %arg10[%scan3A_141, %dma_start3A_168] : memref<32x128xf32, #tpu.memory_space<vmem>> -> memref<1x128xf32, #tpu.memory_space<vmem>>
            %dma_start3A_170 = tpu.memref_squeeze %dma_start3A_169 : memref<1x128xf32, #tpu.memory_space<vmem>> -> memref<128xf32, #tpu.memory_space<vmem>>
            %dma_start3A_171 = tpu.memref_slice %arg4[%multiple_of3A_156] : memref<1335424xf32, #tpu.memory_space<hbm>> -> memref<128xf32, #tpu.memory_space<hbm>>
            tpu.enqueue_dma source(%dma_start3A_171 : memref<128xf32, #tpu.memory_space<hbm>>) target(%dma_start3A_170 : memref<128xf32, #tpu.memory_space<vmem>>) target_semaphore(%arg19 : memref<!tpu.dma_semaphore, #tpu.memory_space<semaphore_mem>>)
            %dma_wait3A = arith.constant 0 : i32
            %dma_wait3A_172 = tpu.memref_slice %arg12[%scan3A_141, %dma_wait3A] : memref<32x128xi32, #tpu.memory_space<vmem>> -> memref<1x128xi32, #tpu.memory_space<vmem>>
            %dma_wait3A_173 = tpu.memref_squeeze %dma_wait3A_172 : memref<1x128xi32, #tpu.memory_space<vmem>> -> memref<128xi32, #tpu.memory_space<vmem>>
            %dma_wait3A_174 = arith.constant 0 : i32
            %dma_wait3A_175 = tpu.memref_slice %arg3[%dma_wait3A_174] : memref<1335424xi32, #tpu.memory_space<hbm>> -> memref<128xi32, #tpu.memory_space<hbm>>
            %dma_wait3A_176 = arith.constant 0 : i32
            %dma_wait3A_177 = tpu.memref_slice %arg12[%scan3A_141, %dma_wait3A_176] : memref<32x128xi32, #tpu.memory_space<vmem>> -> memref<1x128xi32, #tpu.memory_space<vmem>>
            %dma_wait3A_178 = tpu.memref_squeeze %dma_wait3A_177 : memref<1x128xi32, #tpu.memory_space<vmem>> -> memref<128xi32, #tpu.memory_space<vmem>>
            %dma_wait3A_179 = arith.constant 0 : i32
            %dma_wait3A_180 = tpu.memref_slice %arg3[%dma_wait3A_179] : memref<1335424xi32, #tpu.memory_space<hbm>> -> memref<128xi32, #tpu.memory_space<hbm>>
            tpu.wait_dma2 semaphore(%arg19 : memref<!tpu.dma_semaphore, #tpu.memory_space<semaphore_mem>>) src(%dma_wait3A_180 : memref<128xi32, #tpu.memory_space<hbm>>) dst(%dma_wait3A_178 : memref<128xi32, #tpu.memory_space<vmem>>)
            %dma_wait3A_181 = arith.constant 0 : i32
            %dma_wait3A_182 = tpu.memref_slice %arg13[%scan3A_141, %dma_wait3A_181] : memref<32x128xf32, #tpu.memory_space<vmem>> -> memref<1x128xf32, #tpu.memory_space<vmem>>
            %dma_wait3A_183 = tpu.memref_squeeze %dma_wait3A_182 : memref<1x128xf32, #tpu.memory_space<vmem>> -> memref<128xf32, #tpu.memory_space<vmem>>
            %dma_wait3A_184 = arith.constant 0 : i32
            %dma_wait3A_185 = tpu.memref_slice %arg4[%dma_wait3A_184] : memref<1335424xf32, #tpu.memory_space<hbm>> -> memref<128xf32, #tpu.memory_space<hbm>>
            %dma_wait3A_186 = arith.constant 0 : i32
            %dma_wait3A_187 = tpu.memref_slice %arg13[%scan3A_141, %dma_wait3A_186] : memref<32x128xf32, #tpu.memory_space<vmem>> -> memref<1x128xf32, #tpu.memory_space<vmem>>
            %dma_wait3A_188 = tpu.memref_squeeze %dma_wait3A_187 : memref<1x128xf32, #tpu.memory_space<vmem>> -> memref<128xf32, #tpu.memory_space<vmem>>
            %dma_wait3A_189 = arith.constant 0 : i32
            %dma_wait3A_190 = tpu.memref_slice %arg4[%dma_wait3A_189] : memref<1335424xf32, #tpu.memory_space<hbm>> -> memref<128xf32, #tpu.memory_space<hbm>>
            tpu.wait_dma2 semaphore(%arg19 : memref<!tpu.dma_semaphore, #tpu.memory_space<semaphore_mem>>) src(%dma_wait3A_190 : memref<128xf32, #tpu.memory_space<hbm>>) dst(%dma_wait3A_188 : memref<128xf32, #tpu.memory_space<vmem>>)
          }
          %scan3A_140 = arith.constant 32 : i32
        } else {
        }
        %ge3A_101 = arith.constant 1160 : i32
        %ge3A_102 = arith.cmpi sge, %add3A_95, %ge3A_101 : i32
        %convert_element_type3A_103 = arith.extui %ge3A_102 : i1 to i32
        %cond3A_104 = arith.constant 0 : i32
        %cond3A_105 = arith.cmpi ne, %convert_element_type3A_103, %cond3A_104 : i32
        scf.if %cond3A_105 {
          %scan3A_132 = arith.constant 0 : i32
          %scan3A_133 = arith.constant 0 : i32
          %scan3A_134 = arith.constant 32 : i32
          %scan3A_135 = arith.addi %scan3A_133, %scan3A_134 : i32
          %scan3A_136 = arith.constant 1 : i32
          scf.for %scan3A_138 = %scan3A_133 to %scan3A_135 step %scan3A_136  : i32 {
            %dma_wait3A = arith.constant 0 : i32
            %dma_wait3A_139 = tpu.memref_slice %arg12[%scan3A_138, %dma_wait3A] : memref<32x128xi32, #tpu.memory_space<vmem>> -> memref<1x128xi32, #tpu.memory_space<vmem>>
            %dma_wait3A_140 = tpu.memref_squeeze %dma_wait3A_139 : memref<1x128xi32, #tpu.memory_space<vmem>> -> memref<128xi32, #tpu.memory_space<vmem>>
            %dma_wait3A_141 = arith.constant 0 : i32
            %dma_wait3A_142 = tpu.memref_slice %arg3[%dma_wait3A_141] : memref<1335424xi32, #tpu.memory_space<hbm>> -> memref<128xi32, #tpu.memory_space<hbm>>
            %dma_wait3A_143 = arith.constant 0 : i32
            %dma_wait3A_144 = tpu.memref_slice %arg12[%scan3A_138, %dma_wait3A_143] : memref<32x128xi32, #tpu.memory_space<vmem>> -> memref<1x128xi32, #tpu.memory_space<vmem>>
            %dma_wait3A_145 = tpu.memref_squeeze %dma_wait3A_144 : memref<1x128xi32, #tpu.memory_space<vmem>> -> memref<128xi32, #tpu.memory_space<vmem>>
            %dma_wait3A_146 = arith.constant 0 : i32
            %dma_wait3A_147 = tpu.memref_slice %arg3[%dma_wait3A_146] : memref<1335424xi32, #tpu.memory_space<hbm>> -> memref<128xi32, #tpu.memory_space<hbm>>
            tpu.wait_dma2 semaphore(%arg19 : memref<!tpu.dma_semaphore, #tpu.memory_space<semaphore_mem>>) src(%dma_wait3A_147 : memref<128xi32, #tpu.memory_space<hbm>>) dst(%dma_wait3A_145 : memref<128xi32, #tpu.memory_space<vmem>>)
            %dma_wait3A_148 = arith.constant 0 : i32
            %dma_wait3A_149 = tpu.memref_slice %arg13[%scan3A_138, %dma_wait3A_148] : memref<32x128xf32, #tpu.memory_space<vmem>> -> memref<1x128xf32, #tpu.memory_space<vmem>>
            %dma_wait3A_150 = tpu.memref_squeeze %dma_wait3A_149 : memref<1x128xf32, #tpu.memory_space<vmem>> -> memref<128xf32, #tpu.memory_space<vmem>>
            %dma_wait3A_151 = arith.constant 0 : i32
            %dma_wait3A_152 = tpu.memref_slice %arg4[%dma_wait3A_151] : memref<1335424xf32, #tpu.memory_space<hbm>> -> memref<128xf32, #tpu.memory_space<hbm>>
            %dma_wait3A_153 = arith.constant 0 : i32
            %dma_wait3A_154 = tpu.memref_slice %arg13[%scan3A_138, %dma_wait3A_153] : memref<32x128xf32, #tpu.memory_space<vmem>> -> memref<1x128xf32, #tpu.memory_space<vmem>>
            %dma_wait3A_155 = tpu.memref_squeeze %dma_wait3A_154 : memref<1x128xf32, #tpu.memory_space<vmem>> -> memref<128xf32, #tpu.memory_space<vmem>>
            %dma_wait3A_156 = arith.constant 0 : i32
            %dma_wait3A_157 = tpu.memref_slice %arg4[%dma_wait3A_156] : memref<1335424xf32, #tpu.memory_space<hbm>> -> memref<128xf32, #tpu.memory_space<hbm>>
            tpu.wait_dma2 semaphore(%arg19 : memref<!tpu.dma_semaphore, #tpu.memory_space<semaphore_mem>>) src(%dma_wait3A_157 : memref<128xf32, #tpu.memory_space<hbm>>) dst(%dma_wait3A_155 : memref<128xf32, #tpu.memory_space<vmem>>)
          }
          %scan3A_137 = arith.constant 32 : i32
        } else {
        }
        %lt3A_106 = arith.constant 144 : i32
        %lt3A_107 = arith.cmpi slt, %reduce_max3A_70, %lt3A_106 : i32
        %convert_element_type3A_108 = arith.extui %lt3A_107 : i1 to i32
        %cond3A_109 = arith.constant 0 : i32
        %cond3A_110 = arith.cmpi ne, %convert_element_type3A_108, %cond3A_109 : i32
        scf.if %cond3A_110 {
          %dma_wait3A = arith.constant 0 : i32
          %dma_wait3A_132 = arith.constant 0 : i32
          %dma_wait3A_133 = tpu.memref_slice %arg2[%dma_wait3A, %dma_wait3A_132] : memref<64x1000000xf32, #tpu.memory_space<hbm>> -> memref<8x6912xf32, #tpu.memory_space<hbm>>
          %dma_wait3A_134 = arith.constant 0 : i32
          %dma_wait3A_135 = arith.constant 0 : i32
          %dma_wait3A_136 = tpu.memref_slice %arg2[%dma_wait3A_134, %dma_wait3A_135] : memref<64x1000000xf32, #tpu.memory_space<hbm>> -> memref<8x6912xf32, #tpu.memory_space<hbm>>
          tpu.wait_dma2 semaphore(%arg17 : memref<!tpu.dma_semaphore, #tpu.memory_space<semaphore_mem>>) src(%dma_wait3A_136 : memref<8x6912xf32, #tpu.memory_space<hbm>>) dst(%arg8 : memref<8x6912xf32, #tpu.memory_space<vmem>>)
        } else {
        }
        %eq3A_111 = arith.constant 144 : i32
        %eq3A_112 = arith.cmpi eq, %reduce_max3A_70, %eq3A_111 : i32
        %convert_element_type3A_113 = arith.extui %eq3A_112 : i1 to i32
        %cond3A_114 = arith.constant 0 : i32
        %cond3A_115 = arith.cmpi ne, %convert_element_type3A_113, %cond3A_114 : i32
        scf.if %cond3A_115 {
          %dma_wait3A = arith.constant 0 : i32
          %dma_wait3A_132 = arith.constant 0 : i32
          %dma_wait3A_133 = tpu.memref_slice %arg8[%dma_wait3A, %dma_wait3A_132] : memref<8x6912xf32, #tpu.memory_space<vmem>> -> memref<8x4736xf32, #tpu.memory_space<vmem>>
          %dma_wait3A_134 = arith.constant 0 : i32
          %dma_wait3A_135 = arith.constant 0 : i32
          %dma_wait3A_136 = tpu.memref_slice %arg2[%dma_wait3A_134, %dma_wait3A_135] : memref<64x1000000xf32, #tpu.memory_space<hbm>> -> memref<8x4736xf32, #tpu.memory_space<hbm>>
          %dma_wait3A_137 = arith.constant 0 : i32
          %dma_wait3A_138 = arith.constant 0 : i32
          %dma_wait3A_139 = tpu.memref_slice %arg8[%dma_wait3A_137, %dma_wait3A_138] : memref<8x6912xf32, #tpu.memory_space<vmem>> -> memref<8x4736xf32, #tpu.memory_space<vmem>>
          %dma_wait3A_140 = arith.constant 0 : i32
          %dma_wait3A_141 = arith.constant 0 : i32
          %dma_wait3A_142 = tpu.memref_slice %arg2[%dma_wait3A_140, %dma_wait3A_141] : memref<64x1000000xf32, #tpu.memory_space<hbm>> -> memref<8x4736xf32, #tpu.memory_space<hbm>>
          tpu.wait_dma2 semaphore(%arg17 : memref<!tpu.dma_semaphore, #tpu.memory_space<semaphore_mem>>) src(%dma_wait3A_142 : memref<8x4736xf32, #tpu.memory_space<hbm>>) dst(%dma_wait3A_139 : memref<8x4736xf32, #tpu.memory_space<vmem>>)
        } else {
        }
        %scan3A_116 = arith.constant 0 : i32
        %scan3A_117 = arith.constant 0 : i32
        %scan3A_118 = arith.constant 32 : i32
        %scan3A_119 = arith.addi %scan3A_117, %scan3A_118 : i32
        %scan3A_120 = arith.constant 1 : i32
        scf.for %scan3A_132 = %scan3A_117 to %scan3A_119 step %scan3A_120  : i32 {
          %broadcast_in_dim3A_133 = vector.broadcast %scan3A_132 : i32 to vector<16xi32>
          %gather3A = tpu.vector_load_idx %arg14[%broadcast_in_dim3A_133] : memref<32xi32, #tpu.memory_space<vmem>>[vector<16xi32>], vector<16xi32>,
          %reduce_max3A_134 = arith.constant true
          %reduce_max3A_135 = vector.broadcast %reduce_max3A_134 : i1 to vector<16xi1>
          %reduce_max3A_136 = arith.constant -2147483648 : i32
          %reduce_max3A_137 = vector.broadcast %reduce_max3A_136 : i32 to vector<16xi32>
          %reduce_max3A_138 = arith.xori %gather3A, %reduce_max3A_137 : vector<16xi32>
          %reduce_max3A_139 = tpu.scan <max>, %reduce_max3A_138 masked %reduce_max3A_135 : vector<16xi32>, vector<16xi1> -> vector<16xi32>
          %reduce_max3A_140 = arith.xori %reduce_max3A_139, %reduce_max3A_137 : vector<16xi32>
          %reduce_max3A_141 = vector.extract %reduce_max3A_140[15] : i32 from vector<16xi32>
          %and3A_142 = arith.constant 65535 : i32
          %and3A_143 = arith.andi %reduce_max3A_141, %and3A_142 : i32
          %shift_right_logical3A = arith.constant 16 : i32
          %shift_right_logical3A_144 = arith.shrui %reduce_max3A_141, %shift_right_logical3A : i32
          %and3A_145 = arith.constant 65535 : i32
          %and3A_146 = arith.andi %shift_right_logical3A_144, %and3A_145 : i32
          %min3A = arith.constant 128 : i32
          %min3A_147 = arith.minsi %and3A_146, %min3A : i32
          %add3A_148 = arith.constant 15 : i32
          %add3A_149 = arith.addi %min3A_147, %add3A_148 : i32
          %div3A_150 = arith.constant 16 : i32
          %div3A_151 = arith.divsi %add3A_149, %div3A_150 : i32
          %while3A = arith.constant 0 : i32
          %while3A_152 = arith.constant 0 : i32
          %while3A_153 = arith.subi %div3A_151, %while3A_152 : i32
          %while3A_154 = arith.addi %while3A_152, %while3A_153 : i32
          %while3A_155 = arith.constant 1 : i32
          %while3A_156 = arith.divsi %while3A_153, %while3A_155 : i32
          %while3A_157 = arith.muli %while3A_156, %while3A_155 : i32
          %while3A_158 = arith.addi %while3A_152, %while3A_157 : i32
          %while3A_159 = arith.constant 1 : i32
          scf.for %while3A_167 = %while3A_152 to %while3A_158 step %while3A_159  : i32 {
            %mul3A_168 = arith.constant 16 : i32
            %mul3A_169 = arith.muli %while3A_167, %mul3A_168 : i32
            %get3A = arith.index_cast %scan3A_132 : i32 to index
            %get3A_170 = arith.index_cast %mul3A_169 : i32 to index
            %get3A_171 = tpu.vector_load %arg12[%get3A, %get3A_170] {strides = array<i32>} : memref<32x128xi32, #tpu.memory_space<vmem>>, vector<16xi32>,
            %mul3A_172 = arith.constant 16 : i32
            %mul3A_173 = arith.muli %while3A_167, %mul3A_172 : i32
            %get3A_174 = arith.index_cast %scan3A_132 : i32 to index
            %get3A_175 = arith.index_cast %mul3A_173 : i32 to index
            %get3A_176 = tpu.vector_load %arg13[%get3A_174, %get3A_175] {strides = array<i32>} : memref<32x128xf32, #tpu.memory_space<vmem>>, vector<16xf32>,
            %mul3A_177 = arith.constant 16 : i32
            %mul3A_178 = arith.muli %while3A_167, %mul3A_177 : i32
            %add3A_179 = vector.broadcast %mul3A_178 : i32 to vector<16xi32>
            %add3A_180 = arith.addi %add3A_179, %iota3A : vector<16xi32>
            %lt3A_181 = vector.broadcast %and3A_146 : i32 to vector<16xi32>
            %lt3A_182 = arith.cmpi slt, %add3A_180, %lt3A_181 : vector<16xi32>
            %shift_right_logical3A_183 = arith.constant 13 : i32
            %shift_right_logical3A_184 = vector.broadcast %shift_right_logical3A_183 : i32 to vector<16xi32>
            %shift_right_logical3A_185 = arith.shrui %get3A_171, %shift_right_logical3A_184 : vector<16xi32>
            %and3A_186 = arith.constant 7 : i32
            %and3A_187 = vector.broadcast %and3A_186 : i32 to vector<16xi32>
            %and3A_188 = arith.andi %shift_right_logical3A_185, %and3A_187 : vector<16xi32>
            %and3A_189 = arith.constant 8191 : i32
            %and3A_190 = vector.broadcast %and3A_189 : i32 to vector<16xi32>
            %and3A_191 = arith.andi %get3A_171, %and3A_190 : vector<16xi32>
            tpu.vector_store_idx %arg8[%and3A_188, %and3A_191], %get3A_176 masked %lt3A_182 {add = true} : memref<8x6912xf32, #tpu.memory_space<vmem>>[vector<16xi32>, vector<16xi32>], vector<16xf32>, vector<16xi1>
          }
          %while3A_160 = arith.constant 1 : i32
          scf.for %while3A_167 = %while3A_158 to %while3A_154 step %while3A_160  : i32 {
            %mul3A_168 = arith.constant 16 : i32
            %mul3A_169 = arith.muli %while3A_167, %mul3A_168 : i32
            %get3A = arith.index_cast %scan3A_132 : i32 to index
            %get3A_170 = arith.index_cast %mul3A_169 : i32 to index
            %get3A_171 = tpu.vector_load %arg12[%get3A, %get3A_170] {strides = array<i32>} : memref<32x128xi32, #tpu.memory_space<vmem>>, vector<16xi32>,
            %mul3A_172 = arith.constant 16 : i32
            %mul3A_173 = arith.muli %while3A_167, %mul3A_172 : i32
            %get3A_174 = arith.index_cast %scan3A_132 : i32 to index
            %get3A_175 = arith.index_cast %mul3A_173 : i32 to index
            %get3A_176 = tpu.vector_load %arg13[%get3A_174, %get3A_175] {strides = array<i32>} : memref<32x128xf32, #tpu.memory_space<vmem>>, vector<16xf32>,
            %mul3A_177 = arith.constant 16 : i32
            %mul3A_178 = arith.muli %while3A_167, %mul3A_177 : i32
            %add3A_179 = vector.broadcast %mul3A_178 : i32 to vector<16xi32>
            %add3A_180 = arith.addi %add3A_179, %iota3A : vector<16xi32>
            %lt3A_181 = vector.broadcast %and3A_146 : i32 to vector<16xi32>
            %lt3A_182 = arith.cmpi slt, %add3A_180, %lt3A_181 : vector<16xi32>
            %shift_right_logical3A_183 = arith.constant 13 : i32
            %shift_right_logical3A_184 = vector.broadcast %shift_right_logical3A_183 : i32 to vector<16xi32>
            %shift_right_logical3A_185 = arith.shrui %get3A_171, %shift_right_logical3A_184 : vector<16xi32>
            %and3A_186 = arith.constant 7 : i32
            %and3A_187 = vector.broadcast %and3A_186 : i32 to vector<16xi32>
            %and3A_188 = arith.andi %shift_right_logical3A_185, %and3A_187 : vector<16xi32>
            %and3A_189 = arith.constant 8191 : i32
            %and3A_190 = vector.broadcast %and3A_189 : i32 to vector<16xi32>
            %and3A_191 = arith.andi %get3A_171, %and3A_190 : vector<16xi32>
            tpu.vector_store_idx %arg8[%and3A_188, %and3A_191], %get3A_176 masked %lt3A_182 {add = true} : memref<8x6912xf32, #tpu.memory_space<vmem>>[vector<16xi32>, vector<16xi32>], vector<16xf32>, vector<16xi1>
          }
          %mul3A_161 = arith.constant 41728 : i32
          %mul3A_162 = arith.muli %scan3A_132, %mul3A_161 : i32
          %add3A_163 = arith.addi %mul3A_162, %and3A_143 : i32
          %multiple_of3A_164 = tpu.assume_multiple %add3A_163, 8 : i32
          %while3A_165 = arith.constant 128 : i32
          %while3A_166 = scf.while (%while3A_167 = %while3A_165) : (i32) -> i32 {
            %lt3A_168 = arith.cmpi slt, %while3A_167, %and3A_146 : i32
            scf.condition(%lt3A_168) %while3A_167 : i32
          } do {
          ^bb0(%while3A_167: i32):
            %add3A_168 = arith.addi %multiple_of3A_164, %while3A_167 : i32
            %multiple_of3A_169 = tpu.assume_multiple %add3A_168, 8 : i32
            "tpu.region"() ({
              %run_scoped3A = tpu.sem_alloc : memref<!tpu.dma_semaphore, #tpu.memory_space<semaphore_mem>>
              %dma_start3A = arith.constant 0 : i32
              %dma_start3A_178 = tpu.memref_slice %arg12[%scan3A_132, %dma_start3A] : memref<32x128xi32, #tpu.memory_space<vmem>> -> memref<1x128xi32, #tpu.memory_space<vmem>>
              %dma_start3A_179 = tpu.memref_squeeze %dma_start3A_178 : memref<1x128xi32, #tpu.memory_space<vmem>> -> memref<128xi32, #tpu.memory_space<vmem>>
              %dma_start3A_180 = tpu.memref_slice %arg3[%multiple_of3A_169] : memref<1335424xi32, #tpu.memory_space<hbm>> -> memref<128xi32, #tpu.memory_space<hbm>>
              %dma_start3A_181 = arith.constant 0 : i32
              %dma_start3A_182 = tpu.memref_slice %arg12[%scan3A_132, %dma_start3A_181] : memref<32x128xi32, #tpu.memory_space<vmem>> -> memref<1x128xi32, #tpu.memory_space<vmem>>
              %dma_start3A_183 = tpu.memref_squeeze %dma_start3A_182 : memref<1x128xi32, #tpu.memory_space<vmem>> -> memref<128xi32, #tpu.memory_space<vmem>>
              %dma_start3A_184 = tpu.memref_slice %arg3[%multiple_of3A_169] : memref<1335424xi32, #tpu.memory_space<hbm>> -> memref<128xi32, #tpu.memory_space<hbm>>
              tpu.enqueue_dma source(%dma_start3A_184 : memref<128xi32, #tpu.memory_space<hbm>>) target(%dma_start3A_183 : memref<128xi32, #tpu.memory_space<vmem>>) target_semaphore(%run_scoped3A : memref<!tpu.dma_semaphore, #tpu.memory_space<semaphore_mem>>)
              %dma_wait3A = arith.constant 0 : i32
              %dma_wait3A_185 = tpu.memref_slice %arg12[%scan3A_132, %dma_wait3A] : memref<32x128xi32, #tpu.memory_space<vmem>> -> memref<1x128xi32, #tpu.memory_space<vmem>>
              %dma_wait3A_186 = tpu.memref_squeeze %dma_wait3A_185 : memref<1x128xi32, #tpu.memory_space<vmem>> -> memref<128xi32, #tpu.memory_space<vmem>>
              %dma_wait3A_187 = tpu.memref_slice %arg3[%multiple_of3A_169] : memref<1335424xi32, #tpu.memory_space<hbm>> -> memref<128xi32, #tpu.memory_space<hbm>>
              %dma_wait3A_188 = arith.constant 0 : i32
              %dma_wait3A_189 = tpu.memref_slice %arg12[%scan3A_132, %dma_wait3A_188] : memref<32x128xi32, #tpu.memory_space<vmem>> -> memref<1x128xi32, #tpu.memory_space<vmem>>
              %dma_wait3A_190 = tpu.memref_squeeze %dma_wait3A_189 : memref<1x128xi32, #tpu.memory_space<vmem>> -> memref<128xi32, #tpu.memory_space<vmem>>
              %dma_wait3A_191 = tpu.memref_slice %arg3[%multiple_of3A_169] : memref<1335424xi32, #tpu.memory_space<hbm>> -> memref<128xi32, #tpu.memory_space<hbm>>
              tpu.wait_dma2 semaphore(%run_scoped3A : memref<!tpu.dma_semaphore, #tpu.memory_space<semaphore_mem>>) src(%dma_wait3A_191 : memref<128xi32, #tpu.memory_space<hbm>>) dst(%dma_wait3A_190 : memref<128xi32, #tpu.memory_space<vmem>>)
              tpu.yield
            }) : () -> ()
            "tpu.region"() ({
              %run_scoped3A = tpu.sem_alloc : memref<!tpu.dma_semaphore, #tpu.memory_space<semaphore_mem>>
              %dma_start3A = arith.constant 0 : i32
              %dma_start3A_178 = tpu.memref_slice %arg13[%scan3A_132, %dma_start3A] : memref<32x128xf32, #tpu.memory_space<vmem>> -> memref<1x128xf32, #tpu.memory_space<vmem>>
              %dma_start3A_179 = tpu.memref_squeeze %dma_start3A_178 : memref<1x128xf32, #tpu.memory_space<vmem>> -> memref<128xf32, #tpu.memory_space<vmem>>
              %dma_start3A_180 = tpu.memref_slice %arg4[%multiple_of3A_169] : memref<1335424xf32, #tpu.memory_space<hbm>> -> memref<128xf32, #tpu.memory_space<hbm>>
              %dma_start3A_181 = arith.constant 0 : i32
              %dma_start3A_182 = tpu.memref_slice %arg13[%scan3A_132, %dma_start3A_181] : memref<32x128xf32, #tpu.memory_space<vmem>> -> memref<1x128xf32, #tpu.memory_space<vmem>>
              %dma_start3A_183 = tpu.memref_squeeze %dma_start3A_182 : memref<1x128xf32, #tpu.memory_space<vmem>> -> memref<128xf32, #tpu.memory_space<vmem>>
              %dma_start3A_184 = tpu.memref_slice %arg4[%multiple_of3A_169] : memref<1335424xf32, #tpu.memory_space<hbm>> -> memref<128xf32, #tpu.memory_space<hbm>>
              tpu.enqueue_dma source(%dma_start3A_184 : memref<128xf32, #tpu.memory_space<hbm>>) target(%dma_start3A_183 : memref<128xf32, #tpu.memory_space<vmem>>) target_semaphore(%run_scoped3A : memref<!tpu.dma_semaphore, #tpu.memory_space<semaphore_mem>>)
              %dma_wait3A = arith.constant 0 : i32
              %dma_wait3A_185 = tpu.memref_slice %arg13[%scan3A_132, %dma_wait3A] : memref<32x128xf32, #tpu.memory_space<vmem>> -> memref<1x128xf32, #tpu.memory_space<vmem>>
              %dma_wait3A_186 = tpu.memref_squeeze %dma_wait3A_185 : memref<1x128xf32, #tpu.memory_space<vmem>> -> memref<128xf32, #tpu.memory_space<vmem>>
              %dma_wait3A_187 = tpu.memref_slice %arg4[%multiple_of3A_169] : memref<1335424xf32, #tpu.memory_space<hbm>> -> memref<128xf32, #tpu.memory_space<hbm>>
              %dma_wait3A_188 = arith.constant 0 : i32
              %dma_wait3A_189 = tpu.memref_slice %arg13[%scan3A_132, %dma_wait3A_188] : memref<32x128xf32, #tpu.memory_space<vmem>> -> memref<1x128xf32, #tpu.memory_space<vmem>>
              %dma_wait3A_190 = tpu.memref_squeeze %dma_wait3A_189 : memref<1x128xf32, #tpu.memory_space<vmem>> -> memref<128xf32, #tpu.memory_space<vmem>>
              %dma_wait3A_191 = tpu.memref_slice %arg4[%multiple_of3A_169] : memref<1335424xf32, #tpu.memory_space<hbm>> -> memref<128xf32, #tpu.memory_space<hbm>>
              tpu.wait_dma2 semaphore(%run_scoped3A : memref<!tpu.dma_semaphore, #tpu.memory_space<semaphore_mem>>) src(%dma_wait3A_191 : memref<128xf32, #tpu.memory_space<hbm>>) dst(%dma_wait3A_190 : memref<128xf32, #tpu.memory_space<vmem>>)
              tpu.yield
            }) : () -> ()
            %scan3A_170 = arith.constant 0 : i32
            %scan3A_171 = arith.constant 0 : i32
            %scan3A_172 = arith.constant 8 : i32
            %scan3A_173 = arith.addi %scan3A_171, %scan3A_172 : i32
            %scan3A_174 = arith.constant 1 : i32
            scf.for %scan3A_178 = %scan3A_171 to %scan3A_173 step %scan3A_174  : i32 {
              %mul3A_179 = arith.constant 16 : i32
              %mul3A_180 = arith.muli %scan3A_178, %mul3A_179 : i32
              %get3A = arith.index_cast %scan3A_132 : i32 to index
              %get3A_181 = arith.index_cast %mul3A_180 : i32 to index
              %get3A_182 = tpu.vector_load %arg12[%get3A, %get3A_181] {strides = array<i32>} : memref<32x128xi32, #tpu.memory_space<vmem>>, vector<16xi32>,
              %mul3A_183 = arith.constant 16 : i32
              %mul3A_184 = arith.muli %scan3A_178, %mul3A_183 : i32
              %get3A_185 = arith.index_cast %scan3A_132 : i32 to index
              %get3A_186 = arith.index_cast %mul3A_184 : i32 to index
              %get3A_187 = tpu.vector_load %arg13[%get3A_185, %get3A_186] {strides = array<i32>} : memref<32x128xf32, #tpu.memory_space<vmem>>, vector<16xf32>,
              %mul3A_188 = arith.constant 16 : i32
              %mul3A_189 = arith.muli %scan3A_178, %mul3A_188 : i32
              %add3A_190 = arith.addi %while3A_167, %mul3A_189 : i32
              %add3A_191 = vector.broadcast %add3A_190 : i32 to vector<16xi32>
              %add3A_192 = arith.addi %add3A_191, %iota3A : vector<16xi32>
              %lt3A_193 = vector.broadcast %and3A_146 : i32 to vector<16xi32>
              %lt3A_194 = arith.cmpi slt, %add3A_192, %lt3A_193 : vector<16xi32>
              %shift_right_logical3A_195 = arith.constant 13 : i32
              %shift_right_logical3A_196 = vector.broadcast %shift_right_logical3A_195 : i32 to vector<16xi32>
              %shift_right_logical3A_197 = arith.shrui %get3A_182, %shift_right_logical3A_196 : vector<16xi32>
              %and3A_198 = arith.constant 7 : i32
              %and3A_199 = vector.broadcast %and3A_198 : i32 to vector<16xi32>
              %and3A_200 = arith.andi %shift_right_logical3A_197, %and3A_199 : vector<16xi32>
              %and3A_201 = arith.constant 8191 : i32
              %and3A_202 = vector.broadcast %and3A_201 : i32 to vector<16xi32>
              %and3A_203 = arith.andi %get3A_182, %and3A_202 : vector<16xi32>
              tpu.vector_store_idx %arg8[%and3A_200, %and3A_203], %get3A_187 masked %lt3A_194 {add = true} : memref<8x6912xf32, #tpu.memory_space<vmem>>[vector<16xi32>, vector<16xi32>], vector<16xf32>, vector<16xi1>
            }
            %scan3A_175 = arith.constant 8 : i32
            %add3A_176 = arith.constant 128 : i32
            %add3A_177 = arith.addi %while3A_167, %add3A_176 : i32
            scf.yield %add3A_177 : i32
          }
        }
        %scan3A_121 = arith.constant 32 : i32
        %lt3A_122 = arith.constant 144 : i32
        %lt3A_123 = arith.cmpi slt, %reduce_max3A_70, %lt3A_122 : i32
        %convert_element_type3A_124 = arith.extui %lt3A_123 : i1 to i32
        %cond3A_125 = arith.constant 0 : i32
        %cond3A_126 = arith.cmpi ne, %convert_element_type3A_124, %cond3A_125 : i32
        scf.if %cond3A_126 {
          %dma_start3A = tpu.memref_slice %arg6[%multiple_of3A_73, %multiple_of3A_76] : memref<64x1000000xf32, #tpu.memory_space<hbm>> -> memref<8x6912xf32, #tpu.memory_space<hbm>>
          %dma_start3A_132 = tpu.memref_slice %arg6[%multiple_of3A_73, %multiple_of3A_76] : memref<64x1000000xf32, #tpu.memory_space<hbm>> -> memref<8x6912xf32, #tpu.memory_space<hbm>>
          tpu.enqueue_dma source(%arg8 : memref<8x6912xf32, #tpu.memory_space<vmem>>) target(%dma_start3A_132 : memref<8x6912xf32, #tpu.memory_space<hbm>>) target_semaphore(%arg18 : memref<!tpu.dma_semaphore, #tpu.memory_space<semaphore_mem>>)
        } else {
        }
        %eq3A_127 = arith.constant 144 : i32
        %eq3A_128 = arith.cmpi eq, %reduce_max3A_70, %eq3A_127 : i32
        %convert_element_type3A_129 = arith.extui %eq3A_128 : i1 to i32
        %cond3A_130 = arith.constant 0 : i32
        %cond3A_131 = arith.cmpi ne, %convert_element_type3A_129, %cond3A_130 : i32
        scf.if %cond3A_131 {
          %dma_start3A = arith.constant 0 : i32
          %dma_start3A_132 = arith.constant 0 : i32
          %dma_start3A_133 = tpu.memref_slice %arg8[%dma_start3A, %dma_start3A_132] : memref<8x6912xf32, #tpu.memory_space<vmem>> -> memref<8x4736xf32, #tpu.memory_space<vmem>>
          %dma_start3A_134 = tpu.memref_slice %arg6[%multiple_of3A_73, %multiple_of3A_76] : memref<64x1000000xf32, #tpu.memory_space<hbm>> -> memref<8x4736xf32, #tpu.memory_space<hbm>>
          %dma_start3A_135 = tpu.memref_slice %arg6[%multiple_of3A_73, %multiple_of3A_76] : memref<64x1000000xf32, #tpu.memory_space<hbm>> -> memref<8x4736xf32, #tpu.memory_space<hbm>>
          %dma_start3A_136 = arith.constant 0 : i32
          %dma_start3A_137 = arith.constant 0 : i32
          %dma_start3A_138 = tpu.memref_slice %arg8[%dma_start3A_136, %dma_start3A_137] : memref<8x6912xf32, #tpu.memory_space<vmem>> -> memref<8x4736xf32, #tpu.memory_space<vmem>>
          tpu.enqueue_dma source(%dma_start3A_138 : memref<8x4736xf32, #tpu.memory_space<vmem>>) target(%dma_start3A_135 : memref<8x4736xf32, #tpu.memory_space<hbm>>) target_semaphore(%arg18 : memref<!tpu.dma_semaphore, #tpu.memory_space<semaphore_mem>>)
        } else {
        }
      } else {
      }
    }
    %scan3A_13 = arith.constant 20 : i32
    %sub3A = arith.constant 1159 : i32
    %sub3A_14 = arith.subi %sub3A, %add3A : i32
    %div3A = arith.constant 32 : i32
    %div3A_15 = arith.divsi %sub3A_14, %div3A : i32
    %mul3A_16 = arith.constant 32 : i32
    %mul3A_17 = arith.muli %div3A_15, %mul3A_16 : i32
    %add3A_18 = arith.addi %mul3A_17, %add3A : i32
    %and3A = arith.constant 1 : i32
    %and3A_19 = arith.andi %div3A_15, %and3A : i32
    %eq3A = arith.constant 0 : i32
    %eq3A_20 = arith.cmpi eq, %and3A_19, %eq3A : i32
    %convert_element_type3A = arith.extui %eq3A_20 : i1 to i32
    %cond3A = arith.constant 0 : i32
    %cond3A_21 = arith.cmpi ne, %convert_element_type3A, %cond3A : i32
    scf.if %cond3A_21 {
      %broadcast_in_dim3A = vector.broadcast %add3A_18 : i32 to vector<16xi32>
      %div3A_27 = arith.constant 145 : i32
      %div3A_28 = vector.broadcast %div3A_27 : i32 to vector<16xi32>
      %div3A_29 = arith.divsi %broadcast_in_dim3A, %div3A_28 : vector<16xi32>
      %reduce_max3A = arith.constant true
      %reduce_max3A_30 = vector.broadcast %reduce_max3A : i1 to vector<16xi1>
      %reduce_max3A_31 = arith.constant -2147483648 : i32
      %reduce_max3A_32 = vector.broadcast %reduce_max3A_31 : i32 to vector<16xi32>
      %reduce_max3A_33 = arith.xori %div3A_29, %reduce_max3A_32 : vector<16xi32>
      %reduce_max3A_34 = tpu.scan <max>, %reduce_max3A_33 masked %reduce_max3A_30 : vector<16xi32>, vector<16xi1> -> vector<16xi32>
      %reduce_max3A_35 = arith.xori %reduce_max3A_34, %reduce_max3A_32 : vector<16xi32>
      %reduce_max3A_36 = vector.extract %reduce_max3A_35[15] : i32 from vector<16xi32>
      %mul3A_37 = arith.constant 145 : i32
      %mul3A_38 = vector.broadcast %mul3A_37 : i32 to vector<16xi32>
      %mul3A_39 = arith.muli %div3A_29, %mul3A_38 : vector<16xi32>
      %sub3A_40 = arith.subi %broadcast_in_dim3A, %mul3A_39 : vector<16xi32>
      %reduce_max3A_41 = arith.constant true
      %reduce_max3A_42 = vector.broadcast %reduce_max3A_41 : i1 to vector<16xi1>
      %reduce_max3A_43 = arith.constant -2147483648 : i32
      %reduce_max3A_44 = vector.broadcast %reduce_max3A_43 : i32 to vector<16xi32>
      %reduce_max3A_45 = arith.xori %sub3A_40, %reduce_max3A_44 : vector<16xi32>
      %reduce_max3A_46 = tpu.scan <max>, %reduce_max3A_45 masked %reduce_max3A_42 : vector<16xi32>, vector<16xi1> -> vector<16xi32>
      %reduce_max3A_47 = arith.xori %reduce_max3A_46, %reduce_max3A_44 : vector<16xi32>
      %reduce_max3A_48 = vector.extract %reduce_max3A_47[15] : i32 from vector<16xi32>
      %lt3A = arith.constant 144 : i32
      %lt3A_49 = arith.cmpi slt, %reduce_max3A_48, %lt3A : i32
      %convert_element_type3A_50 = arith.extui %lt3A_49 : i1 to i32
      %cond3A_51 = arith.constant 0 : i32
      %cond3A_52 = arith.cmpi ne, %convert_element_type3A_50, %cond3A_51 : i32
      scf.if %cond3A_52 {
        %dma_wait3A = arith.constant 0 : i32
        %dma_wait3A_94 = arith.constant 0 : i32
        %dma_wait3A_95 = tpu.memref_slice %arg2[%dma_wait3A, %dma_wait3A_94] : memref<64x1000000xf32, #tpu.memory_space<hbm>> -> memref<8x6912xf32, #tpu.memory_space<hbm>>
        %dma_wait3A_96 = arith.constant 0 : i32
        %dma_wait3A_97 = arith.constant 0 : i32
        %dma_wait3A_98 = tpu.memref_slice %arg2[%dma_wait3A_96, %dma_wait3A_97] : memref<64x1000000xf32, #tpu.memory_space<hbm>> -> memref<8x6912xf32, #tpu.memory_space<hbm>>
        tpu.wait_dma2 semaphore(%arg16 : memref<!tpu.dma_semaphore, #tpu.memory_space<semaphore_mem>>) src(%dma_wait3A_98 : memref<8x6912xf32, #tpu.memory_space<hbm>>) dst(%arg7 : memref<8x6912xf32, #tpu.memory_space<vmem>>)
      } else {
      }
      %eq3A_53 = arith.constant 144 : i32
      %eq3A_54 = arith.cmpi eq, %reduce_max3A_48, %eq3A_53 : i32
      %convert_element_type3A_55 = arith.extui %eq3A_54 : i1 to i32
      %cond3A_56 = arith.constant 0 : i32
      %cond3A_57 = arith.cmpi ne, %convert_element_type3A_55, %cond3A_56 : i32
      scf.if %cond3A_57 {
        %dma_wait3A = arith.constant 0 : i32
        %dma_wait3A_94 = arith.constant 0 : i32
        %dma_wait3A_95 = tpu.memref_slice %arg7[%dma_wait3A, %dma_wait3A_94] : memref<8x6912xf32, #tpu.memory_space<vmem>> -> memref<8x4736xf32, #tpu.memory_space<vmem>>
        %dma_wait3A_96 = arith.constant 0 : i32
        %dma_wait3A_97 = arith.constant 0 : i32
        %dma_wait3A_98 = tpu.memref_slice %arg2[%dma_wait3A_96, %dma_wait3A_97] : memref<64x1000000xf32, #tpu.memory_space<hbm>> -> memref<8x4736xf32, #tpu.memory_space<hbm>>
        %dma_wait3A_99 = arith.constant 0 : i32
        %dma_wait3A_100 = arith.constant 0 : i32
        %dma_wait3A_101 = tpu.memref_slice %arg7[%dma_wait3A_99, %dma_wait3A_100] : memref<8x6912xf32, #tpu.memory_space<vmem>> -> memref<8x4736xf32, #tpu.memory_space<vmem>>
        %dma_wait3A_102 = arith.constant 0 : i32
        %dma_wait3A_103 = arith.constant 0 : i32
        %dma_wait3A_104 = tpu.memref_slice %arg2[%dma_wait3A_102, %dma_wait3A_103] : memref<64x1000000xf32, #tpu.memory_space<hbm>> -> memref<8x4736xf32, #tpu.memory_space<hbm>>
        tpu.wait_dma2 semaphore(%arg16 : memref<!tpu.dma_semaphore, #tpu.memory_space<semaphore_mem>>) src(%dma_wait3A_104 : memref<8x4736xf32, #tpu.memory_space<hbm>>) dst(%dma_wait3A_101 : memref<8x4736xf32, #tpu.memory_space<vmem>>)
      } else {
      }
      %sub3A_58 = arith.constant 32 : i32
      %sub3A_59 = arith.subi %add3A_18, %sub3A_58 : i32
      %broadcast_in_dim3A_60 = vector.broadcast %sub3A_59 : i32 to vector<16xi32>
      %div3A_61 = arith.constant 145 : i32
      %div3A_62 = vector.broadcast %div3A_61 : i32 to vector<16xi32>
      %div3A_63 = arith.divsi %broadcast_in_dim3A_60, %div3A_62 : vector<16xi32>
      %reduce_max3A_64 = arith.constant true
      %reduce_max3A_65 = vector.broadcast %reduce_max3A_64 : i1 to vector<16xi1>
      %reduce_max3A_66 = arith.constant -2147483648 : i32
      %reduce_max3A_67 = vector.broadcast %reduce_max3A_66 : i32 to vector<16xi32>
      %reduce_max3A_68 = arith.xori %div3A_63, %reduce_max3A_67 : vector<16xi32>
      %reduce_max3A_69 = tpu.scan <max>, %reduce_max3A_68 masked %reduce_max3A_65 : vector<16xi32>, vector<16xi1> -> vector<16xi32>
      %reduce_max3A_70 = arith.xori %reduce_max3A_69, %reduce_max3A_67 : vector<16xi32>
      %reduce_max3A_71 = vector.extract %reduce_max3A_70[15] : i32 from vector<16xi32>
      %mul3A_72 = arith.constant 145 : i32
      %mul3A_73 = vector.broadcast %mul3A_72 : i32 to vector<16xi32>
      %mul3A_74 = arith.muli %div3A_63, %mul3A_73 : vector<16xi32>
      %sub3A_75 = arith.subi %broadcast_in_dim3A_60, %mul3A_74 : vector<16xi32>
      %reduce_max3A_76 = arith.constant true
      %reduce_max3A_77 = vector.broadcast %reduce_max3A_76 : i1 to vector<16xi1>
      %reduce_max3A_78 = arith.constant -2147483648 : i32
      %reduce_max3A_79 = vector.broadcast %reduce_max3A_78 : i32 to vector<16xi32>
      %reduce_max3A_80 = arith.xori %sub3A_75, %reduce_max3A_79 : vector<16xi32>
      %reduce_max3A_81 = tpu.scan <max>, %reduce_max3A_80 masked %reduce_max3A_77 : vector<16xi32>, vector<16xi1> -> vector<16xi32>
      %reduce_max3A_82 = arith.xori %reduce_max3A_81, %reduce_max3A_79 : vector<16xi32>
      %reduce_max3A_83 = vector.extract %reduce_max3A_82[15] : i32 from vector<16xi32>
      %lt3A_84 = arith.constant 144 : i32
      %lt3A_85 = arith.cmpi slt, %reduce_max3A_83, %lt3A_84 : i32
      %convert_element_type3A_86 = arith.extui %lt3A_85 : i1 to i32
      %cond3A_87 = arith.constant 0 : i32
      %cond3A_88 = arith.cmpi ne, %convert_element_type3A_86, %cond3A_87 : i32
      scf.if %cond3A_88 {
        %dma_wait3A = arith.constant 0 : i32
        %dma_wait3A_94 = arith.constant 0 : i32
        %dma_wait3A_95 = tpu.memref_slice %arg2[%dma_wait3A, %dma_wait3A_94] : memref<64x1000000xf32, #tpu.memory_space<hbm>> -> memref<8x6912xf32, #tpu.memory_space<hbm>>
        %dma_wait3A_96 = arith.constant 0 : i32
        %dma_wait3A_97 = arith.constant 0 : i32
        %dma_wait3A_98 = tpu.memref_slice %arg2[%dma_wait3A_96, %dma_wait3A_97] : memref<64x1000000xf32, #tpu.memory_space<hbm>> -> memref<8x6912xf32, #tpu.memory_space<hbm>>
        tpu.wait_dma2 semaphore(%arg18 : memref<!tpu.dma_semaphore, #tpu.memory_space<semaphore_mem>>) src(%dma_wait3A_98 : memref<8x6912xf32, #tpu.memory_space<hbm>>) dst(%arg8 : memref<8x6912xf32, #tpu.memory_space<vmem>>)
      } else {
      }
      %eq3A_89 = arith.constant 144 : i32
      %eq3A_90 = arith.cmpi eq, %reduce_max3A_83, %eq3A_89 : i32
      %convert_element_type3A_91 = arith.extui %eq3A_90 : i1 to i32
      %cond3A_92 = arith.constant 0 : i32
      %cond3A_93 = arith.cmpi ne, %convert_element_type3A_91, %cond3A_92 : i32
      scf.if %cond3A_93 {
        %dma_wait3A = arith.constant 0 : i32
        %dma_wait3A_94 = arith.constant 0 : i32
        %dma_wait3A_95 = tpu.memref_slice %arg8[%dma_wait3A, %dma_wait3A_94] : memref<8x6912xf32, #tpu.memory_space<vmem>> -> memref<8x4736xf32, #tpu.memory_space<vmem>>
        %dma_wait3A_96 = arith.constant 0 : i32
        %dma_wait3A_97 = arith.constant 0 : i32
        %dma_wait3A_98 = tpu.memref_slice %arg2[%dma_wait3A_96, %dma_wait3A_97] : memref<64x1000000xf32, #tpu.memory_space<hbm>> -> memref<8x4736xf32, #tpu.memory_space<hbm>>
        %dma_wait3A_99 = arith.constant 0 : i32
        %dma_wait3A_100 = arith.constant 0 : i32
        %dma_wait3A_101 = tpu.memref_slice %arg8[%dma_wait3A_99, %dma_wait3A_100] : memref<8x6912xf32, #tpu.memory_space<vmem>> -> memref<8x4736xf32, #tpu.memory_space<vmem>>
        %dma_wait3A_102 = arith.constant 0 : i32
        %dma_wait3A_103 = arith.constant 0 : i32
        %dma_wait3A_104 = tpu.memref_slice %arg2[%dma_wait3A_102, %dma_wait3A_103] : memref<64x1000000xf32, #tpu.memory_space<hbm>> -> memref<8x4736xf32, #tpu.memory_space<hbm>>
        tpu.wait_dma2 semaphore(%arg18 : memref<!tpu.dma_semaphore, #tpu.memory_space<semaphore_mem>>) src(%dma_wait3A_104 : memref<8x4736xf32, #tpu.memory_space<hbm>>) dst(%dma_wait3A_101 : memref<8x4736xf32, #tpu.memory_space<vmem>>)
      } else {
      }
    } else {
    }
    %eq3A_22 = arith.constant 1 : i32
    %eq3A_23 = arith.cmpi eq, %and3A_19, %eq3A_22 : i32
    %convert_element_type3A_24 = arith.extui %eq3A_23 : i1 to i32
    %cond3A_25 = arith.constant 0 : i32
    %cond3A_26 = arith.cmpi ne, %convert_element_type3A_24, %cond3A_25 : i32
    scf.if %cond3A_26 {
      %broadcast_in_dim3A = vector.broadcast %add3A_18 : i32 to vector<16xi32>
      %div3A_27 = arith.constant 145 : i32
      %div3A_28 = vector.broadcast %div3A_27 : i32 to vector<16xi32>
      %div3A_29 = arith.divsi %broadcast_in_dim3A, %div3A_28 : vector<16xi32>
      %reduce_max3A = arith.constant true
      %reduce_max3A_30 = vector.broadcast %reduce_max3A : i1 to vector<16xi1>
      %reduce_max3A_31 = arith.constant -2147483648 : i32
      %reduce_max3A_32 = vector.broadcast %reduce_max3A_31 : i32 to vector<16xi32>
      %reduce_max3A_33 = arith.xori %div3A_29, %reduce_max3A_32 : vector<16xi32>
      %reduce_max3A_34 = tpu.scan <max>, %reduce_max3A_33 masked %reduce_max3A_30 : vector<16xi32>, vector<16xi1> -> vector<16xi32>
      %reduce_max3A_35 = arith.xori %reduce_max3A_34, %reduce_max3A_32 : vector<16xi32>
      %reduce_max3A_36 = vector.extract %reduce_max3A_35[15] : i32 from vector<16xi32>
      %mul3A_37 = arith.constant 145 : i32
      %mul3A_38 = vector.broadcast %mul3A_37 : i32 to vector<16xi32>
      %mul3A_39 = arith.muli %div3A_29, %mul3A_38 : vector<16xi32>
      %sub3A_40 = arith.subi %broadcast_in_dim3A, %mul3A_39 : vector<16xi32>
      %reduce_max3A_41 = arith.constant true
      %reduce_max3A_42 = vector.broadcast %reduce_max3A_41 : i1 to vector<16xi1>
      %reduce_max3A_43 = arith.constant -2147483648 : i32
      %reduce_max3A_44 = vector.broadcast %reduce_max3A_43 : i32 to vector<16xi32>
      %reduce_max3A_45 = arith.xori %sub3A_40, %reduce_max3A_44 : vector<16xi32>
      %reduce_max3A_46 = tpu.scan <max>, %reduce_max3A_45 masked %reduce_max3A_42 : vector<16xi32>, vector<16xi1> -> vector<16xi32>
      %reduce_max3A_47 = arith.xori %reduce_max3A_46, %reduce_max3A_44 : vector<16xi32>
      %reduce_max3A_48 = vector.extract %reduce_max3A_47[15] : i32 from vector<16xi32>
      %lt3A = arith.constant 144 : i32
      %lt3A_49 = arith.cmpi slt, %reduce_max3A_48, %lt3A : i32
      %convert_element_type3A_50 = arith.extui %lt3A_49 : i1 to i32
      %cond3A_51 = arith.constant 0 : i32
      %cond3A_52 = arith.cmpi ne, %convert_element_type3A_50, %cond3A_51 : i32
      scf.if %cond3A_52 {
        %dma_wait3A = arith.constant 0 : i32
        %dma_wait3A_94 = arith.constant 0 : i32
        %dma_wait3A_95 = tpu.memref_slice %arg2[%dma_wait3A, %dma_wait3A_94] : memref<64x1000000xf32, #tpu.memory_space<hbm>> -> memref<8x6912xf32, #tpu.memory_space<hbm>>
        %dma_wait3A_96 = arith.constant 0 : i32
        %dma_wait3A_97 = arith.constant 0 : i32
        %dma_wait3A_98 = tpu.memref_slice %arg2[%dma_wait3A_96, %dma_wait3A_97] : memref<64x1000000xf32, #tpu.memory_space<hbm>> -> memref<8x6912xf32, #tpu.memory_space<hbm>>
        tpu.wait_dma2 semaphore(%arg18 : memref<!tpu.dma_semaphore, #tpu.memory_space<semaphore_mem>>) src(%dma_wait3A_98 : memref<8x6912xf32, #tpu.memory_space<hbm>>) dst(%arg8 : memref<8x6912xf32, #tpu.memory_space<vmem>>)
      } else {
      }
      %eq3A_53 = arith.constant 144 : i32
      %eq3A_54 = arith.cmpi eq, %reduce_max3A_48, %eq3A_53 : i32
      %convert_element_type3A_55 = arith.extui %eq3A_54 : i1 to i32
      %cond3A_56 = arith.constant 0 : i32
      %cond3A_57 = arith.cmpi ne, %convert_element_type3A_55, %cond3A_56 : i32
      scf.if %cond3A_57 {
        %dma_wait3A = arith.constant 0 : i32
        %dma_wait3A_94 = arith.constant 0 : i32
        %dma_wait3A_95 = tpu.memref_slice %arg8[%dma_wait3A, %dma_wait3A_94] : memref<8x6912xf32, #tpu.memory_space<vmem>> -> memref<8x4736xf32, #tpu.memory_space<vmem>>
        %dma_wait3A_96 = arith.constant 0 : i32
        %dma_wait3A_97 = arith.constant 0 : i32
        %dma_wait3A_98 = tpu.memref_slice %arg2[%dma_wait3A_96, %dma_wait3A_97] : memref<64x1000000xf32, #tpu.memory_space<hbm>> -> memref<8x4736xf32, #tpu.memory_space<hbm>>
        %dma_wait3A_99 = arith.constant 0 : i32
        %dma_wait3A_100 = arith.constant 0 : i32
        %dma_wait3A_101 = tpu.memref_slice %arg8[%dma_wait3A_99, %dma_wait3A_100] : memref<8x6912xf32, #tpu.memory_space<vmem>> -> memref<8x4736xf32, #tpu.memory_space<vmem>>
        %dma_wait3A_102 = arith.constant 0 : i32
        %dma_wait3A_103 = arith.constant 0 : i32
        %dma_wait3A_104 = tpu.memref_slice %arg2[%dma_wait3A_102, %dma_wait3A_103] : memref<64x1000000xf32, #tpu.memory_space<hbm>> -> memref<8x4736xf32, #tpu.memory_space<hbm>>
        tpu.wait_dma2 semaphore(%arg18 : memref<!tpu.dma_semaphore, #tpu.memory_space<semaphore_mem>>) src(%dma_wait3A_104 : memref<8x4736xf32, #tpu.memory_space<hbm>>) dst(%dma_wait3A_101 : memref<8x4736xf32, #tpu.memory_space<vmem>>)
      } else {
      }
      %sub3A_58 = arith.constant 32 : i32
      %sub3A_59 = arith.subi %add3A_18, %sub3A_58 : i32
      %broadcast_in_dim3A_60 = vector.broadcast %sub3A_59 : i32 to vector<16xi32>
      %div3A_61 = arith.constant 145 : i32
      %div3A_62 = vector.broadcast %div3A_61 : i32 to vector<16xi32>
      %div3A_63 = arith.divsi %broadcast_in_dim3A_60, %div3A_62 : vector<16xi32>
      %reduce_max3A_64 = arith.constant true
      %reduce_max3A_65 = vector.broadcast %reduce_max3A_64 : i1 to vector<16xi1>
      %reduce_max3A_66 = arith.constant -2147483648 : i32
      %reduce_max3A_67 = vector.broadcast %reduce_max3A_66 : i32 to vector<16xi32>
      %reduce_max3A_68 = arith.xori %div3A_63, %reduce_max3A_67 : vector<16xi32>
      %reduce_max3A_69 = tpu.scan <max>, %reduce_max3A_68 masked %reduce_max3A_65 : vector<16xi32>, vector<16xi1> -> vector<16xi32>
      %reduce_max3A_70 = arith.xori %reduce_max3A_69, %reduce_max3A_67 : vector<16xi32>
      %reduce_max3A_71 = vector.extract %reduce_max3A_70[15] : i32 from vector<16xi32>
      %mul3A_72 = arith.constant 145 : i32
      %mul3A_73 = vector.broadcast %mul3A_72 : i32 to vector<16xi32>
      %mul3A_74 = arith.muli %div3A_63, %mul3A_73 : vector<16xi32>
      %sub3A_75 = arith.subi %broadcast_in_dim3A_60, %mul3A_74 : vector<16xi32>
      %reduce_max3A_76 = arith.constant true
      %reduce_max3A_77 = vector.broadcast %reduce_max3A_76 : i1 to vector<16xi1>
      %reduce_max3A_78 = arith.constant -2147483648 : i32
      %reduce_max3A_79 = vector.broadcast %reduce_max3A_78 : i32 to vector<16xi32>
      %reduce_max3A_80 = arith.xori %sub3A_75, %reduce_max3A_79 : vector<16xi32>
      %reduce_max3A_81 = tpu.scan <max>, %reduce_max3A_80 masked %reduce_max3A_77 : vector<16xi32>, vector<16xi1> -> vector<16xi32>
      %reduce_max3A_82 = arith.xori %reduce_max3A_81, %reduce_max3A_79 : vector<16xi32>
      %reduce_max3A_83 = vector.extract %reduce_max3A_82[15] : i32 from vector<16xi32>
      %lt3A_84 = arith.constant 144 : i32
      %lt3A_85 = arith.cmpi slt, %reduce_max3A_83, %lt3A_84 : i32
      %convert_element_type3A_86 = arith.extui %lt3A_85 : i1 to i32
      %cond3A_87 = arith.constant 0 : i32
      %cond3A_88 = arith.cmpi ne, %convert_element_type3A_86, %cond3A_87 : i32
      scf.if %cond3A_88 {
        %dma_wait3A = arith.constant 0 : i32
        %dma_wait3A_94 = arith.constant 0 : i32
        %dma_wait3A_95 = tpu.memref_slice %arg2[%dma_wait3A, %dma_wait3A_94] : memref<64x1000000xf32, #tpu.memory_space<hbm>> -> memref<8x6912xf32, #tpu.memory_space<hbm>>
        %dma_wait3A_96 = arith.constant 0 : i32
        %dma_wait3A_97 = arith.constant 0 : i32
        %dma_wait3A_98 = tpu.memref_slice %arg2[%dma_wait3A_96, %dma_wait3A_97] : memref<64x1000000xf32, #tpu.memory_space<hbm>> -> memref<8x6912xf32, #tpu.memory_space<hbm>>
        tpu.wait_dma2 semaphore(%arg16 : memref<!tpu.dma_semaphore, #tpu.memory_space<semaphore_mem>>) src(%dma_wait3A_98 : memref<8x6912xf32, #tpu.memory_space<hbm>>) dst(%arg7 : memref<8x6912xf32, #tpu.memory_space<vmem>>)
      } else {
      }
      %eq3A_89 = arith.constant 144 : i32
      %eq3A_90 = arith.cmpi eq, %reduce_max3A_83, %eq3A_89 : i32
      %convert_element_type3A_91 = arith.extui %eq3A_90 : i1 to i32
      %cond3A_92 = arith.constant 0 : i32
      %cond3A_93 = arith.cmpi ne, %convert_element_type3A_91, %cond3A_92 : i32
      scf.if %cond3A_93 {
        %dma_wait3A = arith.constant 0 : i32
        %dma_wait3A_94 = arith.constant 0 : i32
        %dma_wait3A_95 = tpu.memref_slice %arg7[%dma_wait3A, %dma_wait3A_94] : memref<8x6912xf32, #tpu.memory_space<vmem>> -> memref<8x4736xf32, #tpu.memory_space<vmem>>
        %dma_wait3A_96 = arith.constant 0 : i32
        %dma_wait3A_97 = arith.constant 0 : i32
        %dma_wait3A_98 = tpu.memref_slice %arg2[%dma_wait3A_96, %dma_wait3A_97] : memref<64x1000000xf32, #tpu.memory_space<hbm>> -> memref<8x4736xf32, #tpu.memory_space<hbm>>
        %dma_wait3A_99 = arith.constant 0 : i32
        %dma_wait3A_100 = arith.constant 0 : i32
        %dma_wait3A_101 = tpu.memref_slice %arg7[%dma_wait3A_99, %dma_wait3A_100] : memref<8x6912xf32, #tpu.memory_space<vmem>> -> memref<8x4736xf32, #tpu.memory_space<vmem>>
        %dma_wait3A_102 = arith.constant 0 : i32
        %dma_wait3A_103 = arith.constant 0 : i32
        %dma_wait3A_104 = tpu.memref_slice %arg2[%dma_wait3A_102, %dma_wait3A_103] : memref<64x1000000xf32, #tpu.memory_space<hbm>> -> memref<8x4736xf32, #tpu.memory_space<hbm>>
        tpu.wait_dma2 semaphore(%arg16 : memref<!tpu.dma_semaphore, #tpu.memory_space<semaphore_mem>>) src(%dma_wait3A_104 : memref<8x4736xf32, #tpu.memory_space<hbm>>) dst(%dma_wait3A_101 : memref<8x4736xf32, #tpu.memory_space<vmem>>)
      } else {
      }
    } else {
    }
    return
  }
}

</mosaic_0001>

<sc_bundles>
// kernel: kernel.4.cloned.1.call-start
scs
__scs_entry_jumppad:
0x0: {  	(pc) =	sbr.rel $0x88, $3  }
0x1: {  	(tag) =	ssettag $0x0;
	lr =	simm.s32 $0x1  }
0x2: {  	[smem:$0x3F9E] =	sst lr;
	_ =	strace $0xD0000000  }
0x3: {  	_ = 	snop  }
0x4: {  	_ = 	snop  }
0x5: {  	_ = 	snop  }
0x6: {  	_ = 	snop  }
0x7: {  	_ = 	snop  }
__scs_overlays_trampoline_lowered:
0x8: {  	[smem:$0x3FAD] =	sst s0  }
0x9: {  	[smem:$0x3FAE] =	sst s1  }
0xa: {  	[smem:$0x3FAF] =	sst s2  }
0xb: {  	[smem:$0x3FB0] =	sst s3  }
0xc: {  	[smem:$0x3FB1] =	sst s4  }
0xd: {  	[smem:$0x3FB2] =	sst s5  }
0xe: {  	[smem:$0x3FB3] =	sst s6  }
0xf: {  	[smem:$0x3FB4] =	sst s7  }
0x10: {  	[smem:$0x3FB5] =	sst s8  }
0x11: {  	[smem:$0x3FB6] =	sst s9;
	s0 =	simm.s32 @!p0 $0x0  }
0x12: {  	s1 =	sld [smem:$0x3F9C];
	s0 =	simm.s32 @p0 $0x1  }
0x13: {  	[smem:$0x3FB7] =	sst s0;
	s0 =	simm.s32 @!p1 $0x0  }
0x14: {  	s2 =	sld [smem:$0x3F9B];
	s0 =	simm.s32 @p1 $0x1  }
0x15: {  	[smem:$0x3FB8] =	sst s0;
	s0 =	simm.s32 @!p2 $0x0  }
0x16: {  	s3 =	sld [smem:$0x3FDB];
	s0 =	simm.s32 @p2 $0x1  }
0x17: {  	s4 =	simm.s32 $0x1BF5;
	[smem:$0x3FBA] =	sst s0  }
0x18: {  	s0 =	sld [smem:$0x3F9D];
	_ =	swait.ge [sflag:s4], $0x0  }
0x19: {  	s7 =	sld [smem:$0x3F9E]  }
0x1a: {  	s8 =	sadd.s32 $0xFFFFE003, lr  }
0x1b: {  	s9 =	sadd.s32 $0xFFFFFEF7, lr;
	s5 =	simm.s32 $0xFFFFFFFF;
	p2 =	slt.u32 s8, $0xFFFFF086  }
0x1c: {  	p1 =	slt.u32 s9, $0xF7A;
	s5 =	simm.s32 @!p2 $0x0  }
0x1d: {  	s5 =	simm.s32 @p1 $0x1;
	p0 =	seq.s32 s7, s2  }
0x1e: {  	s7 =	smul.u32 @!p0 $0xF7A, s2;
	p2 =	seq.s32 @!p0 s5, $0x0  }
0x1f: {  	s9 =	smul.u32 $0xF7A, s1;
	s8 =	simm.s32 @!p0 $0x1BF5;
	p2 =	por !p2, p0  }
0x20: {  	[sflag:s8] =	ssyncset.s32 @!p0 $0xFFFFF086;
	s6 =	sadd.s32 @!p0 s3, s7;
	s7 =	simm.s32 @!p0 $0x108  }
0x21: {  	s3 =	sadd.s32 s3, s9;
	s6 =	sadd.s32 @!p0 $0x88, s6;
	s7 =	simm.s32 @p2 $0x1082  }
0x22: {  	[simem:s7], [sflag:s8] =	dma.local @!p0 [hbm:s6], $0xF7A  }
0x23: {  	s9 =	sor.u32 $0xD0000000, s2;
	s6 =	simm.s32 $0x108;
	_ =	swait.ge @!p0 [sflag:s8], $0x0  }
0x24: {  	s3 =	sadd.s32 $0x88, s3;
	s6 =	simm.s32 @!p1 $0x1082;
	[sflag:s4] =	ssyncset.s32 $0xFFFFF086  }
0x25: {  	[simem:s6], [sflag:s4] =	dma.local [hbm:s3], $0xF7A  }
0x26: {  	[smem:$0x3F9E] =	sst s1;
	(tag) =	ssettag s2;
	_ =	strace s9  }
0x27: {  	s1 =	sld [smem:$0x3FAE]  }
0x28: {  	s2 =	sld [smem:$0x3FAF]  }
0x29: {  	s4 =	sld [smem:$0x3FB1]  }
0x2a: {  	p0 =	seq.s32 s5, $0x0;
	s5 =	sld [smem:$0x3FB2]  }
0x2b: {  	s6 =	sld [smem:$0x3FB3]  }
0x2c: {  	s7 =	sld [smem:$0x3FB4]  }
0x2d: {  	s3 =	simm.s32 $0x108;
	s8 =	sld [smem:$0x3FB5]  }
0x2e: {  	s3 =	simm.s32 @!p0 $0x1082;
	s9 =	sld [smem:$0x3FB6]  }
0x2f: {  	lr =	sadd.s32 s0, s3;
	s0 =	sld [smem:$0x3FAD]  }
0x30: {  	s3 =	sld [smem:$0x3FB0]  }
0x31: {  	[smem:$0x3FB9] =	sst s10  }
0x32: {  	s10 =	sld [smem:$0x3FB7];
	_ =	sdelay $0x3  }
0x33: {  	p0 =	seq.s32 s10, $0x1;
	s10 =	sld [smem:$0x3FB9];
	_ =	sdelay $0x3  }
0x34: {  	[smem:$0x3FB9] =	sst s10  }
0x35: {  	s10 =	sld [smem:$0x3FB8];
	_ =	sdelay $0x3  }
0x36: {  	p1 =	seq.s32 s10, $0x1;
	s10 =	sld [smem:$0x3FB9];
	_ =	sdelay $0x3  }
0x37: {  	[smem:$0x3FB9] =	sst s10  }
0x38: {  	s10 =	sld [smem:$0x3FBA]  }
0x39: {  	_ = 	snop;
	(pc) =	sbr.ind lr, $3  }
0x3a: {  	_ = 	snop  }
0x3b: {  	_ = 	snop  }
0x3c: {  	p2 =	seq.s32 s10, $0x1;
	s10 =	sld [smem:$0x3FB9]  }
0x3d: {  	_ =	shalt  }
0x3e: {  	_ =	shalt  }
0x3f: {  	_ =	shalt  }
0x40: {  	_ =	shalt  }
0x41: {  	_ =	shalt  }
0x42: {  	_ =	shalt  }
0x43: {  	_ =	shalt  }
0x44: {  	_ =	shalt  }
0x45: {  	_ =	shalt  }
0x46: {  	_ =	shalt  }
0x47: {  	_ =	shalt  }
0x48: {  	_ =	shalt  }
0x49: {  	_ =	shalt  }
0x4a: {  	_ =	shalt  }
0x4b: {  	_ =	shalt  }
0x4c: {  	_ =	shalt  }
0x4d: {  	_ =	shalt  }
0x4e: {  	_ =	shalt  }
0x4f: {  	_ =	shalt  }
0x50: {  	_ =	shalt  }
0x51: {  	_ =	shalt  }
0x52: {  	_ =	shalt  }
0x53: {  	_ =	shalt  }
0x54: {  	_ =	shalt  }
0x55: {  	_ =	shalt  }
0x56: {  	_ =	shalt  }
0x57: {  	_ =	shalt  }
0x58: {  	_ =	shalt  }
0x59: {  	_ =	shalt  }
0x5a: {  	_ =	shalt  }
0x5b: {  	_ =	shalt  }
0x5c: {  	_ =	shalt  }
0x5d: {  	_ =	shalt  }
0x5e: {  	_ =	shalt  }
0x5f: {  	_ =	shalt  }
0x60: {  	_ =	shalt  }
0x61: {  	_ =	shalt  }
0x62: {  	_ =	shalt  }
0x63: {  	_ =	shalt  }
0x64: {  	_ =	shalt  }
0x65: {  	_ =	shalt  }
0x66: {  	_ =	shalt  }
0x67: {  	_ =	shalt  }
0x68: {  	_ =	shalt  }
0x69: {  	_ =	shalt  }
0x6a: {  	_ =	shalt  }
0x6b: {  	_ =	shalt  }
0x6c: {  	_ =	shalt  }
0x6d: {  	_ =	shalt  }
0x6e: {  	_ =	shalt  }
0x6f: {  	_ =	shalt  }
0x70: {  	_ =	shalt  }
0x71: {  	_ =	shalt  }
0x72: {  	_ =	shalt  }
0x73: {  	_ =	shalt  }
0x74: {  	_ =	shalt  }
0x75: {  	_ =	shalt  }
0x76: {  	_ =	shalt  }
0x77: {  	_ =	shalt  }
0x78: {  	_ =	shalt  }
0x79: {  	_ =	shalt  }
0x7a: {  	_ =	shalt  }
0x7b: {  	_ =	shalt  }
0x7c: {  	_ =	shalt  }
0x7d: {  	_ =	shalt  }
0x7e: {  	_ =	shalt  }
0x7f: {  	_ =	shalt  }
0x80: {  	_ =	shalt  }
0x81: {  	_ =	shalt  }
0x82: {  	_ =	shalt  }
0x83: {  	_ =	shalt  }
0x84: {  	_ =	shalt  }
0x85: {  	_ =	shalt  }
0x86: {  	_ =	shalt  }
0x87: {  	_ =	shalt  }
.Lfunc_end0:
.L_simem_size_0:
called_computation_lowered:
.L_overlay_start_0:
0x88: {  	s2 =	sld [smem:$0x3FD9]  }
0x89: {  	s3 =	sld [smem:$0x3FFE];
	_ =	sdelay $0x1  }
0x8a: {  	s1 =	srdreg.scid  }
0x8b: {  	s0 =	sand.u32 $0x1, s1  }
0x8c: {  	s17 =	sshll.u32 s0, $0xA;
	s2 =	sadd.s32 s3, s2  }
0x8d: {  	s2 =	sadd.s32 s2, s17  }
0x8e: {  	[smem:$0x3FC5] =	sst s2  }
0x8f: {  	_ = 	snop  }
0x90: {  	s2 =	sld [smem:$0x3FC8]  }
0x91: {  	s18 =	sld [smem:$0x3FC7];
	(tm) =	ssettm $0x1  }
0x92: {  	s4 =	sld [smem:$0x3FFB];
	_ =	sdelay $0x3  }
0x93: {  	_ =	strace s4  }
0x94: {  	s4 =	sld [smem:$0x3FFC];
	_ =	sdelay $0x3  }
0x95: {  	_ =	strace s4  }
0x96: {  	s4 =	sld [smem:$0x3FFD];
	_ =	sdelay $0x3  }
0x97: {  	_ =	strace s4  }
0x98: {  	_ =	strace $0x8FFFFFFF  }
0x99: {  	s19 =	sld [smem:$0x3FDB];
	_ =	sdelay $0x1  }
0x9a: {  	s5 =	simm.s32 $_scs_section_size  }
0x9b: {  	s6 =	simm.s32 $_size__tile_overlayer_lowered;
	s7 =	simm.s32 $_tile_overlayer_lowered  }
0x9c: {  	s22 =	simm.s32 $0x1BFF;
	s21 =	sshll.u32 s7, $0x1;
	s4 =	sadd.s32 s5, s19  }
0x9d: {  	s8 =	simm.s32 $0x0;
	s20 =	sshll.u32 s6, $0x1;
	s6 =	sadd.s32 s21, s4  }
0x9e: {  	[timem:s8], [sflag:s22] =	dma.local [hbm:s6], s20  }
0x9f: {  	_ =	swait.ge [sflag:s22], s20  }
0xa0: {  	s5 =	ssub.s32 $0x0, s20;
	[sflag:s22] =	ssyncset.done $0x0  }
0xa1: {  	[sflag:s22] =	ssyncadd.s32 s5;
	_ =	sdelay $0x1  }
0xa2: {  	s23 =	simm.s32 $0x1B8B  }
0xa3: {  	_ =	swait.ge [sflag:s23], $0x1  }
0xa4: {  	[sflag:s23] =	ssyncset.done $0x0  }
0xa5: {  	s25 =	simm.s32 $0x1B8E;
	s24 =	sld [smem:$0x3FFE];
	[sflag:s23] =	ssyncadd.s32 $0xFFFFFFFF  }
0xa6: {  	s26 =	simm.s32 $execute0_lowered;
	[smem:$0x3FD2] =	sst s25  }
0xa7: {  	s6 =	sshll.u32 s26, $0x1;
	_ =	strace $0x80000046;
	[dreg:$0x1] =	wrdreg $0xFFFFFFFF  }
0xa8: {  	s28 =	simm.s32 $_size_execute0_lowered;
	s4 =	sadd.s32 s4, s6;
	[dreg:$0x0] =	wrdreg $0x0  }
0xa9: {  	s6 =	sshll.u32 s28, $0x1;
	[dreg:$0x2] =	wrdreg s4  }
0xaa: {  	[dreg:$0x3] =	wrdreg s6  }
0xab: {  	[dreg:$0x4] =	wrdreg $0xC0  }
0xac: {  	_ =	task [dreg:s8], $0x5FFFF  }
0xad: {  	[dreg:$0x1] =	wrdreg $0xFFFFFFFF  }
0xae: {  	[dreg:$0x0] =	wrdreg $0x60  }
0xaf: {  	[dreg:$0x2] =	wrdreg s2  }
0xb0: {  	[dreg:$0x3] =	wrdreg s18  }
0xb1: {  	[dreg:$0x4] =	wrdreg s24  }
0xb2: {  	[dreg:$0x5] =	wrdreg $0x9  }
0xb3: {  	_ =	task.clear_ibuf [dreg:s8], $0x6FFFF;
	_ =	strace $0x90000046  }
0xb4: {  	s29 =	simm.s32 $0x9;
	_ =	strace $0x80000048  }
0xb5: {  	_ =	swait.ge [sflag:s29], $0x1  }
0xb6: {  	[sflag:s29] =	ssyncadd.s32 $0xFFFFFFFF  }
0xb7: {  	_ =	strace $0x90000048  }
0xb8: {  	_ =	sfence  }
0xb9: {  	s30 =	sld [smem:$0x0];
	_ =	sdelay $0x2  }
0xba: {  	s31 =	sshll.u32 s1, $0xD;
	s1 =	sshrl.u32 s1, $0x2  }
0xbb: {  	s3 =	sand.u32 $0x4000, s31;
	s1 =	sadd.s32 s1, s30  }
0xbc: {  	s0 =	sor.u32 s3, s0;
	s1 =	sshll.u32 s1, $0x11  }
0xbd: {  	s0 =	sor.u32 s1, s0  }
0xbe: {  	s0 =	sadd.s32 $0x8F2B, s0  }
0xbf: {  	[sflag:s0] =	ssyncadd.remote.s32 $0x1  }
0xc0: {  	_ =	sfence.sel $0xFFFF  }
0xc1: {  	[dreg:$0x0] =	wrdreg $0xFFFFFFFF;
	(pc) =	sbr.abs _section_cstart, $3  }
0xc2: {  	[dreg:$0x1] =	wrdreg $0xFFFFFFFF  }
0xc3: {  	_ =	task.clear_ibuf [dreg:s8], $0x2FFFF;
	_ =	strace $0x9FFFFFFF  }
0xc4: {  	(tm) =	ssettm $0x7FFFFFFF  }
0xc5: {  	_ =	shalt  }
tec
execute0_lowered:
.L_overlay_start_1:
0x0: {  	(tag) =	ssettag $0x1  }
0x1: {  	s0 =	srdreg.scid;
	v0 =	vlaneseq.u32  }
0x2: {  	s3 =	sand.u32 $0x1, s0;
	v17 =	vmul.u32 $0x20, v0  }
0x3: {  	s1 =	stileid.u32;
	s0 =	sshll.u32 s3, $0x4  }
0x4: {  	s0 =	sor.u32 s1, s0;
	v0 =	vor.u32 $0x200, v17  }
0x5: {  	v2 =	vor.u32 $0x400, v17;
	v0 =	vor.u32 s0, v0  }
0x6: {  	[tilespmem:$0x1FDF0] =	vst v0;
	v0 =	vor.u32 s0, v2  }
0x7: {  	[tilespmem:$0x1FE00] =	vst v0;
	v0 =	vor.u32 $0x600, v17  }
0x8: {  	v2 =	vor.u32 $0x800, v17;
	v0 =	vor.u32 s0, v0  }
0x9: {  	v3 =	vor.u32 $0xA00, v17;
	[tilespmem:$0x1FE10] =	vst v0;
	v0 =	vor.u32 s0, v2  }
0xa: {  	[tilespmem:$0x1FE20] =	vst v0;
	v0 =	vor.u32 s0, v3  }
0xb: {  	[tilespmem:$0x1FE30] =	vst v0;
	v0 =	vor.u32 $0xC00, v17  }
0xc: {  	v2 =	vor.u32 $0xE00, v17;
	v0 =	vor.u32 s0, v0  }
0xd: {  	v3 =	vor.u32 $0x1000, v17;
	[tilespmem:$0x1FE40] =	vst v0;
	v0 =	vor.u32 s0, v2  }
0xe: {  	[tilespmem:$0x1FE50] =	vst v0;
	v0 =	vor.u32 s0, v3  }
0xf: {  	[tilespmem:$0x1FE60] =	vst v0;
	v0 =	vor.u32 $0x1200, v17  }
0x10: {  	v2 =	vor.u32 $0x1400, v17;
	v0 =	vor.u32 s0, v0  }
0x11: {  	v3 =	vor.u32 $0x1600, v17;
	[tilespmem:$0x1FE70] =	vst v0;
	v0 =	vor.u32 s0, v2  }
0x12: {  	[tilespmem:$0x1FE80] =	vst v0;
	v0 =	vor.u32 s0, v3  }
0x13: {  	[tilespmem:$0x1FE90] =	vst v0;
	v0 =	vor.u32 $0x1800, v17  }
0x14: {  	v2 =	vor.u32 $0x1A00, v17;
	v0 =	vor.u32 s0, v0  }
0x15: {  	v3 =	vor.u32 $0x1C00, v17;
	[tilespmem:$0x1FEA0] =	vst v0;
	v0 =	vor.u32 s0, v2  }
0x16: {  	[tilespmem:$0x1FEB0] =	vst v0;
	v0 =	vor.u32 s0, v3  }
0x17: {  	[tilespmem:$0x1FEC0] =	vst v0;
	v0 =	vor.u32 $0x1E00, v17  }
0x18: {  	v2 =	vor.u32 $0x2000, v17;
	v0 =	vor.u32 s0, v0  }
0x19: {  	v3 =	vor.u32 $0x2200, v17;
	[tilespmem:$0x1FED0] =	vst v0;
	v0 =	vor.u32 s0, v2  }
0x1a: {  	v1 =	vimm.s32 $0x0;
	[tilespmem:$0x1FEE0] =	vst v0;
	v0 =	vor.u32 s0, v3  }
0x1b: {  	v21 =	vimm.f32 $0.0e+00;
	v4 =	vor.u32 $0x8400, v17;
	[tilespmem:$0x1FEF0] =	vst v0;
	v0 =	vor.u32 $0x2400, v17  }
0x1c: {  	v5 =	vor.u32 $0x8600, v17;
	v2 =	vor.u32 $0x2600, v17;
	v0 =	vor.u32 s0, v0  }
0x1d: {  	v6 =	vor.u32 $0x8800, v17;
	v3 =	vor.u32 $0x2800, v17;
	[tilespmem:$0x1FF00] =	vst v0;
	v0 =	vor.u32 s0, v2  }
0x1e: {  	v7 =	vor.u32 $0x8A00, v17;
	v8 =	vor.u32 $0x8C00, v17;
	[tilespmem:$0x1FF10] =	vst v0;
	v0 =	vor.u32 s0, v3  }
0x1f: {  	v9 =	vor.u32 $0x8E00, v17;
	v10 =	vor.u32 $0x9000, v17;
	[tilespmem:$0x1FF20] =	vst v0;
	v0 =	vor.u32 $0x2A00, v17  }
0x20: {  	v11 =	vor.u32 $0x9200, v17;
	v2 =	vor.u32 $0x2C00, v17;
	v0 =	vor.u32 s0, v0  }
0x21: {  	v12 =	vor.u32 $0x9400, v17;
	v3 =	vor.u32 $0x2E00, v17;
	[tilespmem:$0x1FF30] =	vst v0;
	v0 =	vor.u32 s0, v2  }
0x22: {  	v13 =	vor.u32 $0x9600, v17;
	v14 =	vor.u32 $0x9800, v17;
	[tilespmem:$0x1FF40] =	vst v0;
	v0 =	vor.u32 s0, v3  }
0x23: {  	v15 =	vor.u32 $0x9A00, v17;
	v18 =	vor.u32 $0x9C00, v17;
	[tilespmem:$0x1FF50] =	vst v0;
	v0 =	vor.u32 $0x3000, v17  }
0x24: {  	v19 =	vor.u32 $0x9E00, v17;
	v2 =	vor.u32 $0x3200, v17;
	v0 =	vor.u32 s0, v0  }
0x25: {  	v4 =	vor.u32 s0, v4;
	v3 =	vor.u32 $0x3400, v17;
	[tilespmem:$0x1FF60] =	vst v0;
	v0 =	vor.u32 s0, v2  }
0x26: {  	v5 =	vor.u32 s0, v5;
	v6 =	vor.u32 s0, v6;
	[tilespmem:$0x1FF70] =	vst v0;
	v0 =	vor.u32 s0, v3  }
0x27: {  	v7 =	vor.u32 s0, v7;
	v8 =	vor.u32 s0, v8;
	[tilespmem:$0x1FF80] =	vst v0;
	v0 =	vor.u32 $0x3600, v17  }
0x28: {  	v9 =	vor.u32 s0, v9;
	v2 =	vor.u32 $0x3800, v17;
	v0 =	vor.u32 s0, v0  }
0x29: {  	v10 =	vor.u32 s0, v10;
	v3 =	vor.u32 $0x3A00, v17;
	[tilespmem:$0x1FF90] =	vst v0;
	v0 =	vor.u32 s0, v2  }
0x2a: {  	v11 =	vor.u32 s0, v11;
	v12 =	vor.u32 s0, v12;
	[tilespmem:$0x1FFA0] =	vst v0;
	v0 =	vor.u32 s0, v3  }
0x2b: {  	v13 =	vor.u32 s0, v13;
	v14 =	vor.u32 s0, v14;
	[tilespmem:$0x1FFB0] =	vst v0;
	v0 =	vor.u32 $0x3C00, v17  }
0x2c: {  	v15 =	vor.u32 s0, v15;
	v2 =	vor.u32 $0x3E00, v17;
	v0 =	vor.u32 s0, v0  }
0x2d: {  	v16 =	vor.u32 s0, v17;
	v3 =	vor.u32 $0x4000, v17;
	[tilespmem:$0x1FFC0] =	vst v0;
	v0 =	vor.u32 s0, v2  }
0x2e: {  	v2 =	vor.u32 $0x4400, v17;
	[tilespmem:$0x1FFD0] =	vst v0;
	v0 =	vor.u32 s0, v3;
	v3 =	vor.u32 $0x4600, v17  }
0x2f: {  	v35 =	vor.u32 s0, v2;
	v2 =	vor.u32 $0x4A00, v17;
	[tilespmem:$0x1FFE0] =	vst v0;
	v0 =	vor.u32 $0x4200, v17  }
0x30: {  	v36 =	vor.u32 s0, v3;
	v3 =	vor.u32 $0x4C00, v17;
	v38 =	vor.u32 s0, v2  }
0x31: {  	s2 =	rddreg [dreg:$0x1];
	v2 =	vor.u32 $0x5000, v17;
	v0 =	vor.u32 s0, v0;
	v39 =	vor.u32 s0, v3  }
0x32: {  	s5 =	rddreg [dreg:$0x2];
	s4 =	simm.s32 $0x0;
	v3 =	vor.u32 $0x5200, v17;
	v41 =	vor.u32 s0, v2;
	v2 =	vor.u32 $0x5600, v17  }
0x33: {  	[smem:$0x7FF] =	sst s4;
	[tilespmem:$0x1FFF0] =	vst v0;
	v0 =	vor.u32 $0x4800, v17;
	v42 =	vor.u32 s0, v3;
	v3 =	vor.u32 $0x5800, v17  }
0x34: {  	s1 =	rddreg [dreg:$0x0];
	v44 =	vor.u32 s0, v2;
	v2 =	vor.u32 $0x5C00, v17;
	v37 =	vor.u32 s0, v0;
	_ =	strace $0x80000047  }
0x35: {  	v0 =	vor.u32 $0x4E00, v17;
	v45 =	vor.u32 s0, v3;
	v3 =	vor.u32 $0x5E00, v17;
	(xrf1) =	vunique.msk.u32 $0xffff, v1  }
0x36: {  	v47 =	vor.u32 s0, v2;
	v2 =	vor.u32 $0x6200, v17;
	v40 =	vor.u32 s0, v0  }
0x37: {  	v0 =	vor.u32 $0x5400, v17;
	v48 =	vor.u32 s0, v3;
	v3 =	vor.u32 $0x6400, v17  }
0x38: {  	v50 =	vor.u32 s0, v2;
	v2 =	vor.u32 $0x6800, v17;
	v43 =	vor.u32 s0, v0  }
0x39: {  	v0 =	vor.u32 $0x5A00, v17;
	v51 =	vor.u32 s0, v3;
	v3 =	vor.u32 $0x6A00, v17  }
0x3a: {  	v53 =	vor.u32 s0, v2;
	v2 =	vor.u32 $0x6E00, v17;
	v46 =	vor.u32 s0, v0  }
0x3b: {  	v0 =	vor.u32 $0x6000, v17;
	v54 =	vor.u32 s0, v3;
	v3 =	vor.u32 $0x7000, v17  }
0x3c: {  	v56 =	vor.u32 s0, v2;
	v2 =	vor.u32 $0x7400, v17;
	v49 =	vor.u32 s0, v0  }
0x3d: {  	s10 =	simm.s32 $0x1;
	v0 =	vor.u32 $0x6600, v17;
	v57 =	vor.u32 s0, v3;
	v3 =	vor.u32 $0x7600, v17  }
0x3e: {  	s11 =	simm.s32 $0x15600;
	s12 =	simm.s32 $0x80;
	s28 =	simm.s32 $0x16880;
	v59 =	vor.u32 s0, v2;
	v2 =	vor.u32 $0x7A00, v17;
	v52 =	vor.u32 s0, v0  }
0x3f: {  	s29 =	simm.s32 $0x16380;
	s30 =	simm.s32 $0x16900;
	s31 =	simm.s32 $0x16400;
	v0 =	vor.u32 $0x6C00, v17;
	v60 =	vor.u32 s0, v3;
	v3 =	vor.u32 $0x7C00, v17  }
0x40: {  	s13 =	simm.s32 $0x1000;
	s14 =	simm.s32 $0xB300;
	s3 =	ssub.s32 $0x2, s3;
	v62 =	vor.u32 s0, v2;
	v2 =	vor.u32 $0x8000, v17;
	v55 =	vor.u32 s0, v0  }
0x41: {  	s15 =	simm.s32 $0x800;
	s16 =	simm.s32 $0x15B00;
	s26 =	sshrl.u32 s3, $0x1;
	v0 =	vor.u32 $0x7200, v17;
	v63 =	vor.u32 s0, v3;
	v3 =	vor.u32 $0x8200, v17  }
0x42: {  	s17 =	simm.s32 $0x0;
	s6 =	smul.u32 $0x1460, s0;
	s3 =	ssub.s32 s3, s26;
	v2 =	vor.u32 s0, v2;
	v58 =	vor.u32 s0, v0;
	v0 =	vor.u32 $0x7800, v17  }
0x43: {  	s26 =	simm.s32 $0x16300;
	s9 =	smax.u32 s3, $0x1;
	s3 =	simm.s32 $0x16980;
	v3 =	vor.u32 s0, v3;
	v61 =	vor.u32 s0, v0;
	v0 =	vor.u32 $0x7E00, v17;
	_, v20, _ =	vpop (xrf1)  }
0x44: {  	s8 =	sadd.s32 s6, s5;
	s5 =	sadd.s32 $0x52800, s5;
	s6 =	sshll.u32 s0, $0xF;
	v17 =	vor.u32 s0, v18;
	v18 =	vor.u32 s0, v19;
	v19 =	vsub.s32 $0x1, v20  }
0x45: {  	s7 =	sadd.s32 $0xC00, s8;
	s8 =	sadd.s32 $0x29A00, s8;
	v0 =	vor.u32 s0, v0;
	s0 =	simm.s32 $0x16480;
	v20 =	vbroadcast v20, $0x0;
	v19 =	vbroadcast v19, $0x0  }
.LBB2_1:
0x46: {  	s18 =	simm.s32 $0x40;
	s19 =	simm.s32 $0x0  }
.LBB2_2:
0x47: {  	p0 =	sne.s32 s18, $0x13C0;
	[tilespmem:s19+$0x15600] =	vst v1;
	s19 =	smov.u32 s18;
	s18 =	sadd.s32 $0x40, s18  }
.Ltmp0:
0x48: {  	(pc) =	sbr.rel @p0 .LBB2_2-.Ltmp0, $2  }
0x49: {  	_ =	sdelay $0x2  }
0x4a: {  	s19 =	sshra.s32 s19, $0x2  }
0x4b: {  	[tilespmem:s19+$0x15600] =	vst v1;
	s18 =	simm.s32 $0x0;
	s19 =	simm.s32 $0x0  }
.LBB2_4:
0x4c: {  	s20 =	sshll.u32 s19, $0xB  }
0x4d: {  	s20 =	sadd.s32 s6, s20  }
0x4e: {  	s20 =	sshrl.u32 s20, $0x3  }
0x4f: {  	s20 =	sadd.s32 s1, s20  }
0x50: {  	[tilespmem:s18], [sflag:$0x1] =	stream.linear.gather [hbm4b:s20+s18], $0x800, $0x38;
	[tilespmem:$0x16D00] =	vst v63  }
0x51: {  	_ =	swait.ge [sflag:s10], $0x800  }
0x52: {  	[sflag:s10] =	ssyncset.done $0x0  }
0x53: {  	s21 =	simm.s32 $0x0;
	s20 =	simm.s32 $0x40;
	[sflag:s10] =	ssyncadd.s32 $0xFFFFF800  }
.LBB2_5:
0x54: {  	p0 =	sne.s32 s20, $0x1FC0;
	v22 =	vld [tilespmem:s21+$0x0];
	_ =	sdelay $0x4  }
0x55: {  	v23 =	vshrl.u32 v22, $0x3  }
0x56: {  	v22 =	vshrl.u32 v22, $0xE;
	v23 =	vand.u32 $0x7, v23  }
0x57: {  	v22 =	vmulhi.u32 $0x97B425F, v22;
	v23 =	vmul.u32 $0x91, v23;
	_ =	sdelay $0x1  }
0x58: {  	v22 =	vadd.s32 v22, v23  }
0x59: {  	(xrf1) =	vunique.msk.u32 $0xffff, v22;
	_ =	sdelay $0xd  }
0x5a: {  	_, v23, vm0 =	vpop (xrf1);
	_ =	sdelay $0x1  }
.Ltmp1:
0x5b: {  	(pc) =	sbr.rel @p0 .LBB2_5-.Ltmp1, $3  }
0x5c: {  	_ =	sdelay $0x1  }
0x5d: {  	v23 =	vadd.s32 v23, v19  }
0x5e: {  	s21 =	sshra.s32 s20, $0x2;
	s20 =	sadd.s32 $0x40, s20;
	[tilespmem:v22+s11+$0x0] =	vst.idx.add.s32.msk vm0, v23  }
0x5f: {  	v22 =	vld [tilespmem:s21+$0x0];
	_ =	sdelay $0x4  }
0x60: {  	v23 =	vshrl.u32 v22, $0x3  }
0x61: {  	v22 =	vshrl.u32 v22, $0xE;
	v23 =	vand.u32 $0x7, v23  }
0x62: {  	v22 =	vmulhi.u32 $0x97B425F, v22;
	v23 =	vmul.u32 $0x91, v23;
	_ =	sdelay $0x1  }
0x63: {  	v22 =	vadd.s32 v22, v23  }
0x64: {  	(xrf1) =	vunique.msk.u32 $0xffff, v22;
	_ =	sdelay $0xd  }
0x65: {  	s19 =	sadd.s32 $0x1, s19;
	_, v23, vm0 =	vpop (xrf1)  }
0x66: {  	p0 =	sne.s32 s19, $0x10  }
.Ltmp2:
0x67: {  	_ = 	snop;
	(pc) =	sbr.rel @p0 .LBB2_4-.Ltmp2, $3  }
0x68: {  	_ =	sdelay $0x1  }
0x69: {  	v23 =	vadd.s32 v23, v19  }
0x6a: {  	[tilespmem:v22+s11+$0x0] =	vst.idx.add.s32.msk vm0, v23  }
0x6b: {  	s21 =	simm.s32 $0x0  }
0x6c: {  	v22 =	vld [tilespmem:s21+$0x15600];
	_ =	sdelay $0x1  }
0x6d: {  	s19 =	simm.s32 $0x10  }
0x6e: {  	s20 =	simm.s32 $0x20;
	v23 =	vld [tilespmem:s19+$0x15600]  }
0x6f: {  	v24 =	vld [tilespmem:s20+$0x15600]  }
0x70: {  	v22 =	vadd.s32 $0x7, v22  }
0x71: {  	v22 =	vand.u32 $0xFFFFFFF8, v22  }
0x72: {  	(xrf0) =	vadd.scan.msk.s32 $0xffff, v22  }
0x73: {  	v23 =	vadd.s32 $0x7, v23  }
0x74: {  	v24 =	vadd.s32 $0x7, v24;
	v23 =	vand.u32 $0xFFFFFFF8, v23  }
0x75: {  	v25 =	vand.u32 $0xFFFFFFF8, v24;
	(xrf0) =	vadd.scan.msk.s32 $0xffff, v23  }
0x76: {  	(xrf0) =	vadd.scan.msk.s32 $0xffff, v25;
	_ =	sdelay $0x1  }
0x77: {  	v31, _, _ =	vpop (xrf0)  }
0x78: {  	(v2sf) =	vpush v31, $0xF;
	_ =	sdelay $0x1  }
0x79: {  	v28, _, _ =	vpop (xrf0)  }
0x7a: {  	s18 =	simm.s32 $0x30;
	(v2sf) =	vpush v28, $0xF;
	v29, _, _ =	vpop (xrf0)  }
0x7b: {  	v26 =	vld [tilespmem:s18+$0x15600];
	(v2sf) =	vpush v29, $0xF;
	_ =	sdelay $0x4  }
0x7c: {  	s23 =	simm.s32 $0x0;
	s22 =	simm.s32 $0x40;
	v26 =	vadd.s32 $0x7, v26  }
0x7d: {  	v30 =	vld [tilespmem:s22+$0x15600];
	v26 =	vand.u32 $0xFFFFFFF8, v26;
	v33 =	vsub.s32 s23, v22  }
0x7e: {  	v32 =	vshll.u32 v22, $0x10;
	v27 =	vshll.u32 v23, $0x10;
	(xrf0) =	vadd.scan.msk.s32 $0xffff, v26;
	v31 =	vadd.s32 v31, v33  }
0x7f: {  	s24 =	simm.s32 $0x140;
	v24 =	vshll.u32 v25, $0x10;
	v22 =	vshll.u32 v26, $0x10;
	[tilespmem:s21+$0x15B00] =	vst v31;
	v31 =	vor.u32 v32, v31  }
.LBB2_8:
0x80: {  	s25 =	sshra.s32 s24, $0x2  }
0x81: {  	[tilespmem:s21+$0x16000] =	vst v31;
	s21 =	smov.u32 s19;
	s19 =	smov.u32 s20;
	p0 =	sne.s32 s24, $0x13C0  }
.Ltmp3:
0x82: {  	s24 =	sadd.s32 $0x40, s24;
	v31 =	vadd.s32 $0x7, v30;
	s20 =	spop (v2sf);
	(pc) =	sbr.rel @p0 .LBB2_8-.Ltmp3, $4  }
0x83: {  	v30 =	vld [tilespmem:s25+$0x15600];
	v31 =	vand.u32 $0xFFFFFFF8, v31;
	s23 =	sadd.s32 s23, s20;
	s20 =	smov.u32 s18;
	s18 =	smov.u32 s22  }
0x84: {  	s22 =	smov.u32 s25;
	v32 =	vshll.u32 v31, $0x10;
	(xrf0) =	vadd.scan.msk.s32 $0xffff, v31;
	v33, _, _ =	vpop (xrf0);
	v34 =	vsub.s32 s23, v23;
	v23 =	vmov v25  }
0x85: {  	v25 =	vmovc v26;
	v26 =	vmovc v31;
	(v2sf) =	vpush v33, $0xF;
	v34 =	vadd.s32 v28, v34;
	v28 =	vmov v29  }
0x86: {  	v29 =	vmovc v33;
	[tilespmem:s21+$0x15B00] =	vst v34;
	v31 =	vor.u32 v27, v34;
	v27 =	vmovc v24;
	v24 =	vmov v22;
	v22 =	vmov v32  }
0x87: {  	_ =	sdelay $0x2  }
0x88: {  	v32, _, _ =	vpop (xrf0)  }
0x89: {  	(v2sf) =	vpush v32, $0xF;
	_ =	sdelay $0x8  }
0x8a: {  	s24 =	spop (v2sf);
	v30 =	vadd.s32 $0x7, v30  }
0x8b: {  	s23 =	sadd.s32 s23, s24;
	v30 =	vand.u32 $0xFFFFFFF8, v30  }
0x8c: {  	s25 =	spop (v2sf);
	v23 =	vsub.s32 s23, v23;
	(xrf0) =	vadd.scan.msk.s32 $0xffff, v30  }
0x8d: {  	[tilespmem:s21+$0x16000] =	vst v31;
	s24 =	sadd.s32 s23, s25;
	v23 =	vadd.s32 v28, v23  }
0x8e: {  	v25 =	vsub.s32 s24, v25;
	[tilespmem:s19+$0x15B00] =	vst v23;
	v23 =	vor.u32 v27, v23;
	s25 =	spop (v2sf)  }
0x8f: {  	[tilespmem:s19+$0x16000] =	vst v23;
	v23 =	vadd.s32 v29, v25;
	s24 =	sadd.s32 s24, s25  }
0x90: {  	[tilespmem:s20+$0x15B00] =	vst v23;
	v23 =	vor.u32 v24, v23;
	v28 =	vsub.s32 s24, v26;
	s25 =	spop (v2sf)  }
0x91: {  	[tilespmem:s20+$0x16000] =	vst v23;
	v23 =	vadd.s32 v32, v28;
	s19 =	sadd.s32 s24, s25  }
0x92: {  	v29, _, _ =	vpop (xrf0);
	[tilespmem:s18+$0x15B00] =	vst v23;
	v22 =	vor.u32 v22, v23;
	v23 =	vsub.s32 s19, v30  }
0x93: {  	[tilespmem:s18+$0x16000] =	vst v22;
	v30 =	vshll.u32 v30, $0x10;
	v22 =	vadd.s32 v29, v23  }
0x94: {  	[tilespmem:s22+$0x15B00] =	vst v22;
	v22 =	vor.u32 v30, v22  }
0x95: {  	[tilespmem:s22+$0x16000] =	vst v22;
	v22 =	vld [tilespmem:$0x1FDF0];
	_ =	sdelay $0x4  }
0x96: {  	[tilespmem:$0x16510] =	vst v22;
	v22 =	vld [tilespmem:$0x1FE00];
	_ =	sdelay $0x4  }
0x97: {  	[tilespmem:$0x16520] =	vst v22;
	v22 =	vld [tilespmem:$0x1FE10];
	_ =	sdelay $0x4  }
0x98: {  	[tilespmem:$0x16530] =	vst v22;
	v22 =	vld [tilespmem:$0x1FE20];
	_ =	sdelay $0x4  }
0x99: {  	[tilespmem:$0x16540] =	vst v22;
	v22 =	vld [tilespmem:$0x1FE30];
	_ =	sdelay $0x4  }
0x9a: {  	[tilespmem:$0x16550] =	vst v22;
	v22 =	vld [tilespmem:$0x1FE40];
	_ =	sdelay $0x4  }
0x9b: {  	[tilespmem:$0x16560] =	vst v22;
	v22 =	vld [tilespmem:$0x1FE50];
	_ =	sdelay $0x4  }
0x9c: {  	[tilespmem:$0x16570] =	vst v22;
	v22 =	vld [tilespmem:$0x1FE60];
	_ =	sdelay $0x4  }
0x9d: {  	[tilespmem:$0x16580] =	vst v22;
	v22 =	vld [tilespmem:$0x1FE70];
	_ =	sdelay $0x4  }
0x9e: {  	[tilespmem:$0x16590] =	vst v22;
	v22 =	vld [tilespmem:$0x1FE80];
	_ =	sdelay $0x4  }
0x9f: {  	[tilespmem:$0x165A0] =	vst v22;
	v22 =	vld [tilespmem:$0x1FE90];
	_ =	sdelay $0x4  }
0xa0: {  	[tilespmem:$0x165B0] =	vst v22;
	v22 =	vld [tilespmem:$0x1FEA0];
	_ =	sdelay $0x4  }
0xa1: {  	[tilespmem:$0x165C0] =	vst v22;
	v22 =	vld [tilespmem:$0x1FEB0];
	_ =	sdelay $0x4  }
0xa2: {  	[tilespmem:$0x165D0] =	vst v22;
	v22 =	vld [tilespmem:$0x1FEC0];
	_ =	sdelay $0x4  }
0xa3: {  	[tilespmem:$0x165E0] =	vst v22;
	v22 =	vld [tilespmem:$0x1FED0];
	_ =	sdelay $0x4  }
0xa4: {  	[tilespmem:$0x165F0] =	vst v22;
	v22 =	vld [tilespmem:$0x1FEE0];
	_ =	sdelay $0x4  }
0xa5: {  	[tilespmem:$0x16600] =	vst v22;
	v22 =	vld [tilespmem:$0x1FEF0];
	_ =	sdelay $0x4  }
0xa6: {  	[tilespmem:$0x16610] =	vst v22;
	v22 =	vld [tilespmem:$0x1FF00];
	_ =	sdelay $0x4  }
0xa7: {  	[tilespmem:$0x16620] =	vst v22;
	v22 =	vld [tilespmem:$0x1FF10];
	_ =	sdelay $0x4  }
0xa8: {  	[tilespmem:$0x16630] =	vst v22;
	v22 =	vld [tilespmem:$0x1FF20];
	_ =	sdelay $0x4  }
0xa9: {  	[tilespmem:$0x16640] =	vst v22;
	v22 =	vld [tilespmem:$0x1FF30];
	_ =	sdelay $0x4  }
0xaa: {  	[tilespmem:$0x16650] =	vst v22;
	v22 =	vld [tilespmem:$0x1FF40];
	_ =	sdelay $0x1  }
0xab: {  	[tilespmem:$0x16500] =	vst v16  }
0xac: {  	[tilespmem:$0x16720] =	vst v35  }
0xad: {  	[tilespmem:$0x16730] =	vst v36  }
0xae: {  	[tilespmem:$0x16660] =	vst v22;
	v22 =	vld [tilespmem:$0x1FF50]  }
0xaf: {  	[tilespmem:$0x16740] =	vst v37  }
0xb0: {  	[tilespmem:$0x16750] =	vst v38  }
0xb1: {  	[tilespmem:$0x16760] =	vst v39  }
0xb2: {  	[tilespmem:$0x16770] =	vst v40  }
0xb3: {  	[tilespmem:$0x16670] =	vst v22;
	v22 =	vld [tilespmem:$0x1FF60]  }
0xb4: {  	[tilespmem:$0x16780] =	vst v41  }
0xb5: {  	[tilespmem:$0x16790] =	vst v42  }
0xb6: {  	[tilespmem:$0x167A0] =	vst v43  }
0xb7: {  	[tilespmem:$0x167B0] =	vst v44  }
0xb8: {  	[tilespmem:$0x16680] =	vst v22;
	v22 =	vld [tilespmem:$0x1FF70]  }
0xb9: {  	[tilespmem:$0x167C0] =	vst v45  }
0xba: {  	[tilespmem:$0x167D0] =	vst v46  }
0xbb: {  	[tilespmem:$0x167E0] =	vst v47  }
0xbc: {  	[tilespmem:$0x167F0] =	vst v48  }
0xbd: {  	[tilespmem:$0x16690] =	vst v22;
	v22 =	vld [tilespmem:$0x1FF80]  }
0xbe: {  	[tilespmem:$0x16800] =	vst v49  }
0xbf: {  	[tilespmem:$0x16810] =	vst v50  }
0xc0: {  	[tilespmem:$0x16820] =	vst v51  }
0xc1: {  	[tilespmem:$0x16830] =	vst v52  }
0xc2: {  	[tilespmem:$0x166A0] =	vst v22;
	v22 =	vld [tilespmem:$0x1FF90]  }
0xc3: {  	[tilespmem:$0x16840] =	vst v53  }
0xc4: {  	[tilespmem:$0x16850] =	vst v54  }
0xc5: {  	[tilespmem:$0x16860] =	vst v55  }
0xc6: {  	[tilespmem:$0x16870] =	vst v56  }
0xc7: {  	[tilespmem:$0x166B0] =	vst v22;
	v22 =	vld [tilespmem:$0x1FFA0]  }
0xc8: {  	[tilespmem:$0x16880] =	vst v57  }
0xc9: {  	[tilespmem:$0x16890] =	vst v58  }
0xca: {  	[tilespmem:$0x168A0] =	vst v59  }
0xcb: {  	[tilespmem:$0x168B0] =	vst v60  }
0xcc: {  	[tilespmem:$0x166C0] =	vst v22;
	v22 =	vld [tilespmem:$0x1FFB0]  }
0xcd: {  	[tilespmem:$0x168C0] =	vst v61  }
0xce: {  	[tilespmem:$0x168D0] =	vst v62  }
0xcf: {  	[tilespmem:$0x168E0] =	vst v63  }
0xd0: {  	[tilespmem:$0x168F0] =	vst v0  }
0xd1: {  	[tilespmem:$0x166D0] =	vst v22;
	v22 =	vld [tilespmem:$0x1FFC0]  }
0xd2: {  	[tilespmem:$0x16900] =	vst v2  }
0xd3: {  	[tilespmem:$0x16910] =	vst v3  }
0xd4: {  	[tilespmem:$0x16920] =	vst v4  }
0xd5: {  	[tilespmem:$0x16930] =	vst v5  }
0xd6: {  	(v2sf) =	vpush v29, $0xF;
	[tilespmem:$0x166E0] =	vst v22;
	v22 =	vld [tilespmem:$0x1FFD0]  }
0xd7: {  	[tilespmem:$0x16940] =	vst v6  }
0xd8: {  	[tilespmem:$0x16950] =	vst v7  }
0xd9: {  	[tilespmem:$0x16960] =	vst v8  }
0xda: {  	[tilespmem:$0x16970] =	vst v9  }
0xdb: {  	[tilespmem:$0x166F0] =	vst v22;
	v22 =	vld [tilespmem:$0x1FFE0]  }
0xdc: {  	[tilespmem:$0x16980] =	vst v10  }
0xdd: {  	[tilespmem:$0x16990] =	vst v11  }
0xde: {  	[tilespmem:$0x169A0] =	vst v12  }
0xdf: {  	[tilespmem:$0x169B0] =	vst v13  }
0xe0: {  	[tilespmem:$0x16700] =	vst v22;
	v22 =	vld [tilespmem:$0x1FFF0]  }
0xe1: {  	[tilespmem:$0x169C0] =	vst v14  }
0xe2: {  	[tilespmem:$0x169D0] =	vst v15  }
0xe3: {  	[tilespmem:$0x169E0] =	vst v17  }
0xe4: {  	[tilespmem:$0x169F0] =	vst v18  }
0xe5: {  	s21 =	simm.s32 $0x16000;
	s18 =	simm.s32 $0x16500;
	s20 =	spop (v2sf);
	[tilespmem:$0x16710] =	vst v22  }
0xe6: {  	[hbm4b:s5+s12] =	stream.indirect.scatter [tilespmem:s21], [sflag:$0x1], $0x1, s18, s12, $0xb8;
	[tilespmem:$0x16D00] =	vst v63  }
0xe7: {  	_ =	swait.ge [sflag:s10], $0x80  }
0xe8: {  	[sflag:s10] =	ssyncset.done $0x0  }
0xe9: {  	s23 =	simm.s32 $0x16080;
	s22 =	simm.s32 $0x16580;
	[sflag:s10] =	ssyncadd.s32 $0xFFFFFF80  }
0xea: {  	[hbm4b:s5+s12] =	stream.indirect.scatter [tilespmem:s23], [sflag:$0x1], $0x1, s22, s12, $0xb8;
	[tilespmem:$0x16D00] =	vst v63  }
0xeb: {  	_ =	swait.ge [sflag:s10], $0x80  }
0xec: {  	[sflag:s10] =	ssyncset.done $0x0  }
0xed: {  	s24 =	simm.s32 $0x16600;
	s25 =	simm.s32 $0x16100;
	[sflag:s10] =	ssyncadd.s32 $0xFFFFFF80  }
0xee: {  	[hbm4b:s5+s12] =	stream.indirect.scatter [tilespmem:s25], [sflag:$0x1], $0x1, s24, s12, $0xb8;
	[tilespmem:$0x16D00] =	vst v63  }
0xef: {  	_ =	swait.ge [sflag:s10], $0x80  }
0xf0: {  	[sflag:s10] =	ssyncset.done $0x0  }
0xf1: {  	s19 =	simm.s32 $0x16680;
	s20 =	simm.s32 $0x16180;
	[sflag:s10] =	ssyncadd.s32 $0xFFFFFF80  }
0xf2: {  	[hbm4b:s5+s12] =	stream.indirect.scatter [tilespmem:s20], [sflag:$0x1], $0x1, s19, s12, $0xb8;
	[tilespmem:$0x16D00] =	vst v63  }
0xf3: {  	_ =	swait.ge [sflag:s10], $0x80  }
0xf4: {  	[sflag:s10] =	ssyncset.done $0x0  }
0xf5: {  	s21 =	simm.s32 $0x16700;
	s22 =	simm.s32 $0x16200;
	[sflag:s10] =	ssyncadd.s32 $0xFFFFFF80  }
0xf6: {  	[hbm4b:s5+s12] =	stream.indirect.scatter [tilespmem:s22], [sflag:$0x1], $0x1, s21, s12, $0xb8;
	[tilespmem:$0x16D00] =	vst v63  }
0xf7: {  	_ =	swait.ge [sflag:s10], $0x80  }
0xf8: {  	[sflag:s10] =	ssyncset.done $0x0  }
0xf9: {  	s23 =	simm.s32 $0x16780;
	s24 =	simm.s32 $0x16280;
	[sflag:s10] =	ssyncadd.s32 $0xFFFFFF80  }
0xfa: {  	[hbm4b:s5+s12] =	stream.indirect.scatter [tilespmem:s24], [sflag:$0x1], $0x1, s23, s12, $0xb8;
	[tilespmem:$0x16D00] =	vst v63  }
0xfb: {  	_ =	swait.ge [sflag:s10], $0x80  }
0xfc: {  	[sflag:s10] =	ssyncset.done $0x0  }
0xfd: {  	s25 =	simm.s32 $0x16800;
	[sflag:s10] =	ssyncadd.s32 $0xFFFFFF80  }
0xfe: {  	[hbm4b:s5+s12] =	stream.indirect.scatter [tilespmem:s26], [sflag:$0x1], $0x1, s25, s12, $0xb8;
	[tilespmem:$0x16D00] =	vst v63  }
0xff: {  	_ =	swait.ge [sflag:s10], $0x80  }
0x100: {  	[sflag:s10] =	ssyncset.done $0x0  }
0x101: {  	[sflag:s10] =	ssyncadd.s32 $0xFFFFFF80  }
0x102: {  	[hbm4b:s5+s12] =	stream.indirect.scatter [tilespmem:s29], [sflag:$0x1], $0x1, s28, s12, $0xb8;
	[tilespmem:$0x16D00] =	vst v63  }
0x103: {  	_ =	swait.ge [sflag:s10], $0x80  }
0x104: {  	[sflag:s10] =	ssyncset.done $0x0  }
0x105: {  	[sflag:s10] =	ssyncadd.s32 $0xFFFFFF80  }
0x106: {  	[hbm4b:s5+s12] =	stream.indirect.scatter [tilespmem:s31], [sflag:$0x1], $0x1, s30, s12, $0xb8;
	[tilespmem:$0x16D00] =	vst v63  }
0x107: {  	_ =	swait.ge [sflag:s10], $0x80  }
0x108: {  	[sflag:s10] =	ssyncset.done $0x0  }
0x109: {  	[sflag:s10] =	ssyncadd.s32 $0xFFFFFF80  }
0x10a: {  	[hbm4b:s5+s12] =	stream.indirect.scatter [tilespmem:s0], [sflag:$0x1], $0x1, s3, s12, $0xb8;
	[tilespmem:$0x16D00] =	vst v63  }
0x10b: {  	_ =	swait.ge [sflag:s10], $0x80  }
0x10c: {  	[sflag:s10] =	ssyncset.done $0x0  }
0x10d: {  	s19 =	simm.s32 $0x15600;
	[sflag:s10] =	ssyncadd.s32 $0xFFFFFF80  }
0x10e: {  	v23 =	vld [tilespmem:s19+$0x0];
	_ =	sdelay $0x1  }
0x10f: {  	s20 =	simm.s32 $0x15B00  }
0x110: {  	v22 =	vld [tilespmem:s20+$0x0];
	_ =	sdelay $0x1  }
0x111: {  	v31 =	vadd.s32 $0x7, v23  }
0x112: {  	v24 =	vand.u32 $0xFFFFFFF8, v31  }
0x113: {  	vm0 =	vlt.s32 v23, v24  }
0x114: {  	s18 =	simm.s32 $0x0;
	v25 =	vadd.s32 v23, v22;
	v32 =	vadd.s32 $0x1, v23  }
0x115: {  	v33 =	vmov s18;
	v22 =	vlaneseq.u32;
	vm1 =	vlt.s32 v32, v24  }
0x116: {  	v34 =	vadd.s32 $0x2, v23;
	v22 =	vmul.u32 $0x10000, v22;
	v27 =	vadd.s32 $0x1, v25  }
0x117: {  	v26 =	vshll.u32 v33, $0x10;
	vm2 =	vlt.s32 v34, v24  }
0x118: {  	v28 =	vadd.s32 $0x2, v25;
	v32 =	vadd.s32 $0x3, v23;
	v26 =	vor.u32 v22, v26  }
0x119: {  	vm3 =	vlt.s32 v32, v24;
	[tilespmem:v25+s13+$0x0] =	vst.idx.msk vm0, v26  }
0x11a: {  	v30 =	vadd.s32 $0x3, v25;
	v34 =	vadd.s32 $0x4, v23;
	v33 =	vor.u32 $0x40, v26;
	[tilespmem:v25+s14+$0x0] =	vst.idx.msk vm0, v21  }
0x11b: {  	vm4 =	vlt.s32 v34, v24;
	[tilespmem:v27+s13+$0x0] =	vst.idx.msk vm1, v33  }
0x11c: {  	v29 =	vadd.s32 $0x4, v25;
	v34 =	vadd.s32 $0x5, v23;
	v33 =	vor.u32 $0x80, v26;
	[tilespmem:v27+s14+$0x0] =	vst.idx.msk vm1, v21  }
0x11d: {  	vm1 =	vlt.s32 v34, v24;
	[tilespmem:v28+s13+$0x0] =	vst.idx.msk vm2, v33  }
0x11e: {  	v23 =	vadd.s32 $0x6, v23;
	v34 =	vadd.s32 $0x5, v25;
	v33 =	vor.u32 $0xC0, v26;
	[tilespmem:v28+s14+$0x0] =	vst.idx.msk vm2, v21  }
0x11f: {  	vm0 =	vlt.s32 v23, v24;
	[tilespmem:v30+s13+$0x0] =	vst.idx.msk vm3, v33  }
0x120: {  	v32 =	vor.u32 $0x100, v26;
	v23 =	vadd.s32 $0x6, v25;
	[tilespmem:v30+s14+$0x0] =	vst.idx.msk vm3, v21  }
0x121: {  	[tilespmem:v29+s13+$0x0] =	vst.idx.msk vm4, v32  }
0x122: {  	v33 =	vor.u32 $0x140, v26;
	[tilespmem:v29+s14+$0x0] =	vst.idx.msk vm4, v21  }
0x123: {  	[tilespmem:v34+s13+$0x0] =	vst.idx.msk vm1, v33  }
0x124: {  	[tilespmem:v34+s14+$0x0] =	vst.idx.msk vm1, v21;
	v34 =	vor.u32 $0x180, v26  }
0x125: {  	s21 =	simm.s32 $0x10;
	[tilespmem:v23+s13+$0x0] =	vst.idx.msk vm0, v34  }
.LBB2_10:
0x126: {  	p0 =	sne.s32 s21, $0x4F0;
	[tilespmem:v23+s14+$0x0] =	vst.idx.msk vm0, v21;
	s19 =	sadd.s32 $0x10, s19;
	s20 =	sadd.s32 $0x10, s20  }
0x127: {  	s22 =	smov.u32 s21;
	s21 =	sadd.s32 $0x10, s21;
	v23 =	vld [tilespmem:s19+$0x0];
	_ =	sdelay $0x2  }
0x128: {  	v24 =	vld [tilespmem:s20+$0x0];
	_ =	sdelay $0x1  }
0x129: {  	v25 =	vadd.s32 $0x7, v23  }
0x12a: {  	v25 =	vand.u32 $0xFFFFFFF8, v25  }
0x12b: {  	vm0 =	vlt.s32 v23, v25  }
0x12c: {  	v26 =	vadd.s32 $0x1, v23;
	v24 =	vadd.s32 v23, v24  }
0x12d: {  	vm1 =	vlt.s32 v26, v25  }
0x12e: {  	v28 =	vadd.s32 $0x2, v23;
	v26 =	vmov s22;
	v27 =	vadd.s32 $0x1, v24  }
0x12f: {  	vm2 =	vlt.s32 v28, v25;
	v26 =	vshll.u32 v26, $0x10  }
0x130: {  	v29 =	vadd.s32 $0x3, v23;
	v26 =	vor.u32 v22, v26;
	v28 =	vadd.s32 $0x2, v24  }
0x131: {  	vm3 =	vlt.s32 v29, v25;
	[tilespmem:v24+s13+$0x0] =	vst.idx.msk vm0, v26  }
0x132: {  	v31 =	vadd.s32 $0x4, v23;
	v30 =	vadd.s32 $0x3, v24;
	v29 =	vor.u32 $0x40, v26;
	[tilespmem:v24+s14+$0x0] =	vst.idx.msk vm0, v21  }
0x133: {  	vm4 =	vlt.s32 v31, v25;
	[tilespmem:v27+s13+$0x0] =	vst.idx.msk vm1, v29  }
0x134: {  	v31 =	vadd.s32 $0x5, v23;
	v29 =	vadd.s32 $0x4, v24;
	[tilespmem:v27+s14+$0x0] =	vst.idx.msk vm1, v21;
	v27 =	vor.u32 $0x80, v26  }
0x135: {  	vm1 =	vlt.s32 v31, v25;
	[tilespmem:v28+s13+$0x0] =	vst.idx.msk vm2, v27  }
0x136: {  	v23 =	vadd.s32 $0x6, v23;
	v27 =	vor.u32 $0xC0, v26;
	[tilespmem:v28+s14+$0x0] =	vst.idx.msk vm2, v21;
	v28 =	vadd.s32 $0x5, v24  }
0x137: {  	vm0 =	vlt.s32 v23, v25;
	[tilespmem:v30+s13+$0x0] =	vst.idx.msk vm3, v27  }
0x138: {  	v23 =	vadd.s32 $0x6, v24;
	v25 =	vor.u32 $0x100, v26;
	[tilespmem:v30+s14+$0x0] =	vst.idx.msk vm3, v21  }
.Ltmp4:
0x139: {  	[tilespmem:v29+s13+$0x0] =	vst.idx.msk vm4, v25;
	(pc) =	sbr.rel @p0 .LBB2_10-.Ltmp4, $4  }
0x13a: {  	v24 =	vor.u32 $0x140, v26;
	[tilespmem:v29+s14+$0x0] =	vst.idx.msk vm4, v21  }
0x13b: {  	[tilespmem:v28+s13+$0x0] =	vst.idx.msk vm1, v24  }
0x13c: {  	v24 =	vor.u32 $0x180, v26;
	[tilespmem:v28+s14+$0x0] =	vst.idx.msk vm1, v21  }
0x13d: {  	[tilespmem:v23+s13+$0x0] =	vst.idx.msk vm0, v24  }
0x13e: {  	_ =	sdelay $0x4  }
0x13f: {  	[tilespmem:v23+s14+$0x0] =	vst.idx.msk vm0, v21  }
.LBB2_12:
0x140: {  	s19 =	sshll.u32 s18, $0xB  }
0x141: {  	s19 =	sadd.s32 s6, s19  }
0x142: {  	s19 =	sshrl.u32 s19, $0x3  }
0x143: {  	s21 =	simm.s32 $0x0;
	s20 =	sadd.s32 s1, s19  }
0x144: {  	[tilespmem:s21], [sflag:$0x1] =	stream.linear.gather [hbm4b:s20+s21], $0x800, $0x38;
	[tilespmem:$0x16D00] =	vst v63  }
0x145: {  	_ =	swait.ge [sflag:s10], $0x800  }
0x146: {  	[sflag:s10] =	ssyncset.done $0x0  }
0x147: {  	s19 =	sadd.s32 s2, s19;
	[sflag:s10] =	ssyncadd.s32 $0xFFFFF800  }
0x148: {  	[tilespmem:s15], [sflag:$0x1] =	stream.linear.gather [hbm4b:s19+s21], $0x800, $0x38;
	[tilespmem:$0x16D00] =	vst v63  }
0x149: {  	_ =	swait.ge [sflag:s10], $0x800  }
0x14a: {  	[sflag:s10] =	ssyncset.done $0x0  }
0x14b: {  	s25 =	simm.s32 $0x0;
	[sflag:s10] =	ssyncadd.s32 $0xFFFFF800  }
0x14c: {  	v23 =	vld [tilespmem:s25+$0x0]  }
0x14d: {  	s19 =	simm.s32 $0x40;
	v22 =	vld [tilespmem:s25+$0x800]  }
.LBB2_13:
0x14e: {  	p0 =	sne.s32 s19, $0x1FC0;
	_ =	sdelay $0x2  }
0x14f: {  	v24 =	vshrl.u32 v23, $0x3  }
0x150: {  	v25 =	vshrl.u32 v23, $0xE;
	v24 =	vand.u32 $0x7, v24  }
0x151: {  	v25 =	vmulhi.u32 $0x97B425F, v25;
	v24 =	vmul.u32 $0x91, v24;
	_ =	sdelay $0x1  }
0x152: {  	v24 =	vadd.s32 v25, v24  }
0x153: {  	(xrf1) =	vunique.msk.u32 $0xffff, v24;
	_ =	sdelay $0x9  }
0x154: {  	v26 =	vld.idx.msk [tilespmem:v24+s16+$0x0], $0xffff;
	_ =	sdelay $0x3  }
0x155: {  	_, v27, vm0 =	vpop (xrf1)  }
0x156: {  	v27 =	vsub.s32 v27, v20  }
0x157: {  	v25 =	vmul.u32 $0xFFFFE500, v25;
	v26 =	vadd.s32 v26, v27;
	v27 =	vadd.s32 $0x1, v27  }
0x158: {  	v28 =	vshrl.u32 v23, $0x6;
	v23 =	vshll.u32 v23, $0xD  }
0x159: {  	v23 =	vand.u32 $0xE000, v23;
	v25 =	vadd.s32 v28, v25  }
0x15a: {  	v23 =	vor.u32 v23, v25;
	v25 =	vshll.u32 v24, $0x10  }
0x15b: {  	v23 =	vor.u32 v25, v23  }
.Ltmp5:
0x15c: {  	[tilespmem:v26+s13+$0x0] =	vst.idx.msk $0xffff, v23;
	(pc) =	sbr.rel @p0 .LBB2_13-.Ltmp5, $4  }
0x15d: {  	[tilespmem:v26+s14+$0x0] =	vst.idx.msk $0xffff, v22  }
0x15e: {  	s20 =	sshra.s32 s19, $0x2;
	[tilespmem:v24+s16+$0x0] =	vst.idx.add.s32.msk vm0, v27  }
0x15f: {  	v23 =	vld [tilespmem:s20+$0x0]  }
0x160: {  	s19 =	sadd.s32 $0x40, s19;
	v22 =	vld [tilespmem:s20+$0x800]  }
0x161: {  	_ =	sdelay $0x2  }
0x162: {  	v24 =	vshrl.u32 v23, $0x3  }
0x163: {  	v25 =	vshrl.u32 v23, $0xE;
	v24 =	vand.u32 $0x7, v24  }
0x164: {  	v25 =	vmulhi.u32 $0x97B425F, v25;
	v24 =	vmul.u32 $0x91, v24;
	_ =	sdelay $0x1  }
0x165: {  	v24 =	vadd.s32 v25, v24  }
0x166: {  	(xrf1) =	vunique.msk.u32 $0xffff, v24;
	_ =	sdelay $0xa  }
0x167: {  	v26 =	vld.idx.msk [tilespmem:v24+s16+$0x0], $0xffff;
	_ =	sdelay $0x2  }
0x168: {  	_, v27, vm0 =	vpop (xrf1)  }
0x169: {  	v27 =	vsub.s32 v27, v20  }
0x16a: {  	v25 =	vmul.u32 $0xFFFFE500, v25;
	v26 =	vadd.s32 v26, v27  }
0x16b: {  	s18 =	sadd.s32 $0x1, s18;
	v28 =	vshrl.u32 v23, $0x6;
	v23 =	vshll.u32 v23, $0xD  }
0x16c: {  	p0 =	sne.s32 s18, $0x10;
	v23 =	vand.u32 $0xE000, v23;
	v25 =	vadd.s32 v28, v25  }
.Ltmp6:
0x16d: {  	v34 =	vshll.u32 v24, $0x10;
	v23 =	vor.u32 v23, v25;
	(pc) =	sbr.rel @p0 .LBB2_12-.Ltmp6, $4  }
0x16e: {  	v23 =	vor.u32 v34, v23  }
0x16f: {  	[tilespmem:v26+s13+$0x0] =	vst.idx.msk $0xffff, v23  }
0x170: {  	v23 =	vadd.s32 $0x1, v27;
	[tilespmem:v26+s14+$0x0] =	vst.idx.msk $0xffff, v22  }
0x171: {  	[tilespmem:v24+s16+$0x0] =	vst.idx.add.s32.msk vm0, v23  }
0x172: {  	[hbm4b:s7+s4] =	stream.linear.scatter [tilespmem:s13], [sflag:$0x1], $0xA300, $0x38;
	[tilespmem:$0x16D00] =	vst v63  }
0x173: {  	s17 =	sadd.s32 $0x1, s17;
	_ =	swait.ge [sflag:s10], $0xA300  }
0x174: {  	p0 =	sne.s32 s17, s9;
	[sflag:s10] =	ssyncset.done $0x0  }
.Ltmp7:
0x175: {  	[sflag:s10] =	ssyncadd.s32 $0xFFFF5D00;
	(pc) =	sbr.rel @p0 .LBB2_1-.Ltmp7, $4  }
0x176: {  	[hbm4b:s8+s4] =	stream.linear.scatter [tilespmem:s14], [sflag:$0x1], $0xA300, $0x38;
	[tilespmem:$0x16D00] =	vst v63  }
0x177: {  	_ =	swait.ge [sflag:s10], $0xA300  }
0x178: {  	[sflag:s10] =	ssyncset.done $0x0  }
0x179: {  	[sflag:s10] =	ssyncadd.s32 $0xFFFF5D00  }
0x17a: {  	_ =	sfence.sel $0x180000  }
0x17b: {  	[bflag:$0x0] =	sbarrier.arrive $0xFFFF  }
0x17c: {  	_ =	strace $0x90000047  }
0x17d: {  	s0 =	stileid.u32;
	[bflag:$0x2] =	sbarrier.arrive $0xFFFF  }
0x17e: {  	p0 =	sne.s32 s0, $0x0;
	s0 =	rddreg [dreg:$0x3]  }
0x17f: {  	s0 =	sadd.s32 @!p0 $0x100000, s0  }
0x180: {  	[sflag:s0] =	ssyncadd.tile.s32 @!p0 $0x1;
	_ =	shalt  }
.Lfunc_end2:
_tile_overlayer_lowered:
.L_overlay_start_2:
0x181: {  	(tag) =	ssettag $0x2  }
0x182: {  	s0 =	rddreg [dreg:$0x0];
	s2 =	stileid.u32  }
0x183: {  	s1 =	rddreg [dreg:$0x1];
	p0 =	sne.s32 s2, $0x0  }
0x184: {  	s3 =	rddreg [dreg:$0x2];
	[bflag:$0x3] =	sbarrier.arrive $0xFFFF;
	s2 =	simm.s32 @!p0 $0x1C01  }
0x185: {  	[timem:s3], [sflag:s2] =	dma.local @!p0 [hbm:s0], s1  }
0x186: {  	s0 =	simm.s32 @!p0 $0x1  }
0x187: {  	_ =	swait.ge @!p0 [sflag:s0], s1  }
0x188: {  	s1 =	ssub.s32 @!p0 $0x0, s1;
	[sflag:s0] =	ssyncset.done @!p0 $0x0  }
0x189: {  	[sflag:s0] =	ssyncadd.s32 @!p0 s1  }
0x18a: {  	[bflag:$0x3] =	sbarrier.arrive $0xFFFF  }
0x18b: {  	_ =	shalt  }

// kernel: kernel.7.cloned.1.call-start
scs
__scs_entry_jumppad:
0x0: {  	(pc) =	sbr.rel $0x88, $3  }
0x1: {  	(tag) =	ssettag $0x0;
	lr =	simm.s32 $0x1  }
0x2: {  	[smem:$0x3F9E] =	sst lr;
	_ =	strace $0xD0000000  }
0x3: {  	_ = 	snop  }
0x4: {  	_ = 	snop  }
0x5: {  	_ = 	snop  }
0x6: {  	_ = 	snop  }
0x7: {  	_ = 	snop  }
__scs_overlays_trampoline_lowered:
0x8: {  	[smem:$0x3FAD] =	sst s0  }
0x9: {  	[smem:$0x3FAE] =	sst s1  }
0xa: {  	[smem:$0x3FAF] =	sst s2  }
0xb: {  	[smem:$0x3FB0] =	sst s3  }
0xc: {  	[smem:$0x3FB1] =	sst s4  }
0xd: {  	[smem:$0x3FB2] =	sst s5  }
0xe: {  	[smem:$0x3FB3] =	sst s6  }
0xf: {  	[smem:$0x3FB4] =	sst s7  }
0x10: {  	[smem:$0x3FB5] =	sst s8  }
0x11: {  	[smem:$0x3FB6] =	sst s9;
	s0 =	simm.s32 @!p0 $0x0  }
0x12: {  	s1 =	sld [smem:$0x3F9C];
	s0 =	simm.s32 @p0 $0x1  }
0x13: {  	[smem:$0x3FB7] =	sst s0;
	s0 =	simm.s32 @!p1 $0x0  }
0x14: {  	s2 =	sld [smem:$0x3F9B];
	s0 =	simm.s32 @p1 $0x1  }
0x15: {  	[smem:$0x3FB8] =	sst s0;
	s0 =	simm.s32 @!p2 $0x0  }
0x16: {  	s3 =	sld [smem:$0x3FDB];
	s0 =	simm.s32 @p2 $0x1  }
0x17: {  	s4 =	simm.s32 $0x1BF5;
	[smem:$0x3FBA] =	sst s0  }
0x18: {  	s0 =	sld [smem:$0x3F9D];
	_ =	swait.ge [sflag:s4], $0x0  }
0x19: {  	s7 =	sld [smem:$0x3F9E]  }
0x1a: {  	s8 =	sadd.s32 $0xFFFFE003, lr  }
0x1b: {  	s9 =	sadd.s32 $0xFFFFFEF7, lr;
	s5 =	simm.s32 $0xFFFFFFFF;
	p2 =	slt.u32 s8, $0xFFFFF086  }
0x1c: {  	p1 =	slt.u32 s9, $0xF7A;
	s5 =	simm.s32 @!p2 $0x0  }
0x1d: {  	s5 =	simm.s32 @p1 $0x1;
	p0 =	seq.s32 s7, s2  }
0x1e: {  	s7 =	smul.u32 @!p0 $0xF7A, s2;
	p2 =	seq.s32 @!p0 s5, $0x0  }
0x1f: {  	s9 =	smul.u32 $0xF7A, s1;
	s8 =	simm.s32 @!p0 $0x1BF5;
	p2 =	por !p2, p0  }
0x20: {  	[sflag:s8] =	ssyncset.s32 @!p0 $0xFFFFF086;
	s6 =	sadd.s32 @!p0 s3, s7;
	s7 =	simm.s32 @!p0 $0x108  }
0x21: {  	s3 =	sadd.s32 s3, s9;
	s6 =	sadd.s32 @!p0 $0x88, s6;
	s7 =	simm.s32 @p2 $0x1082  }
0x22: {  	[simem:s7], [sflag:s8] =	dma.local @!p0 [hbm:s6], $0xF7A  }
0x23: {  	s9 =	sor.u32 $0xD0000000, s2;
	s6 =	simm.s32 $0x108;
	_ =	swait.ge @!p0 [sflag:s8], $0x0  }
0x24: {  	s3 =	sadd.s32 $0x88, s3;
	s6 =	simm.s32 @!p1 $0x1082;
	[sflag:s4] =	ssyncset.s32 $0xFFFFF086  }
0x25: {  	[simem:s6], [sflag:s4] =	dma.local [hbm:s3], $0xF7A  }
0x26: {  	[smem:$0x3F9E] =	sst s1;
	(tag) =	ssettag s2;
	_ =	strace s9  }
0x27: {  	s1 =	sld [smem:$0x3FAE]  }
0x28: {  	s2 =	sld [smem:$0x3FAF]  }
0x29: {  	s4 =	sld [smem:$0x3FB1]  }
0x2a: {  	p0 =	seq.s32 s5, $0x0;
	s5 =	sld [smem:$0x3FB2]  }
0x2b: {  	s6 =	sld [smem:$0x3FB3]  }
0x2c: {  	s7 =	sld [smem:$0x3FB4]  }
0x2d: {  	s3 =	simm.s32 $0x108;
	s8 =	sld [smem:$0x3FB5]  }
0x2e: {  	s3 =	simm.s32 @!p0 $0x1082;
	s9 =	sld [smem:$0x3FB6]  }
0x2f: {  	lr =	sadd.s32 s0, s3;
	s0 =	sld [smem:$0x3FAD]  }
0x30: {  	s3 =	sld [smem:$0x3FB0]  }
0x31: {  	[smem:$0x3FB9] =	sst s10  }
0x32: {  	s10 =	sld [smem:$0x3FB7];
	_ =	sdelay $0x3  }
0x33: {  	p0 =	seq.s32 s10, $0x1;
	s10 =	sld [smem:$0x3FB9];
	_ =	sdelay $0x3  }
0x34: {  	[smem:$0x3FB9] =	sst s10  }
0x35: {  	s10 =	sld [smem:$0x3FB8];
	_ =	sdelay $0x3  }
0x36: {  	p1 =	seq.s32 s10, $0x1;
	s10 =	sld [smem:$0x3FB9];
	_ =	sdelay $0x3  }
0x37: {  	[smem:$0x3FB9] =	sst s10  }
0x38: {  	s10 =	sld [smem:$0x3FBA]  }
0x39: {  	_ = 	snop;
	(pc) =	sbr.ind lr, $3  }
0x3a: {  	_ = 	snop  }
0x3b: {  	_ = 	snop  }
0x3c: {  	p2 =	seq.s32 s10, $0x1;
	s10 =	sld [smem:$0x3FB9]  }
0x3d: {  	_ =	shalt  }
0x3e: {  	_ =	shalt  }
0x3f: {  	_ =	shalt  }
0x40: {  	_ =	shalt  }
0x41: {  	_ =	shalt  }
0x42: {  	_ =	shalt  }
0x43: {  	_ =	shalt  }
0x44: {  	_ =	shalt  }
0x45: {  	_ =	shalt  }
0x46: {  	_ =	shalt  }
0x47: {  	_ =	shalt  }
0x48: {  	_ =	shalt  }
0x49: {  	_ =	shalt  }
0x4a: {  	_ =	shalt  }
0x4b: {  	_ =	shalt  }
0x4c: {  	_ =	shalt  }
0x4d: {  	_ =	shalt  }
0x4e: {  	_ =	shalt  }
0x4f: {  	_ =	shalt  }
0x50: {  	_ =	shalt  }
0x51: {  	_ =	shalt  }
0x52: {  	_ =	shalt  }
0x53: {  	_ =	shalt  }
0x54: {  	_ =	shalt  }
0x55: {  	_ =	shalt  }
0x56: {  	_ =	shalt  }
0x57: {  	_ =	shalt  }
0x58: {  	_ =	shalt  }
0x59: {  	_ =	shalt  }
0x5a: {  	_ =	shalt  }
0x5b: {  	_ =	shalt  }
0x5c: {  	_ =	shalt  }
0x5d: {  	_ =	shalt  }
0x5e: {  	_ =	shalt  }
0x5f: {  	_ =	shalt  }
0x60: {  	_ =	shalt  }
0x61: {  	_ =	shalt  }
0x62: {  	_ =	shalt  }
0x63: {  	_ =	shalt  }
0x64: {  	_ =	shalt  }
0x65: {  	_ =	shalt  }
0x66: {  	_ =	shalt  }
0x67: {  	_ =	shalt  }
0x68: {  	_ =	shalt  }
0x69: {  	_ =	shalt  }
0x6a: {  	_ =	shalt  }
0x6b: {  	_ =	shalt  }
0x6c: {  	_ =	shalt  }
0x6d: {  	_ =	shalt  }
0x6e: {  	_ =	shalt  }
0x6f: {  	_ =	shalt  }
0x70: {  	_ =	shalt  }
0x71: {  	_ =	shalt  }
0x72: {  	_ =	shalt  }
0x73: {  	_ =	shalt  }
0x74: {  	_ =	shalt  }
0x75: {  	_ =	shalt  }
0x76: {  	_ =	shalt  }
0x77: {  	_ =	shalt  }
0x78: {  	_ =	shalt  }
0x79: {  	_ =	shalt  }
0x7a: {  	_ =	shalt  }
0x7b: {  	_ =	shalt  }
0x7c: {  	_ =	shalt  }
0x7d: {  	_ =	shalt  }
0x7e: {  	_ =	shalt  }
0x7f: {  	_ =	shalt  }
0x80: {  	_ =	shalt  }
0x81: {  	_ =	shalt  }
0x82: {  	_ =	shalt  }
0x83: {  	_ =	shalt  }
0x84: {  	_ =	shalt  }
0x85: {  	_ =	shalt  }
0x86: {  	_ =	shalt  }
0x87: {  	_ =	shalt  }
.Lfunc_end0:
.L_simem_size_0:
called_computation.1_lowered:
.L_overlay_start_0:
0x88: {  	s2 =	sld [smem:$0x3FD9]  }
0x89: {  	s3 =	sld [smem:$0x3FFE];
	_ =	sdelay $0x1  }
0x8a: {  	s1 =	srdreg.scid  }
0x8b: {  	s0 =	sand.u32 $0x1, s1  }
0x8c: {  	s17 =	sshll.u32 s0, $0xA;
	s2 =	sadd.s32 s3, s2  }
0x8d: {  	s2 =	sadd.s32 s2, s17  }
0x8e: {  	[smem:$0x3FC5] =	sst s2  }
0x8f: {  	_ = 	snop  }
0x90: {  	s2 =	sld [smem:$0x3FC9]  }
0x91: {  	s18 =	sld [smem:$0x3FD0];
	(tm) =	ssettm $0x1  }
0x92: {  	s4 =	sld [smem:$0x3FFB];
	_ =	sdelay $0x3  }
0x93: {  	_ =	strace s4  }
0x94: {  	s4 =	sld [smem:$0x3FFC];
	_ =	sdelay $0x3  }
0x95: {  	_ =	strace s4  }
0x96: {  	s4 =	sld [smem:$0x3FFD];
	_ =	sdelay $0x3  }
0x97: {  	_ =	strace s4  }
0x98: {  	_ =	strace $0x8FFFFFFF  }
0x99: {  	s19 =	sld [smem:$0x3FDB];
	_ =	sdelay $0x1  }
0x9a: {  	s5 =	simm.s32 $_scs_section_size  }
0x9b: {  	s6 =	simm.s32 $_size__tile_overlayer_lowered;
	s7 =	simm.s32 $_tile_overlayer_lowered  }
0x9c: {  	s22 =	simm.s32 $0x1BFF;
	s21 =	sshll.u32 s7, $0x1;
	s4 =	sadd.s32 s5, s19  }
0x9d: {  	s8 =	simm.s32 $0x0;
	s20 =	sshll.u32 s6, $0x1;
	s6 =	sadd.s32 s21, s4  }
0x9e: {  	[timem:s8], [sflag:s22] =	dma.local [hbm:s6], s20  }
0x9f: {  	_ =	swait.ge [sflag:s22], s20  }
0xa0: {  	s5 =	ssub.s32 $0x0, s20;
	[sflag:s22] =	ssyncset.done $0x0  }
0xa1: {  	[sflag:s22] =	ssyncadd.s32 s5;
	_ =	sdelay $0x1  }
0xa2: {  	s23 =	simm.s32 $0x1B8B  }
0xa3: {  	_ =	swait.ge [sflag:s23], $0x1  }
0xa4: {  	[sflag:s23] =	ssyncset.done $0x0  }
0xa5: {  	s25 =	simm.s32 $0x1B8E;
	s24 =	sld [smem:$0x3FFE];
	[sflag:s23] =	ssyncadd.s32 $0xFFFFFFFF  }
0xa6: {  	s26 =	simm.s32 $execute0_lowered;
	[smem:$0x3FD2] =	sst s25  }
0xa7: {  	s6 =	sshll.u32 s26, $0x1;
	_ =	strace $0x80000049;
	[dreg:$0x1] =	wrdreg $0xFFFFFFFF  }
0xa8: {  	s28 =	simm.s32 $_size_execute0_lowered;
	s4 =	sadd.s32 s4, s6;
	[dreg:$0x0] =	wrdreg $0x0  }
0xa9: {  	s6 =	sshll.u32 s28, $0x1;
	[dreg:$0x2] =	wrdreg s4  }
0xaa: {  	[dreg:$0x3] =	wrdreg s6  }
0xab: {  	[dreg:$0x4] =	wrdreg $0xC0  }
0xac: {  	_ =	task [dreg:s8], $0x5FFFF  }
0xad: {  	[dreg:$0x1] =	wrdreg $0xFFFFFFFF  }
0xae: {  	[dreg:$0x0] =	wrdreg $0x60  }
0xaf: {  	[dreg:$0x2] =	wrdreg s2  }
0xb0: {  	[dreg:$0x3] =	wrdreg s24  }
0xb1: {  	[dreg:$0x4] =	wrdreg s18  }
0xb2: {  	[dreg:$0x5] =	wrdreg $0x9  }
0xb3: {  	_ =	task.clear_ibuf [dreg:s8], $0x6FFFF;
	_ =	strace $0x90000049  }
0xb4: {  	s29 =	simm.s32 $0x9;
	_ =	strace $0x8000004B  }
0xb5: {  	_ =	swait.ge [sflag:s29], $0x1  }
0xb6: {  	[sflag:s29] =	ssyncadd.s32 $0xFFFFFFFF  }
0xb7: {  	_ =	strace $0x9000004B  }
0xb8: {  	_ =	sfence  }
0xb9: {  	s30 =	sld [smem:$0x0];
	_ =	sdelay $0x2  }
0xba: {  	s31 =	sshll.u32 s1, $0xD;
	s1 =	sshrl.u32 s1, $0x2  }
0xbb: {  	s3 =	sand.u32 $0x4000, s31;
	s1 =	sadd.s32 s1, s30  }
0xbc: {  	s0 =	sor.u32 s3, s0;
	s1 =	sshll.u32 s1, $0x11  }
0xbd: {  	s0 =	sor.u32 s1, s0  }
0xbe: {  	s0 =	sadd.s32 $0x8F2B, s0  }
0xbf: {  	[sflag:s0] =	ssyncadd.remote.s32 $0x1  }
0xc0: {  	_ =	sfence.sel $0xFFFF  }
0xc1: {  	[dreg:$0x0] =	wrdreg $0xFFFFFFFF;
	(pc) =	sbr.abs _section_cstart, $3  }
0xc2: {  	[dreg:$0x1] =	wrdreg $0xFFFFFFFF  }
0xc3: {  	_ =	task.clear_ibuf [dreg:s8], $0x2FFFF;
	_ =	strace $0x9FFFFFFF  }
0xc4: {  	(tm) =	ssettm $0x7FFFFFFF  }
0xc5: {  	_ =	shalt  }
tec
execute0_lowered:
.L_overlay_start_1:
0x0: {  	(tag) =	ssettag $0x1  }
0x1: {  	s0 =	srdreg.scid  }
0x2: {  	s10 =	sand.u32 $0x1, s0  }
0x3: {  	s1 =	stileid.u32;
	s0 =	sshll.u32 s10, $0x4  }
0x4: {  	s1 =	sor.u32 s1, s0  }
0x5: {  	s9 =	ssub.s32 $0x487, s1  }
0x6: {  	s18 =	sand.u32 $0x4E0, s9  }
0x7: {  	s6 =	sor.u32 s1, s18  }
0x8: {  	s5 =	simm.s32 $0x0;
	v0 =	vmov s6  }
0x9: {  	[smem:$0x7FF] =	sst s5;
	v3 =	vbroadcast v0, $0x0  }
0xa: {  	s3 =	rddreg [dreg:$0x1];
	_ =	strace $0x8000004A  }
0xb: {  	(v2sf) =	vpush v3, $0xD;
	_ =	sdelay $0x1  }
0xc: {  	(v2sf) =	vpush v3, $0xC;
	_ =	sdelay $0x1  }
0xd: {  	(v2sf) =	vpush v3, $0xE;
	_ =	sdelay $0x1  }
0xe: {  	(v2sf) =	vpush v3, $0xF;
	_ =	sdelay $0x1  }
0xf: {  	(v2sf) =	vpush v3, $0x9;
	_ =	sdelay $0x1  }
0x10: {  	(v2sf) =	vpush v3, $0x8;
	_ =	sdelay $0x1  }
0x11: {  	(v2sf) =	vpush v3, $0xA;
	_ =	sdelay $0x1  }
0x12: {  	(v2sf) =	vpush v3, $0xB  }
0x13: {  	s19 =	spop (v2sf)  }
0x14: {  	(v2sf) =	vpush v3, $0x1;
	s2 =	smulhi.u32 $0xE1FC780F, s19;
	s7 =	sshra.s32 s19, $0x1F  }
0x15: {  	s11 =	spop (v2sf);
	s7 =	smul.u32 $0xE1FC780F, s7  }
0x16: {  	(v2sf) =	vpush v3, $0x0;
	s12 =	smulhi.u32 $0xE1FC780F, s11;
	s13 =	sshra.s32 s11, $0x1F  }
0x17: {  	s14 =	spop (v2sf);
	s13 =	smul.u32 $0xE1FC780F, s13  }
0x18: {  	(v2sf) =	vpush v3, $0x2;
	s0 =	ssub.s32 s2, s19;
	s15 =	smulhi.u32 $0xE1FC780F, s14;
	s16 =	sshra.s32 s14, $0x1F  }
0x19: {  	s21 =	spop (v2sf);
	s2 =	sadd.s32 s7, s0;
	s20 =	smul.u32 $0xE1FC780F, s16  }
0x1a: {  	(v2sf) =	vpush v3, $0x3;
	s11 =	ssub.s32 s12, s11;
	s22 =	smulhi.u32 $0xE1FC780F, s21;
	s23 =	sshra.s32 s21, $0x1F  }
0x1b: {  	s25 =	spop (v2sf);
	s11 =	sadd.s32 s13, s11;
	s24 =	smul.u32 $0xE1FC780F, s23  }
0x1c: {  	(v2sf) =	vpush v3, $0x4;
	s14 =	ssub.s32 s15, s14;
	s26 =	smulhi.u32 $0xE1FC780F, s25;
	s17 =	sshra.s32 s25, $0x1F  }
0x1d: {  	s29 =	spop (v2sf);
	s0 =	sadd.s32 s20, s14;
	s28 =	smul.u32 $0xE1FC780F, s17  }
0x1e: {  	(v2sf) =	vpush v3, $0x5;
	s7 =	ssub.s32 s22, s21;
	s30 =	smulhi.u32 $0xE1FC780F, s29;
	s18 =	sshra.s32 s29, $0x1F  }
0x1f: {  	s4 =	spop (v2sf);
	s7 =	sadd.s32 s24, s7;
	s31 =	smul.u32 $0xE1FC780F, s18  }
0x20: {  	(v2sf) =	vpush v3, $0x6;
	s15 =	ssub.s32 s26, s25;
	s8 =	smulhi.u32 $0xE1FC780F, s4;
	s19 =	sshra.s32 s4, $0x1F  }
0x21: {  	s22 =	spop (v2sf);
	s14 =	sadd.s32 s28, s15;
	s19 =	smul.u32 $0xE1FC780F, s19  }
0x22: {  	(v2sf) =	vpush v3, $0x7;
	s12 =	ssub.s32 s30, s29;
	s23 =	smulhi.u32 $0xE1FC780F, s22;
	s20 =	sshra.s32 s22, $0x1F  }
0x23: {  	s12 =	sadd.s32 s31, s12;
	s24 =	smul.u32 $0xE1FC780F, s20;
	s25 =	spop (v2sf)  }
0x24: {  	s16 =	ssub.s32 s8, s4;
	s26 =	smulhi.u32 $0xE1FC780F, s25;
	s21 =	sshra.s32 s25, $0x1F  }
0x25: {  	s15 =	sadd.s32 s19, s16;
	s29 =	spop (v2sf);
	s28 =	smul.u32 $0xE1FC780F, s21  }
0x26: {  	s17 =	ssub.s32 s23, s22;
	s30 =	smulhi.u32 $0xE1FC780F, s29;
	s22 =	sshra.s32 s29, $0x1F  }
0x27: {  	s13 =	sadd.s32 s24, s17;
	s4 =	spop (v2sf);
	s31 =	smul.u32 $0xE1FC780F, s22  }
0x28: {  	s18 =	ssub.s32 s26, s25;
	s8 =	smulhi.u32 $0xE1FC780F, s4;
	s23 =	sshra.s32 s4, $0x1F  }
0x29: {  	s26 =	spop (v2sf);
	s16 =	sadd.s32 s28, s18;
	s25 =	smul.u32 $0xE1FC780F, s23  }
0x2a: {  	s19 =	ssub.s32 s30, s29;
	s28 =	smulhi.u32 $0xE1FC780F, s26;
	s24 =	sshra.s32 s26, $0x1F  }
0x2b: {  	s29 =	sadd.s32 s31, s19;
	s30 =	smul.u32 $0xE1FC780F, s24;
	s19 =	spop (v2sf)  }
0x2c: {  	vm0 =	vcmask $0xB08;
	vm1 =	vcmask $0x1310;
	v0 =	vmov s11;
	s4 =	ssub.s32 s8, s4;
	s8 =	smulhi.u32 $0xE1FC780F, s19;
	s31 =	sshra.s32 s19, $0x1F  }
0x2d: {  	vm2 =	vcmask $0x1B18;
	vm3 =	vcmask $0x300;
	v0 =	vsel vm0, s2, v0;
	s2 =	sadd.s32 s25, s4;
	s22 =	spop (v2sf);
	s18 =	smul.u32 $0xE1FC780F, s31  }
0x2e: {  	v4 =	vimm.s32 $0xECA86420;
	v1 =	vmov s12;
	v2 =	vmov s29;
	s24 =	ssub.s32 s28, s26;
	s25 =	smulhi.u32 $0xE1FC780F, s22;
	s26 =	sshra.s32 s22, $0x1F  }
0x2f: {  	vm4 =	vcmask $0x2320;
	v1 =	vsel vm0, s14, v1;
	v2 =	vnsel vm3, $0x0, v2;
	s28 =	sadd.s32 s30, s24;
	s30 =	spop (v2sf);
	s29 =	smul.u32 $0xE1FC780F, s26  }
0x30: {  	v0 =	vsel vm1, s0, v0;
	v1 =	vsel vm1, s15, v1;
	v2 =	vsel vm0, s16, v2;
	s31 =	ssub.s32 s8, s19;
	s4 =	smulhi.u32 $0xE1FC780F, s30;
	s8 =	sshra.s32 s30, $0x1F  }
0x31: {  	v0 =	vsel vm2, s7, v0;
	v1 =	vsel vm2, s13, v1;
	s21 =	spop (v2sf);
	v2 =	vsel vm1, s2, v2;
	s19 =	sadd.s32 s18, s31;
	s20 =	smul.u32 $0xE1FC780F, s8  }
0x32: {  	vm5 =	vcmask $0x2B28;
	v5 =	vcombine.low v1, v0;
	s22 =	ssub.s32 s25, s22;
	s23 =	smulhi.u32 $0xE1FC780F, s21;
	s24 =	sshra.s32 s21, $0x1F;
	v1 =	vsel vm2, s28, v2  }
0x33: {  	vm6 =	vcmask $0x3330;
	v4 =	vunpack.c.l.s4.s8 v4;
	s25 =	sadd.s32 s29, s22;
	s26 =	ssub.s32 s4, s30;
	s28 =	smul.u32 $0xE1FC780F, s24;
	v1 =	vsel vm4, s19, v1  }
0x34: {  	vm7 =	vcmask $0x3B38;
	s29 =	sadd.s32 s20, s26;
	s30 =	ssub.s32 s23, s21;
	v2 =	vsel vm5, s25, v1;
	v1 =	vlaneseq.u32  }
0x35: {  	v0 =	vunpack.c.0.s8.s32 v4;
	s31 =	sadd.s32 s28, s30;
	v4 =	vsel vm6, s29, v2;
	v2 =	vmul.u32 $0x2, v1  }
0x36: {  	v4 =	vsel vm7, s31, v4  }
0x37: {  	v5 =	vperm.xlane v5, v0;
	v4 =	vperm.xlane v4, v2  }
0x38: {  	vm8 =	vmmov $0xff  }
0x39: {  	v4 =	vsel vm8, v4, v5  }
0x3a: {  	v4 =	vadd.s32 v3, v4  }
0x3b: {  	v5 =	vshrl.u32 v4, $0x1F;
	v4 =	vshra.s32 v4, $0x7  }
0x3c: {  	v4 =	vadd.s32 v5, v4  }
0x3d: {  	v4 =	vmul.u32 $0x91, v4;
	_ =	sdelay $0x1  }
0x3e: {  	v3 =	vsub.s32 v3, v4  }
0x3f: {  	v3 =	vxor.u32 $0x80000000, v3  }
0x40: {  	(xrf0) =	vmax.scan.msk.u32 $0xffff, v3;
	_ =	sdelay $0x3  }
0x41: {  	s2 =	sadd.s32 $0xFFFFFFE0, s6  }
0x42: {  	v3 =	vmov s2  }
0x43: {  	v3 =	vbroadcast v3, $0x0;
	v4, _, _ =	vpop (xrf0)  }
0x44: {  	(v2sf) =	vpush v4, $0xF  }
0x45: {  	(v2sf) =	vpush v3, $0xD  }
0x46: {  	(v2sf) =	vpush v3, $0xC  }
0x47: {  	(v2sf) =	vpush v3, $0xE  }
0x48: {  	(v2sf) =	vpush v3, $0xF  }
0x49: {  	(v2sf) =	vpush v3, $0x9  }
0x4a: {  	(v2sf) =	vpush v3, $0x8;
	_ =	sdelay $0x1  }
0x4b: {  	(v2sf) =	vpush v3, $0xA;
	_ =	sdelay $0x1  }
0x4c: {  	(v2sf) =	vpush v3, $0xB;
	_ =	sdelay $0x1  }
0x4d: {  	(v2sf) =	vpush v3, $0x1;
	_ =	sdelay $0x1  }
0x4e: {  	(v2sf) =	vpush v3, $0x0  }
0x4f: {  	s17 =	spop (v2sf)  }
0x50: {  	(v2sf) =	vpush v3, $0x2;
	s4 =	spop (v2sf)  }
0x51: {  	s8 =	spop (v2sf);
	s23 =	sshra.s32 s4, $0x1F  }
0x52: {  	s6 =	smul.u32 $0xE1FC780F, s23;
	s24 =	sshra.s32 s8, $0x1F;
	s11 =	spop (v2sf)  }
0x53: {  	s12 =	spop (v2sf);
	s7 =	smul.u32 $0xE1FC780F, s24;
	s25 =	sshra.s32 s11, $0x1F  }
0x54: {  	s14 =	spop (v2sf);
	s13 =	smul.u32 $0xE1FC780F, s25;
	s26 =	sshra.s32 s12, $0x1F  }
0x55: {  	(v2sf) =	vpush v3, $0x3;
	s16 =	spop (v2sf);
	s15 =	smul.u32 $0xE1FC780F, s26;
	s28 =	sshra.s32 s14, $0x1F  }
0x56: {  	s18 =	smul.u32 $0xE1FC780F, s28;
	s29 =	sshra.s32 s16, $0x1F  }
0x57: {  	s20 =	spop (v2sf);
	s19 =	smul.u32 $0xE1FC780F, s29  }
0x58: {  	(v2sf) =	vpush v3, $0x4;
	s30 =	sshra.s32 s20, $0x1F;
	s29 =	smulhi.u32 $0xE1FC780F, s4  }
0x59: {  	s21 =	spop (v2sf);
	s22 =	smul.u32 $0xE1FC780F, s30  }
0x5a: {  	s31 =	sshra.s32 s21, $0x1F;
	s30 =	smulhi.u32 $0xE1FC780F, s8  }
0x5b: {  	s24 =	spop (v2sf);
	s23 =	smul.u32 $0xE1FC780F, s31  }
0x5c: {  	(v2sf) =	vpush v3, $0x5;
	s25 =	sshra.s32 s24, $0x1F;
	s0 =	ssub.s32 s29, s4;
	s29 =	smulhi.u32 $0xE1FC780F, s11  }
0x5d: {  	s26 =	spop (v2sf);
	s25 =	smul.u32 $0xE1FC780F, s25  }
0x5e: {  	s28 =	sshra.s32 s26, $0x1F;
	s8 =	ssub.s32 s30, s8;
	s30 =	smulhi.u32 $0xE1FC780F, s16  }
0x5f: {  	(v2sf) =	vpush v3, $0x6;
	s31 =	spop (v2sf);
	s28 =	smul.u32 $0xE1FC780F, s28  }
0x60: {  	s4 =	sshra.s32 s31, $0x1F;
	s11 =	ssub.s32 s29, s11;
	s29 =	smulhi.u32 $0xE1FC780F, s12  }
0x61: {  	(v2sf) =	vpush v3, $0x7;
	s2 =	sadd.s32 s6, s0;
	s0 =	smul.u32 $0xE1FC780F, s4  }
0x62: {  	s6 =	sadd.s32 s7, s8;
	s7 =	sadd.s32 s13, s11;
	s13 =	smulhi.u32 $0xE1FC780F, s14  }
0x63: {  	s8 =	ssub.s32 s29, s12;
	s12 =	ssub.s32 s30, s16;
	s29 =	smulhi.u32 $0xE1FC780F, s21  }
0x64: {  	s30 =	smulhi.u32 $0xE1FC780F, s24;
	s11 =	spop (v2sf);
	s13 =	ssub.s32 s13, s14  }
0x65: {  	s12 =	sadd.s32 s19, s12;
	s13 =	sadd.s32 s18, s13;
	s18 =	smulhi.u32 $0xE1FC780F, s20  }
0x66: {  	s4 =	sshra.s32 s11, $0x1F;
	s19 =	ssub.s32 s30, s24;
	s24 =	smulhi.u32 $0xE1FC780F, s26  }
0x67: {  	s8 =	sadd.s32 s15, s8;
	s16 =	spop (v2sf);
	s14 =	smul.u32 $0xE1FC780F, s4  }
0x68: {  	s4 =	sshra.s32 s16, $0x1F;
	s19 =	sadd.s32 s25, s19;
	s25 =	smulhi.u32 $0xE1FC780F, s31  }
0x69: {  	s15 =	ssub.s32 s18, s20;
	s18 =	ssub.s32 s29, s21;
	s20 =	smul.u32 $0xE1FC780F, s4  }
0x6a: {  	s21 =	ssub.s32 s24, s26;
	s29 =	smulhi.u32 $0xE1FC780F, s11;
	s15 =	sadd.s32 s22, s15  }
0x6b: {  	s18 =	sadd.s32 s23, s18;
	s22 =	spop (v2sf);
	s21 =	sadd.s32 s28, s21  }
0x6c: {  	s23 =	ssub.s32 s25, s31;
	s31 =	smulhi.u32 $0xE1FC780F, s16;
	s30 =	sshra.s32 s22, $0x1F  }
0x6d: {  	v4 =	vmov s21;
	s0 =	sadd.s32 s0, s23;
	s11 =	ssub.s32 s29, s11;
	s4 =	smulhi.u32 $0xE1FC780F, s22  }
0x6e: {  	s25 =	smul.u32 $0xE1FC780F, s30;
	s11 =	sadd.s32 s14, s11;
	v4 =	vnsel vm3, $0x0, v4;
	s14 =	spop (v2sf)  }
0x6f: {  	s16 =	ssub.s32 s31, s16;
	v4 =	vsel vm0, s19, v4;
	s24 =	smulhi.u32 $0xE1FC780F, s14;
	s26 =	sshra.s32 s14, $0x1F  }
0x70: {  	v5 =	vmov s6;
	v6 =	vmov s12;
	s28 =	sadd.s32 s20, s16;
	s30 =	spop (v2sf);
	v4 =	vsel vm1, s0, v4;
	s29 =	smul.u32 $0xE1FC780F, s26  }
0x71: {  	v5 =	vsel vm0, s2, v5;
	v6 =	vsel vm0, s13, v6;
	s31 =	ssub.s32 s4, s22;
	s4 =	smulhi.u32 $0xE1FC780F, s30;
	s16 =	sshra.s32 s30, $0x1F;
	v4 =	vsel vm2, s11, v4  }
0x72: {  	v5 =	vsel vm1, s7, v5;
	v6 =	vsel vm1, s15, v6;
	s20 =	sadd.s32 s25, s31;
	s21 =	ssub.s32 s24, s14;
	s22 =	smul.u32 $0xE1FC780F, s16;
	v4 =	vsel vm4, s28, v4  }
0x73: {  	v5 =	vsel vm2, s8, v5;
	v6 =	vsel vm2, s18, v6;
	s23 =	sadd.s32 s29, s21;
	s24 =	ssub.s32 s4, s30;
	v4 =	vsel vm5, s20, v4  }
0x74: {  	v5 =	vcombine.low v6, v5;
	s25 =	sadd.s32 s22, s24;
	v4 =	vsel vm6, s23, v4  }
0x75: {  	v4 =	vsel vm7, s25, v4  }
0x76: {  	v5 =	vperm.xlane v5, v0;
	v4 =	vperm.xlane v4, v2;
	_ =	sdelay $0x1  }
0x77: {  	v4 =	vsel vm8, v4, v5  }
0x78: {  	v4 =	vadd.s32 v3, v4  }
0x79: {  	v5 =	vshrl.u32 v4, $0x1F;
	v4 =	vshra.s32 v4, $0x7  }
0x7a: {  	v4 =	vadd.s32 v5, v4  }
0x7b: {  	v4 =	vmul.u32 $0x91, v4;
	_ =	sdelay $0x1  }
0x7c: {  	v3 =	vsub.s32 v3, v4  }
0x7d: {  	v3 =	vxor.u32 $0x80000000, v3  }
0x7e: {  	(xrf0) =	vmax.scan.msk.u32 $0xffff, v3;
	_ =	sdelay $0x5  }
0x7f: {  	v3, _, _ =	vpop (xrf0)  }
0x80: {  	(v2sf) =	vpush v3, $0xF;
	_ =	sdelay $0x6  }
0x81: {  	s9 =	sand.u32 $0x20, s9  }
0x82: {  	p5 =	sne.s32 s9, $0x0  }
0x83: {  	p0 =	sgt.u32 @p5 s17, $0x8000008F;
	p2 =	sgt.u32 @!p5 s17, $0x8000008F  }
0x84: {  	p1 =	por !p0, !p5;
	p3 =	por !p2, p5;
	s26 =	ssub.s32 $0x2, s10  }
0x85: {  	p1 =	sne.s32 @!p1 s17, $0x80000090;
	p3 =	sne.s32 @!p3 s17, $0x80000090;
	s29 =	sshrl.u32 s26, $0x1  }
0x86: {  	p1 =	por @p5 p1, !p0;
	p0 =	por p0, !p5;
	s0 =	ssub.s32 s26, s29  }
0x87: {  	p1 =	por p1, !p5;
	s6 =	sadd.s32 $0xC00, s3;
	s0 =	smax.u32 s0, $0x1  }
0x88: {  	s7 =	sadd.s32 $0x29A00, s3;
	[dreg:$0x8] =	wrdreg s0;
	s0 =	simm.s32 @!p1 $0x0  }
0x89: {  	s8 =	smov.u32 s1;
	s0 =	simm.s32 @p1 $0x1;
	s2 =	spop (v2sf)  }
0x8a: {  	[smem:$0x7F7] =	sst s0;
	s0 =	simm.s32 @!p0 $0x0;
	p1 =	sgt.u32 @p5 s2, $0x8000008F  }
0x8b: {  	s12 =	simm.s32 $0x1D000;
	s0 =	simm.s32 @p0 $0x1;
	p0 =	por !p1, !p5  }
0x8c: {  	s13 =	simm.s32 $0x6;
	[dreg:$0x4] =	wrdreg s8;
	p0 =	sne.s32 @!p0 s2, $0x80000090  }
0x8d: {  	s15 =	simm.s32 $0x5;
	s31 =	sor.u32 $0x40, s8;
	p0 =	por @p5 p0, !p1  }
0x8e: {  	[dreg:$0x7] =	wrdreg s31;
	s14 =	simm.s32 $0x1F080;
	p0 =	por p0, !p5  }
0x8f: {  	s16 =	simm.s32 $0xD800;
	[smem:$0x7F8] =	sst s0;
	s0 =	simm.s32 @!p0 $0x0  }
0x90: {  	s28 =	sadd.s32 $0x52800, s3;
	p1 =	por p1, !p5;
	s0 =	simm.s32 @p0 $0x1  }
0x91: {  	p0 =	por @!p5 p3, !p2;
	[smem:$0x7F9] =	sst s0;
	s0 =	simm.s32 @!p1 $0x0  }
0x92: {  	[dreg:$0x5] =	wrdreg s28;
	p0 =	por p0, p5;
	s0 =	simm.s32 @p1 $0x1  }
0x93: {  	s30 =	sshll.u32 s8, $0x2;
	[smem:$0x7FA] =	sst s0;
	s0 =	simm.s32 @!p0 $0x0  }
0x94: {  	s1 =	sadd.s32 s28, s30;
	p6 =	sgt.u32 @!p5 s2, $0x8000008F;
	s0 =	simm.s32 @p0 $0x1  }
.Ltmp0:
0x95: {  	[smem:$0x7FB] =	sst s0;
	s0 =	simm.s32 @!p6 $0x0;
	(pc) =	sbr.rel .LBB2_1-.Ltmp0, $4  }
0x96: {  	[dreg:$0x6] =	wrdreg s1;
	p4 =	por !p6, p5;
	s0 =	simm.s32 @p6 $0x1  }
0x97: {  	p3 =	sne.s32 @!p4 s2, $0x80000090;
	[smem:$0x7FC] =	sst s0;
	s0 =	simm.s32 @!p5 $0x0  }
0x98: {  	s2 =	simm.s32 $0x0;
	p0 =	por @!p5 p3, !p6;
	s0 =	simm.s32 @p5 $0x1  }
0x99: {  	v3 =	vmul.u32 $0xFFFFFFFF, v1;
	p3 =	por p2, p5;
	p0 =	por p0, p5;
	[smem:$0x7FD] =	sst s0  }
.LBB2_48:
0x9a: {  	s0 =	sld [smem:$0x7F7];
	_ =	sdelay $0x2  }
0x9b: {  	p1 =	seq.s32 s0, $0x1  }
0x9c: {  	s0 =	simm.s32 @!p1 $0x4  }
0x9d: {  	_ =	swait.ge @!p1 [sflag:s0], $0x9400  }
0x9e: {  	s25 =	sld [smem:$0x7F8];
	_ =	sdelay $0x1  }
0x9f: {  	[sflag:s0] =	ssyncset.done @!p1 $0x0  }
0xa0: {  	[sflag:s0] =	ssyncadd.s32 @!p1 $0xFFFF6C00;
	p1 =	seq.s32 s25, $0x1  }
0xa1: {  	s0 =	simm.s32 @!p1 $0x4  }
0xa2: {  	_ =	swait.ge @!p1 [sflag:s0], $0xD800  }
0xa3: {  	s26 =	sld [smem:$0x7F9];
	_ =	sdelay $0x1  }
0xa4: {  	[sflag:s0] =	ssyncset.done @!p1 $0x0  }
0xa5: {  	[sflag:s0] =	ssyncadd.s32 @!p1 $0xFFFF2800;
	p1 =	seq.s32 s26, $0x1  }
0xa6: {  	s0 =	simm.s32 @!p1 $0x2  }
0xa7: {  	_ =	swait.ge @!p1 [sflag:s0], $0x9400  }
0xa8: {  	s28 =	sld [smem:$0x7FA];
	_ =	sdelay $0x1  }
0xa9: {  	[sflag:s0] =	ssyncset.done @!p1 $0x0  }
0xaa: {  	[sflag:s0] =	ssyncadd.s32 @!p1 $0xFFFF6C00;
	p1 =	seq.s32 s28, $0x1  }
0xab: {  	s0 =	simm.s32 @!p1 $0x2  }
0xac: {  	_ =	swait.ge @!p1 [sflag:s0], $0xD800  }
0xad: {  	s29 =	sld [smem:$0x7FB];
	_ =	sdelay $0x1  }
0xae: {  	[sflag:s0] =	ssyncset.done @!p1 $0x0  }
0xaf: {  	[sflag:s0] =	ssyncadd.s32 @!p1 $0xFFFF2800;
	p1 =	seq.s32 s29, $0x1  }
0xb0: {  	s0 =	simm.s32 @!p1 $0x2  }
0xb1: {  	_ =	swait.ge @!p1 [sflag:s0], $0x9400  }
0xb2: {  	[sflag:s0] =	ssyncset.done @!p1 $0x0  }
0xb3: {  	[sflag:s0] =	ssyncadd.s32 @!p1 $0xFFFF6C00;
	s0 =	simm.s32 @!p3 $0x2  }
0xb4: {  	_ =	swait.ge @!p3 [sflag:s0], $0xD800  }
0xb5: {  	[sflag:s0] =	ssyncset.done @!p3 $0x0  }
0xb6: {  	[sflag:s0] =	ssyncadd.s32 @!p3 $0xFFFF2800;
	s0 =	simm.s32 @!p0 $0x4  }
0xb7: {  	_ =	swait.ge @!p0 [sflag:s0], $0x9400  }
0xb8: {  	s1 =	sld [smem:$0x7FD]  }
0xb9: {  	s30 =	sld [smem:$0x7FC];
	_ =	sdelay $0x2  }
0xba: {  	p6 =	seq.s32 s1, $0x1;
	p2 =	seq.s32 s30, $0x1  }
0xbb: {  	[sflag:s0] =	ssyncset.done @!p0 $0x0;
	p1 =	por p2, p6  }
0xbc: {  	[sflag:s0] =	ssyncadd.s32 @!p0 $0xFFFF6C00;
	s0 =	simm.s32 @!p1 $0x4  }
0xbd: {  	_ =	swait.ge @!p1 [sflag:s0], $0xD800  }
0xbe: {  	s2 =	rddreg [dreg:$0x9]  }
0xbf: {  	s31 =	rddreg [dreg:$0x8];
	s2 =	sadd.s32 $0x1, s2  }
0xc0: {  	p2 =	sne.s32 s2, s31  }
.Ltmp1:
0xc1: {  	_ = 	snop;
	(pc) =	sbr.rel @!p2 .LBB2_49-.Ltmp1, $3  }
0xc2: {  	_ =	sdelay $0x1  }
0xc3: {  	[sflag:s0] =	ssyncset.done @!p1 $0x0  }
0xc4: {  	[sflag:s0] =	ssyncadd.s32 @!p1 $0xFFFF2800  }
.LBB2_1:
0xc5: {  	[dreg:$0x9] =	wrdreg s2  }
0xc6: {  	v4 =	vmov s5;
	s0 =	rddreg [dreg:$0x6]  }
0xc7: {  	[tilespmem:s12], [sflag:$0x6] =	stream.linear.gather [hbm4b:s0+s5], $0x20, $0x38;
	[tilespmem:$0x1F100] =	vst v63  }
0xc8: {  	_ =	swait.ge [sflag:s13], $0x20  }
0xc9: {  	[sflag:s13] =	ssyncset.done $0x0  }
0xca: {  	[sflag:s13] =	ssyncadd.s32 $0xFFFFFFE0  }
0xcb: {  	v4 =	vld.idx.msk [tilespmem:v4+s12+$0x0], $0xffff;
	_ =	sdelay $0x4  }
0xcc: {  	v4 =	vxor.u32 $0x80000000, v4  }
0xcd: {  	(xrf0) =	vmax.scan.msk.u32 $0xffff, v4;
	_ =	sdelay $0x5  }
0xce: {  	v4, _, _ =	vpop (xrf0)  }
0xcf: {  	(v2sf) =	vpush v4, $0xF;
	_ =	sdelay $0xe  }
0xd0: {  	s26 =	spop (v2sf)  }
0xd1: {  	s0 =	sand.u32 $0xFFF8, s26  }
0xd2: {  	s28 =	simm.s32 $0x1;
	s0 =	sadd.s32 $0x0, s0  }
0xd3: {  	v4 =	vmov s28;
	s0 =	sshrl.u32 s0, $0x3  }
0xd4: {  	s29 =	simm.s32 $0x1B000;
	s9 =	sadd.s32 s6, s0  }
0xd5: {  	[tilespmem:s29], [sflag:$0x5] =	stream.linear.gather [hbm4b:s9+s5], $0x80, $0x38;
	[tilespmem:$0x1F100] =	vst v63  }
0xd6: {  	s2 =	simm.s32 $0x1C000;
	s0 =	sadd.s32 s7, s0  }
0xd7: {  	[tilespmem:s2], [sflag:$0x5] =	stream.linear.gather [hbm4b:s0+s5], $0x80, $0x38;
	[tilespmem:$0x1F100] =	vst v63  }
0xd8: {  	v4 =	vld.idx.msk [tilespmem:v4+s12+$0x0], $0xffff;
	_ =	sdelay $0x4  }
0xd9: {  	v4 =	vxor.u32 $0x80000000, v4  }
0xda: {  	(xrf0) =	vmax.scan.msk.u32 $0xffff, v4;
	_ =	sdelay $0x5  }
0xdb: {  	v4, _, _ =	vpop (xrf0)  }
0xdc: {  	(v2sf) =	vpush v4, $0xF;
	_ =	sdelay $0xe  }
0xdd: {  	s30 =	spop (v2sf)  }
0xde: {  	s31 =	simm.s32 $0x2;
	s0 =	sand.u32 $0xFFF8, s30  }
0xdf: {  	s19 =	simm.s32 $0xA300;
	s18 =	simm.s32 $0x1B080;
	s0 =	sadd.s32 $0xA300, s0  }
0xe0: {  	s20 =	simm.s32 $0x3;
	v4 =	vmov s31;
	s9 =	sshrl.u32 s0, $0x3;
	s0 =	simm.s32 $0x0  }
.LBB2_2:
0xe1: {  	p1 =	sne.s32 s20, $0x1F;
	s11 =	sadd.s32 s6, s9;
	s9 =	sadd.s32 s7, s9  }
0xe2: {  	[tilespmem:s18], [sflag:$0x5] =	stream.linear.gather [hbm4b:s11+s0], $0x80, $0x38;
	[tilespmem:$0x1F100] =	vst v63  }
0xe3: {  	s2 =	sadd.s32 $0x80, s2  }
0xe4: {  	[tilespmem:s2], [sflag:$0x5] =	stream.linear.gather [hbm4b:s9+s0], $0x80, $0x38;
	[tilespmem:$0x1F100] =	vst v63  }
0xe5: {  	v4 =	vld.idx.msk [tilespmem:v4+s12+$0x0], $0xffff;
	_ =	sdelay $0x5  }
0xe6: {  	v4 =	vxor.u32 $0x80000000, v4  }
0xe7: {  	(xrf0) =	vmax.scan.msk.u32 $0xffff, v4;
	_ =	sdelay $0x5  }
0xe8: {  	v4, _, _ =	vpop (xrf0)  }
0xe9: {  	(v2sf) =	vpush v4, $0xF;
	_ =	sdelay $0xd  }
.Ltmp2:
0xea: {  	(pc) =	sbr.rel @p1 .LBB2_2-.Ltmp2, $4  }
0xeb: {  	s0 =	spop (v2sf)  }
0xec: {  	s19 =	sadd.s32 $0xA300, s19;
	s0 =	sand.u32 $0xFFF8, s0  }
0xed: {  	s18 =	sadd.s32 $0x80, s18;
	s0 =	sadd.s32 s0, s19  }
0xee: {  	v4 =	vmov s20;
	s20 =	sadd.s32 $0x1, s20;
	s9 =	sshrl.u32 s0, $0x3;
	s0 =	simm.s32 $0x0  }
0xef: {  	s11 =	sadd.s32 s6, s9  }
0xf0: {  	[tilespmem:s18], [sflag:$0x5] =	stream.linear.gather [hbm4b:s11+s0], $0x80, $0x38;
	[tilespmem:$0x1F100] =	vst v63  }
0xf1: {  	s26 =	sadd.s32 s7, s9;
	s2 =	sadd.s32 $0x80, s2  }
0xf2: {  	[tilespmem:s2], [sflag:$0x5] =	stream.linear.gather [hbm4b:s26+s0], $0x80, $0x38;
	[tilespmem:$0x1F100] =	vst v63  }
0xf3: {  	v4 =	vld.idx.msk [tilespmem:v4+s12+$0x0], $0xffff;
	_ =	sdelay $0x4  }
0xf4: {  	v4 =	vxor.u32 $0x80000000, v4  }
0xf5: {  	(xrf0) =	vmax.scan.msk.u32 $0xffff, v4;
	_ =	sdelay $0x5  }
0xf6: {  	v4, _, _ =	vpop (xrf0)  }
0xf7: {  	(v2sf) =	vpush v4, $0xF;
	_ =	sdelay $0xe  }
0xf8: {  	s28 =	spop (v2sf)  }
0xf9: {  	s29 =	sadd.s32 $0xA300, s19;
	s0 =	sand.u32 $0xFFF8, s28  }
0xfa: {  	s0 =	sadd.s32 s0, s29  }
.Ltmp3:
0xfb: {  	s0 =	sshrl.u32 s0, $0x3;
	(pc) =	sbr.rel .LBB2_4-.Ltmp3, $4  }
0xfc: {  	s30 =	sadd.s32 $0x80, s18;
	s18 =	simm.s32 $0x0;
	s31 =	sadd.s32 s6, s0  }
0xfd: {  	[tilespmem:s30], [sflag:$0x5] =	stream.linear.gather [hbm4b:s31+s18], $0x80, $0x38;
	[tilespmem:$0x1F100] =	vst v63  }
0xfe: {  	s2 =	sadd.s32 $0x80, s2;
	s0 =	sadd.s32 s7, s0  }
0xff: {  	[tilespmem:s2], [sflag:$0x5] =	stream.linear.gather [hbm4b:s0+s18], $0x80, $0x38;
	[tilespmem:$0x1F100] =	vst v63  }
.LBB2_46:
0x100: {  	s3 =	rddreg [dreg:$0x2]  }
0x101: {  	s1 =	simm.s32 @!p1 $0x0;
	s2 =	simm.s32 @!p1 $0xD800;
	s0 =	sadd.s32 @!p1 s3, s20  }
0x102: {  	[hbm4b:s0+s1] =	stream.linear.scatter @!p1 [tilespmem:s2], [sflag:$0x4], $0xD800, $0x38;
	[tilespmem:$0x1F100] =	vst v63  }
0x103: {  	s0 =	sadd.s32 @!p2 s3, s21  }
0x104: {  	s1 =	simm.s32 @!p2 $0x0;
	s2 =	simm.s32 @!p2 $0xD800;
	s0 =	sadd.s32 @!p2 $0xF3000, s0  }
0x105: {  	[hbm4b:s0+s1] =	stream.linear.scatter @!p2 [tilespmem:s2], [sflag:$0x4], $0x9400, $0x38;
	[tilespmem:$0x1F100] =	vst v63  }
.LBB2_47:
0x106: {  	s18 =	sadd.s32 $0x1, s18  }
0x107: {  	p1 =	sne.s32 s18, $0x14  }
.Ltmp4:
0x108: {  	_ = 	snop;
	(pc) =	sbr.rel @!p1 .LBB2_48-.Ltmp4, $1  }
0x109: {  	_ =	sdelay $0x3  }
.LBB2_4:
0x10a: {  	s19 =	sshll.u32 s18, $0x6  }
0x10b: {  	s20 =	sor.u32 s8, s19  }
0x10c: {  	p1 =	sgt.u32 s20, $0x487  }
.Ltmp5:
0x10d: {  	_ = 	snop;
	(pc) =	sbr.rel @p1 .LBB2_47-.Ltmp5, $1  }
0x10e: {  	_ =	sdelay $0x3  }
0x10f: {  	v4 =	vmov s20  }
0x110: {  	v4 =	vmulhi.u32 $0xE1FC780F, v4;
	_ =	sdelay $0x1  }
0x111: {  	v4 =	vshrl.u32 v4, $0x7  }
0x112: {  	v5 =	vmul.u32 $0xFFFFFF6F, v4;
	_ =	sdelay $0x1  }
0x113: {  	v4 =	vor.u32 $0x80000000, v4;
	v5 =	vadd.s32 s20, v5  }
0x114: {  	(xrf0) =	vmax.scan.msk.u32 $0xffff, v4;
	v4 =	vxor.u32 $0x80000000, v5  }
0x115: {  	(xrf0) =	vmax.scan.msk.u32 $0xffff, v4;
	_ =	sdelay $0x4  }
0x116: {  	v4, _, _ =	vpop (xrf0)  }
0x117: {  	(v2sf) =	vpush v4, $0xF;
	v4, _, _ =	vpop (xrf0)  }
0x118: {  	(v2sf) =	vpush v4, $0xF;
	_ =	sdelay $0x9  }
0x119: {  	p1 =	seq.s32 s18, $0x0  }
.Ltmp6:
0x11a: {  	_ = 	snop;
	(pc) =	sbr.rel @p1 .LBB2_7-.Ltmp6, $3  }
0x11b: {  	_ =	sdelay $0x1  }
0x11c: {  	s22 =	spop (v2sf)  }
0x11d: {  	s21 =	spop (v2sf)  }
0x11e: {  	s0 =	sadd.s32 $0xFFFFFFC0, s20  }
0x11f: {  	v4 =	vmov s0  }
0x120: {  	v4 =	vbroadcast v4, $0x0;
	_ =	sdelay $0x1  }
0x121: {  	(v2sf) =	vpush v4, $0xD;
	_ =	sdelay $0x1  }
0x122: {  	(v2sf) =	vpush v4, $0xC;
	_ =	sdelay $0x1  }
0x123: {  	(v2sf) =	vpush v4, $0xE  }
0x124: {  	(v2sf) =	vpush v4, $0xF  }
0x125: {  	(v2sf) =	vpush v4, $0x9;
	_ =	sdelay $0x1  }
0x126: {  	(v2sf) =	vpush v4, $0x8;
	_ =	sdelay $0x1  }
0x127: {  	(v2sf) =	vpush v4, $0xA;
	_ =	sdelay $0x1  }
0x128: {  	(v2sf) =	vpush v4, $0xB;
	_ =	sdelay $0x1  }
0x129: {  	(v2sf) =	vpush v4, $0x1  }
0x12a: {  	s10 =	spop (v2sf);
	(v2sf) =	vpush v4, $0x0  }
0x12b: {  	s2 =	smulhi.u32 $0xE1FC780F, s10;
	s9 =	sshra.s32 s10, $0x1F  }
0x12c: {  	s11 =	spop (v2sf);
	s9 =	smul.u32 $0xE1FC780F, s9  }
0x12d: {  	s24 =	smulhi.u32 $0xE1FC780F, s11;
	s25 =	sshra.s32 s11, $0x1F  }
0x12e: {  	s23 =	spop (v2sf);
	s25 =	smul.u32 $0xE1FC780F, s25  }
0x12f: {  	(v2sf) =	vpush v4, $0x2;
	s26 =	spop (v2sf);
	s28 =	smulhi.u32 $0xE1FC780F, s23;
	s29 =	sshra.s32 s23, $0x1F  }
0x130: {  	s0 =	ssub.s32 s2, s10;
	s30 =	spop (v2sf);
	s29 =	smul.u32 $0xE1FC780F, s29  }
0x131: {  	(v2sf) =	vpush v4, $0x3;
	s17 =	smulhi.u32 $0xE1FC780F, s26;
	s10 =	sshra.s32 s26, $0x1F;
	s2 =	sadd.s32 s9, s0  }
0x132: {  	s11 =	ssub.s32 s24, s11;
	s31 =	spop (v2sf);
	s9 =	smul.u32 $0xE1FC780F, s10  }
0x133: {  	(v2sf) =	vpush v4, $0x4;
	s10 =	smulhi.u32 $0xE1FC780F, s30;
	s24 =	sshra.s32 s30, $0x1F;
	s25 =	sadd.s32 s25, s11  }
0x134: {  	s1 =	ssub.s32 s28, s23;
	s8 =	spop (v2sf);
	s11 =	smul.u32 $0xE1FC780F, s24  }
0x135: {  	(v2sf) =	vpush v4, $0x5;
	s28 =	smulhi.u32 $0xE1FC780F, s31;
	s4 =	sshra.s32 s31, $0x1F;
	s23 =	sadd.s32 s29, s1  }
0x136: {  	s0 =	ssub.s32 s17, s26;
	s3 =	spop (v2sf);
	s17 =	smul.u32 $0xE1FC780F, s4  }
0x137: {  	(v2sf) =	vpush v4, $0x6;
	s26 =	smulhi.u32 $0xE1FC780F, s8;
	s1 =	sshra.s32 s8, $0x1F;
	s24 =	sadd.s32 s9, s0  }
0x138: {  	s0 =	ssub.s32 s10, s30;
	s4 =	spop (v2sf);
	s9 =	smul.u32 $0xE1FC780F, s1  }
0x139: {  	s10 =	smulhi.u32 $0xE1FC780F, s3;
	s29 =	sshra.s32 s3, $0x1F;
	s30 =	spop (v2sf);
	(v2sf) =	vpush v4, $0x7  }
0x13a: {  	s0 =	sadd.s32 s11, s0;
	s28 =	ssub.s32 s28, s31;
	s11 =	smul.u32 $0xE1FC780F, s29  }
0x13b: {  	s29 =	smulhi.u32 $0xE1FC780F, s4;
	s31 =	sshra.s32 s4, $0x1F;
	s8 =	ssub.s32 s26, s8  }
0x13c: {  	s17 =	sadd.s32 s17, s28;
	s26 =	smul.u32 $0xE1FC780F, s31;
	s8 =	sadd.s32 s9, s8  }
0x13d: {  	s3 =	ssub.s32 s10, s3;
	s9 =	smulhi.u32 $0xE1FC780F, s30;
	s28 =	sshra.s32 s30, $0x1F  }
0x13e: {  	s4 =	ssub.s32 s29, s4;
	s1 =	spop (v2sf);
	s10 =	smul.u32 $0xE1FC780F, s28  }
0x13f: {  	s3 =	sadd.s32 s11, s3;
	s28 =	smulhi.u32 $0xE1FC780F, s1;
	s29 =	sshra.s32 s1, $0x1F  }
0x140: {  	s4 =	sadd.s32 s26, s4;
	s31 =	spop (v2sf);
	s11 =	smul.u32 $0xE1FC780F, s29  }
0x141: {  	s9 =	ssub.s32 s9, s30;
	s26 =	smulhi.u32 $0xE1FC780F, s31;
	s29 =	sshra.s32 s31, $0x1F  }
0x142: {  	s30 =	spop (v2sf);
	s9 =	sadd.s32 s10, s9;
	s10 =	smul.u32 $0xE1FC780F, s29  }
0x143: {  	s1 =	ssub.s32 s28, s1;
	s28 =	smulhi.u32 $0xE1FC780F, s30;
	s29 =	sshra.s32 s30, $0x1F  }
0x144: {  	s1 =	sadd.s32 s11, s1;
	s11 =	spop (v2sf);
	s29 =	smul.u32 $0xE1FC780F, s29  }
0x145: {  	v5 =	vmov s9;
	s9 =	ssub.s32 s26, s31;
	s26 =	smulhi.u32 $0xE1FC780F, s11;
	s31 =	sshra.s32 s11, $0x1F  }
0x146: {  	s9 =	sadd.s32 s10, s9;
	s10 =	spop (v2sf);
	v5 =	vnsel vm3, $0x0, v5;
	s31 =	smul.u32 $0xE1FC780F, s31  }
0x147: {  	v5 =	vsel vm0, s4, v5;
	s4 =	ssub.s32 s28, s30;
	s28 =	smulhi.u32 $0xE1FC780F, s10;
	s30 =	sshra.s32 s10, $0x1F  }
0x148: {  	v6 =	vmov s25;
	v7 =	vmov s17;
	v5 =	vsel vm1, s1, v5;
	s17 =	sadd.s32 s29, s4;
	s29 =	smul.u32 $0xE1FC780F, s30;
	s30 =	spop (v2sf)  }
0x149: {  	v6 =	vsel vm0, s2, v6;
	v7 =	vsel vm0, s0, v7;
	v5 =	vsel vm2, s9, v5;
	s9 =	ssub.s32 s26, s11;
	s11 =	smulhi.u32 $0xE1FC780F, s30;
	s25 =	sshra.s32 s30, $0x1F  }
0x14a: {  	v6 =	vsel vm1, s23, v6;
	v7 =	vsel vm1, s8, v7;
	s26 =	ssub.s32 s28, s10;
	v5 =	vsel vm4, s17, v5;
	s0 =	sadd.s32 s31, s9;
	s28 =	smul.u32 $0xE1FC780F, s25  }
0x14b: {  	v6 =	vsel vm2, s24, v6;
	v7 =	vsel vm2, s3, v7;
	s29 =	sadd.s32 s29, s26;
	v5 =	vsel vm5, s0, v5;
	s30 =	ssub.s32 s11, s30  }
0x14c: {  	v6 =	vcombine.low v7, v6;
	v5 =	vsel vm6, s29, v5;
	s31 =	sadd.s32 s28, s30  }
0x14d: {  	v5 =	vsel vm7, s31, v5  }
0x14e: {  	v6 =	vperm.xlane v6, v0;
	v5 =	vperm.xlane v5, v2;
	_ =	sdelay $0x1  }
0x14f: {  	v5 =	vsel vm8, v5, v6  }
0x150: {  	v5 =	vadd.s32 v4, v5  }
0x151: {  	v63 =	vshrl.u32 v5, $0x1F;
	v5 =	vshra.s32 v5, $0x7  }
0x152: {  	v5 =	vadd.s32 v63, v5  }
0x153: {  	v5 =	vmul.u32 $0x91, v5;
	_ =	sdelay $0x1  }
0x154: {  	v4 =	vsub.s32 v4, v5  }
0x155: {  	v4 =	vxor.u32 $0x80000000, v4  }
0x156: {  	(xrf0) =	vmax.scan.msk.u32 $0xffff, v4;
	_ =	sdelay $0x5  }
0x157: {  	v4, _, _ =	vpop (xrf0)  }
0x158: {  	(v2sf) =	vpush v4, $0xF;
	_ =	sdelay $0xe  }
0x159: {  	s0 =	spop (v2sf)  }
0x15a: {  	p2 =	sgt.u32 s0, $0x8000008F  }
0x15b: {  	p4 =	sne.s32 @p2 s0, $0x80000090  }
0x15c: {  	p4 =	por p4, !p2  }
0x15d: {  	s0 =	simm.s32 @!p4 $0x2  }
0x15e: {  	s8 =	rddreg [dreg:$0x4];
	_ =	swait.ge @!p4 [sflag:s0], $0x9400  }
0x15f: {  	[sflag:s0] =	ssyncset.done @!p4 $0x0  }
0x160: {  	[sflag:s0] =	ssyncadd.s32 @!p4 $0xFFFF6C00;
	s0 =	simm.s32 @!p2 $0x2  }
0x161: {  	_ =	swait.ge @!p2 [sflag:s0], $0xD800  }
0x162: {  	[sflag:s0] =	ssyncset.done @!p2 $0x0  }
0x163: {  	[sflag:s0] =	ssyncadd.s32 @!p2 $0xFFFF2800  }
.LBB2_7:
0x164: {  	s0 =	sxor.u32 $0x80000000, s21  }
0x165: {  	s1 =	sand.u32 $0x1FFFFFFF, s22;
	p2 =	sgt.s32 s0, $0x8F  }
0x166: {  	s2 =	smul.u32 @!p2 $0x7A1400, s1  }
0x167: {  	s0 =	smul.u32 @!p2 $0xD800, s0;
	_ =	sdelay $0x1  }
0x168: {  	p4 =	sne.s32 s21, $0x80000090;
	s21 =	sor.u32 $0x20, s20;
	s0 =	sadd.s32 @!p2 s2, s0  }
0x169: {  	s3 =	rddreg [dreg:$0x0];
	p5 =	sgt.u32 s21, $0x487;
	s22 =	sshrl.u32 @!p2 s0, $0x3  }
0x16a: {  	s1 =	smul.u32 @!p4 $0x7A1400, s1;
	s2 =	simm.s32 @!p2 $0x0;
	s0 =	sadd.s32 @!p2 s3, s22  }
0x16b: {  	[tilespmem:s2], [sflag:$0x1] =	stream.linear.gather @!p2 [hbm4b:s0+s2], $0xD800, $0x38;
	[tilespmem:$0x1F100] =	vst v63  }
.Ltmp7:
0x16c: {  	s23 =	sshrl.u32 @!p4 s1, $0x3;
	(pc) =	sbr.rel @p5 .LBB2_11-.Ltmp7, $4  }
0x16d: {  	s0 =	sadd.s32 @!p4 s3, s23  }
0x16e: {  	s1 =	simm.s32 @!p4 $0x0;
	s0 =	sadd.s32 @!p4 $0xF3000, s0  }
0x16f: {  	[tilespmem:s1], [sflag:$0x1] =	stream.linear.gather @!p4 [hbm4b:s0+s1], $0x9400, $0x38;
	[tilespmem:$0x1F100] =	vst v63  }
0x170: {  	s0 =	simm.s32 $0x20  }
0x171: {  	s0 =	sshll.u32 s21, $0x2;
	s1 =	simm.s32 $0x0;
	s2 =	rddreg [dreg:$0x5]  }
0x172: {  	s0 =	sadd.s32 s2, s0;
	v4 =	vmov s1  }
0x173: {  	[tilespmem:s14], [sflag:$0x6] =	stream.linear.gather [hbm4b:s0+s1], $0x20, $0x38;
	[tilespmem:$0x1F100] =	vst v63  }
0x174: {  	_ =	swait.ge [sflag:s13], $0x20  }
0x175: {  	[sflag:s13] =	ssyncset.done $0x0  }
0x176: {  	[sflag:s13] =	ssyncadd.s32 $0xFFFFFFE0  }
0x177: {  	v4 =	vld.idx.msk [tilespmem:v4+s14+$0x0], $0xffff;
	_ =	sdelay $0x4  }
0x178: {  	v4 =	vxor.u32 $0x80000000, v4  }
0x179: {  	(xrf0) =	vmax.scan.msk.u32 $0xffff, v4;
	_ =	sdelay $0x5  }
0x17a: {  	v4, _, _ =	vpop (xrf0)  }
0x17b: {  	(v2sf) =	vpush v4, $0xF;
	_ =	sdelay $0xe  }
0x17c: {  	s28 =	spop (v2sf)  }
0x17d: {  	s0 =	sand.u32 $0xFFF8, s28  }
0x17e: {  	s0 =	sadd.s32 $0x0, s0  }
0x17f: {  	s0 =	sshrl.u32 s0, $0x3  }
0x180: {  	s24 =	simm.s32 $0x1D080;
	s29 =	sadd.s32 s6, s0  }
0x181: {  	[tilespmem:s24], [sflag:$0x5] =	stream.linear.gather [hbm4b:s29+s5], $0x80, $0x38;
	[tilespmem:$0x1F100] =	vst v63  }
0x182: {  	s30 =	simm.s32 $0x1E080;
	s0 =	sadd.s32 s7, s0  }
0x183: {  	[tilespmem:s30], [sflag:$0x5] =	stream.linear.gather [hbm4b:s0+s5], $0x80, $0x38;
	[tilespmem:$0x1F100] =	vst v63  }
0x184: {  	_ =	swait.ge [sflag:s15], $0x80  }
0x185: {  	s31 =	simm.s32 $0x1;
	[sflag:s15] =	ssyncset.done $0x0  }
0x186: {  	v4 =	vmov s31;
	[sflag:s15] =	ssyncadd.s32 $0xFFFFFF80  }
0x187: {  	s25 =	simm.s32 $0x1E100;
	_ =	swait.ge [sflag:s15], $0x80  }
0x188: {  	s2 =	simm.s32 $0xA300;
	s0 =	simm.s32 $0x2;
	[sflag:s15] =	ssyncset.done $0x0  }
.LBB2_9:
0x189: {  	[sflag:s15] =	ssyncadd.s32 $0xFFFFFF80  }
0x18a: {  	s24 =	sadd.s32 $0x80, s24;
	s1 =	smov.u32 s0;
	s26 =	sadd.s32 $0x1, s0  }
0x18b: {  	p6 =	seq.s32 s0, $0x1F;
	v4 =	vld.idx.msk [tilespmem:v4+s14+$0x0], $0xffff;
	_ =	sdelay $0x5  }
0x18c: {  	v4 =	vxor.u32 $0x80000000, v4  }
0x18d: {  	(xrf0) =	vmax.scan.msk.u32 $0xffff, v4;
	_ =	sdelay $0x5  }
0x18e: {  	v4, _, _ =	vpop (xrf0)  }
0x18f: {  	(v2sf) =	vpush v4, $0xF;
	_ =	sdelay $0xe  }
0x190: {  	s0 =	spop (v2sf)  }
0x191: {  	s0 =	sand.u32 $0xFFF8, s0  }
0x192: {  	s0 =	sadd.s32 s0, s2  }
0x193: {  	s0 =	sshrl.u32 s0, $0x3  }
0x194: {  	s3 =	sadd.s32 s6, s0  }
0x195: {  	[tilespmem:s24], [sflag:$0x5] =	stream.linear.gather [hbm4b:s3+s5], $0x80, $0x38;
	[tilespmem:$0x1F100] =	vst v63  }
0x196: {  	s0 =	sadd.s32 s7, s0  }
0x197: {  	[tilespmem:s25], [sflag:$0x5] =	stream.linear.gather [hbm4b:s0+s5], $0x80, $0x38;
	[tilespmem:$0x1F100] =	vst v63  }
.Ltmp8:
0x198: {  	_ =	swait.ge [sflag:s15], $0x80;
	(pc) =	sbr.rel @!p6 .LBB2_9-.Ltmp8, $4  }
0x199: {  	v4 =	vmov s1;
	[sflag:s15] =	ssyncset.done $0x0  }
0x19a: {  	[sflag:s15] =	ssyncadd.s32 $0xFFFFFF80  }
0x19b: {  	s2 =	sadd.s32 $0xA300, s2;
	_ =	swait.ge [sflag:s15], $0x80  }
0x19c: {  	s25 =	sadd.s32 $0x80, s25;
	s0 =	smov.u32 s26;
	[sflag:s15] =	ssyncset.done $0x0  }
0x19d: {  	_ =	sdelay $0x2  }
0x19e: {  	[sflag:s15] =	ssyncadd.s32 $0xFFFFFF80  }
0x19f: {  	v4 =	vld.idx.msk [tilespmem:v4+s14+$0x0], $0xffff;
	_ =	sdelay $0x4  }
0x1a0: {  	v4 =	vxor.u32 $0x80000000, v4  }
0x1a1: {  	(xrf0) =	vmax.scan.msk.u32 $0xffff, v4;
	_ =	sdelay $0x5  }
0x1a2: {  	v4, _, _ =	vpop (xrf0)  }
0x1a3: {  	(v2sf) =	vpush v4, $0xF;
	_ =	sdelay $0xe  }
0x1a4: {  	s0 =	spop (v2sf)  }
0x1a5: {  	s0 =	sand.u32 $0xFFF8, s0  }
0x1a6: {  	s0 =	sadd.s32 s0, s2  }
0x1a7: {  	s0 =	sshrl.u32 s0, $0x3  }
0x1a8: {  	s1 =	sadd.s32 $0x80, s24;
	s31 =	sadd.s32 s6, s0  }
0x1a9: {  	[tilespmem:s1], [sflag:$0x5] =	stream.linear.gather [hbm4b:s31+s5], $0x80, $0x38;
	[tilespmem:$0x1F100] =	vst v63  }
0x1aa: {  	s0 =	sadd.s32 s7, s0  }
0x1ab: {  	[tilespmem:s25], [sflag:$0x5] =	stream.linear.gather [hbm4b:s0+s5], $0x80, $0x38;
	[tilespmem:$0x1F100] =	vst v63  }
0x1ac: {  	_ =	swait.ge [sflag:s15], $0x80  }
.Ltmp9:
0x1ad: {  	[sflag:s15] =	ssyncset.done $0x0;
	(pc) =	sbr.rel .LBB2_14-.Ltmp9, $4  }
0x1ae: {  	[sflag:s15] =	ssyncadd.s32 $0xFFFFFF80  }
0x1af: {  	_ =	swait.ge [sflag:s15], $0x80  }
0x1b0: {  	[sflag:s15] =	ssyncset.done $0x0  }
0x1b1: {  	[sflag:s15] =	ssyncadd.s32 $0xFFFFFF80  }
.LBB2_11:
0x1b2: {  	_ =	swait.ge [sflag:s15], $0x80  }
0x1b3: {  	[sflag:s15] =	ssyncset.done $0x0  }
0x1b4: {  	[sflag:s15] =	ssyncadd.s32 $0xFFFFFF80  }
0x1b5: {  	_ =	swait.ge [sflag:s15], $0x80  }
0x1b6: {  	s0 =	sadd.s32 $0xFFFFFFFF, s0;
	[sflag:s15] =	ssyncset.done $0x0  }
.LBB2_12:
0x1b7: {  	p6 =	sne.s32 s0, $0x1;
	s0 =	sadd.s32 $0xFFFFFFFF, s0;
	[sflag:s15] =	ssyncadd.s32 $0xFFFFFF80  }
.Ltmp10:
0x1b8: {  	_ =	swait.ge [sflag:s15], $0x80;
	(pc) =	sbr.rel @p6 .LBB2_12-.Ltmp10, $4  }
0x1b9: {  	[sflag:s15] =	ssyncset.done $0x0  }
0x1ba: {  	[sflag:s15] =	ssyncadd.s32 $0xFFFFFF80  }
0x1bb: {  	_ =	swait.ge [sflag:s15], $0x80  }
0x1bc: {  	[sflag:s15] =	ssyncset.done $0x0  }
0x1bd: {  	[sflag:s15] =	ssyncadd.s32 $0xFFFFFF80  }
.LBB2_14:
0x1be: {  	s0 =	simm.s32 @!p2 $0x1  }
0x1bf: {  	_ =	swait.ge @!p2 [sflag:s0], $0xD800  }
.Ltmp11:
0x1c0: {  	[sflag:s0] =	ssyncset.done @!p2 $0x0;
	(pc) =	sbr.rel .LBB2_15-.Ltmp11, $4  }
0x1c1: {  	[sflag:s0] =	ssyncadd.s32 @!p2 $0xFFFF2800;
	s0 =	simm.s32 @!p4 $0x1  }
0x1c2: {  	_ =	swait.ge @!p4 [sflag:s0], $0x9400  }
0x1c3: {  	s24 =	simm.s32 $0x0;
	[sflag:s0] =	ssyncset.done @!p4 $0x0  }
0x1c4: {  	s25 =	simm.s32 $0x1B000;
	s26 =	simm.s32 $0x1C000;
	[sflag:s0] =	ssyncadd.s32 @!p4 $0xFFFF6C00  }
.LBB2_24:
0x1c5: {  	s24 =	sadd.s32 $0x1, s24  }
0x1c6: {  	p6 =	sne.s32 s24, $0x20  }
.Ltmp12:
0x1c7: {  	_ = 	snop;
	(pc) =	sbr.rel @!p6 .LBB2_25-.Ltmp12, $2  }
0x1c8: {  	_ =	sdelay $0x2  }
0x1c9: {  	s25 =	sadd.s32 $0x80, s25;
	s26 =	sadd.s32 $0x80, s26  }
.LBB2_15:
0x1ca: {  	v4 =	vmov s24;
	_ =	sdelay $0x4  }
0x1cb: {  	v4 =	vld.idx.msk [tilespmem:v4+s12+$0x0], $0xffff;
	_ =	sdelay $0x4  }
0x1cc: {  	v4 =	vxor.u32 $0x80000000, v4  }
0x1cd: {  	(xrf0) =	vmax.scan.msk.u32 $0xffff, v4;
	_ =	sdelay $0x5  }
0x1ce: {  	v4, _, _ =	vpop (xrf0)  }
0x1cf: {  	(v2sf) =	vpush v4, $0xF;
	_ =	sdelay $0xe  }
0x1d0: {  	s2 =	spop (v2sf)  }
0x1d1: {  	s0 =	sshrl.u32 s2, $0x10  }
0x1d2: {  	s28 =	sxor.u32 $0x8000, s0  }
0x1d3: {  	s0 =	smin.u32 s28, $0x80  }
0x1d4: {  	s0 =	sadd.s32 $0xF, s0  }
0x1d5: {  	s0 =	sshrl.u32 s0, $0x4  }
0x1d6: {  	p6 =	seq.s32 s0, $0x0  }
.Ltmp13:
0x1d7: {  	_ = 	snop;
	(pc) =	sbr.rel @p6 .LBB2_19-.Ltmp13, $1  }
0x1d8: {  	_ =	sdelay $0x3  }
0x1d9: {  	s1 =	simm.s32 $0x0  }
0x1da: {  	s3 =	sand.u32 $0x3FFFFF80, s1  }
0x1db: {  	s4 =	sadd.s32 s3, s25  }
0x1dc: {  	v5 =	vld [tilespmem:s4+$0x0];
	_ =	sdelay $0x1  }
0x1dd: {  	s29 =	sshll.u32 s0, $0x4  }
0x1de: {  	p6 =	sne.s32 s29, $0x10  }
.Ltmp14:
0x1df: {  	_ = 	snop;
	(pc) =	sbr.rel @!p6 .LBB2_18-.Ltmp14, $4  }
0x1e0: {  	v4 =	vadd.s32 s28, v3;
	v8 =	vmov s1;
	v6 =	vshrl.u32 v5, $0x6  }
0x1e1: {  	v7 =	vand.u32 $0x7F, v5;
	v5 =	vshll.u32 v5, $0x3;
	v6 =	vand.u32 $0x380, v6  }
0x1e2: {  	s31 =	sadd.s32 s3, s26;
	vm9 =	vlt.s32 v8, v4;
	v9 =	vand.u32 $0xFC00, v5;
	v6 =	vor.u32 v7, v6  }
0x1e3: {  	s30 =	simm.s32 $0x10;
	s0 =	smov.u32 s25;
	s9 =	smov.u32 s26;
	v5 =	vld [tilespmem:s31+$0x0];
	v6 =	vor.u32 v9, v6  }
.LBB2_17:
0x1e4: {  	_ =	sdelay $0x1  }
0x1e5: {  	s1 =	sand.u32 $0x3FFFFF80, s30  }
0x1e6: {  	s0 =	sadd.s32 $0x10, s0;
	s3 =	smov.u32 s30;
	s30 =	sadd.s32 $0x10, s30  }
0x1e7: {  	s4 =	sadd.s32 s1, s0;
	p6 =	sne.s32 s29, s30;
	[tilespmem:v6+s5+$0x0] =	vst.idx.add.f32.msk vm9, v5  }
0x1e8: {  	v5 =	vld [tilespmem:s4+$0x0];
	_ =	sdelay $0x3  }
.Ltmp15:
0x1e9: {  	(pc) =	sbr.rel @p6 .LBB2_17-.Ltmp15, $4  }
0x1ea: {  	v6 =	vmov s3;
	v7 =	vshrl.u32 v5, $0x6  }
0x1eb: {  	s9 =	sadd.s32 $0x10, s9;
	v8 =	vand.u32 $0x7F, v5;
	v5 =	vshll.u32 v5, $0x3;
	v7 =	vand.u32 $0x380, v7  }
0x1ec: {  	s1 =	sadd.s32 s1, s9;
	vm9 =	vlt.s32 v6, v4;
	v6 =	vand.u32 $0xFC00, v5;
	v7 =	vor.u32 v8, v7  }
0x1ed: {  	v5 =	vld [tilespmem:s1+$0x0];
	v6 =	vor.u32 v6, v7  }
.LBB2_18:
0x1ee: {  	_ =	sdelay $0x4  }
0x1ef: {  	[tilespmem:v6+s5+$0x0] =	vst.idx.add.f32.msk vm9, v5  }
.LBB2_19:
0x1f0: {  	p6 =	slt.u32 s28, $0x81  }
.Ltmp16:
0x1f1: {  	_ = 	snop;
	(pc) =	sbr.rel @p6 .LBB2_24-.Ltmp16, $1  }
0x1f2: {  	_ =	sdelay $0x3  }
0x1f3: {  	v5 =	vmov s25;
	_ =	sdelay $0x1  }
0x1f4: {  	s0 =	smul.u32 $0xA300, s24  }
0x1f5: {  	s1 =	sand.u32 $0xFFF8, s2;
	s17 =	sshll.u32 s24, $0x7;
	s9 =	simm.s32 $0x80  }
0x1f6: {  	v4 =	vmov s28;
	v6 =	vmov s26;
	s30 =	sadd.s32 $0x1B000, s17;
	s31 =	sadd.s32 $0x1C000, s17;
	s29 =	sadd.s32 s0, s1  }
.LBB2_21:
0x1f7: {  	s0 =	sadd.s32 s9, s29  }
0x1f8: {  	s0 =	sshrl.u32 s0, $0x3  }
0x1f9: {  	s2 =	simm.s32 $0x0;
	s1 =	sadd.s32 s6, s0  }
0x1fa: {  	[tilespmem:s30], [sflag:$0x6] =	stream.linear.gather [hbm4b:s1+s2], $0x80, $0x38;
	[tilespmem:$0x1F100] =	vst v63  }
0x1fb: {  	_ =	swait.ge [sflag:s13], $0x80  }
0x1fc: {  	[sflag:s13] =	ssyncset.done $0x0  }
0x1fd: {  	s0 =	sadd.s32 s7, s0;
	[sflag:s13] =	ssyncadd.s32 $0xFFFFFF80  }
0x1fe: {  	[tilespmem:s31], [sflag:$0x6] =	stream.linear.gather [hbm4b:s0+s2], $0x80, $0x38;
	[tilespmem:$0x1F100] =	vst v63  }
0x1ff: {  	_ =	swait.ge [sflag:s13], $0x80  }
0x200: {  	[sflag:s13] =	ssyncset.done $0x0  }
0x201: {  	s17 =	simm.s32 $0x0;
	[sflag:s13] =	ssyncadd.s32 $0xFFFFFF80  }
0x202: {  	v7 =	vld.idx.msk [tilespmem:v5+s17+$0x0 ss:$0x1], $0xffff;
	_ =	sdelay $0x4  }
0x203: {  	v8 =	vor.u32 s9, v1;
	v9 =	vshrl.u32 v7, $0x6  }
0x204: {  	v10 =	vand.u32 $0x7F, v7;
	v7 =	vshll.u32 v7, $0x3;
	v9 =	vand.u32 $0x380, v9  }
0x205: {  	vm9 =	vlt.u32 v8, v4;
	v7 =	vand.u32 $0xFC00, v7;
	v8 =	vor.u32 v10, v9  }
0x206: {  	v63 =	vld.idx.msk [tilespmem:v6+s17+$0x0 ss:$0x1], $0xffff;
	v7 =	vor.u32 v7, v8;
	_ =	sdelay $0x4  }
0x207: {  	s11 =	simm.s32 $0x80;
	s0 =	simm.s32 $0x10;
	s2 =	smov.u32 s9;
	[tilespmem:v7+s5+$0x0] =	vst.idx.add.f32.msk vm9, v63  }
.LBB2_22:
0x208: {  	p6 =	sne.s32 s11, $0x1C0;
	v7 =	vld.idx.msk [tilespmem:v5+s0+$0x0 ss:$0x1], $0xffff;
	_ =	sdelay $0x4  }
0x209: {  	s2 =	sadd.s32 $0x10, s2  }
0x20a: {  	v8 =	vor.u32 s2, v1;
	v9 =	vshrl.u32 v7, $0x6  }
0x20b: {  	v10 =	vand.u32 $0x7F, v7;
	v7 =	vshll.u32 v7, $0x3;
	v9 =	vand.u32 $0x380, v9  }
0x20c: {  	vm9 =	vlt.u32 v8, v4;
	v7 =	vand.u32 $0xFC00, v7;
	v8 =	vor.u32 v10, v9;
	v11 =	vld.idx.msk [tilespmem:v6+s0+$0x0 ss:$0x1], $0xffff  }
0x20d: {  	v7 =	vor.u32 v7, v8  }
.Ltmp17:
0x20e: {  	(pc) =	sbr.rel @p6 .LBB2_22-.Ltmp17, $2  }
0x20f: {  	_ =	sdelay $0x2  }
0x210: {  	s0 =	sshra.s32 s11, $0x2;
	s11 =	sadd.s32 $0x40, s11;
	[tilespmem:v7+s5+$0x0] =	vst.idx.add.f32.msk vm9, v11  }
0x211: {  	_ =	sdelay $0x3  }
0x212: {  	v7 =	vld.idx.msk [tilespmem:v5+s0+$0x0 ss:$0x1], $0xffff;
	_ =	sdelay $0x3  }
0x213: {  	s1 =	sadd.s32 $0x10, s2  }
0x214: {  	v8 =	vor.u32 s1, v1;
	v9 =	vshrl.u32 v7, $0x6  }
0x215: {  	v10 =	vand.u32 $0x7F, v7;
	v7 =	vshll.u32 v7, $0x3;
	v9 =	vand.u32 $0x380, v9  }
0x216: {  	s9 =	sadd.s32 $0x80, s9;
	vm9 =	vlt.u32 v8, v4;
	v7 =	vand.u32 $0xFC00, v7;
	v8 =	vor.u32 v10, v9  }
0x217: {  	v63 =	vld.idx.msk [tilespmem:v6+s0+$0x0 ss:$0x1], $0xffff;
	p6 =	slt.u32 s9, s28;
	v7 =	vor.u32 v7, v8  }
.Ltmp18:
0x218: {  	_ = 	snop;
	(pc) =	sbr.rel @p6 .LBB2_21-.Ltmp18, $4  }
.Ltmp19:
0x219: {  	_ = 	snop;
	(pc) =	sbr.rel @!p6 .LBB2_24-.Ltmp19, $4  }
0x21a: {  	_ = 	snop  }
0x21b: {  	_ = 	snop  }
0x21c: {  	[tilespmem:v7+s5+$0x0] =	vst.idx.add.f32.msk vm9, v63  }
0x21d: {  	_ = 	snop  }
.LBB2_25:
0x21e: {  	s2 =	rddreg [dreg:$0x2]  }
.Ltmp20:
0x21f: {  	s1 =	simm.s32 @!p2 $0x0;
	s0 =	sadd.s32 @!p2 s2, s22;
	(pc) =	sbr.rel @p5 .LBB2_47-.Ltmp20, $4  }
0x220: {  	[hbm4b:s0+s1] =	stream.linear.scatter @!p2 [tilespmem:s1], [sflag:$0x2], $0xD800, $0x38;
	[tilespmem:$0x1F100] =	vst v63  }
0x221: {  	s0 =	sadd.s32 @!p4 s2, s23  }
0x222: {  	s1 =	simm.s32 @!p4 $0x0;
	s0 =	sadd.s32 @!p4 $0xF3000, s0  }
0x223: {  	[hbm4b:s0+s1] =	stream.linear.scatter @!p4 [tilespmem:s1], [sflag:$0x2], $0x9400, $0x38;
	[tilespmem:$0x1F100] =	vst v63  }
0x224: {  	v4 =	vmov s21  }
0x225: {  	v4 =	vmulhi.u32 $0xE1FC780F, v4;
	_ =	sdelay $0x1  }
0x226: {  	v4 =	vshrl.u32 v4, $0x7  }
0x227: {  	v5 =	vmul.u32 $0xFFFFFF6F, v4;
	_ =	sdelay $0x1  }
0x228: {  	v4 =	vor.u32 $0x80000000, v4;
	v5 =	vadd.s32 s21, v5  }
0x229: {  	(xrf0) =	vmax.scan.msk.u32 $0xffff, v4;
	v4 =	vxor.u32 $0x80000000, v5  }
0x22a: {  	(xrf0) =	vmax.scan.msk.u32 $0xffff, v4;
	_ =	sdelay $0x4  }
0x22b: {  	v4, _, _ =	vpop (xrf0)  }
0x22c: {  	(v2sf) =	vpush v4, $0xF;
	v4, _, _ =	vpop (xrf0)  }
0x22d: {  	(v2sf) =	vpush v4, $0xF;
	_ =	sdelay $0xa  }
.Ltmp21:
0x22e: {  	_ = 	snop;
	(pc) =	sbr.rel @p1 .LBB2_28-.Ltmp21, $3  }
0x22f: {  	_ =	sdelay $0x1  }
0x230: {  	s22 =	spop (v2sf)  }
0x231: {  	s21 =	spop (v2sf)  }
0x232: {  	s0 =	sadd.s32 $0xFFFFFFE0, s20  }
0x233: {  	v4 =	vmov s0  }
0x234: {  	v4 =	vbroadcast v4, $0x0;
	_ =	sdelay $0x1  }
0x235: {  	(v2sf) =	vpush v4, $0xD;
	_ =	sdelay $0x1  }
0x236: {  	(v2sf) =	vpush v4, $0xC;
	_ =	sdelay $0x1  }
0x237: {  	(v2sf) =	vpush v4, $0xE  }
0x238: {  	(v2sf) =	vpush v4, $0xF  }
0x239: {  	(v2sf) =	vpush v4, $0x9;
	_ =	sdelay $0x1  }
0x23a: {  	(v2sf) =	vpush v4, $0x8;
	_ =	sdelay $0x1  }
0x23b: {  	(v2sf) =	vpush v4, $0xA;
	_ =	sdelay $0x1  }
0x23c: {  	(v2sf) =	vpush v4, $0xB;
	_ =	sdelay $0x1  }
0x23d: {  	(v2sf) =	vpush v4, $0x1  }
0x23e: {  	s20 =	spop (v2sf);
	(v2sf) =	vpush v4, $0x0  }
0x23f: {  	s1 =	smulhi.u32 $0xE1FC780F, s20;
	s2 =	sshra.s32 s20, $0x1F  }
0x240: {  	s3 =	spop (v2sf);
	s2 =	smul.u32 $0xE1FC780F, s2  }
0x241: {  	s8 =	smulhi.u32 $0xE1FC780F, s3;
	s9 =	sshra.s32 s3, $0x1F  }
0x242: {  	s4 =	spop (v2sf);
	s9 =	smul.u32 $0xE1FC780F, s9  }
0x243: {  	(v2sf) =	vpush v4, $0x2;
	s10 =	spop (v2sf);
	s11 =	smulhi.u32 $0xE1FC780F, s4;
	s17 =	sshra.s32 s4, $0x1F  }
0x244: {  	s0 =	ssub.s32 s1, s20;
	s25 =	spop (v2sf);
	s17 =	smul.u32 $0xE1FC780F, s17  }
0x245: {  	(v2sf) =	vpush v4, $0x3;
	s1 =	smulhi.u32 $0xE1FC780F, s10;
	s23 =	sshra.s32 s10, $0x1F;
	s2 =	sadd.s32 s2, s0  }
0x246: {  	s24 =	ssub.s32 s8, s3;
	s26 =	spop (v2sf);
	s3 =	smul.u32 $0xE1FC780F, s23  }
0x247: {  	(v2sf) =	vpush v4, $0x4;
	s8 =	smulhi.u32 $0xE1FC780F, s25;
	s29 =	sshra.s32 s25, $0x1F;
	s24 =	sadd.s32 s9, s24  }
0x248: {  	s30 =	ssub.s32 s11, s4;
	s28 =	spop (v2sf);
	s4 =	smul.u32 $0xE1FC780F, s29  }
0x249: {  	(v2sf) =	vpush v4, $0x5;
	s9 =	smulhi.u32 $0xE1FC780F, s26;
	s31 =	sshra.s32 s26, $0x1F;
	s20 =	sadd.s32 s17, s30  }
0x24a: {  	s23 =	ssub.s32 s1, s10;
	s29 =	spop (v2sf);
	s1 =	smul.u32 $0xE1FC780F, s31  }
0x24b: {  	(v2sf) =	vpush v4, $0x6;
	s10 =	smulhi.u32 $0xE1FC780F, s28;
	s30 =	sshra.s32 s28, $0x1F;
	s23 =	sadd.s32 s3, s23  }
0x24c: {  	s0 =	ssub.s32 s8, s25;
	s17 =	spop (v2sf);
	s3 =	smul.u32 $0xE1FC780F, s30  }
0x24d: {  	s8 =	smulhi.u32 $0xE1FC780F, s29;
	s31 =	sshra.s32 s29, $0x1F;
	s25 =	spop (v2sf);
	(v2sf) =	vpush v4, $0x7  }
0x24e: {  	s0 =	sadd.s32 s4, s0;
	s9 =	ssub.s32 s9, s26;
	s4 =	smul.u32 $0xE1FC780F, s31  }
0x24f: {  	s11 =	smulhi.u32 $0xE1FC780F, s17;
	s31 =	sshra.s32 s17, $0x1F;
	s28 =	ssub.s32 s10, s28  }
0x250: {  	s1 =	sadd.s32 s1, s9;
	s10 =	smul.u32 $0xE1FC780F, s31;
	s3 =	sadd.s32 s3, s28  }
0x251: {  	s8 =	ssub.s32 s8, s29;
	s9 =	smulhi.u32 $0xE1FC780F, s25;
	s31 =	sshra.s32 s25, $0x1F  }
0x252: {  	s11 =	ssub.s32 s11, s17;
	s30 =	spop (v2sf);
	s26 =	smul.u32 $0xE1FC780F, s31  }
0x253: {  	s4 =	sadd.s32 s4, s8;
	s17 =	smulhi.u32 $0xE1FC780F, s30;
	s31 =	sshra.s32 s30, $0x1F  }
0x254: {  	s8 =	sadd.s32 s10, s11;
	s28 =	spop (v2sf);
	s10 =	smul.u32 $0xE1FC780F, s31  }
0x255: {  	s9 =	ssub.s32 s9, s25;
	s11 =	smulhi.u32 $0xE1FC780F, s28;
	s31 =	sshra.s32 s28, $0x1F  }
0x256: {  	s29 =	spop (v2sf);
	s9 =	sadd.s32 s26, s9;
	s25 =	smul.u32 $0xE1FC780F, s31  }
0x257: {  	s17 =	ssub.s32 s17, s30;
	s26 =	smulhi.u32 $0xE1FC780F, s29;
	s31 =	sshra.s32 s29, $0x1F  }
0x258: {  	s10 =	sadd.s32 s10, s17;
	s17 =	spop (v2sf);
	s30 =	smul.u32 $0xE1FC780F, s31  }
0x259: {  	v5 =	vmov s9;
	s9 =	ssub.s32 s11, s28;
	s11 =	smulhi.u32 $0xE1FC780F, s17;
	s31 =	sshra.s32 s17, $0x1F  }
0x25a: {  	s9 =	sadd.s32 s25, s9;
	s25 =	spop (v2sf);
	v5 =	vnsel vm3, $0x0, v5;
	s28 =	smul.u32 $0xE1FC780F, s31  }
0x25b: {  	v5 =	vsel vm0, s8, v5;
	s8 =	ssub.s32 s26, s29;
	s26 =	smulhi.u32 $0xE1FC780F, s25;
	s31 =	sshra.s32 s25, $0x1F  }
0x25c: {  	v6 =	vmov s24;
	v7 =	vmov s1;
	v5 =	vsel vm1, s10, v5;
	s10 =	sadd.s32 s30, s8;
	s30 =	smul.u32 $0xE1FC780F, s31;
	s31 =	spop (v2sf)  }
0x25d: {  	v6 =	vsel vm0, s2, v6;
	v7 =	vsel vm0, s0, v7;
	s11 =	ssub.s32 s11, s17;
	v5 =	vsel vm2, s9, v5;
	s17 =	smulhi.u32 $0xE1FC780F, s31;
	s24 =	sshra.s32 s31, $0x1F  }
0x25e: {  	v6 =	vsel vm1, s20, v6;
	v7 =	vsel vm1, s3, v7;
	s0 =	sadd.s32 s28, s11;
	s26 =	ssub.s32 s26, s25;
	v5 =	vsel vm4, s10, v5;
	s28 =	smul.u32 $0xE1FC780F, s24  }
0x25f: {  	v6 =	vsel vm2, s23, v6;
	v7 =	vsel vm2, s4, v7;
	s29 =	sadd.s32 s30, s26;
	v5 =	vsel vm5, s0, v5;
	s30 =	ssub.s32 s17, s31  }
0x260: {  	v6 =	vcombine.low v7, v6;
	v5 =	vsel vm6, s29, v5;
	s31 =	sadd.s32 s28, s30  }
0x261: {  	v5 =	vsel vm7, s31, v5  }
0x262: {  	v6 =	vperm.xlane v6, v0;
	v5 =	vperm.xlane v5, v2;
	_ =	sdelay $0x1  }
0x263: {  	v5 =	vsel vm8, v5, v6  }
0x264: {  	v5 =	vadd.s32 v4, v5  }
0x265: {  	v63 =	vshrl.u32 v5, $0x1F;
	v5 =	vshra.s32 v5, $0x7  }
0x266: {  	v5 =	vadd.s32 v63, v5  }
0x267: {  	v5 =	vmul.u32 $0x91, v5;
	_ =	sdelay $0x1  }
0x268: {  	v4 =	vsub.s32 v4, v5  }
0x269: {  	v4 =	vxor.u32 $0x80000000, v4  }
0x26a: {  	(xrf0) =	vmax.scan.msk.u32 $0xffff, v4;
	_ =	sdelay $0x5  }
0x26b: {  	v4, _, _ =	vpop (xrf0)  }
0x26c: {  	(v2sf) =	vpush v4, $0xF;
	_ =	sdelay $0xe  }
0x26d: {  	s0 =	spop (v2sf)  }
0x26e: {  	p1 =	sgt.u32 s0, $0x8000008F  }
0x26f: {  	p2 =	sne.s32 @p1 s0, $0x80000090  }
0x270: {  	p2 =	por p2, !p1  }
0x271: {  	s0 =	simm.s32 @!p2 $0x4  }
0x272: {  	s8 =	rddreg [dreg:$0x4];
	_ =	swait.ge @!p2 [sflag:s0], $0x9400  }
0x273: {  	[sflag:s0] =	ssyncset.done @!p2 $0x0  }
0x274: {  	[sflag:s0] =	ssyncadd.s32 @!p2 $0xFFFF6C00;
	s0 =	simm.s32 @!p1 $0x4  }
0x275: {  	_ =	swait.ge @!p1 [sflag:s0], $0xD800  }
0x276: {  	[sflag:s0] =	ssyncset.done @!p1 $0x0  }
0x277: {  	[sflag:s0] =	ssyncadd.s32 @!p1 $0xFFFF2800  }
.LBB2_28:
0x278: {  	s0 =	sxor.u32 $0x80000000, s21  }
0x279: {  	s1 =	sand.u32 $0x1FFFFFFF, s22;
	p1 =	sgt.s32 s0, $0x8F  }
0x27a: {  	s2 =	smul.u32 @!p1 $0x7A1400, s1  }
0x27b: {  	s0 =	smul.u32 @!p1 $0xD800, s0  }
0x27c: {  	p2 =	sne.s32 s21, $0x80000090  }
0x27d: {  	s1 =	smul.u32 @!p2 $0x7A1400, s1;
	s0 =	sadd.s32 @!p1 s2, s0  }
0x27e: {  	s4 =	rddreg [dreg:$0x0];
	s3 =	simm.s32 @!p1 $0xD800;
	s20 =	sshrl.u32 @!p1 s0, $0x3  }
0x27f: {  	s2 =	simm.s32 @!p1 $0x0;
	s21 =	sshrl.u32 @!p2 s1, $0x3;
	s0 =	sadd.s32 @!p1 s4, s20  }
0x280: {  	[tilespmem:s3], [sflag:$0x3] =	stream.linear.gather @!p1 [hbm4b:s0+s2], $0xD800, $0x38;
	[tilespmem:$0x1F100] =	vst v63  }
0x281: {  	s31 =	rddreg [dreg:$0x7];
	s0 =	sadd.s32 @!p2 s4, s21  }
0x282: {  	s1 =	simm.s32 @!p2 $0x0;
	s2 =	simm.s32 @!p2 $0xD800;
	s0 =	sadd.s32 @!p2 $0xF3000, s0  }
0x283: {  	[tilespmem:s2], [sflag:$0x3] =	stream.linear.gather @!p2 [hbm4b:s0+s1], $0x9400, $0x38;
	[tilespmem:$0x1F100] =	vst v63  }
0x284: {  	s2 =	sadd.s32 s31, s19  }
0x285: {  	p4 =	sgt.u32 s2, $0x487  }
.Ltmp22:
0x286: {  	_ = 	snop;
	(pc) =	sbr.rel @p4 .LBB2_32-.Ltmp22, $2  }
0x287: {  	_ =	sdelay $0x2  }
0x288: {  	s0 =	simm.s32 $0x20  }
0x289: {  	s0 =	sshll.u32 s2, $0x2;
	s1 =	simm.s32 $0x0;
	s26 =	rddreg [dreg:$0x5]  }
0x28a: {  	s0 =	sadd.s32 s26, s0;
	v4 =	vmov s1  }
0x28b: {  	[tilespmem:s12], [sflag:$0x6] =	stream.linear.gather [hbm4b:s0+s1], $0x20, $0x38;
	[tilespmem:$0x1F100] =	vst v63  }
0x28c: {  	_ =	swait.ge [sflag:s13], $0x20  }
0x28d: {  	[sflag:s13] =	ssyncset.done $0x0  }
0x28e: {  	[sflag:s13] =	ssyncadd.s32 $0xFFFFFFE0  }
0x28f: {  	v4 =	vld.idx.msk [tilespmem:v4+s12+$0x0], $0xffff;
	_ =	sdelay $0x4  }
0x290: {  	v4 =	vxor.u32 $0x80000000, v4  }
0x291: {  	(xrf0) =	vmax.scan.msk.u32 $0xffff, v4;
	_ =	sdelay $0x5  }
0x292: {  	v4, _, _ =	vpop (xrf0)  }
0x293: {  	(v2sf) =	vpush v4, $0xF;
	_ =	sdelay $0xe  }
0x294: {  	s28 =	spop (v2sf)  }
0x295: {  	s0 =	sand.u32 $0xFFF8, s28  }
0x296: {  	s0 =	sadd.s32 $0x0, s0  }
0x297: {  	s0 =	sshrl.u32 s0, $0x3  }
0x298: {  	s19 =	simm.s32 $0x1B000;
	s29 =	sadd.s32 s6, s0  }
0x299: {  	[tilespmem:s19], [sflag:$0x5] =	stream.linear.gather [hbm4b:s29+s5], $0x80, $0x38;
	[tilespmem:$0x1F100] =	vst v63  }
0x29a: {  	s30 =	simm.s32 $0x1C000;
	s0 =	sadd.s32 s7, s0  }
0x29b: {  	[tilespmem:s30], [sflag:$0x5] =	stream.linear.gather [hbm4b:s0+s5], $0x80, $0x38;
	[tilespmem:$0x1F100] =	vst v63  }
0x29c: {  	_ =	swait.ge [sflag:s15], $0x80  }
0x29d: {  	s31 =	simm.s32 $0x1;
	[sflag:s15] =	ssyncset.done $0x0  }
0x29e: {  	v4 =	vmov s31;
	[sflag:s15] =	ssyncadd.s32 $0xFFFFFF80  }
0x29f: {  	s22 =	simm.s32 $0x1C080;
	_ =	swait.ge [sflag:s15], $0x80  }
0x2a0: {  	s2 =	simm.s32 $0xA300;
	s0 =	simm.s32 $0x2;
	[sflag:s15] =	ssyncset.done $0x0  }
.LBB2_30:
0x2a1: {  	[sflag:s15] =	ssyncadd.s32 $0xFFFFFF80  }
0x2a2: {  	s19 =	sadd.s32 $0x80, s19;
	s1 =	smov.u32 s0;
	s23 =	sadd.s32 $0x1, s0  }
0x2a3: {  	p4 =	seq.s32 s0, $0x1F;
	v4 =	vld.idx.msk [tilespmem:v4+s12+$0x0], $0xffff;
	_ =	sdelay $0x5  }
0x2a4: {  	v4 =	vxor.u32 $0x80000000, v4  }
0x2a5: {  	(xrf0) =	vmax.scan.msk.u32 $0xffff, v4;
	_ =	sdelay $0x5  }
0x2a6: {  	v4, _, _ =	vpop (xrf0)  }
0x2a7: {  	(v2sf) =	vpush v4, $0xF;
	_ =	sdelay $0xe  }
0x2a8: {  	s0 =	spop (v2sf)  }
0x2a9: {  	s0 =	sand.u32 $0xFFF8, s0  }
0x2aa: {  	s0 =	sadd.s32 s0, s2  }
0x2ab: {  	s0 =	sshrl.u32 s0, $0x3  }
0x2ac: {  	s3 =	sadd.s32 s6, s0  }
0x2ad: {  	[tilespmem:s19], [sflag:$0x5] =	stream.linear.gather [hbm4b:s3+s5], $0x80, $0x38;
	[tilespmem:$0x1F100] =	vst v63  }
0x2ae: {  	s0 =	sadd.s32 s7, s0  }
0x2af: {  	[tilespmem:s22], [sflag:$0x5] =	stream.linear.gather [hbm4b:s0+s5], $0x80, $0x38;
	[tilespmem:$0x1F100] =	vst v63  }
.Ltmp23:
0x2b0: {  	_ =	swait.ge [sflag:s15], $0x80;
	(pc) =	sbr.rel @!p4 .LBB2_30-.Ltmp23, $4  }
0x2b1: {  	v4 =	vmov s1;
	[sflag:s15] =	ssyncset.done $0x0  }
0x2b2: {  	[sflag:s15] =	ssyncadd.s32 $0xFFFFFF80  }
0x2b3: {  	s2 =	sadd.s32 $0xA300, s2;
	_ =	swait.ge [sflag:s15], $0x80  }
0x2b4: {  	s22 =	sadd.s32 $0x80, s22;
	s0 =	smov.u32 s23;
	[sflag:s15] =	ssyncset.done $0x0  }
0x2b5: {  	_ =	sdelay $0x2  }
0x2b6: {  	[sflag:s15] =	ssyncadd.s32 $0xFFFFFF80  }
0x2b7: {  	v4 =	vld.idx.msk [tilespmem:v4+s12+$0x0], $0xffff;
	_ =	sdelay $0x4  }
0x2b8: {  	v4 =	vxor.u32 $0x80000000, v4  }
0x2b9: {  	(xrf0) =	vmax.scan.msk.u32 $0xffff, v4;
	_ =	sdelay $0x5  }
0x2ba: {  	v4, _, _ =	vpop (xrf0)  }
0x2bb: {  	(v2sf) =	vpush v4, $0xF;
	_ =	sdelay $0xe  }
0x2bc: {  	s0 =	spop (v2sf)  }
0x2bd: {  	s0 =	sand.u32 $0xFFF8, s0  }
0x2be: {  	s0 =	sadd.s32 s0, s2  }
0x2bf: {  	s0 =	sshrl.u32 s0, $0x3  }
0x2c0: {  	s1 =	sadd.s32 $0x80, s19;
	s31 =	sadd.s32 s6, s0  }
0x2c1: {  	[tilespmem:s1], [sflag:$0x5] =	stream.linear.gather [hbm4b:s31+s5], $0x80, $0x38;
	[tilespmem:$0x1F100] =	vst v63  }
0x2c2: {  	s0 =	sadd.s32 s7, s0  }
0x2c3: {  	[tilespmem:s22], [sflag:$0x5] =	stream.linear.gather [hbm4b:s0+s5], $0x80, $0x38;
	[tilespmem:$0x1F100] =	vst v63  }
0x2c4: {  	_ =	swait.ge [sflag:s15], $0x80  }
.Ltmp24:
0x2c5: {  	[sflag:s15] =	ssyncset.done $0x0;
	(pc) =	sbr.rel .LBB2_35-.Ltmp24, $4  }
0x2c6: {  	[sflag:s15] =	ssyncadd.s32 $0xFFFFFF80  }
0x2c7: {  	_ =	swait.ge [sflag:s15], $0x80  }
0x2c8: {  	[sflag:s15] =	ssyncset.done $0x0  }
0x2c9: {  	[sflag:s15] =	ssyncadd.s32 $0xFFFFFF80  }
.LBB2_32:
0x2ca: {  	_ =	swait.ge [sflag:s15], $0x80  }
0x2cb: {  	[sflag:s15] =	ssyncset.done $0x0  }
0x2cc: {  	[sflag:s15] =	ssyncadd.s32 $0xFFFFFF80  }
0x2cd: {  	_ =	swait.ge [sflag:s15], $0x80  }
0x2ce: {  	s0 =	sadd.s32 $0xFFFFFFFF, s0;
	[sflag:s15] =	ssyncset.done $0x0  }
.LBB2_33:
0x2cf: {  	p4 =	sne.s32 s0, $0x1;
	s0 =	sadd.s32 $0xFFFFFFFF, s0;
	[sflag:s15] =	ssyncadd.s32 $0xFFFFFF80  }
.Ltmp25:
0x2d0: {  	_ =	swait.ge [sflag:s15], $0x80;
	(pc) =	sbr.rel @p4 .LBB2_33-.Ltmp25, $4  }
0x2d1: {  	[sflag:s15] =	ssyncset.done $0x0  }
0x2d2: {  	[sflag:s15] =	ssyncadd.s32 $0xFFFFFF80  }
0x2d3: {  	_ =	swait.ge [sflag:s15], $0x80  }
0x2d4: {  	[sflag:s15] =	ssyncset.done $0x0  }
0x2d5: {  	[sflag:s15] =	ssyncadd.s32 $0xFFFFFF80  }
.LBB2_35:
0x2d6: {  	s0 =	simm.s32 @!p1 $0x3  }
0x2d7: {  	_ =	swait.ge @!p1 [sflag:s0], $0xD800  }
.Ltmp26:
0x2d8: {  	[sflag:s0] =	ssyncset.done @!p1 $0x0;
	(pc) =	sbr.rel .LBB2_36-.Ltmp26, $4  }
0x2d9: {  	[sflag:s0] =	ssyncadd.s32 @!p1 $0xFFFF2800;
	s0 =	simm.s32 @!p2 $0x3  }
0x2da: {  	_ =	swait.ge @!p2 [sflag:s0], $0x9400  }
0x2db: {  	s19 =	simm.s32 $0x0;
	[sflag:s0] =	ssyncset.done @!p2 $0x0  }
0x2dc: {  	s22 =	simm.s32 $0x1D080;
	s23 =	simm.s32 $0x1E080;
	[sflag:s0] =	ssyncadd.s32 @!p2 $0xFFFF6C00  }
.LBB2_45:
0x2dd: {  	s19 =	sadd.s32 $0x1, s19  }
0x2de: {  	p4 =	sne.s32 s19, $0x20  }
.Ltmp27:
0x2df: {  	_ = 	snop;
	(pc) =	sbr.rel @!p4 .LBB2_46-.Ltmp27, $2  }
0x2e0: {  	_ =	sdelay $0x2  }
0x2e1: {  	s22 =	sadd.s32 $0x80, s22;
	s23 =	sadd.s32 $0x80, s23  }
.LBB2_36:
0x2e2: {  	v4 =	vmov s19;
	_ =	sdelay $0x4  }
0x2e3: {  	v4 =	vld.idx.msk [tilespmem:v4+s14+$0x0], $0xffff;
	_ =	sdelay $0x4  }
0x2e4: {  	v4 =	vxor.u32 $0x80000000, v4  }
0x2e5: {  	(xrf0) =	vmax.scan.msk.u32 $0xffff, v4;
	_ =	sdelay $0x5  }
0x2e6: {  	v4, _, _ =	vpop (xrf0)  }
0x2e7: {  	(v2sf) =	vpush v4, $0xF;
	_ =	sdelay $0xe  }
0x2e8: {  	s2 =	spop (v2sf)  }
0x2e9: {  	s0 =	sshrl.u32 s2, $0x10  }
0x2ea: {  	s24 =	sxor.u32 $0x8000, s0  }
0x2eb: {  	s0 =	smin.u32 s24, $0x80  }
0x2ec: {  	s0 =	sadd.s32 $0xF, s0  }
0x2ed: {  	s0 =	sshrl.u32 s0, $0x4  }
0x2ee: {  	p4 =	seq.s32 s0, $0x0  }
.Ltmp28:
0x2ef: {  	_ = 	snop;
	(pc) =	sbr.rel @p4 .LBB2_40-.Ltmp28, $1  }
0x2f0: {  	_ =	sdelay $0x3  }
0x2f1: {  	s1 =	simm.s32 $0x0  }
0x2f2: {  	s3 =	sand.u32 $0x3FFFFF80, s1  }
0x2f3: {  	s4 =	sadd.s32 s3, s22  }
0x2f4: {  	v5 =	vld [tilespmem:s4+$0x0];
	_ =	sdelay $0x1  }
0x2f5: {  	s25 =	sshll.u32 s0, $0x4  }
0x2f6: {  	p4 =	sne.s32 s25, $0x10  }
.Ltmp29:
0x2f7: {  	_ = 	snop;
	(pc) =	sbr.rel @!p4 .LBB2_39-.Ltmp29, $4  }
0x2f8: {  	v4 =	vadd.s32 s24, v3;
	v8 =	vmov s1;
	v6 =	vshrl.u32 v5, $0x6  }
0x2f9: {  	v7 =	vand.u32 $0x7F, v5;
	v5 =	vshll.u32 v5, $0x3;
	v6 =	vand.u32 $0x380, v6  }
0x2fa: {  	s31 =	sadd.s32 s3, s23;
	vm9 =	vlt.s32 v8, v4;
	v9 =	vand.u32 $0xFC00, v5;
	v6 =	vor.u32 v7, v6  }
0x2fb: {  	s26 =	simm.s32 $0x10;
	s0 =	smov.u32 s22;
	s9 =	smov.u32 s23;
	v5 =	vld [tilespmem:s31+$0x0];
	v6 =	vor.u32 v9, v6  }
.LBB2_38:
0x2fc: {  	_ =	sdelay $0x1  }
0x2fd: {  	s1 =	sand.u32 $0x3FFFFF80, s26  }
0x2fe: {  	s0 =	sadd.s32 $0x10, s0;
	s3 =	smov.u32 s26;
	s26 =	sadd.s32 $0x10, s26  }
0x2ff: {  	s4 =	sadd.s32 s1, s0;
	p4 =	sne.s32 s25, s26;
	[tilespmem:v6+s16+$0x0] =	vst.idx.add.f32.msk vm9, v5  }
0x300: {  	v5 =	vld [tilespmem:s4+$0x0];
	_ =	sdelay $0x3  }
.Ltmp30:
0x301: {  	(pc) =	sbr.rel @p4 .LBB2_38-.Ltmp30, $4  }
0x302: {  	v6 =	vmov s3;
	v7 =	vshrl.u32 v5, $0x6  }
0x303: {  	s9 =	sadd.s32 $0x10, s9;
	v8 =	vand.u32 $0x7F, v5;
	v5 =	vshll.u32 v5, $0x3;
	v7 =	vand.u32 $0x380, v7  }
0x304: {  	s1 =	sadd.s32 s1, s9;
	vm9 =	vlt.s32 v6, v4;
	v6 =	vand.u32 $0xFC00, v5;
	v7 =	vor.u32 v8, v7  }
0x305: {  	v5 =	vld [tilespmem:s1+$0x0];
	v6 =	vor.u32 v6, v7  }
.LBB2_39:
0x306: {  	_ =	sdelay $0x4  }
0x307: {  	[tilespmem:v6+s16+$0x0] =	vst.idx.add.f32.msk vm9, v5  }
.LBB2_40:
0x308: {  	p4 =	slt.u32 s24, $0x81  }
.Ltmp31:
0x309: {  	_ = 	snop;
	(pc) =	sbr.rel @p4 .LBB2_45-.Ltmp31, $1  }
0x30a: {  	_ =	sdelay $0x3  }
0x30b: {  	v5 =	vmov s22;
	_ =	sdelay $0x1  }
0x30c: {  	s0 =	smul.u32 $0xA300, s19  }
0x30d: {  	s1 =	sand.u32 $0xFFF8, s2;
	s31 =	sshll.u32 s19, $0x7;
	s2 =	simm.s32 $0x80  }
0x30e: {  	v4 =	vmov s24;
	v6 =	vmov s23;
	s26 =	sadd.s32 $0x1D080, s31;
	s28 =	sadd.s32 $0x1E080, s31;
	s25 =	sadd.s32 s0, s1  }
.LBB2_42:
0x30f: {  	s0 =	sadd.s32 s2, s25  }
0x310: {  	s0 =	sshrl.u32 s0, $0x3  }
0x311: {  	s3 =	simm.s32 $0x0;
	s1 =	sadd.s32 s6, s0  }
0x312: {  	[tilespmem:s26], [sflag:$0x6] =	stream.linear.gather [hbm4b:s1+s3], $0x80, $0x38;
	[tilespmem:$0x1F100] =	vst v63  }
0x313: {  	_ =	swait.ge [sflag:s13], $0x80  }
0x314: {  	[sflag:s13] =	ssyncset.done $0x0  }
0x315: {  	s0 =	sadd.s32 s7, s0;
	[sflag:s13] =	ssyncadd.s32 $0xFFFFFF80  }
0x316: {  	[tilespmem:s28], [sflag:$0x6] =	stream.linear.gather [hbm4b:s0+s3], $0x80, $0x38;
	[tilespmem:$0x1F100] =	vst v63  }
0x317: {  	_ =	swait.ge [sflag:s13], $0x80  }
0x318: {  	[sflag:s13] =	ssyncset.done $0x0  }
0x319: {  	s31 =	simm.s32 $0x0;
	[sflag:s13] =	ssyncadd.s32 $0xFFFFFF80  }
0x31a: {  	v7 =	vld.idx.msk [tilespmem:v5+s31+$0x0 ss:$0x1], $0xffff;
	_ =	sdelay $0x4  }
0x31b: {  	v8 =	vor.u32 s2, v1;
	v9 =	vshrl.u32 v7, $0x6  }
0x31c: {  	v10 =	vand.u32 $0x7F, v7;
	v7 =	vshll.u32 v7, $0x3;
	v9 =	vand.u32 $0x380, v9  }
0x31d: {  	vm9 =	vlt.u32 v8, v4;
	v7 =	vand.u32 $0xFC00, v7;
	v8 =	vor.u32 v10, v9  }
0x31e: {  	v63 =	vld.idx.msk [tilespmem:v6+s31+$0x0 ss:$0x1], $0xffff;
	v7 =	vor.u32 v7, v8;
	_ =	sdelay $0x4  }
0x31f: {  	s11 =	simm.s32 $0x80;
	s9 =	smov.u32 s2;
	s0 =	simm.s32 $0x10;
	[tilespmem:v7+s16+$0x0] =	vst.idx.add.f32.msk vm9, v63  }
.LBB2_43:
0x320: {  	p4 =	sne.s32 s11, $0x1C0;
	v7 =	vld.idx.msk [tilespmem:v5+s0+$0x0 ss:$0x1], $0xffff;
	_ =	sdelay $0x4  }
0x321: {  	s9 =	sadd.s32 $0x10, s9  }
0x322: {  	v8 =	vor.u32 s9, v1;
	v9 =	vshrl.u32 v7, $0x6  }
0x323: {  	v10 =	vand.u32 $0x7F, v7;
	v7 =	vshll.u32 v7, $0x3;
	v9 =	vand.u32 $0x380, v9  }
0x324: {  	vm9 =	vlt.u32 v8, v4;
	v7 =	vand.u32 $0xFC00, v7;
	v8 =	vor.u32 v10, v9;
	v11 =	vld.idx.msk [tilespmem:v6+s0+$0x0 ss:$0x1], $0xffff  }
0x325: {  	v7 =	vor.u32 v7, v8  }
.Ltmp32:
0x326: {  	(pc) =	sbr.rel @p4 .LBB2_43-.Ltmp32, $2  }
0x327: {  	_ =	sdelay $0x2  }
0x328: {  	s0 =	sshra.s32 s11, $0x2;
	s11 =	sadd.s32 $0x40, s11;
	[tilespmem:v7+s16+$0x0] =	vst.idx.add.f32.msk vm9, v11  }
0x329: {  	_ =	sdelay $0x3  }
0x32a: {  	v7 =	vld.idx.msk [tilespmem:v5+s0+$0x0 ss:$0x1], $0xffff;
	_ =	sdelay $0x3  }
0x32b: {  	s1 =	sadd.s32 $0x10, s9  }
0x32c: {  	v8 =	vor.u32 s1, v1;
	v9 =	vshrl.u32 v7, $0x6  }
0x32d: {  	v10 =	vand.u32 $0x7F, v7;
	v7 =	vshll.u32 v7, $0x3;
	v9 =	vand.u32 $0x380, v9  }
0x32e: {  	s2 =	sadd.s32 $0x80, s2;
	vm9 =	vlt.u32 v8, v4;
	v7 =	vand.u32 $0xFC00, v7;
	v8 =	vor.u32 v10, v9  }
0x32f: {  	v63 =	vld.idx.msk [tilespmem:v6+s0+$0x0 ss:$0x1], $0xffff;
	p4 =	slt.u32 s2, s24;
	v7 =	vor.u32 v7, v8  }
.Ltmp33:
0x330: {  	_ = 	snop;
	(pc) =	sbr.rel @p4 .LBB2_42-.Ltmp33, $4  }
.Ltmp34:
0x331: {  	_ = 	snop;
	(pc) =	sbr.rel @!p4 .LBB2_45-.Ltmp34, $4  }
0x332: {  	_ = 	snop  }
0x333: {  	_ = 	snop  }
0x334: {  	[tilespmem:v7+s16+$0x0] =	vst.idx.add.f32.msk vm9, v63  }
0x335: {  	_ = 	snop  }
.LBB2_49:
0x336: {  	_ =	sfence.sel $0x180000  }
0x337: {  	[bflag:$0x0] =	sbarrier.arrive $0xFFFF  }
0x338: {  	_ =	strace $0x9000004A  }
0x339: {  	s0 =	stileid.u32;
	[bflag:$0x2] =	sbarrier.arrive $0xFFFF  }
0x33a: {  	p0 =	sne.s32 s0, $0x0;
	s0 =	rddreg [dreg:$0x3]  }
0x33b: {  	s0 =	sadd.s32 @!p0 $0x100000, s0  }
0x33c: {  	[sflag:s0] =	ssyncadd.tile.s32 @!p0 $0x1;
	_ =	shalt  }
.Lfunc_end2:
_tile_overlayer_lowered:
.L_overlay_start_2:
0x33d: {  	(tag) =	ssettag $0x2  }
0x33e: {  	s0 =	rddreg [dreg:$0x0];
	s2 =	stileid.u32  }
0x33f: {  	s1 =	rddreg [dreg:$0x1];
	p0 =	sne.s32 s2, $0x0  }
0x340: {  	s3 =	rddreg [dreg:$0x2];
	[bflag:$0x3] =	sbarrier.arrive $0xFFFF;
	s2 =	simm.s32 @!p0 $0x1C06  }
0x341: {  	[timem:s3], [sflag:s2] =	dma.local @!p0 [hbm:s0], s1  }
0x342: {  	s0 =	simm.s32 @!p0 $0x6  }
0x343: {  	_ =	swait.ge @!p0 [sflag:s0], s1  }
0x344: {  	s1 =	ssub.s32 @!p0 $0x0, s1;
	[sflag:s0] =	ssyncset.done @!p0 $0x0  }
0x345: {  	[sflag:s0] =	ssyncadd.s32 @!p0 s1  }
0x346: {  	[bflag:$0x3] =	sbarrier.arrive $0xFFFF  }
0x347: {  	_ =	shalt  }

</sc_bundles>
